<compile_context>
chip_gen: v7x
topology: tpu7x:2x2x1
jax: 0.10.2.dev20260603
libtpu: 0.0.44.dev20260713+nightly
codegen_flags: <defaults>
</compile_context>

<pallas_src>
import functools

import jax
import jax.numpy as jnp
from jax import lax
from jax.experimental import pallas as pl
from jax.experimental.pallas import tpu as pltpu
from jax.experimental.pallas import tpu_sc as plsc

N_NODES = 10000
N_EDGES = 160000
D_IN = 256
D_OUT = 256
N_GRAPHS = 128
DH = 128
NC = 2
NS = 16
NW = NC * NS
L = 16

EPW = N_EDGES // NW
FULL_VREGS = EPW // L
TAIL = EPW - FULL_VREGS * L
PAD_E = FULL_VREGS * L + L


def _deg_body(col_hbm, degp_hbm, idx_v, deg_v):
    c = lax.axis_index("c")
    s = lax.axis_index("s")
    w = s * NC + c
    zeros16 = jnp.zeros((L,), jnp.float32)
    ones16 = jnp.ones((L,), jnp.float32)

    def zero_step(i, _):
        deg_v[pl.ds(i * L, L)] = zeros16
        return 0

    lax.fori_loop(0, N_NODES // L, zero_step, 0)
    pltpu.sync_copy(col_hbm.at[pl.ds(w * EPW, PAD_E)], idx_v)

    def hist_step(j, _):
        idx = idx_v[pl.ds(j * L, L)]
        plsc.addupdate_scatter(deg_v, [idx], ones16)
        return 0

    lax.fori_loop(0, FULL_VREGS, hist_step, 0)
    tail_idx = idx_v[pl.ds(FULL_VREGS * L, L)]
    tail_mask = lax.iota(jnp.int32, L) < TAIL
    plsc.addupdate_scatter(deg_v, [tail_idx], ones16, mask=tail_mask)

    def out_step(i, _):
        pltpu.sync_copy(deg_v.at[pl.ds(i * RB, RB)],
                        degp_hbm.at[pl.ds(i * (NW * RB) + w * RB, RB)])
        return 0

    lax.fori_loop(0, NRB, out_step, 0)


def _deg_partials(col_padded):
    mesh = plsc.VectorSubcoreMesh(core_axis_name="c", subcore_axis_name="s",
                                  num_cores=NC, num_subcores=NS)
    return pl.kernel(
        _deg_body,
        out_type=jax.ShapeDtypeStruct((NW * N_NODES,), jnp.float32),
        mesh=mesh,
        scratch_types=[
            pltpu.VMEM((PAD_E,), jnp.int32),
            pltpu.VMEM((N_NODES,), jnp.float32),
        ],
        compiler_params=pltpu.CompilerParams(needs_layout_passes=False),
    )(col_padded)


RB = 1000
NRB = N_NODES // RB


def _scale_mm_body(v_ref, w_ref, degp_ref, xl_ref, xr_ref):
    x = jnp.dot(v_ref[...], w_ref[...], preferred_element_type=jnp.float32)
    deg = jnp.sum(degp_ref[0], axis=0) + 1.0
    dinv = lax.rsqrt(deg)
    xs = x * dinv[:, None]
    xl_ref[...] = xs[:, :DH]
    xr_ref[...] = xs[:, DH:]


def _scaled_x(v, W, degp):
    return pl.pallas_call(
        _scale_mm_body,
        grid=(NRB,),
        in_specs=[
            pl.BlockSpec((RB, D_IN), lambda i: (i, 0)),
            pl.BlockSpec((D_IN, D_OUT), lambda i: (0, 0)),
            pl.BlockSpec((1, NW, RB), lambda i: (i, 0, 0)),
        ],
        out_specs=[
            pl.BlockSpec((RB, DH), lambda i: (i, 0)),
            pl.BlockSpec((RB, DH), lambda i: (i, 0)),
        ],
        out_shape=[
            jax.ShapeDtypeStruct((N_NODES, DH), jnp.float32),
            jax.ShapeDtypeStruct((N_NODES, DH), jnp.float32),
        ],
    )(v, W, degp)


EPT = N_EDGES // NS
CK = 80
NCHUNK = 125
PADE = NCHUNK * CK - EPT
STRIPE = 640
N_PAD = STRIPE * NS
FR = CK


def _agg_body(xl_hbm, xr_hbm, e3_hbm, outl_hbm, outr_hbm,
              idx0_v, idx1_v, idx2_v, idx3_v, rows0_v, rows1_v, rows2_v,
              acc_sh, gsem0, gsem1, gsem2, ssem0, ssem1, ssem2,
              isem0, isem1, isem2, isem3):
    c = lax.axis_index("c")
    s = lax.axis_index("s")
    zeros16 = jnp.zeros((L,), jnp.float32)
    idx = (idx0_v, idx1_v, idx2_v, idx3_v)
    rows = (rows0_v, rows1_v, rows2_v)
    gsem = (gsem0, gsem1, gsem2)
    ssem = (ssem0, ssem1, ssem2)
    isem = (isem0, isem1, isem2, isem3)

    def zb_step(i, _):
        for j in range(DH // L):
            rows0_v[i, pl.ds(j * L, L)] = zeros16
        return 0

    lax.fori_loop(0, FR, zb_step, 0)
    sbase = pl.multiple_of(s * STRIPE, 8)

    def zs_step(i, _):
        pltpu.sync_copy(rows0_v, acc_sh.at[pl.ds(sbase + i * FR, FR)])
        return 0

    lax.fori_loop(0, STRIPE // FR, zs_step, 0)
    plsc.subcore_barrier()

    def run(x_hbm):
        def start_idx(j, m):
            pltpu.async_copy(e3_hbm.at[s * NCHUNK + j], idx[m], isem[m])

        def wait_idx(j, m):
            pltpu.make_async_copy(e3_hbm.at[s * NCHUNK + j], idx[m],
                                  isem[m]).wait()

        def start_gather(j, ri, ii):
            pltpu.async_copy(x_hbm.at[idx[ii].at[0]], rows[ri], gsem[ri])

        def wait_gather(j, ri, ii):
            pltpu.make_async_copy(x_hbm.at[idx[ii].at[0]], rows[ri],
                                  gsem[ri]).wait()

        def start_scatter(j, ri, ii):
            pltpu.async_copy(rows[ri], acc_sh.at[idx[ii].at[1]], ssem[ri],
                             add=True)

        def wait_scatter(j, ri, ii):
            pltpu.make_async_copy(rows[ri], acc_sh.at[idx[ii].at[1]],
                                  ssem[ri]).wait()

        def body(j, scatter_wait, idx_ahead, gather_ahead):
            r, i4 = j % 3, j % 4
            if scatter_wait:
                wait_scatter(j - 2, (j - 2) % 3, (j - 2) % 4)
            if gather_ahead:
                wait_idx(j + 1, (j + 1) % 4)
                start_gather(j + 1, (j + 1) % 3, (j + 1) % 4)
            if idx_ahead:
                start_idx(j + 2, (j + 2) % 4)
            wait_gather(j, r, i4)
            start_scatter(j, r, i4)

        start_idx(0, 0)
        start_idx(1, 1)
        wait_idx(0, 0)
        start_gather(0, 0, 0)
        body(0, scatter_wait=False, idx_ahead=True, gather_ahead=True)
        body(1, scatter_wait=False, idx_ahead=True, gather_ahead=True)

        def steady_step(g, _):
            for p in range(12):
                j12 = 12 * g + 2 + p
                wait_scatter(j12 - 2, p % 3, p % 4)
                wait_idx(j12 + 1, (p + 3) % 4)
                start_gather(j12 + 1, p % 3, (p + 3) % 4)
                start_idx(j12 + 2, p % 4)
                wait_gather(j12, (p + 2) % 3, (p + 2) % 4)
                start_scatter(j12, (p + 2) % 3, (p + 2) % 4)
            return 0

        nloop = (NCHUNK - 5) // 12
        lax.fori_loop(0, nloop, steady_step, 0)
        for j in range(12 * nloop + 2, NCHUNK):
            body(j, scatter_wait=True, idx_ahead=(j + 2 < NCHUNK),
                 gather_ahead=(j + 1 < NCHUNK))
        wait_scatter(NCHUNK - 2, (NCHUNK - 2) % 3, (NCHUNK - 2) % 4)
        wait_scatter(NCHUNK - 1, (NCHUNK - 1) % 3, (NCHUNK - 1) % 4)

    def flush(out_hbm):
        def f_step(i, _):
            off = pl.multiple_of(sbase + i * FR, 8)
            pltpu.sync_copy(acc_sh.at[pl.ds(off, FR)], rows0_v)
            pltpu.sync_copy(rows0_v, out_hbm.at[pl.ds(off, FR)])
            return 0

        lax.fori_loop(0, STRIPE // FR, f_step, 0)

    @pl.when(c == 0)
    def _():
        run(xl_hbm)

    @pl.when(c == 1)
    def _():
        run(xr_hbm)

    plsc.subcore_barrier()

    @pl.when(c == 0)
    def _():
        flush(outl_hbm)

    @pl.when(c == 1)
    def _():
        flush(outr_hbm)


def _edge_agg(xl, xr, e3):
    mesh = plsc.VectorSubcoreMesh(core_axis_name="c", subcore_axis_name="s",
                                  num_cores=NC, num_subcores=NS)
    return pl.kernel(
        _agg_body,
        out_type=(jax.ShapeDtypeStruct((N_PAD, DH), jnp.float32),
                  jax.ShapeDtypeStruct((N_PAD, DH), jnp.float32)),
        mesh=mesh,
        scratch_types=(
            [pltpu.VMEM((2, CK), jnp.int32)] * 4
            + [pltpu.VMEM((CK, DH), jnp.float32)] * 3
            + [pltpu.VMEM_SHARED((N_PAD, DH), jnp.float32)]
            + [pltpu.SemaphoreType.DMA] * 10
        ),
        compiler_params=pltpu.CompilerParams(needs_layout_passes=False),
    )(xl, xr, e3)


def _pool_body(aggl_ref, aggr_ref, xl_ref, xr_ref, degp_ref, b_ref, batch_ref,
               out_ref, sum_acc, cnt_acc):
    i = pl.program_id(0)
    deg = jnp.sum(degp_ref[0], axis=0) + 1.0
    dinv = lax.rsqrt(deg)
    agg = jnp.concatenate([aggl_ref[...], aggr_ref[...]], axis=1)
    xs = jnp.concatenate([xl_ref[...], xr_ref[...]], axis=1)
    h = jnp.maximum(dinv[:, None] * (agg + xs) + b_ref[...], 0.0)
    bvec = batch_ref[...].reshape(1, RB)
    onehot = (lax.broadcasted_iota(jnp.int32, (N_GRAPHS, RB), 0)
              == bvec).astype(jnp.float32)

    @pl.when(i == 0)
    def _():
        sum_acc[...] = jnp.zeros_like(sum_acc)
        cnt_acc[...] = jnp.zeros_like(cnt_acc)

    sum_acc[...] += jnp.dot(onehot, h, preferred_element_type=jnp.float32)
    cnt_acc[...] += jnp.dot(onehot, jnp.ones((RB, D_OUT), jnp.float32),
                            preferred_element_type=jnp.float32)

    @pl.when(i == NRB - 1)
    def _():
        out_ref[...] = sum_acc[...] / jnp.maximum(cnt_acc[...], 1.0)


def _pool(aggl, aggr, xl, xr, degp, b2, batch3):
    return pl.pallas_call(
        _pool_body,
        grid=(NRB,),
        in_specs=[
            pl.BlockSpec((RB, DH), lambda i: (i, 0)),
            pl.BlockSpec((RB, DH), lambda i: (i, 0)),
            pl.BlockSpec((RB, DH), lambda i: (i, 0)),
            pl.BlockSpec((RB, DH), lambda i: (i, 0)),
            pl.BlockSpec((1, NW, RB), lambda i: (i, 0, 0)),
            pl.BlockSpec((1, D_OUT), lambda i: (0, 0)),
            pl.BlockSpec((1, 1, RB), lambda i: (i, 0, 0)),
        ],
        out_specs=pl.BlockSpec((N_GRAPHS, D_OUT), lambda i: (0, 0)),
        out_shape=jax.ShapeDtypeStruct((N_GRAPHS, D_OUT), jnp.float32),
        scratch_shapes=[
            pltpu.VMEM((N_GRAPHS, D_OUT), jnp.float32),
            pltpu.VMEM((N_GRAPHS, D_OUT), jnp.float32),
        ],
    )(aggl, aggr, xl, xr, degp, b2, batch3)


def kernel(v, e, batch, W, b):
    e = e.astype(jnp.int32)
    row, col = e[0], e[1]
    pad = NW * EPW + PAD_E - N_EDGES
    col_padded = jnp.concatenate([col, jnp.zeros((pad,), jnp.int32)])
    degp = _deg_partials(col_padded)
    degp_t = degp.reshape(NRB, NW, RB)
    xl, xr = _scaled_x(v, W, degp_t)
    r2 = jnp.pad(row.reshape(NS, EPT), ((0, 0), (0, PADE)))
    c2 = jnp.pad(col.reshape(NS, EPT), ((0, 0), (0, PADE)),
                 constant_values=N_PAD - 2)
    e3 = (jnp.stack([r2.reshape(NS, NCHUNK, CK), c2.reshape(NS, NCHUNK, CK)],
                    axis=2).reshape(NS * NCHUNK, 2, CK))
    aggl, aggr = _edge_agg(xl, xr, e3)
    return _pool(aggl, aggr, xl, xr, degp_t, b.reshape(1, D_OUT),
                 batch.astype(jnp.int32).reshape(NRB, 1, RB))

# --- scband reference (transcript-rebuilt; emitter-appended) ---
"""Pipeline reference for scband-graph-regressor-16716012716087 (READ-ONLY COPY).

The authoritative reference and input builder live on the scoring server;
editing this copy changes nothing except your own understanding.
"""

import jax, jax.numpy as jnp
import numpy as np

N_NODES = 10000
N_EDGES = 160000
D_IN = 256
D_OUT = 256
N_GRAPHS = 128

def setup_inputs(seed: int = 0) -> dict:
    key = jax.random.key(seed)
    k1, k2, k3, k4 = jax.random.split(key, 4)
    v = jax.random.normal(k1, (N_NODES, D_IN), dtype=jnp.float32)
    e = jax.random.randint(k2, (2, N_EDGES), 0, N_NODES)
    batch = jnp.sort(jax.random.randint(k3, (N_NODES,), 0, N_GRAPHS))
    # GCNConv parameters (glorot-ish init)
    W = jax.random.normal(k4, (D_IN, D_OUT), dtype=jnp.float32) * (1.0 / np.sqrt(D_IN))
    b = jnp.zeros((D_OUT,), dtype=jnp.float32)
    return {"v": v, "e": e, "batch": batch, "W": W, "b": b}

def reference(v, e, batch, W, b):
    # GCNConv with add_self_loops=True, normalize=True (PyG semantics)
    N = v.shape[0]
    loop = jnp.arange(N, dtype=e.dtype)
    e2 = jnp.concatenate([e, jnp.stack([loop, loop])], axis=1)
    row, col = e2[0], e2[1]  # source -> target
    ew = jnp.ones((e2.shape[1],), dtype=v.dtype)
    deg = jax.ops.segment_sum(ew, col, num_segments=N)
    deg_inv_sqrt = jnp.where(deg > 0, 1.0 / jnp.sqrt(deg), 0.0)
    norm = deg_inv_sqrt[row] * deg_inv_sqrt[col]
    x = v @ W
    msgs = x[row] * norm[:, None]
    agg = jax.ops.segment_sum(msgs, col, num_segments=N)
    out = agg + b
    h = jax.nn.relu(out)
    # global_mean_pool over graphs
    cnt = jax.ops.segment_sum(jnp.ones((N,), dtype=v.dtype), batch, num_segments=N_GRAPHS)
    s = jax.ops.segment_sum(h, batch, num_segments=N_GRAPHS)
    return s / jnp.maximum(cnt, 1.0)[:, None]

if __name__ == "__main__":
    import jax
    _d = setup_inputs()
    print(jax.jit(kernel)(*tuple(_d.values())))

</pallas_src>

<mosaic_0001>
#map = affine_map<(d0, d1) -> (0)>
module attributes {stable_mosaic.version = 14 : i64} {
  func.func @_deg_body(%arg0: i32, %arg1: i32, %arg2: memref<165008xi32, #tpu.memory_space<hbm>>, %arg3: memref<320000xf32, #tpu.memory_space<hbm>>, %arg4: memref<5008xi32, #tpu.memory_space<vmem>>, %arg5: memref<10000xf32, #tpu.memory_space<vmem>>) attributes {dimension_semantics = [#tpu.dimension_semantics<core_parallel>, #tpu.dimension_semantics<subcore_parallel>], iteration_bounds = array<i64: 2, 16>, scalar_prefetch = 0 : i64, scratch_operands = 2 : i64, tpu.core_type = #tpu.core_type<sc_vector_subcore>, window_params = [{transform_indices = #map}, {transform_indices = #map}]} {
    %mul3A = arith.constant 2 : i32
    %mul3A_0 = arith.muli %arg1, %mul3A : i32
    %add3A = arith.addi %mul3A_0, %arg0 : i32
    %broadcast_in_dim3A = arith.constant 0.000000e+00 : f32
    %broadcast_in_dim3A_1 = vector.broadcast %broadcast_in_dim3A : f32 to vector<16xf32>
    %broadcast_in_dim3A_2 = arith.constant 1.000000e+00 : f32
    %broadcast_in_dim3A_3 = vector.broadcast %broadcast_in_dim3A_2 : f32 to vector<16xf32>
    %scan3A = arith.constant 0 : i32
    %scan3A_4 = arith.constant 0 : i32
    %scan3A_5 = arith.constant 625 : i32
    %scan3A_6 = arith.addi %scan3A_4, %scan3A_5 : i32
    %scan3A_7 = arith.constant 1 : i32
    %scan3A_8 = scf.for %scan3A_29 = %scan3A_4 to %scan3A_6 step %scan3A_7 iter_args(%scan3A_30 = %scan3A) -> (i32)  : i32 {
      %mul3A_31 = arith.constant 16 : i32
      %mul3A_32 = arith.muli %scan3A_29, %mul3A_31 : i32
      %swap3A = arith.index_cast %mul3A_32 : i32 to index
      %swap3A_33 = tpu.vector_load %arg5[%swap3A] {strides = array<i32>} : memref<10000xf32, #tpu.memory_space<vmem>>, vector<16xf32>,
      tpu.vector_store %arg5[%swap3A], %broadcast_in_dim3A_1 {strides = array<i32>} : memref<10000xf32, #tpu.memory_space<vmem>>, vector<16xf32>,
      %scan3A_34 = arith.constant 0 : i32
      scf.yield %scan3A_34 : i32
    }
    %scan3A_9 = arith.constant 625 : i32
    %mul3A_10 = arith.constant 5000 : i32
    %mul3A_11 = arith.muli %add3A, %mul3A_10 : i32
    "tpu.region"() ({
      %run_scoped3A = tpu.sem_alloc : memref<!tpu.dma_semaphore, #tpu.memory_space<semaphore_mem>>
      %dma_start3A = tpu.memref_slice %arg2[%mul3A_11] : memref<165008xi32, #tpu.memory_space<hbm>> -> memref<5008xi32, #tpu.memory_space<hbm>>
      %dma_start3A_29 = tpu.memref_slice %arg2[%mul3A_11] : memref<165008xi32, #tpu.memory_space<hbm>> -> memref<5008xi32, #tpu.memory_space<hbm>>
      tpu.enqueue_dma source(%dma_start3A_29 : memref<5008xi32, #tpu.memory_space<hbm>>) target(%arg4 : memref<5008xi32, #tpu.memory_space<vmem>>) target_semaphore(%run_scoped3A : memref<!tpu.dma_semaphore, #tpu.memory_space<semaphore_mem>>)
      %dma_wait3A = tpu.memref_slice %arg2[%mul3A_11] : memref<165008xi32, #tpu.memory_space<hbm>> -> memref<5008xi32, #tpu.memory_space<hbm>>
      %dma_wait3A_30 = tpu.memref_slice %arg2[%mul3A_11] : memref<165008xi32, #tpu.memory_space<hbm>> -> memref<5008xi32, #tpu.memory_space<hbm>>
      tpu.wait_dma2 semaphore(%run_scoped3A : memref<!tpu.dma_semaphore, #tpu.memory_space<semaphore_mem>>) src(%dma_wait3A_30 : memref<5008xi32, #tpu.memory_space<hbm>>) dst(%arg4 : memref<5008xi32, #tpu.memory_space<vmem>>)
      tpu.yield
    }) : () -> ()
    %scan3A_12 = arith.constant 0 : i32
    %scan3A_13 = arith.constant 0 : i32
    %scan3A_14 = arith.constant 312 : i32
    %scan3A_15 = arith.addi %scan3A_13, %scan3A_14 : i32
    %scan3A_16 = arith.constant 1 : i32
    %scan3A_17 = scf.for %scan3A_29 = %scan3A_13 to %scan3A_15 step %scan3A_16 iter_args(%scan3A_30 = %scan3A_12) -> (i32)  : i32 {
      %mul3A_31 = arith.constant 16 : i32
      %mul3A_32 = arith.muli %scan3A_29, %mul3A_31 : i32
      %get3A_33 = arith.index_cast %mul3A_32 : i32 to index
      %get3A_34 = tpu.vector_load %arg4[%get3A_33] {strides = array<i32>} : memref<5008xi32, #tpu.memory_space<vmem>>, vector<16xi32>,
      tpu.vector_store_idx %arg5[%get3A_34], %broadcast_in_dim3A_3 {add = true} : memref<10000xf32, #tpu.memory_space<vmem>>[vector<16xi32>], vector<16xf32>,
      %scan3A_35 = arith.constant 0 : i32
      scf.yield %scan3A_35 : i32
    }
    %scan3A_18 = arith.constant 312 : i32
    %get3A = arith.constant 4992 : index
    %get3A_19 = tpu.vector_load %arg4[%get3A] {strides = array<i32>} : memref<5008xi32, #tpu.memory_space<vmem>>, vector<16xi32>,
    %iota3A = tpu.iota {dimensions = array<i32: 0>} : vector<16xi32>
    %lt3A = arith.constant 8 : i32
    %lt3A_20 = vector.broadcast %lt3A : i32 to vector<16xi32>
    %lt3A_21 = arith.cmpi slt, %iota3A, %lt3A_20 : vector<16xi32>
    tpu.vector_store_idx %arg5[%get3A_19], %broadcast_in_dim3A_3 masked %lt3A_21 {add = true} : memref<10000xf32, #tpu.memory_space<vmem>>[vector<16xi32>], vector<16xf32>, vector<16xi1>
    %scan3A_22 = arith.constant 0 : i32
    %scan3A_23 = arith.constant 0 : i32
    %scan3A_24 = arith.constant 10 : i32
    %scan3A_25 = arith.addi %scan3A_23, %scan3A_24 : i32
    %scan3A_26 = arith.constant 1 : i32
    %scan3A_27 = scf.for %scan3A_29 = %scan3A_23 to %scan3A_25 step %scan3A_26 iter_args(%scan3A_30 = %scan3A_22) -> (i32)  : i32 {
      %mul3A_31 = arith.constant 1000 : i32
      %mul3A_32 = arith.muli %scan3A_29, %mul3A_31 : i32
      %mul3A_33 = arith.constant 32000 : i32
      %mul3A_34 = arith.muli %scan3A_29, %mul3A_33 : i32
      %mul3A_35 = arith.constant 1000 : i32
      %mul3A_36 = arith.muli %add3A, %mul3A_35 : i32
      %add3A_37 = arith.addi %mul3A_34, %mul3A_36 : i32
      "tpu.region"() ({
        %run_scoped3A = tpu.sem_alloc : memref<!tpu.dma_semaphore, #tpu.memory_space<semaphore_mem>>
        %dma_start3A = tpu.memref_slice %arg5[%mul3A_32] : memref<10000xf32, #tpu.memory_space<vmem>> -> memref<1000xf32, #tpu.memory_space<vmem>>
        %dma_start3A_39 = tpu.memref_slice %arg3[%add3A_37] : memref<320000xf32, #tpu.memory_space<hbm>> -> memref<1000xf32, #tpu.memory_space<hbm>>
        %dma_start3A_40 = tpu.memref_slice %arg3[%add3A_37] : memref<320000xf32, #tpu.memory_space<hbm>> -> memref<1000xf32, #tpu.memory_space<hbm>>
        %dma_start3A_41 = tpu.memref_slice %arg5[%mul3A_32] : memref<10000xf32, #tpu.memory_space<vmem>> -> memref<1000xf32, #tpu.memory_space<vmem>>
        tpu.enqueue_dma source(%dma_start3A_41 : memref<1000xf32, #tpu.memory_space<vmem>>) target(%dma_start3A_40 : memref<1000xf32, #tpu.memory_space<hbm>>) target_semaphore(%run_scoped3A : memref<!tpu.dma_semaphore, #tpu.memory_space<semaphore_mem>>)
        %dma_wait3A = tpu.memref_slice %arg5[%mul3A_32] : memref<10000xf32, #tpu.memory_space<vmem>> -> memref<1000xf32, #tpu.memory_space<vmem>>
        %dma_wait3A_42 = tpu.memref_slice %arg3[%add3A_37] : memref<320000xf32, #tpu.memory_space<hbm>> -> memref<1000xf32, #tpu.memory_space<hbm>>
        %dma_wait3A_43 = tpu.memref_slice %arg3[%add3A_37] : memref<320000xf32, #tpu.memory_space<hbm>> -> memref<1000xf32, #tpu.memory_space<hbm>>
        %dma_wait3A_44 = tpu.memref_slice %arg5[%mul3A_32] : memref<10000xf32, #tpu.memory_space<vmem>> -> memref<1000xf32, #tpu.memory_space<vmem>>
        tpu.wait_dma2 semaphore(%run_scoped3A : memref<!tpu.dma_semaphore, #tpu.memory_space<semaphore_mem>>) src(%dma_wait3A_44 : memref<1000xf32, #tpu.memory_space<vmem>>) dst(%dma_wait3A_43 : memref<1000xf32, #tpu.memory_space<hbm>>)
        tpu.yield
      }) : () -> ()
      %scan3A_38 = arith.constant 0 : i32
      scf.yield %scan3A_38 : i32
    }
    %scan3A_28 = arith.constant 10 : i32
    return
  }
}

#map = affine_map<(d0, d1) -> (0, 0)>
#map1 = affine_map<(d0, d1) -> (0, 0, 0)>
module attributes {stable_mosaic.version = 14 : i64} {
  func.func @_agg_body(%arg0: i32, %arg1: i32, %arg2: memref<10000x128xf32, #tpu.memory_space<hbm>>, %arg3: memref<10000x128xf32, #tpu.memory_space<hbm>>, %arg4: memref<2000x2x80xi32, #tpu.memory_space<hbm>>, %arg5: memref<10240x128xf32, #tpu.memory_space<hbm>>, %arg6: memref<10240x128xf32, #tpu.memory_space<hbm>>, %arg7: memref<2x80xi32, #tpu.memory_space<vmem>>, %arg8: memref<2x80xi32, #tpu.memory_space<vmem>>, %arg9: memref<2x80xi32, #tpu.memory_space<vmem>>, %arg10: memref<2x80xi32, #tpu.memory_space<vmem>>, %arg11: memref<80x128xf32, #tpu.memory_space<vmem>>, %arg12: memref<80x128xf32, #tpu.memory_space<vmem>>, %arg13: memref<80x128xf32, #tpu.memory_space<vmem>>, %arg14: memref<10240x128xf32, #tpu.memory_space<vmem_shared>>, %arg15: memref<!tpu.dma_semaphore, #tpu.memory_space<semaphore_mem>>, %arg16: memref<!tpu.dma_semaphore, #tpu.memory_space<semaphore_mem>>, %arg17: memref<!tpu.dma_semaphore, #tpu.memory_space<semaphore_mem>>, %arg18: memref<!tpu.dma_semaphore, #tpu.memory_space<semaphore_mem>>, %arg19: memref<!tpu.dma_semaphore, #tpu.memory_space<semaphore_mem>>, %arg20: memref<!tpu.dma_semaphore, #tpu.memory_space<semaphore_mem>>, %arg21: memref<!tpu.dma_semaphore, #tpu.memory_space<semaphore_mem>>, %arg22: memref<!tpu.dma_semaphore, #tpu.memory_space<semaphore_mem>>, %arg23: memref<!tpu.dma_semaphore, #tpu.memory_space<semaphore_mem>>, %arg24: memref<!tpu.dma_semaphore, #tpu.memory_space<semaphore_mem>>) attributes {dimension_semantics = [#tpu.dimension_semantics<core_parallel>, #tpu.dimension_semantics<subcore_parallel>], iteration_bounds = array<i64: 2, 16>, scalar_prefetch = 0 : i64, scratch_operands = 18 : i64, tpu.core_type = #tpu.core_type<sc_vector_subcore>, window_params = [{transform_indices = #map}, {transform_indices = #map}, {transform_indices = #map1}, {transform_indices = #map}, {transform_indices = #map}]} {
    %broadcast_in_dim3A = arith.constant 0.000000e+00 : f32
    %broadcast_in_dim3A_0 = vector.broadcast %broadcast_in_dim3A : f32 to vector<16xf32>
    %scan3A = arith.constant 0 : i32
    %scan3A_1 = arith.constant 0 : i32
    %scan3A_2 = arith.constant 80 : i32
    %scan3A_3 = arith.addi %scan3A_1, %scan3A_2 : i32
    %scan3A_4 = arith.constant 1 : i32
    %scan3A_5 = scf.for %scan3A_33 = %scan3A_1 to %scan3A_3 step %scan3A_4 iter_args(%scan3A_34 = %scan3A) -> (i32)  : i32 {
      %swap3A = arith.index_cast %scan3A_33 : i32 to index
      %swap3A_35 = arith.constant 0 : index
      %swap3A_36 = tpu.vector_load %arg11[%swap3A, %swap3A_35] {strides = array<i32>} : memref<80x128xf32, #tpu.memory_space<vmem>>, vector<16xf32>,
      tpu.vector_store %arg11[%swap3A, %swap3A_35], %broadcast_in_dim3A_0 {strides = array<i32>} : memref<80x128xf32, #tpu.memory_space<vmem>>, vector<16xf32>,
      %swap3A_37 = arith.index_cast %scan3A_33 : i32 to index
      %swap3A_38 = arith.constant 16 : index
      %swap3A_39 = tpu.vector_load %arg11[%swap3A_37, %swap3A_38] {strides = array<i32>} : memref<80x128xf32, #tpu.memory_space<vmem>>, vector<16xf32>,
      tpu.vector_store %arg11[%swap3A_37, %swap3A_38], %broadcast_in_dim3A_0 {strides = array<i32>} : memref<80x128xf32, #tpu.memory_space<vmem>>, vector<16xf32>,
      %swap3A_40 = arith.index_cast %scan3A_33 : i32 to index
      %swap3A_41 = arith.constant 32 : index
      %swap3A_42 = tpu.vector_load %arg11[%swap3A_40, %swap3A_41] {strides = array<i32>} : memref<80x128xf32, #tpu.memory_space<vmem>>, vector<16xf32>,
      tpu.vector_store %arg11[%swap3A_40, %swap3A_41], %broadcast_in_dim3A_0 {strides = array<i32>} : memref<80x128xf32, #tpu.memory_space<vmem>>, vector<16xf32>,
      %swap3A_43 = arith.index_cast %scan3A_33 : i32 to index
      %swap3A_44 = arith.constant 48 : index
      %swap3A_45 = tpu.vector_load %arg11[%swap3A_43, %swap3A_44] {strides = array<i32>} : memref<80x128xf32, #tpu.memory_space<vmem>>, vector<16xf32>,
      tpu.vector_store %arg11[%swap3A_43, %swap3A_44], %broadcast_in_dim3A_0 {strides = array<i32>} : memref<80x128xf32, #tpu.memory_space<vmem>>, vector<16xf32>,
      %swap3A_46 = arith.index_cast %scan3A_33 : i32 to index
      %swap3A_47 = arith.constant 64 : index
      %swap3A_48 = tpu.vector_load %arg11[%swap3A_46, %swap3A_47] {strides = array<i32>} : memref<80x128xf32, #tpu.memory_space<vmem>>, vector<16xf32>,
      tpu.vector_store %arg11[%swap3A_46, %swap3A_47], %broadcast_in_dim3A_0 {strides = array<i32>} : memref<80x128xf32, #tpu.memory_space<vmem>>, vector<16xf32>,
      %swap3A_49 = arith.index_cast %scan3A_33 : i32 to index
      %swap3A_50 = arith.constant 80 : index
      %swap3A_51 = tpu.vector_load %arg11[%swap3A_49, %swap3A_50] {strides = array<i32>} : memref<80x128xf32, #tpu.memory_space<vmem>>, vector<16xf32>,
      tpu.vector_store %arg11[%swap3A_49, %swap3A_50], %broadcast_in_dim3A_0 {strides = array<i32>} : memref<80x128xf32, #tpu.memory_space<vmem>>, vector<16xf32>,
      %swap3A_52 = arith.index_cast %scan3A_33 : i32 to index
      %swap3A_53 = arith.constant 96 : index
      %swap3A_54 = tpu.vector_load %arg11[%swap3A_52, %swap3A_53] {strides = array<i32>} : memref<80x128xf32, #tpu.memory_space<vmem>>, vector<16xf32>,
      tpu.vector_store %arg11[%swap3A_52, %swap3A_53], %broadcast_in_dim3A_0 {strides = array<i32>} : memref<80x128xf32, #tpu.memory_space<vmem>>, vector<16xf32>,
      %swap3A_55 = arith.index_cast %scan3A_33 : i32 to index
      %swap3A_56 = arith.constant 112 : index
      %swap3A_57 = tpu.vector_load %arg11[%swap3A_55, %swap3A_56] {strides = array<i32>} : memref<80x128xf32, #tpu.memory_space<vmem>>, vector<16xf32>,
      tpu.vector_store %arg11[%swap3A_55, %swap3A_56], %broadcast_in_dim3A_0 {strides = array<i32>} : memref<80x128xf32, #tpu.memory_space<vmem>>, vector<16xf32>,
      %scan3A_58 = arith.constant 0 : i32
      scf.yield %scan3A_58 : i32
    }
    %scan3A_6 = arith.constant 80 : i32
    %mul3A = arith.constant 640 : i32
    %mul3A_7 = arith.muli %arg1, %mul3A : i32
    %multiple_of3A = tpu.assume_multiple %mul3A_7, 8 : i32
    %scan3A_8 = arith.constant 0 : i32
    %scan3A_9 = arith.constant 0 : i32
    %scan3A_10 = arith.constant 8 : i32
    %scan3A_11 = arith.addi %scan3A_9, %scan3A_10 : i32
    %scan3A_12 = arith.constant 1 : i32
    %scan3A_13 = scf.for %scan3A_33 = %scan3A_9 to %scan3A_11 step %scan3A_12 iter_args(%scan3A_34 = %scan3A_8) -> (i32)  : i32 {
      %mul3A_35 = arith.constant 80 : i32
      %mul3A_36 = arith.muli %scan3A_33, %mul3A_35 : i32
      %add3A = arith.addi %multiple_of3A, %mul3A_36 : i32
      "tpu.region"() ({
        %run_scoped3A = tpu.sem_alloc : memref<!tpu.dma_semaphore, #tpu.memory_space<semaphore_mem>>
        %dma_start3A = arith.constant 0 : i32
        %dma_start3A_38 = tpu.memref_slice %arg14[%add3A, %dma_start3A] : memref<10240x128xf32, #tpu.memory_space<vmem_shared>> -> memref<80x128xf32, #tpu.memory_space<vmem_shared>>
        %dma_start3A_39 = arith.constant 0 : i32
        %dma_start3A_40 = tpu.memref_slice %arg14[%add3A, %dma_start3A_39] : memref<10240x128xf32, #tpu.memory_space<vmem_shared>> -> memref<80x128xf32, #tpu.memory_space<vmem_shared>>
        tpu.enqueue_dma source(%arg11 : memref<80x128xf32, #tpu.memory_space<vmem>>) target(%dma_start3A_40 : memref<80x128xf32, #tpu.memory_space<vmem_shared>>) target_semaphore(%run_scoped3A : memref<!tpu.dma_semaphore, #tpu.memory_space<semaphore_mem>>)
        %dma_wait3A = arith.constant 0 : i32
        %dma_wait3A_41 = tpu.memref_slice %arg14[%add3A, %dma_wait3A] : memref<10240x128xf32, #tpu.memory_space<vmem_shared>> -> memref<80x128xf32, #tpu.memory_space<vmem_shared>>
        %dma_wait3A_42 = arith.constant 0 : i32
        %dma_wait3A_43 = tpu.memref_slice %arg14[%add3A, %dma_wait3A_42] : memref<10240x128xf32, #tpu.memory_space<vmem_shared>> -> memref<80x128xf32, #tpu.memory_space<vmem_shared>>
        tpu.wait_dma2 semaphore(%run_scoped3A : memref<!tpu.dma_semaphore, #tpu.memory_space<semaphore_mem>>) src(%arg11 : memref<80x128xf32, #tpu.memory_space<vmem>>) dst(%dma_wait3A_43 : memref<80x128xf32, #tpu.memory_space<vmem_shared>>)
        tpu.yield
      }) : () -> ()
      %scan3A_37 = arith.constant 0 : i32
      scf.yield %scan3A_37 : i32
    }
    %scan3A_14 = arith.constant 8 : i32
    %barrier3A = arith.constant 0 : index
    tpu.barrier barrier_id(%barrier3A)
    %eq3A = arith.constant 0 : i32
    %eq3A_15 = arith.cmpi eq, %arg0, %eq3A : i32
    %convert_element_type3A = arith.extui %eq3A_15 : i1 to i32
    %cond3A = arith.constant 0 : i32
    %cond3A_16 = arith.cmpi ne, %convert_element_type3A, %cond3A : i32
    scf.if %cond3A_16 {
      %mul3A_33 = arith.constant 125 : i32
      %mul3A_34 = arith.muli %arg1, %mul3A_33 : i32
      %add3A = arith.constant 0 : i32
      %add3A_35 = arith.addi %mul3A_34, %add3A : i32
      %dma_start3A = arith.constant 0 : i32
      %dma_start3A_36 = arith.constant 0 : i32
      %dma_start3A_37 = tpu.memref_slice %arg4[%add3A_35, %dma_start3A, %dma_start3A_36] : memref<2000x2x80xi32, #tpu.memory_space<hbm>> -> memref<1x2x80xi32, #tpu.memory_space<hbm>>
      %dma_start3A_38 = tpu.memref_squeeze %dma_start3A_37 : memref<1x2x80xi32, #tpu.memory_space<hbm>> -> memref<2x80xi32, #tpu.memory_space<hbm>>
      %dma_start3A_39 = arith.constant 0 : i32
      %dma_start3A_40 = arith.constant 0 : i32
      %dma_start3A_41 = tpu.memref_slice %arg4[%add3A_35, %dma_start3A_39, %dma_start3A_40] : memref<2000x2x80xi32, #tpu.memory_space<hbm>> -> memref<1x2x80xi32, #tpu.memory_space<hbm>>
      %dma_start3A_42 = tpu.memref_squeeze %dma_start3A_41 : memref<1x2x80xi32, #tpu.memory_space<hbm>> -> memref<2x80xi32, #tpu.memory_space<hbm>>
      tpu.enqueue_dma source(%dma_start3A_42 : memref<2x80xi32, #tpu.memory_space<hbm>>) target(%arg7 : memref<2x80xi32, #tpu.memory_space<vmem>>) target_semaphore(%arg21 : memref<!tpu.dma_semaphore, #tpu.memory_space<semaphore_mem>>)
      %mul3A_43 = arith.constant 125 : i32
      %mul3A_44 = arith.muli %arg1, %mul3A_43 : i32
      %add3A_45 = arith.constant 1 : i32
      %add3A_46 = arith.addi %mul3A_44, %add3A_45 : i32
      %dma_start3A_47 = arith.constant 0 : i32
      %dma_start3A_48 = arith.constant 0 : i32
      %dma_start3A_49 = tpu.memref_slice %arg4[%add3A_46, %dma_start3A_47, %dma_start3A_48] : memref<2000x2x80xi32, #tpu.memory_space<hbm>> -> memref<1x2x80xi32, #tpu.memory_space<hbm>>
      %dma_start3A_50 = tpu.memref_squeeze %dma_start3A_49 : memref<1x2x80xi32, #tpu.memory_space<hbm>> -> memref<2x80xi32, #tpu.memory_space<hbm>>
      %dma_start3A_51 = arith.constant 0 : i32
      %dma_start3A_52 = arith.constant 0 : i32
      %dma_start3A_53 = tpu.memref_slice %arg4[%add3A_46, %dma_start3A_51, %dma_start3A_52] : memref<2000x2x80xi32, #tpu.memory_space<hbm>> -> memref<1x2x80xi32, #tpu.memory_space<hbm>>
      %dma_start3A_54 = tpu.memref_squeeze %dma_start3A_53 : memref<1x2x80xi32, #tpu.memory_space<hbm>> -> memref<2x80xi32, #tpu.memory_space<hbm>>
      tpu.enqueue_dma source(%dma_start3A_54 : memref<2x80xi32, #tpu.memory_space<hbm>>) target(%arg8 : memref<2x80xi32, #tpu.memory_space<vmem>>) target_semaphore(%arg22 : memref<!tpu.dma_semaphore, #tpu.memory_space<semaphore_mem>>)
      %mul3A_55 = arith.constant 125 : i32
      %mul3A_56 = arith.muli %arg1, %mul3A_55 : i32
      %add3A_57 = arith.constant 0 : i32
      %add3A_58 = arith.addi %mul3A_56, %add3A_57 : i32
      %dma_wait3A = arith.constant 0 : i32
      %dma_wait3A_59 = arith.constant 0 : i32
      %dma_wait3A_60 = tpu.memref_slice %arg4[%add3A_58, %dma_wait3A, %dma_wait3A_59] : memref<2000x2x80xi32, #tpu.memory_space<hbm>> -> memref<1x2x80xi32, #tpu.memory_space<hbm>>
      %dma_wait3A_61 = tpu.memref_squeeze %dma_wait3A_60 : memref<1x2x80xi32, #tpu.memory_space<hbm>> -> memref<2x80xi32, #tpu.memory_space<hbm>>
      %dma_wait3A_62 = arith.constant 0 : i32
      %dma_wait3A_63 = arith.constant 0 : i32
      %dma_wait3A_64 = tpu.memref_slice %arg4[%add3A_58, %dma_wait3A_62, %dma_wait3A_63] : memref<2000x2x80xi32, #tpu.memory_space<hbm>> -> memref<1x2x80xi32, #tpu.memory_space<hbm>>
      %dma_wait3A_65 = tpu.memref_squeeze %dma_wait3A_64 : memref<1x2x80xi32, #tpu.memory_space<hbm>> -> memref<2x80xi32, #tpu.memory_space<hbm>>
      tpu.wait_dma2 semaphore(%arg21 : memref<!tpu.dma_semaphore, #tpu.memory_space<semaphore_mem>>) src(%dma_wait3A_65 : memref<2x80xi32, #tpu.memory_space<hbm>>) dst(%arg7 : memref<2x80xi32, #tpu.memory_space<vmem>>)
      %dma_start3A_66 = arith.constant 0 : i32
      %dma_start3A_67 = arith.constant 0 : i32
      %dma_start3A_68 = tpu.memref_slice %arg7[%dma_start3A_66, %dma_start3A_67] : memref<2x80xi32, #tpu.memory_space<vmem>> -> memref<1x80xi32, #tpu.memory_space<vmem>>
      %dma_start3A_69 = tpu.memref_squeeze %dma_start3A_68 : memref<1x80xi32, #tpu.memory_space<vmem>> -> memref<80xi32, #tpu.memory_space<vmem>>
      %dma_start3A_70 = arith.constant 0 : i32
      %dma_start3A_71 = arith.constant 0 : i32
      %dma_start3A_72 = tpu.memref_slice %arg2[%dma_start3A_70, %dma_start3A_71] : memref<10000x128xf32, #tpu.memory_space<hbm>> -> memref<10000x128xf32, #tpu.memory_space<hbm>>
      tpu.enqueue_indirect_dma source(%dma_start3A_72 : memref<10000x128xf32, #tpu.memory_space<hbm>>) target(%arg11 : memref<80x128xf32, #tpu.memory_space<vmem>>) offsets(%dma_start3A_69 : memref<80xi32, #tpu.memory_space<vmem>>) semaphore(%arg15 : memref<!tpu.dma_semaphore, #tpu.memory_space<semaphore_mem>>)
      %mul3A_73 = arith.constant 125 : i32
      %mul3A_74 = arith.muli %arg1, %mul3A_73 : i32
      %add3A_75 = arith.constant 1 : i32
      %add3A_76 = arith.addi %mul3A_74, %add3A_75 : i32
      %dma_wait3A_77 = arith.constant 0 : i32
      %dma_wait3A_78 = arith.constant 0 : i32
      %dma_wait3A_79 = tpu.memref_slice %arg4[%add3A_76, %dma_wait3A_77, %dma_wait3A_78] : memref<2000x2x80xi32, #tpu.memory_space<hbm>> -> memref<1x2x80xi32, #tpu.memory_space<hbm>>
      %dma_wait3A_80 = tpu.memref_squeeze %dma_wait3A_79 : memref<1x2x80xi32, #tpu.memory_space<hbm>> -> memref<2x80xi32, #tpu.memory_space<hbm>>
      %dma_wait3A_81 = arith.constant 0 : i32
      %dma_wait3A_82 = arith.constant 0 : i32
      %dma_wait3A_83 = tpu.memref_slice %arg4[%add3A_76, %dma_wait3A_81, %dma_wait3A_82] : memref<2000x2x80xi32, #tpu.memory_space<hbm>> -> memref<1x2x80xi32, #tpu.memory_space<hbm>>
      %dma_wait3A_84 = tpu.memref_squeeze %dma_wait3A_83 : memref<1x2x80xi32, #tpu.memory_space<hbm>> -> memref<2x80xi32, #tpu.memory_space<hbm>>
      tpu.wait_dma2 semaphore(%arg22 : memref<!tpu.dma_semaphore, #tpu.memory_space<semaphore_mem>>) src(%dma_wait3A_84 : memref<2x80xi32, #tpu.memory_space<hbm>>) dst(%arg8 : memref<2x80xi32, #tpu.memory_space<vmem>>)
      %dma_start3A_85 = arith.constant 0 : i32
      %dma_start3A_86 = arith.constant 0 : i32
      %dma_start3A_87 = tpu.memref_slice %arg8[%dma_start3A_85, %dma_start3A_86] : memref<2x80xi32, #tpu.memory_space<vmem>> -> memref<1x80xi32, #tpu.memory_space<vmem>>
      %dma_start3A_88 = tpu.memref_squeeze %dma_start3A_87 : memref<1x80xi32, #tpu.memory_space<vmem>> -> memref<80xi32, #tpu.memory_space<vmem>>
      %dma_start3A_89 = arith.constant 0 : i32
      %dma_start3A_90 = arith.constant 0 : i32
      %dma_start3A_91 = tpu.memref_slice %arg2[%dma_start3A_89, %dma_start3A_90] : memref<10000x128xf32, #tpu.memory_space<hbm>> -> memref<10000x128xf32, #tpu.memory_space<hbm>>
      tpu.enqueue_indirect_dma source(%dma_start3A_91 : memref<10000x128xf32, #tpu.memory_space<hbm>>) target(%arg12 : memref<80x128xf32, #tpu.memory_space<vmem>>) offsets(%dma_start3A_88 : memref<80xi32, #tpu.memory_space<vmem>>) semaphore(%arg16 : memref<!tpu.dma_semaphore, #tpu.memory_space<semaphore_mem>>)
      %mul3A_92 = arith.constant 125 : i32
      %mul3A_93 = arith.muli %arg1, %mul3A_92 : i32
      %add3A_94 = arith.constant 2 : i32
      %add3A_95 = arith.addi %mul3A_93, %add3A_94 : i32
      %dma_start3A_96 = arith.constant 0 : i32
      %dma_start3A_97 = arith.constant 0 : i32
      %dma_start3A_98 = tpu.memref_slice %arg4[%add3A_95, %dma_start3A_96, %dma_start3A_97] : memref<2000x2x80xi32, #tpu.memory_space<hbm>> -> memref<1x2x80xi32, #tpu.memory_space<hbm>>
      %dma_start3A_99 = tpu.memref_squeeze %dma_start3A_98 : memref<1x2x80xi32, #tpu.memory_space<hbm>> -> memref<2x80xi32, #tpu.memory_space<hbm>>
      %dma_start3A_100 = arith.constant 0 : i32
      %dma_start3A_101 = arith.constant 0 : i32
      %dma_start3A_102 = tpu.memref_slice %arg4[%add3A_95, %dma_start3A_100, %dma_start3A_101] : memref<2000x2x80xi32, #tpu.memory_space<hbm>> -> memref<1x2x80xi32, #tpu.memory_space<hbm>>
      %dma_start3A_103 = tpu.memref_squeeze %dma_start3A_102 : memref<1x2x80xi32, #tpu.memory_space<hbm>> -> memref<2x80xi32, #tpu.memory_space<hbm>>
      tpu.enqueue_dma source(%dma_start3A_103 : memref<2x80xi32, #tpu.memory_space<hbm>>) target(%arg9 : memref<2x80xi32, #tpu.memory_space<vmem>>) target_semaphore(%arg23 : memref<!tpu.dma_semaphore, #tpu.memory_space<semaphore_mem>>)
      %dma_wait3A_104 = arith.constant 0 : i32
      %dma_wait3A_105 = arith.constant 0 : i32
      %dma_wait3A_106 = tpu.memref_slice %arg7[%dma_wait3A_104, %dma_wait3A_105] : memref<2x80xi32, #tpu.memory_space<vmem>> -> memref<1x80xi32, #tpu.memory_space<vmem>>
      %dma_wait3A_107 = tpu.memref_squeeze %dma_wait3A_106 : memref<1x80xi32, #tpu.memory_space<vmem>> -> memref<80xi32, #tpu.memory_space<vmem>>
      %dma_wait3A_108 = arith.constant 0 : i32
      %dma_wait3A_109 = arith.constant 0 : i32
      %dma_wait3A_110 = tpu.memref_slice %arg2[%dma_wait3A_108, %dma_wait3A_109] : memref<10000x128xf32, #tpu.memory_space<hbm>> -> memref<10000x128xf32, #tpu.memory_space<hbm>>
      tpu.wait_indirect_dma semaphore(%arg15 : memref<!tpu.dma_semaphore, #tpu.memory_space<semaphore_mem>>) src(%dma_wait3A_110 : memref<10000x128xf32, #tpu.memory_space<hbm>>) dst(%arg11 : memref<80x128xf32, #tpu.memory_space<vmem>>)
      %dma_start3A_111 = arith.constant 1 : i32
      %dma_start3A_112 = arith.constant 0 : i32
      %dma_start3A_113 = tpu.memref_slice %arg7[%dma_start3A_111, %dma_start3A_112] : memref<2x80xi32, #tpu.memory_space<vmem>> -> memref<1x80xi32, #tpu.memory_space<vmem>>
      %dma_start3A_114 = tpu.memref_squeeze %dma_start3A_113 : memref<1x80xi32, #tpu.memory_space<vmem>> -> memref<80xi32, #tpu.memory_space<vmem>>
      %dma_start3A_115 = arith.constant 0 : i32
      %dma_start3A_116 = arith.constant 0 : i32
      %dma_start3A_117 = tpu.memref_slice %arg14[%dma_start3A_115, %dma_start3A_116] : memref<10240x128xf32, #tpu.memory_space<vmem_shared>> -> memref<10240x128xf32, #tpu.memory_space<vmem_shared>>
      tpu.enqueue_indirect_dma source(%arg11 : memref<80x128xf32, #tpu.memory_space<vmem>>) target(%dma_start3A_117 : memref<10240x128xf32, #tpu.memory_space<vmem_shared>>) offsets(%dma_start3A_114 : memref<80xi32, #tpu.memory_space<vmem>>) semaphore(%arg18 : memref<!tpu.dma_semaphore, #tpu.memory_space<semaphore_mem>>) {add = true}
      %mul3A_118 = arith.constant 125 : i32
      %mul3A_119 = arith.muli %arg1, %mul3A_118 : i32
      %add3A_120 = arith.constant 2 : i32
      %add3A_121 = arith.addi %mul3A_119, %add3A_120 : i32
      %dma_wait3A_122 = arith.constant 0 : i32
      %dma_wait3A_123 = arith.constant 0 : i32
      %dma_wait3A_124 = tpu.memref_slice %arg4[%add3A_121, %dma_wait3A_122, %dma_wait3A_123] : memref<2000x2x80xi32, #tpu.memory_space<hbm>> -> memref<1x2x80xi32, #tpu.memory_space<hbm>>
      %dma_wait3A_125 = tpu.memref_squeeze %dma_wait3A_124 : memref<1x2x80xi32, #tpu.memory_space<hbm>> -> memref<2x80xi32, #tpu.memory_space<hbm>>
      %dma_wait3A_126 = arith.constant 0 : i32
      %dma_wait3A_127 = arith.constant 0 : i32
      %dma_wait3A_128 = tpu.memref_slice %arg4[%add3A_121, %dma_wait3A_126, %dma_wait3A_127] : memref<2000x2x80xi32, #tpu.memory_space<hbm>> -> memref<1x2x80xi32, #tpu.memory_space<hbm>>
      %dma_wait3A_129 = tpu.memref_squeeze %dma_wait3A_128 : memref<1x2x80xi32, #tpu.memory_space<hbm>> -> memref<2x80xi32, #tpu.memory_space<hbm>>
      tpu.wait_dma2 semaphore(%arg23 : memref<!tpu.dma_semaphore, #tpu.memory_space<semaphore_mem>>) src(%dma_wait3A_129 : memref<2x80xi32, #tpu.memory_space<hbm>>) dst(%arg9 : memref<2x80xi32, #tpu.memory_space<vmem>>)
      %dma_start3A_130 = arith.constant 0 : i32
      %dma_start3A_131 = arith.constant 0 : i32
      %dma_start3A_132 = tpu.memref_slice %arg9[%dma_start3A_130, %dma_start3A_131] : memref<2x80xi32, #tpu.memory_space<vmem>> -> memref<1x80xi32, #tpu.memory_space<vmem>>
      %dma_start3A_133 = tpu.memref_squeeze %dma_start3A_132 : memref<1x80xi32, #tpu.memory_space<vmem>> -> memref<80xi32, #tpu.memory_space<vmem>>
      %dma_start3A_134 = arith.constant 0 : i32
      %dma_start3A_135 = arith.constant 0 : i32
      %dma_start3A_136 = tpu.memref_slice %arg2[%dma_start3A_134, %dma_start3A_135] : memref<10000x128xf32, #tpu.memory_space<hbm>> -> memref<10000x128xf32, #tpu.memory_space<hbm>>
      tpu.enqueue_indirect_dma source(%dma_start3A_136 : memref<10000x128xf32, #tpu.memory_space<hbm>>) target(%arg13 : memref<80x128xf32, #tpu.memory_space<vmem>>) offsets(%dma_start3A_133 : memref<80xi32, #tpu.memory_space<vmem>>) semaphore(%arg17 : memref<!tpu.dma_semaphore, #tpu.memory_space<semaphore_mem>>)
      %mul3A_137 = arith.constant 125 : i32
      %mul3A_138 = arith.muli %arg1, %mul3A_137 : i32
      %add3A_139 = arith.constant 3 : i32
      %add3A_140 = arith.addi %mul3A_138, %add3A_139 : i32
      %dma_start3A_141 = arith.constant 0 : i32
      %dma_start3A_142 = arith.constant 0 : i32
      %dma_start3A_143 = tpu.memref_slice %arg4[%add3A_140, %dma_start3A_141, %dma_start3A_142] : memref<2000x2x80xi32, #tpu.memory_space<hbm>> -> memref<1x2x80xi32, #tpu.memory_space<hbm>>
      %dma_start3A_144 = tpu.memref_squeeze %dma_start3A_143 : memref<1x2x80xi32, #tpu.memory_space<hbm>> -> memref<2x80xi32, #tpu.memory_space<hbm>>
      %dma_start3A_145 = arith.constant 0 : i32
      %dma_start3A_146 = arith.constant 0 : i32
      %dma_start3A_147 = tpu.memref_slice %arg4[%add3A_140, %dma_start3A_145, %dma_start3A_146] : memref<2000x2x80xi32, #tpu.memory_space<hbm>> -> memref<1x2x80xi32, #tpu.memory_space<hbm>>
      %dma_start3A_148 = tpu.memref_squeeze %dma_start3A_147 : memref<1x2x80xi32, #tpu.memory_space<hbm>> -> memref<2x80xi32, #tpu.memory_space<hbm>>
      tpu.enqueue_dma source(%dma_start3A_148 : memref<2x80xi32, #tpu.memory_space<hbm>>) target(%arg10 : memref<2x80xi32, #tpu.memory_space<vmem>>) target_semaphore(%arg24 : memref<!tpu.dma_semaphore, #tpu.memory_space<semaphore_mem>>)
      %dma_wait3A_149 = arith.constant 0 : i32
      %dma_wait3A_150 = arith.constant 0 : i32
      %dma_wait3A_151 = tpu.memref_slice %arg8[%dma_wait3A_149, %dma_wait3A_150] : memref<2x80xi32, #tpu.memory_space<vmem>> -> memref<1x80xi32, #tpu.memory_space<vmem>>
      %dma_wait3A_152 = tpu.memref_squeeze %dma_wait3A_151 : memref<1x80xi32, #tpu.memory_space<vmem>> -> memref<80xi32, #tpu.memory_space<vmem>>
      %dma_wait3A_153 = arith.constant 0 : i32
      %dma_wait3A_154 = arith.constant 0 : i32
      %dma_wait3A_155 = tpu.memref_slice %arg2[%dma_wait3A_153, %dma_wait3A_154] : memref<10000x128xf32, #tpu.memory_space<hbm>> -> memref<10000x128xf32, #tpu.memory_space<hbm>>
      tpu.wait_indirect_dma semaphore(%arg16 : memref<!tpu.dma_semaphore, #tpu.memory_space<semaphore_mem>>) src(%dma_wait3A_155 : memref<10000x128xf32, #tpu.memory_space<hbm>>) dst(%arg12 : memref<80x128xf32, #tpu.memory_space<vmem>>)
      %dma_start3A_156 = arith.constant 1 : i32
      %dma_start3A_157 = arith.constant 0 : i32
      %dma_start3A_158 = tpu.memref_slice %arg8[%dma_start3A_156, %dma_start3A_157] : memref<2x80xi32, #tpu.memory_space<vmem>> -> memref<1x80xi32, #tpu.memory_space<vmem>>
      %dma_start3A_159 = tpu.memref_squeeze %dma_start3A_158 : memref<1x80xi32, #tpu.memory_space<vmem>> -> memref<80xi32, #tpu.memory_space<vmem>>
      %dma_start3A_160 = arith.constant 0 : i32
      %dma_start3A_161 = arith.constant 0 : i32
      %dma_start3A_162 = tpu.memref_slice %arg14[%dma_start3A_160, %dma_start3A_161] : memref<10240x128xf32, #tpu.memory_space<vmem_shared>> -> memref<10240x128xf32, #tpu.memory_space<vmem_shared>>
      tpu.enqueue_indirect_dma source(%arg12 : memref<80x128xf32, #tpu.memory_space<vmem>>) target(%dma_start3A_162 : memref<10240x128xf32, #tpu.memory_space<vmem_shared>>) offsets(%dma_start3A_159 : memref<80xi32, #tpu.memory_space<vmem>>) semaphore(%arg19 : memref<!tpu.dma_semaphore, #tpu.memory_space<semaphore_mem>>) {add = true}
      %scan3A_163 = arith.constant 0 : i32
      %scan3A_164 = arith.constant 0 : i32
      %scan3A_165 = arith.constant 10 : i32
      %scan3A_166 = arith.addi %scan3A_164, %scan3A_165 : i32
      %scan3A_167 = arith.constant 1 : i32
      %scan3A_168 = scf.for %scan3A_297 = %scan3A_164 to %scan3A_166 step %scan3A_167 iter_args(%scan3A_298 = %scan3A_163) -> (i32)  : i32 {
        %mul3A_299 = arith.constant 12 : i32
        %mul3A_300 = arith.muli %mul3A_299, %scan3A_297 : i32
        %add3A_301 = arith.constant 2 : i32
        %add3A_302 = arith.addi %mul3A_300, %add3A_301 : i32
        %add3A_303 = arith.constant 0 : i32
        %add3A_304 = arith.addi %add3A_302, %add3A_303 : i32
        %sub3A = arith.constant 2 : i32
        %sub3A_305 = arith.subi %add3A_304, %sub3A : i32
        %dma_wait3A_306 = arith.constant 1 : i32
        %dma_wait3A_307 = arith.constant 0 : i32
        %dma_wait3A_308 = tpu.memref_slice %arg7[%dma_wait3A_306, %dma_wait3A_307] : memref<2x80xi32, #tpu.memory_space<vmem>> -> memref<1x80xi32, #tpu.memory_space<vmem>>
        %dma_wait3A_309 = tpu.memref_squeeze %dma_wait3A_308 : memref<1x80xi32, #tpu.memory_space<vmem>> -> memref<80xi32, #tpu.memory_space<vmem>>
        %dma_wait3A_310 = arith.constant 0 : i32
        %dma_wait3A_311 = arith.constant 0 : i32
        %dma_wait3A_312 = tpu.memref_slice %arg14[%dma_wait3A_310, %dma_wait3A_311] : memref<10240x128xf32, #tpu.memory_space<vmem_shared>> -> memref<10240x128xf32, #tpu.memory_space<vmem_shared>>
        tpu.wait_indirect_dma semaphore(%arg18 : memref<!tpu.dma_semaphore, #tpu.memory_space<semaphore_mem>>) src(%arg11 : memref<80x128xf32, #tpu.memory_space<vmem>>) dst(%dma_wait3A_312 : memref<10240x128xf32, #tpu.memory_space<vmem_shared>>)
        %add3A_313 = arith.constant 1 : i32
        %add3A_314 = arith.addi %add3A_304, %add3A_313 : i32
        %mul3A_315 = arith.constant 125 : i32
        %mul3A_316 = arith.muli %arg1, %mul3A_315 : i32
        %add3A_317 = arith.addi %mul3A_316, %add3A_314 : i32
        %dma_wait3A_318 = arith.constant 0 : i32
        %dma_wait3A_319 = arith.constant 0 : i32
        %dma_wait3A_320 = tpu.memref_slice %arg4[%add3A_317, %dma_wait3A_318, %dma_wait3A_319] : memref<2000x2x80xi32, #tpu.memory_space<hbm>> -> memref<1x2x80xi32, #tpu.memory_space<hbm>>
        %dma_wait3A_321 = tpu.memref_squeeze %dma_wait3A_320 : memref<1x2x80xi32, #tpu.memory_space<hbm>> -> memref<2x80xi32, #tpu.memory_space<hbm>>
        %dma_wait3A_322 = arith.constant 0 : i32
        %dma_wait3A_323 = arith.constant 0 : i32
        %dma_wait3A_324 = tpu.memref_slice %arg4[%add3A_317, %dma_wait3A_322, %dma_wait3A_323] : memref<2000x2x80xi32, #tpu.memory_space<hbm>> -> memref<1x2x80xi32, #tpu.memory_space<hbm>>
        %dma_wait3A_325 = tpu.memref_squeeze %dma_wait3A_324 : memref<1x2x80xi32, #tpu.memory_space<hbm>> -> memref<2x80xi32, #tpu.memory_space<hbm>>
        tpu.wait_dma2 semaphore(%arg24 : memref<!tpu.dma_semaphore, #tpu.memory_space<semaphore_mem>>) src(%dma_wait3A_325 : memref<2x80xi32, #tpu.memory_space<hbm>>) dst(%arg10 : memref<2x80xi32, #tpu.memory_space<vmem>>)
        %add3A_326 = arith.constant 1 : i32
        %add3A_327 = arith.addi %add3A_304, %add3A_326 : i32
        %dma_start3A_328 = arith.constant 0 : i32
        %dma_start3A_329 = arith.constant 0 : i32
        %dma_start3A_330 = tpu.memref_slice %arg10[%dma_start3A_328, %dma_start3A_329] : memref<2x80xi32, #tpu.memory_space<vmem>> -> memref<1x80xi32, #tpu.memory_space<vmem>>
        %dma_start3A_331 = tpu.memref_squeeze %dma_start3A_330 : memref<1x80xi32, #tpu.memory_space<vmem>> -> memref<80xi32, #tpu.memory_space<vmem>>
        %dma_start3A_332 = arith.constant 0 : i32
        %dma_start3A_333 = arith.constant 0 : i32
        %dma_start3A_334 = tpu.memref_slice %arg2[%dma_start3A_332, %dma_start3A_333] : memref<10000x128xf32, #tpu.memory_space<hbm>> -> memref<10000x128xf32, #tpu.memory_space<hbm>>
        tpu.enqueue_indirect_dma source(%dma_start3A_334 : memref<10000x128xf32, #tpu.memory_space<hbm>>) target(%arg11 : memref<80x128xf32, #tpu.memory_space<vmem>>) offsets(%dma_start3A_331 : memref<80xi32, #tpu.memory_space<vmem>>) semaphore(%arg15 : memref<!tpu.dma_semaphore, #tpu.memory_space<semaphore_mem>>)
        %add3A_335 = arith.constant 2 : i32
        %add3A_336 = arith.addi %add3A_304, %add3A_335 : i32
        %mul3A_337 = arith.constant 125 : i32
        %mul3A_338 = arith.muli %arg1, %mul3A_337 : i32
        %add3A_339 = arith.addi %mul3A_338, %add3A_336 : i32
        %dma_start3A_340 = arith.constant 0 : i32
        %dma_start3A_341 = arith.constant 0 : i32
        %dma_start3A_342 = tpu.memref_slice %arg4[%add3A_339, %dma_start3A_340, %dma_start3A_341] : memref<2000x2x80xi32, #tpu.memory_space<hbm>> -> memref<1x2x80xi32, #tpu.memory_space<hbm>>
        %dma_start3A_343 = tpu.memref_squeeze %dma_start3A_342 : memref<1x2x80xi32, #tpu.memory_space<hbm>> -> memref<2x80xi32, #tpu.memory_space<hbm>>
        %dma_start3A_344 = arith.constant 0 : i32
        %dma_start3A_345 = arith.constant 0 : i32
        %dma_start3A_346 = tpu.memref_slice %arg4[%add3A_339, %dma_start3A_344, %dma_start3A_345] : memref<2000x2x80xi32, #tpu.memory_space<hbm>> -> memref<1x2x80xi32, #tpu.memory_space<hbm>>
        %dma_start3A_347 = tpu.memref_squeeze %dma_start3A_346 : memref<1x2x80xi32, #tpu.memory_space<hbm>> -> memref<2x80xi32, #tpu.memory_space<hbm>>
        tpu.enqueue_dma source(%dma_start3A_347 : memref<2x80xi32, #tpu.memory_space<hbm>>) target(%arg7 : memref<2x80xi32, #tpu.memory_space<vmem>>) target_semaphore(%arg21 : memref<!tpu.dma_semaphore, #tpu.memory_space<semaphore_mem>>)
        %dma_wait3A_348 = arith.constant 0 : i32
        %dma_wait3A_349 = arith.constant 0 : i32
        %dma_wait3A_350 = tpu.memref_slice %arg9[%dma_wait3A_348, %dma_wait3A_349] : memref<2x80xi32, #tpu.memory_space<vmem>> -> memref<1x80xi32, #tpu.memory_space<vmem>>
        %dma_wait3A_351 = tpu.memref_squeeze %dma_wait3A_350 : memref<1x80xi32, #tpu.memory_space<vmem>> -> memref<80xi32, #tpu.memory_space<vmem>>
        %dma_wait3A_352 = arith.constant 0 : i32
        %dma_wait3A_353 = arith.constant 0 : i32
        %dma_wait3A_354 = tpu.memref_slice %arg2[%dma_wait3A_352, %dma_wait3A_353] : memref<10000x128xf32, #tpu.memory_space<hbm>> -> memref<10000x128xf32, #tpu.memory_space<hbm>>
        tpu.wait_indirect_dma semaphore(%arg17 : memref<!tpu.dma_semaphore, #tpu.memory_space<semaphore_mem>>) src(%dma_wait3A_354 : memref<10000x128xf32, #tpu.memory_space<hbm>>) dst(%arg13 : memref<80x128xf32, #tpu.memory_space<vmem>>)
        %dma_start3A_355 = arith.constant 1 : i32
        %dma_start3A_356 = arith.constant 0 : i32
        %dma_start3A_357 = tpu.memref_slice %arg9[%dma_start3A_355, %dma_start3A_356] : memref<2x80xi32, #tpu.memory_space<vmem>> -> memref<1x80xi32, #tpu.memory_space<vmem>>
        %dma_start3A_358 = tpu.memref_squeeze %dma_start3A_357 : memref<1x80xi32, #tpu.memory_space<vmem>> -> memref<80xi32, #tpu.memory_space<vmem>>
        %dma_start3A_359 = arith.constant 0 : i32
        %dma_start3A_360 = arith.constant 0 : i32
        %dma_start3A_361 = tpu.memref_slice %arg14[%dma_start3A_359, %dma_start3A_360] : memref<10240x128xf32, #tpu.memory_space<vmem_shared>> -> memref<10240x128xf32, #tpu.memory_space<vmem_shared>>
        tpu.enqueue_indirect_dma source(%arg13 : memref<80x128xf32, #tpu.memory_space<vmem>>) target(%dma_start3A_361 : memref<10240x128xf32, #tpu.memory_space<vmem_shared>>) offsets(%dma_start3A_358 : memref<80xi32, #tpu.memory_space<vmem>>) semaphore(%arg20 : memref<!tpu.dma_semaphore, #tpu.memory_space<semaphore_mem>>) {add = true}
        %mul3A_362 = arith.constant 12 : i32
        %mul3A_363 = arith.muli %mul3A_362, %scan3A_297 : i32
        %add3A_364 = arith.constant 2 : i32
        %add3A_365 = arith.addi %mul3A_363, %add3A_364 : i32
        %add3A_366 = arith.constant 1 : i32
        %add3A_367 = arith.addi %add3A_365, %add3A_366 : i32
        %sub3A_368 = arith.constant 2 : i32
        %sub3A_369 = arith.subi %add3A_367, %sub3A_368 : i32
        %dma_wait3A_370 = arith.constant 1 : i32
        %dma_wait3A_371 = arith.constant 0 : i32
        %dma_wait3A_372 = tpu.memref_slice %arg8[%dma_wait3A_370, %dma_wait3A_371] : memref<2x80xi32, #tpu.memory_space<vmem>> -> memref<1x80xi32, #tpu.memory_space<vmem>>
        %dma_wait3A_373 = tpu.memref_squeeze %dma_wait3A_372 : memref<1x80xi32, #tpu.memory_space<vmem>> -> memref<80xi32, #tpu.memory_space<vmem>>
        %dma_wait3A_374 = arith.constant 0 : i32
        %dma_wait3A_375 = arith.constant 0 : i32
        %dma_wait3A_376 = tpu.memref_slice %arg14[%dma_wait3A_374, %dma_wait3A_375] : memref<10240x128xf32, #tpu.memory_space<vmem_shared>> -> memref<10240x128xf32, #tpu.memory_space<vmem_shared>>
        tpu.wait_indirect_dma semaphore(%arg19 : memref<!tpu.dma_semaphore, #tpu.memory_space<semaphore_mem>>) src(%arg12 : memref<80x128xf32, #tpu.memory_space<vmem>>) dst(%dma_wait3A_376 : memref<10240x128xf32, #tpu.memory_space<vmem_shared>>)
        %add3A_377 = arith.constant 1 : i32
        %add3A_378 = arith.addi %add3A_367, %add3A_377 : i32
        %mul3A_379 = arith.constant 125 : i32
        %mul3A_380 = arith.muli %arg1, %mul3A_379 : i32
        %add3A_381 = arith.addi %mul3A_380, %add3A_378 : i32
        %dma_wait3A_382 = arith.constant 0 : i32
        %dma_wait3A_383 = arith.constant 0 : i32
        %dma_wait3A_384 = tpu.memref_slice %arg4[%add3A_381, %dma_wait3A_382, %dma_wait3A_383] : memref<2000x2x80xi32, #tpu.memory_space<hbm>> -> memref<1x2x80xi32, #tpu.memory_space<hbm>>
        %dma_wait3A_385 = tpu.memref_squeeze %dma_wait3A_384 : memref<1x2x80xi32, #tpu.memory_space<hbm>> -> memref<2x80xi32, #tpu.memory_space<hbm>>
        %dma_wait3A_386 = arith.constant 0 : i32
        %dma_wait3A_387 = arith.constant 0 : i32
        %dma_wait3A_388 = tpu.memref_slice %arg4[%add3A_381, %dma_wait3A_386, %dma_wait3A_387] : memref<2000x2x80xi32, #tpu.memory_space<hbm>> -> memref<1x2x80xi32, #tpu.memory_space<hbm>>
        %dma_wait3A_389 = tpu.memref_squeeze %dma_wait3A_388 : memref<1x2x80xi32, #tpu.memory_space<hbm>> -> memref<2x80xi32, #tpu.memory_space<hbm>>
        tpu.wait_dma2 semaphore(%arg21 : memref<!tpu.dma_semaphore, #tpu.memory_space<semaphore_mem>>) src(%dma_wait3A_389 : memref<2x80xi32, #tpu.memory_space<hbm>>) dst(%arg7 : memref<2x80xi32, #tpu.memory_space<vmem>>)
        %add3A_390 = arith.constant 1 : i32
        %add3A_391 = arith.addi %add3A_367, %add3A_390 : i32
        %dma_start3A_392 = arith.constant 0 : i32
        %dma_start3A_393 = arith.constant 0 : i32
        %dma_start3A_394 = tpu.memref_slice %arg7[%dma_start3A_392, %dma_start3A_393] : memref<2x80xi32, #tpu.memory_space<vmem>> -> memref<1x80xi32, #tpu.memory_space<vmem>>
        %dma_start3A_395 = tpu.memref_squeeze %dma_start3A_394 : memref<1x80xi32, #tpu.memory_space<vmem>> -> memref<80xi32, #tpu.memory_space<vmem>>
        %dma_start3A_396 = arith.constant 0 : i32
        %dma_start3A_397 = arith.constant 0 : i32
        %dma_start3A_398 = tpu.memref_slice %arg2[%dma_start3A_396, %dma_start3A_397] : memref<10000x128xf32, #tpu.memory_space<hbm>> -> memref<10000x128xf32, #tpu.memory_space<hbm>>
        tpu.enqueue_indirect_dma source(%dma_start3A_398 : memref<10000x128xf32, #tpu.memory_space<hbm>>) target(%arg12 : memref<80x128xf32, #tpu.memory_space<vmem>>) offsets(%dma_start3A_395 : memref<80xi32, #tpu.memory_space<vmem>>) semaphore(%arg16 : memref<!tpu.dma_semaphore, #tpu.memory_space<semaphore_mem>>)
        %add3A_399 = arith.constant 2 : i32
        %add3A_400 = arith.addi %add3A_367, %add3A_399 : i32
        %mul3A_401 = arith.constant 125 : i32
        %mul3A_402 = arith.muli %arg1, %mul3A_401 : i32
        %add3A_403 = arith.addi %mul3A_402, %add3A_400 : i32
        %dma_start3A_404 = arith.constant 0 : i32
        %dma_start3A_405 = arith.constant 0 : i32
        %dma_start3A_406 = tpu.memref_slice %arg4[%add3A_403, %dma_start3A_404, %dma_start3A_405] : memref<2000x2x80xi32, #tpu.memory_space<hbm>> -> memref<1x2x80xi32, #tpu.memory_space<hbm>>
        %dma_start3A_407 = tpu.memref_squeeze %dma_start3A_406 : memref<1x2x80xi32, #tpu.memory_space<hbm>> -> memref<2x80xi32, #tpu.memory_space<hbm>>
        %dma_start3A_408 = arith.constant 0 : i32
        %dma_start3A_409 = arith.constant 0 : i32
        %dma_start3A_410 = tpu.memref_slice %arg4[%add3A_403, %dma_start3A_408, %dma_start3A_409] : memref<2000x2x80xi32, #tpu.memory_space<hbm>> -> memref<1x2x80xi32, #tpu.memory_space<hbm>>
        %dma_start3A_411 = tpu.memref_squeeze %dma_start3A_410 : memref<1x2x80xi32, #tpu.memory_space<hbm>> -> memref<2x80xi32, #tpu.memory_space<hbm>>
        tpu.enqueue_dma source(%dma_start3A_411 : memref<2x80xi32, #tpu.memory_space<hbm>>) target(%arg8 : memref<2x80xi32, #tpu.memory_space<vmem>>) target_semaphore(%arg22 : memref<!tpu.dma_semaphore, #tpu.memory_space<semaphore_mem>>)
        %dma_wait3A_412 = arith.constant 0 : i32
        %dma_wait3A_413 = arith.constant 0 : i32
        %dma_wait3A_414 = tpu.memref_slice %arg10[%dma_wait3A_412, %dma_wait3A_413] : memref<2x80xi32, #tpu.memory_space<vmem>> -> memref<1x80xi32, #tpu.memory_space<vmem>>
        %dma_wait3A_415 = tpu.memref_squeeze %dma_wait3A_414 : memref<1x80xi32, #tpu.memory_space<vmem>> -> memref<80xi32, #tpu.memory_space<vmem>>
        %dma_wait3A_416 = arith.constant 0 : i32
        %dma_wait3A_417 = arith.constant 0 : i32
        %dma_wait3A_418 = tpu.memref_slice %arg2[%dma_wait3A_416, %dma_wait3A_417] : memref<10000x128xf32, #tpu.memory_space<hbm>> -> memref<10000x128xf32, #tpu.memory_space<hbm>>
        tpu.wait_indirect_dma semaphore(%arg15 : memref<!tpu.dma_semaphore, #tpu.memory_space<semaphore_mem>>) src(%dma_wait3A_418 : memref<10000x128xf32, #tpu.memory_space<hbm>>) dst(%arg11 : memref<80x128xf32, #tpu.memory_space<vmem>>)
        %dma_start3A_419 = arith.constant 1 : i32
        %dma_start3A_420 = arith.constant 0 : i32
        %dma_start3A_421 = tpu.memref_slice %arg10[%dma_start3A_419, %dma_start3A_420] : memref<2x80xi32, #tpu.memory_space<vmem>> -> memref<1x80xi32, #tpu.memory_space<vmem>>
        %dma_start3A_422 = tpu.memref_squeeze %dma_start3A_421 : memref<1x80xi32, #tpu.memory_space<vmem>> -> memref<80xi32, #tpu.memory_space<vmem>>
        %dma_start3A_423 = arith.constant 0 : i32
        %dma_start3A_424 = arith.constant 0 : i32
        %dma_start3A_425 = tpu.memref_slice %arg14[%dma_start3A_423, %dma_start3A_424] : memref<10240x128xf32, #tpu.memory_space<vmem_shared>> -> memref<10240x128xf32, #tpu.memory_space<vmem_shared>>
        tpu.enqueue_indirect_dma source(%arg11 : memref<80x128xf32, #tpu.memory_space<vmem>>) target(%dma_start3A_425 : memref<10240x128xf32, #tpu.memory_space<vmem_shared>>) offsets(%dma_start3A_422 : memref<80xi32, #tpu.memory_space<vmem>>) semaphore(%arg18 : memref<!tpu.dma_semaphore, #tpu.memory_space<semaphore_mem>>) {add = true}
        %mul3A_426 = arith.constant 12 : i32
        %mul3A_427 = arith.muli %mul3A_426, %scan3A_297 : i32
        %add3A_428 = arith.constant 2 : i32
        %add3A_429 = arith.addi %mul3A_427, %add3A_428 : i32
        %add3A_430 = arith.constant 2 : i32
        %add3A_431 = arith.addi %add3A_429, %add3A_430 : i32
        %sub3A_432 = arith.constant 2 : i32
        %sub3A_433 = arith.subi %add3A_431, %sub3A_432 : i32
        %dma_wait3A_434 = arith.constant 1 : i32
        %dma_wait3A_435 = arith.constant 0 : i32
        %dma_wait3A_436 = tpu.memref_slice %arg9[%dma_wait3A_434, %dma_wait3A_435] : memref<2x80xi32, #tpu.memory_space<vmem>> -> memref<1x80xi32, #tpu.memory_space<vmem>>
        %dma_wait3A_437 = tpu.memref_squeeze %dma_wait3A_436 : memref<1x80xi32, #tpu.memory_space<vmem>> -> memref<80xi32, #tpu.memory_space<vmem>>
        %dma_wait3A_438 = arith.constant 0 : i32
        %dma_wait3A_439 = arith.constant 0 : i32
        %dma_wait3A_440 = tpu.memref_slice %arg14[%dma_wait3A_438, %dma_wait3A_439] : memref<10240x128xf32, #tpu.memory_space<vmem_shared>> -> memref<10240x128xf32, #tpu.memory_space<vmem_shared>>
        tpu.wait_indirect_dma semaphore(%arg20 : memref<!tpu.dma_semaphore, #tpu.memory_space<semaphore_mem>>) src(%arg13 : memref<80x128xf32, #tpu.memory_space<vmem>>) dst(%dma_wait3A_440 : memref<10240x128xf32, #tpu.memory_space<vmem_shared>>)
        %add3A_441 = arith.constant 1 : i32
        %add3A_442 = arith.addi %add3A_431, %add3A_441 : i32
        %mul3A_443 = arith.constant 125 : i32
        %mul3A_444 = arith.muli %arg1, %mul3A_443 : i32
        %add3A_445 = arith.addi %mul3A_444, %add3A_442 : i32
        %dma_wait3A_446 = arith.constant 0 : i32
        %dma_wait3A_447 = arith.constant 0 : i32
        %dma_wait3A_448 = tpu.memref_slice %arg4[%add3A_445, %dma_wait3A_446, %dma_wait3A_447] : memref<2000x2x80xi32, #tpu.memory_space<hbm>> -> memref<1x2x80xi32, #tpu.memory_space<hbm>>
        %dma_wait3A_449 = tpu.memref_squeeze %dma_wait3A_448 : memref<1x2x80xi32, #tpu.memory_space<hbm>> -> memref<2x80xi32, #tpu.memory_space<hbm>>
        %dma_wait3A_450 = arith.constant 0 : i32
        %dma_wait3A_451 = arith.constant 0 : i32
        %dma_wait3A_452 = tpu.memref_slice %arg4[%add3A_445, %dma_wait3A_450, %dma_wait3A_451] : memref<2000x2x80xi32, #tpu.memory_space<hbm>> -> memref<1x2x80xi32, #tpu.memory_space<hbm>>
        %dma_wait3A_453 = tpu.memref_squeeze %dma_wait3A_452 : memref<1x2x80xi32, #tpu.memory_space<hbm>> -> memref<2x80xi32, #tpu.memory_space<hbm>>
        tpu.wait_dma2 semaphore(%arg22 : memref<!tpu.dma_semaphore, #tpu.memory_space<semaphore_mem>>) src(%dma_wait3A_453 : memref<2x80xi32, #tpu.memory_space<hbm>>) dst(%arg8 : memref<2x80xi32, #tpu.memory_space<vmem>>)
        %add3A_454 = arith.constant 1 : i32
        %add3A_455 = arith.addi %add3A_431, %add3A_454 : i32
        %dma_start3A_456 = arith.constant 0 : i32
        %dma_start3A_457 = arith.constant 0 : i32
        %dma_start3A_458 = tpu.memref_slice %arg8[%dma_start3A_456, %dma_start3A_457] : memref<2x80xi32, #tpu.memory_space<vmem>> -> memref<1x80xi32, #tpu.memory_space<vmem>>
        %dma_start3A_459 = tpu.memref_squeeze %dma_start3A_458 : memref<1x80xi32, #tpu.memory_space<vmem>> -> memref<80xi32, #tpu.memory_space<vmem>>
        %dma_start3A_460 = arith.constant 0 : i32
        %dma_start3A_461 = arith.constant 0 : i32
        %dma_start3A_462 = tpu.memref_slice %arg2[%dma_start3A_460, %dma_start3A_461] : memref<10000x128xf32, #tpu.memory_space<hbm>> -> memref<10000x128xf32, #tpu.memory_space<hbm>>
        tpu.enqueue_indirect_dma source(%dma_start3A_462 : memref<10000x128xf32, #tpu.memory_space<hbm>>) target(%arg13 : memref<80x128xf32, #tpu.memory_space<vmem>>) offsets(%dma_start3A_459 : memref<80xi32, #tpu.memory_space<vmem>>) semaphore(%arg17 : memref<!tpu.dma_semaphore, #tpu.memory_space<semaphore_mem>>)
        %add3A_463 = arith.constant 2 : i32
        %add3A_464 = arith.addi %add3A_431, %add3A_463 : i32
        %mul3A_465 = arith.constant 125 : i32
        %mul3A_466 = arith.muli %arg1, %mul3A_465 : i32
        %add3A_467 = arith.addi %mul3A_466, %add3A_464 : i32
        %dma_start3A_468 = arith.constant 0 : i32
        %dma_start3A_469 = arith.constant 0 : i32
        %dma_start3A_470 = tpu.memref_slice %arg4[%add3A_467, %dma_start3A_468, %dma_start3A_469] : memref<2000x2x80xi32, #tpu.memory_space<hbm>> -> memref<1x2x80xi32, #tpu.memory_space<hbm>>
        %dma_start3A_471 = tpu.memref_squeeze %dma_start3A_470 : memref<1x2x80xi32, #tpu.memory_space<hbm>> -> memref<2x80xi32, #tpu.memory_space<hbm>>
        %dma_start3A_472 = arith.constant 0 : i32
        %dma_start3A_473 = arith.constant 0 : i32
        %dma_start3A_474 = tpu.memref_slice %arg4[%add3A_467, %dma_start3A_472, %dma_start3A_473] : memref<2000x2x80xi32, #tpu.memory_space<hbm>> -> memref<1x2x80xi32, #tpu.memory_space<hbm>>
        %dma_start3A_475 = tpu.memref_squeeze %dma_start3A_474 : memref<1x2x80xi32, #tpu.memory_space<hbm>> -> memref<2x80xi32, #tpu.memory_space<hbm>>
        tpu.enqueue_dma source(%dma_start3A_475 : memref<2x80xi32, #tpu.memory_space<hbm>>) target(%arg9 : memref<2x80xi32, #tpu.memory_space<vmem>>) target_semaphore(%arg23 : memref<!tpu.dma_semaphore, #tpu.memory_space<semaphore_mem>>)
        %dma_wait3A_476 = arith.constant 0 : i32
        %dma_wait3A_477 = arith.constant 0 : i32
        %dma_wait3A_478 = tpu.memref_slice %arg7[%dma_wait3A_476, %dma_wait3A_477] : memref<2x80xi32, #tpu.memory_space<vmem>> -> memref<1x80xi32, #tpu.memory_space<vmem>>
        %dma_wait3A_479 = tpu.memref_squeeze %dma_wait3A_478 : memref<1x80xi32, #tpu.memory_space<vmem>> -> memref<80xi32, #tpu.memory_space<vmem>>
        %dma_wait3A_480 = arith.constant 0 : i32
        %dma_wait3A_481 = arith.constant 0 : i32
        %dma_wait3A_482 = tpu.memref_slice %arg2[%dma_wait3A_480, %dma_wait3A_481] : memref<10000x128xf32, #tpu.memory_space<hbm>> -> memref<10000x128xf32, #tpu.memory_space<hbm>>
        tpu.wait_indirect_dma semaphore(%arg16 : memref<!tpu.dma_semaphore, #tpu.memory_space<semaphore_mem>>) src(%dma_wait3A_482 : memref<10000x128xf32, #tpu.memory_space<hbm>>) dst(%arg12 : memref<80x128xf32, #tpu.memory_space<vmem>>)
        %dma_start3A_483 = arith.constant 1 : i32
        %dma_start3A_484 = arith.constant 0 : i32
        %dma_start3A_485 = tpu.memref_slice %arg7[%dma_start3A_483, %dma_start3A_484] : memref<2x80xi32, #tpu.memory_space<vmem>> -> memref<1x80xi32, #tpu.memory_space<vmem>>
        %dma_start3A_486 = tpu.memref_squeeze %dma_start3A_485 : memref<1x80xi32, #tpu.memory_space<vmem>> -> memref<80xi32, #tpu.memory_space<vmem>>
        %dma_start3A_487 = arith.constant 0 : i32
        %dma_start3A_488 = arith.constant 0 : i32
        %dma_start3A_489 = tpu.memref_slice %arg14[%dma_start3A_487, %dma_start3A_488] : memref<10240x128xf32, #tpu.memory_space<vmem_shared>> -> memref<10240x128xf32, #tpu.memory_space<vmem_shared>>
        tpu.enqueue_indirect_dma source(%arg12 : memref<80x128xf32, #tpu.memory_space<vmem>>) target(%dma_start3A_489 : memref<10240x128xf32, #tpu.memory_space<vmem_shared>>) offsets(%dma_start3A_486 : memref<80xi32, #tpu.memory_space<vmem>>) semaphore(%arg19 : memref<!tpu.dma_semaphore, #tpu.memory_space<semaphore_mem>>) {add = true}
        %mul3A_490 = arith.constant 12 : i32
        %mul3A_491 = arith.muli %mul3A_490, %scan3A_297 : i32
        %add3A_492 = arith.constant 2 : i32
        %add3A_493 = arith.addi %mul3A_491, %add3A_492 : i32
        %add3A_494 = arith.constant 3 : i32
        %add3A_495 = arith.addi %add3A_493, %add3A_494 : i32
        %sub3A_496 = arith.constant 2 : i32
        %sub3A_497 = arith.subi %add3A_495, %sub3A_496 : i32
        %dma_wait3A_498 = arith.constant 1 : i32
        %dma_wait3A_499 = arith.constant 0 : i32
        %dma_wait3A_500 = tpu.memref_slice %arg10[%dma_wait3A_498, %dma_wait3A_499] : memref<2x80xi32, #tpu.memory_space<vmem>> -> memref<1x80xi32, #tpu.memory_space<vmem>>
        %dma_wait3A_501 = tpu.memref_squeeze %dma_wait3A_500 : memref<1x80xi32, #tpu.memory_space<vmem>> -> memref<80xi32, #tpu.memory_space<vmem>>
        %dma_wait3A_502 = arith.constant 0 : i32
        %dma_wait3A_503 = arith.constant 0 : i32
        %dma_wait3A_504 = tpu.memref_slice %arg14[%dma_wait3A_502, %dma_wait3A_503] : memref<10240x128xf32, #tpu.memory_space<vmem_shared>> -> memref<10240x128xf32, #tpu.memory_space<vmem_shared>>
        tpu.wait_indirect_dma semaphore(%arg18 : memref<!tpu.dma_semaphore, #tpu.memory_space<semaphore_mem>>) src(%arg11 : memref<80x128xf32, #tpu.memory_space<vmem>>) dst(%dma_wait3A_504 : memref<10240x128xf32, #tpu.memory_space<vmem_shared>>)
        %add3A_505 = arith.constant 1 : i32
        %add3A_506 = arith.addi %add3A_495, %add3A_505 : i32
        %mul3A_507 = arith.constant 125 : i32
        %mul3A_508 = arith.muli %arg1, %mul3A_507 : i32
        %add3A_509 = arith.addi %mul3A_508, %add3A_506 : i32
        %dma_wait3A_510 = arith.constant 0 : i32
        %dma_wait3A_511 = arith.constant 0 : i32
        %dma_wait3A_512 = tpu.memref_slice %arg4[%add3A_509, %dma_wait3A_510, %dma_wait3A_511] : memref<2000x2x80xi32, #tpu.memory_space<hbm>> -> memref<1x2x80xi32, #tpu.memory_space<hbm>>
        %dma_wait3A_513 = tpu.memref_squeeze %dma_wait3A_512 : memref<1x2x80xi32, #tpu.memory_space<hbm>> -> memref<2x80xi32, #tpu.memory_space<hbm>>
        %dma_wait3A_514 = arith.constant 0 : i32
        %dma_wait3A_515 = arith.constant 0 : i32
        %dma_wait3A_516 = tpu.memref_slice %arg4[%add3A_509, %dma_wait3A_514, %dma_wait3A_515] : memref<2000x2x80xi32, #tpu.memory_space<hbm>> -> memref<1x2x80xi32, #tpu.memory_space<hbm>>
        %dma_wait3A_517 = tpu.memref_squeeze %dma_wait3A_516 : memref<1x2x80xi32, #tpu.memory_space<hbm>> -> memref<2x80xi32, #tpu.memory_space<hbm>>
        tpu.wait_dma2 semaphore(%arg23 : memref<!tpu.dma_semaphore, #tpu.memory_space<semaphore_mem>>) src(%dma_wait3A_517 : memref<2x80xi32, #tpu.memory_space<hbm>>) dst(%arg9 : memref<2x80xi32, #tpu.memory_space<vmem>>)
        %add3A_518 = arith.constant 1 : i32
        %add3A_519 = arith.addi %add3A_495, %add3A_518 : i32
        %dma_start3A_520 = arith.constant 0 : i32
        %dma_start3A_521 = arith.constant 0 : i32
        %dma_start3A_522 = tpu.memref_slice %arg9[%dma_start3A_520, %dma_start3A_521] : memref<2x80xi32, #tpu.memory_space<vmem>> -> memref<1x80xi32, #tpu.memory_space<vmem>>
        %dma_start3A_523 = tpu.memref_squeeze %dma_start3A_522 : memref<1x80xi32, #tpu.memory_space<vmem>> -> memref<80xi32, #tpu.memory_space<vmem>>
        %dma_start3A_524 = arith.constant 0 : i32
        %dma_start3A_525 = arith.constant 0 : i32
        %dma_start3A_526 = tpu.memref_slice %arg2[%dma_start3A_524, %dma_start3A_525] : memref<10000x128xf32, #tpu.memory_space<hbm>> -> memref<10000x128xf32, #tpu.memory_space<hbm>>
        tpu.enqueue_indirect_dma source(%dma_start3A_526 : memref<10000x128xf32, #tpu.memory_space<hbm>>) target(%arg11 : memref<80x128xf32, #tpu.memory_space<vmem>>) offsets(%dma_start3A_523 : memref<80xi32, #tpu.memory_space<vmem>>) semaphore(%arg15 : memref<!tpu.dma_semaphore, #tpu.memory_space<semaphore_mem>>)
        %add3A_527 = arith.constant 2 : i32
        %add3A_528 = arith.addi %add3A_495, %add3A_527 : i32
        %mul3A_529 = arith.constant 125 : i32
        %mul3A_530 = arith.muli %arg1, %mul3A_529 : i32
        %add3A_531 = arith.addi %mul3A_530, %add3A_528 : i32
        %dma_start3A_532 = arith.constant 0 : i32
        %dma_start3A_533 = arith.constant 0 : i32
        %dma_start3A_534 = tpu.memref_slice %arg4[%add3A_531, %dma_start3A_532, %dma_start3A_533] : memref<2000x2x80xi32, #tpu.memory_space<hbm>> -> memref<1x2x80xi32, #tpu.memory_space<hbm>>
        %dma_start3A_535 = tpu.memref_squeeze %dma_start3A_534 : memref<1x2x80xi32, #tpu.memory_space<hbm>> -> memref<2x80xi32, #tpu.memory_space<hbm>>
        %dma_start3A_536 = arith.constant 0 : i32
        %dma_start3A_537 = arith.constant 0 : i32
        %dma_start3A_538 = tpu.memref_slice %arg4[%add3A_531, %dma_start3A_536, %dma_start3A_537] : memref<2000x2x80xi32, #tpu.memory_space<hbm>> -> memref<1x2x80xi32, #tpu.memory_space<hbm>>
        %dma_start3A_539 = tpu.memref_squeeze %dma_start3A_538 : memref<1x2x80xi32, #tpu.memory_space<hbm>> -> memref<2x80xi32, #tpu.memory_space<hbm>>
        tpu.enqueue_dma source(%dma_start3A_539 : memref<2x80xi32, #tpu.memory_space<hbm>>) target(%arg10 : memref<2x80xi32, #tpu.memory_space<vmem>>) target_semaphore(%arg24 : memref<!tpu.dma_semaphore, #tpu.memory_space<semaphore_mem>>)
        %dma_wait3A_540 = arith.constant 0 : i32
        %dma_wait3A_541 = arith.constant 0 : i32
        %dma_wait3A_542 = tpu.memref_slice %arg8[%dma_wait3A_540, %dma_wait3A_541] : memref<2x80xi32, #tpu.memory_space<vmem>> -> memref<1x80xi32, #tpu.memory_space<vmem>>
        %dma_wait3A_543 = tpu.memref_squeeze %dma_wait3A_542 : memref<1x80xi32, #tpu.memory_space<vmem>> -> memref<80xi32, #tpu.memory_space<vmem>>
        %dma_wait3A_544 = arith.constant 0 : i32
        %dma_wait3A_545 = arith.constant 0 : i32
        %dma_wait3A_546 = tpu.memref_slice %arg2[%dma_wait3A_544, %dma_wait3A_545] : memref<10000x128xf32, #tpu.memory_space<hbm>> -> memref<10000x128xf32, #tpu.memory_space<hbm>>
        tpu.wait_indirect_dma semaphore(%arg17 : memref<!tpu.dma_semaphore, #tpu.memory_space<semaphore_mem>>) src(%dma_wait3A_546 : memref<10000x128xf32, #tpu.memory_space<hbm>>) dst(%arg13 : memref<80x128xf32, #tpu.memory_space<vmem>>)
        %dma_start3A_547 = arith.constant 1 : i32
        %dma_start3A_548 = arith.constant 0 : i32
        %dma_start3A_549 = tpu.memref_slice %arg8[%dma_start3A_547, %dma_start3A_548] : memref<2x80xi32, #tpu.memory_space<vmem>> -> memref<1x80xi32, #tpu.memory_space<vmem>>
        %dma_start3A_550 = tpu.memref_squeeze %dma_start3A_549 : memref<1x80xi32, #tpu.memory_space<vmem>> -> memref<80xi32, #tpu.memory_space<vmem>>
        %dma_start3A_551 = arith.constant 0 : i32
        %dma_start3A_552 = arith.constant 0 : i32
        %dma_start3A_553 = tpu.memref_slice %arg14[%dma_start3A_551, %dma_start3A_552] : memref<10240x128xf32, #tpu.memory_space<vmem_shared>> -> memref<10240x128xf32, #tpu.memory_space<vmem_shared>>
        tpu.enqueue_indirect_dma source(%arg13 : memref<80x128xf32, #tpu.memory_space<vmem>>) target(%dma_start3A_553 : memref<10240x128xf32, #tpu.memory_space<vmem_shared>>) offsets(%dma_start3A_550 : memref<80xi32, #tpu.memory_space<vmem>>) semaphore(%arg20 : memref<!tpu.dma_semaphore, #tpu.memory_space<semaphore_mem>>) {add = true}
        %mul3A_554 = arith.constant 12 : i32
        %mul3A_555 = arith.muli %mul3A_554, %scan3A_297 : i32
        %add3A_556 = arith.constant 2 : i32
        %add3A_557 = arith.addi %mul3A_555, %add3A_556 : i32
        %add3A_558 = arith.constant 4 : i32
        %add3A_559 = arith.addi %add3A_557, %add3A_558 : i32
        %sub3A_560 = arith.constant 2 : i32
        %sub3A_561 = arith.subi %add3A_559, %sub3A_560 : i32
        %dma_wait3A_562 = arith.constant 1 : i32
        %dma_wait3A_563 = arith.constant 0 : i32
        %dma_wait3A_564 = tpu.memref_slice %arg7[%dma_wait3A_562, %dma_wait3A_563] : memref<2x80xi32, #tpu.memory_space<vmem>> -> memref<1x80xi32, #tpu.memory_space<vmem>>
        %dma_wait3A_565 = tpu.memref_squeeze %dma_wait3A_564 : memref<1x80xi32, #tpu.memory_space<vmem>> -> memref<80xi32, #tpu.memory_space<vmem>>
        %dma_wait3A_566 = arith.constant 0 : i32
        %dma_wait3A_567 = arith.constant 0 : i32
        %dma_wait3A_568 = tpu.memref_slice %arg14[%dma_wait3A_566, %dma_wait3A_567] : memref<10240x128xf32, #tpu.memory_space<vmem_shared>> -> memref<10240x128xf32, #tpu.memory_space<vmem_shared>>
        tpu.wait_indirect_dma semaphore(%arg19 : memref<!tpu.dma_semaphore, #tpu.memory_space<semaphore_mem>>) src(%arg12 : memref<80x128xf32, #tpu.memory_space<vmem>>) dst(%dma_wait3A_568 : memref<10240x128xf32, #tpu.memory_space<vmem_shared>>)
        %add3A_569 = arith.constant 1 : i32
        %add3A_570 = arith.addi %add3A_559, %add3A_569 : i32
        %mul3A_571 = arith.constant 125 : i32
        %mul3A_572 = arith.muli %arg1, %mul3A_571 : i32
        %add3A_573 = arith.addi %mul3A_572, %add3A_570 : i32
        %dma_wait3A_574 = arith.constant 0 : i32
        %dma_wait3A_575 = arith.constant 0 : i32
        %dma_wait3A_576 = tpu.memref_slice %arg4[%add3A_573, %dma_wait3A_574, %dma_wait3A_575] : memref<2000x2x80xi32, #tpu.memory_space<hbm>> -> memref<1x2x80xi32, #tpu.memory_space<hbm>>
        %dma_wait3A_577 = tpu.memref_squeeze %dma_wait3A_576 : memref<1x2x80xi32, #tpu.memory_space<hbm>> -> memref<2x80xi32, #tpu.memory_space<hbm>>
        %dma_wait3A_578 = arith.constant 0 : i32
        %dma_wait3A_579 = arith.constant 0 : i32
        %dma_wait3A_580 = tpu.memref_slice %arg4[%add3A_573, %dma_wait3A_578, %dma_wait3A_579] : memref<2000x2x80xi32, #tpu.memory_space<hbm>> -> memref<1x2x80xi32, #tpu.memory_space<hbm>>
        %dma_wait3A_581 = tpu.memref_squeeze %dma_wait3A_580 : memref<1x2x80xi32, #tpu.memory_space<hbm>> -> memref<2x80xi32, #tpu.memory_space<hbm>>
        tpu.wait_dma2 semaphore(%arg24 : memref<!tpu.dma_semaphore, #tpu.memory_space<semaphore_mem>>) src(%dma_wait3A_581 : memref<2x80xi32, #tpu.memory_space<hbm>>) dst(%arg10 : memref<2x80xi32, #tpu.memory_space<vmem>>)
        %add3A_582 = arith.constant 1 : i32
        %add3A_583 = arith.addi %add3A_559, %add3A_582 : i32
        %dma_start3A_584 = arith.constant 0 : i32
        %dma_start3A_585 = arith.constant 0 : i32
        %dma_start3A_586 = tpu.memref_slice %arg10[%dma_start3A_584, %dma_start3A_585] : memref<2x80xi32, #tpu.memory_space<vmem>> -> memref<1x80xi32, #tpu.memory_space<vmem>>
        %dma_start3A_587 = tpu.memref_squeeze %dma_start3A_586 : memref<1x80xi32, #tpu.memory_space<vmem>> -> memref<80xi32, #tpu.memory_space<vmem>>
        %dma_start3A_588 = arith.constant 0 : i32
        %dma_start3A_589 = arith.constant 0 : i32
        %dma_start3A_590 = tpu.memref_slice %arg2[%dma_start3A_588, %dma_start3A_589] : memref<10000x128xf32, #tpu.memory_space<hbm>> -> memref<10000x128xf32, #tpu.memory_space<hbm>>
        tpu.enqueue_indirect_dma source(%dma_start3A_590 : memref<10000x128xf32, #tpu.memory_space<hbm>>) target(%arg12 : memref<80x128xf32, #tpu.memory_space<vmem>>) offsets(%dma_start3A_587 : memref<80xi32, #tpu.memory_space<vmem>>) semaphore(%arg16 : memref<!tpu.dma_semaphore, #tpu.memory_space<semaphore_mem>>)
        %add3A_591 = arith.constant 2 : i32
        %add3A_592 = arith.addi %add3A_559, %add3A_591 : i32
        %mul3A_593 = arith.constant 125 : i32
        %mul3A_594 = arith.muli %arg1, %mul3A_593 : i32
        %add3A_595 = arith.addi %mul3A_594, %add3A_592 : i32
        %dma_start3A_596 = arith.constant 0 : i32
        %dma_start3A_597 = arith.constant 0 : i32
        %dma_start3A_598 = tpu.memref_slice %arg4[%add3A_595, %dma_start3A_596, %dma_start3A_597] : memref<2000x2x80xi32, #tpu.memory_space<hbm>> -> memref<1x2x80xi32, #tpu.memory_space<hbm>>
        %dma_start3A_599 = tpu.memref_squeeze %dma_start3A_598 : memref<1x2x80xi32, #tpu.memory_space<hbm>> -> memref<2x80xi32, #tpu.memory_space<hbm>>
        %dma_start3A_600 = arith.constant 0 : i32
        %dma_start3A_601 = arith.constant 0 : i32
        %dma_start3A_602 = tpu.memref_slice %arg4[%add3A_595, %dma_start3A_600, %dma_start3A_601] : memref<2000x2x80xi32, #tpu.memory_space<hbm>> -> memref<1x2x80xi32, #tpu.memory_space<hbm>>
        %dma_start3A_603 = tpu.memref_squeeze %dma_start3A_602 : memref<1x2x80xi32, #tpu.memory_space<hbm>> -> memref<2x80xi32, #tpu.memory_space<hbm>>
        tpu.enqueue_dma source(%dma_start3A_603 : memref<2x80xi32, #tpu.memory_space<hbm>>) target(%arg7 : memref<2x80xi32, #tpu.memory_space<vmem>>) target_semaphore(%arg21 : memref<!tpu.dma_semaphore, #tpu.memory_space<semaphore_mem>>)
        %dma_wait3A_604 = arith.constant 0 : i32
        %dma_wait3A_605 = arith.constant 0 : i32
        %dma_wait3A_606 = tpu.memref_slice %arg9[%dma_wait3A_604, %dma_wait3A_605] : memref<2x80xi32, #tpu.memory_space<vmem>> -> memref<1x80xi32, #tpu.memory_space<vmem>>
        %dma_wait3A_607 = tpu.memref_squeeze %dma_wait3A_606 : memref<1x80xi32, #tpu.memory_space<vmem>> -> memref<80xi32, #tpu.memory_space<vmem>>
        %dma_wait3A_608 = arith.constant 0 : i32
        %dma_wait3A_609 = arith.constant 0 : i32
        %dma_wait3A_610 = tpu.memref_slice %arg2[%dma_wait3A_608, %dma_wait3A_609] : memref<10000x128xf32, #tpu.memory_space<hbm>> -> memref<10000x128xf32, #tpu.memory_space<hbm>>
        tpu.wait_indirect_dma semaphore(%arg15 : memref<!tpu.dma_semaphore, #tpu.memory_space<semaphore_mem>>) src(%dma_wait3A_610 : memref<10000x128xf32, #tpu.memory_space<hbm>>) dst(%arg11 : memref<80x128xf32, #tpu.memory_space<vmem>>)
        %dma_start3A_611 = arith.constant 1 : i32
        %dma_start3A_612 = arith.constant 0 : i32
        %dma_start3A_613 = tpu.memref_slice %arg9[%dma_start3A_611, %dma_start3A_612] : memref<2x80xi32, #tpu.memory_space<vmem>> -> memref<1x80xi32, #tpu.memory_space<vmem>>
        %dma_start3A_614 = tpu.memref_squeeze %dma_start3A_613 : memref<1x80xi32, #tpu.memory_space<vmem>> -> memref<80xi32, #tpu.memory_space<vmem>>
        %dma_start3A_615 = arith.constant 0 : i32
        %dma_start3A_616 = arith.constant 0 : i32
        %dma_start3A_617 = tpu.memref_slice %arg14[%dma_start3A_615, %dma_start3A_616] : memref<10240x128xf32, #tpu.memory_space<vmem_shared>> -> memref<10240x128xf32, #tpu.memory_space<vmem_shared>>
        tpu.enqueue_indirect_dma source(%arg11 : memref<80x128xf32, #tpu.memory_space<vmem>>) target(%dma_start3A_617 : memref<10240x128xf32, #tpu.memory_space<vmem_shared>>) offsets(%dma_start3A_614 : memref<80xi32, #tpu.memory_space<vmem>>) semaphore(%arg18 : memref<!tpu.dma_semaphore, #tpu.memory_space<semaphore_mem>>) {add = true}
        %mul3A_618 = arith.constant 12 : i32
        %mul3A_619 = arith.muli %mul3A_618, %scan3A_297 : i32
        %add3A_620 = arith.constant 2 : i32
        %add3A_621 = arith.addi %mul3A_619, %add3A_620 : i32
        %add3A_622 = arith.constant 5 : i32
        %add3A_623 = arith.addi %add3A_621, %add3A_622 : i32
        %sub3A_624 = arith.constant 2 : i32
        %sub3A_625 = arith.subi %add3A_623, %sub3A_624 : i32
        %dma_wait3A_626 = arith.constant 1 : i32
        %dma_wait3A_627 = arith.constant 0 : i32
        %dma_wait3A_628 = tpu.memref_slice %arg8[%dma_wait3A_626, %dma_wait3A_627] : memref<2x80xi32, #tpu.memory_space<vmem>> -> memref<1x80xi32, #tpu.memory_space<vmem>>
        %dma_wait3A_629 = tpu.memref_squeeze %dma_wait3A_628 : memref<1x80xi32, #tpu.memory_space<vmem>> -> memref<80xi32, #tpu.memory_space<vmem>>
        %dma_wait3A_630 = arith.constant 0 : i32
        %dma_wait3A_631 = arith.constant 0 : i32
        %dma_wait3A_632 = tpu.memref_slice %arg14[%dma_wait3A_630, %dma_wait3A_631] : memref<10240x128xf32, #tpu.memory_space<vmem_shared>> -> memref<10240x128xf32, #tpu.memory_space<vmem_shared>>
        tpu.wait_indirect_dma semaphore(%arg20 : memref<!tpu.dma_semaphore, #tpu.memory_space<semaphore_mem>>) src(%arg13 : memref<80x128xf32, #tpu.memory_space<vmem>>) dst(%dma_wait3A_632 : memref<10240x128xf32, #tpu.memory_space<vmem_shared>>)
        %add3A_633 = arith.constant 1 : i32
        %add3A_634 = arith.addi %add3A_623, %add3A_633 : i32
        %mul3A_635 = arith.constant 125 : i32
        %mul3A_636 = arith.muli %arg1, %mul3A_635 : i32
        %add3A_637 = arith.addi %mul3A_636, %add3A_634 : i32
        %dma_wait3A_638 = arith.constant 0 : i32
        %dma_wait3A_639 = arith.constant 0 : i32
        %dma_wait3A_640 = tpu.memref_slice %arg4[%add3A_637, %dma_wait3A_638, %dma_wait3A_639] : memref<2000x2x80xi32, #tpu.memory_space<hbm>> -> memref<1x2x80xi32, #tpu.memory_space<hbm>>
        %dma_wait3A_641 = tpu.memref_squeeze %dma_wait3A_640 : memref<1x2x80xi32, #tpu.memory_space<hbm>> -> memref<2x80xi32, #tpu.memory_space<hbm>>
        %dma_wait3A_642 = arith.constant 0 : i32
        %dma_wait3A_643 = arith.constant 0 : i32
        %dma_wait3A_644 = tpu.memref_slice %arg4[%add3A_637, %dma_wait3A_642, %dma_wait3A_643] : memref<2000x2x80xi32, #tpu.memory_space<hbm>> -> memref<1x2x80xi32, #tpu.memory_space<hbm>>
        %dma_wait3A_645 = tpu.memref_squeeze %dma_wait3A_644 : memref<1x2x80xi32, #tpu.memory_space<hbm>> -> memref<2x80xi32, #tpu.memory_space<hbm>>
        tpu.wait_dma2 semaphore(%arg21 : memref<!tpu.dma_semaphore, #tpu.memory_space<semaphore_mem>>) src(%dma_wait3A_645 : memref<2x80xi32, #tpu.memory_space<hbm>>) dst(%arg7 : memref<2x80xi32, #tpu.memory_space<vmem>>)
        %add3A_646 = arith.constant 1 : i32
        %add3A_647 = arith.addi %add3A_623, %add3A_646 : i32
        %dma_start3A_648 = arith.constant 0 : i32
        %dma_start3A_649 = arith.constant 0 : i32
        %dma_start3A_650 = tpu.memref_slice %arg7[%dma_start3A_648, %dma_start3A_649] : memref<2x80xi32, #tpu.memory_space<vmem>> -> memref<1x80xi32, #tpu.memory_space<vmem>>
        %dma_start3A_651 = tpu.memref_squeeze %dma_start3A_650 : memref<1x80xi32, #tpu.memory_space<vmem>> -> memref<80xi32, #tpu.memory_space<vmem>>
        %dma_start3A_652 = arith.constant 0 : i32
        %dma_start3A_653 = arith.constant 0 : i32
        %dma_start3A_654 = tpu.memref_slice %arg2[%dma_start3A_652, %dma_start3A_653] : memref<10000x128xf32, #tpu.memory_space<hbm>> -> memref<10000x128xf32, #tpu.memory_space<hbm>>
        tpu.enqueue_indirect_dma source(%dma_start3A_654 : memref<10000x128xf32, #tpu.memory_space<hbm>>) target(%arg13 : memref<80x128xf32, #tpu.memory_space<vmem>>) offsets(%dma_start3A_651 : memref<80xi32, #tpu.memory_space<vmem>>) semaphore(%arg17 : memref<!tpu.dma_semaphore, #tpu.memory_space<semaphore_mem>>)
        %add3A_655 = arith.constant 2 : i32
        %add3A_656 = arith.addi %add3A_623, %add3A_655 : i32
        %mul3A_657 = arith.constant 125 : i32
        %mul3A_658 = arith.muli %arg1, %mul3A_657 : i32
        %add3A_659 = arith.addi %mul3A_658, %add3A_656 : i32
        %dma_start3A_660 = arith.constant 0 : i32
        %dma_start3A_661 = arith.constant 0 : i32
        %dma_start3A_662 = tpu.memref_slice %arg4[%add3A_659, %dma_start3A_660, %dma_start3A_661] : memref<2000x2x80xi32, #tpu.memory_space<hbm>> -> memref<1x2x80xi32, #tpu.memory_space<hbm>>
        %dma_start3A_663 = tpu.memref_squeeze %dma_start3A_662 : memref<1x2x80xi32, #tpu.memory_space<hbm>> -> memref<2x80xi32, #tpu.memory_space<hbm>>
        %dma_start3A_664 = arith.constant 0 : i32
        %dma_start3A_665 = arith.constant 0 : i32
        %dma_start3A_666 = tpu.memref_slice %arg4[%add3A_659, %dma_start3A_664, %dma_start3A_665] : memref<2000x2x80xi32, #tpu.memory_space<hbm>> -> memref<1x2x80xi32, #tpu.memory_space<hbm>>
        %dma_start3A_667 = tpu.memref_squeeze %dma_start3A_666 : memref<1x2x80xi32, #tpu.memory_space<hbm>> -> memref<2x80xi32, #tpu.memory_space<hbm>>
        tpu.enqueue_dma source(%dma_start3A_667 : memref<2x80xi32, #tpu.memory_space<hbm>>) target(%arg8 : memref<2x80xi32, #tpu.memory_space<vmem>>) target_semaphore(%arg22 : memref<!tpu.dma_semaphore, #tpu.memory_space<semaphore_mem>>)
        %dma_wait3A_668 = arith.constant 0 : i32
        %dma_wait3A_669 = arith.constant 0 : i32
        %dma_wait3A_670 = tpu.memref_slice %arg10[%dma_wait3A_668, %dma_wait3A_669] : memref<2x80xi32, #tpu.memory_space<vmem>> -> memref<1x80xi32, #tpu.memory_space<vmem>>
        %dma_wait3A_671 = tpu.memref_squeeze %dma_wait3A_670 : memref<1x80xi32, #tpu.memory_space<vmem>> -> memref<80xi32, #tpu.memory_space<vmem>>
        %dma_wait3A_672 = arith.constant 0 : i32
        %dma_wait3A_673 = arith.constant 0 : i32
        %dma_wait3A_674 = tpu.memref_slice %arg2[%dma_wait3A_672, %dma_wait3A_673] : memref<10000x128xf32, #tpu.memory_space<hbm>> -> memref<10000x128xf32, #tpu.memory_space<hbm>>
        tpu.wait_indirect_dma semaphore(%arg16 : memref<!tpu.dma_semaphore, #tpu.memory_space<semaphore_mem>>) src(%dma_wait3A_674 : memref<10000x128xf32, #tpu.memory_space<hbm>>) dst(%arg12 : memref<80x128xf32, #tpu.memory_space<vmem>>)
        %dma_start3A_675 = arith.constant 1 : i32
        %dma_start3A_676 = arith.constant 0 : i32
        %dma_start3A_677 = tpu.memref_slice %arg10[%dma_start3A_675, %dma_start3A_676] : memref<2x80xi32, #tpu.memory_space<vmem>> -> memref<1x80xi32, #tpu.memory_space<vmem>>
        %dma_start3A_678 = tpu.memref_squeeze %dma_start3A_677 : memref<1x80xi32, #tpu.memory_space<vmem>> -> memref<80xi32, #tpu.memory_space<vmem>>
        %dma_start3A_679 = arith.constant 0 : i32
        %dma_start3A_680 = arith.constant 0 : i32
        %dma_start3A_681 = tpu.memref_slice %arg14[%dma_start3A_679, %dma_start3A_680] : memref<10240x128xf32, #tpu.memory_space<vmem_shared>> -> memref<10240x128xf32, #tpu.memory_space<vmem_shared>>
        tpu.enqueue_indirect_dma source(%arg12 : memref<80x128xf32, #tpu.memory_space<vmem>>) target(%dma_start3A_681 : memref<10240x128xf32, #tpu.memory_space<vmem_shared>>) offsets(%dma_start3A_678 : memref<80xi32, #tpu.memory_space<vmem>>) semaphore(%arg19 : memref<!tpu.dma_semaphore, #tpu.memory_space<semaphore_mem>>) {add = true}
        %mul3A_682 = arith.constant 12 : i32
        %mul3A_683 = arith.muli %mul3A_682, %scan3A_297 : i32
        %add3A_684 = arith.constant 2 : i32
        %add3A_685 = arith.addi %mul3A_683, %add3A_684 : i32
        %add3A_686 = arith.constant 6 : i32
        %add3A_687 = arith.addi %add3A_685, %add3A_686 : i32
        %sub3A_688 = arith.constant 2 : i32
        %sub3A_689 = arith.subi %add3A_687, %sub3A_688 : i32
        %dma_wait3A_690 = arith.constant 1 : i32
        %dma_wait3A_691 = arith.constant 0 : i32
        %dma_wait3A_692 = tpu.memref_slice %arg9[%dma_wait3A_690, %dma_wait3A_691] : memref<2x80xi32, #tpu.memory_space<vmem>> -> memref<1x80xi32, #tpu.memory_space<vmem>>
        %dma_wait3A_693 = tpu.memref_squeeze %dma_wait3A_692 : memref<1x80xi32, #tpu.memory_space<vmem>> -> memref<80xi32, #tpu.memory_space<vmem>>
        %dma_wait3A_694 = arith.constant 0 : i32
        %dma_wait3A_695 = arith.constant 0 : i32
        %dma_wait3A_696 = tpu.memref_slice %arg14[%dma_wait3A_694, %dma_wait3A_695] : memref<10240x128xf32, #tpu.memory_space<vmem_shared>> -> memref<10240x128xf32, #tpu.memory_space<vmem_shared>>
        tpu.wait_indirect_dma semaphore(%arg18 : memref<!tpu.dma_semaphore, #tpu.memory_space<semaphore_mem>>) src(%arg11 : memref<80x128xf32, #tpu.memory_space<vmem>>) dst(%dma_wait3A_696 : memref<10240x128xf32, #tpu.memory_space<vmem_shared>>)
        %add3A_697 = arith.constant 1 : i32
        %add3A_698 = arith.addi %add3A_687, %add3A_697 : i32
        %mul3A_699 = arith.constant 125 : i32
        %mul3A_700 = arith.muli %arg1, %mul3A_699 : i32
        %add3A_701 = arith.addi %mul3A_700, %add3A_698 : i32
        %dma_wait3A_702 = arith.constant 0 : i32
        %dma_wait3A_703 = arith.constant 0 : i32
        %dma_wait3A_704 = tpu.memref_slice %arg4[%add3A_701, %dma_wait3A_702, %dma_wait3A_703] : memref<2000x2x80xi32, #tpu.memory_space<hbm>> -> memref<1x2x80xi32, #tpu.memory_space<hbm>>
        %dma_wait3A_705 = tpu.memref_squeeze %dma_wait3A_704 : memref<1x2x80xi32, #tpu.memory_space<hbm>> -> memref<2x80xi32, #tpu.memory_space<hbm>>
        %dma_wait3A_706 = arith.constant 0 : i32
        %dma_wait3A_707 = arith.constant 0 : i32
        %dma_wait3A_708 = tpu.memref_slice %arg4[%add3A_701, %dma_wait3A_706, %dma_wait3A_707] : memref<2000x2x80xi32, #tpu.memory_space<hbm>> -> memref<1x2x80xi32, #tpu.memory_space<hbm>>
        %dma_wait3A_709 = tpu.memref_squeeze %dma_wait3A_708 : memref<1x2x80xi32, #tpu.memory_space<hbm>> -> memref<2x80xi32, #tpu.memory_space<hbm>>
        tpu.wait_dma2 semaphore(%arg22 : memref<!tpu.dma_semaphore, #tpu.memory_space<semaphore_mem>>) src(%dma_wait3A_709 : memref<2x80xi32, #tpu.memory_space<hbm>>) dst(%arg8 : memref<2x80xi32, #tpu.memory_space<vmem>>)
        %add3A_710 = arith.constant 1 : i32
        %add3A_711 = arith.addi %add3A_687, %add3A_710 : i32
        %dma_start3A_712 = arith.constant 0 : i32
        %dma_start3A_713 = arith.constant 0 : i32
        %dma_start3A_714 = tpu.memref_slice %arg8[%dma_start3A_712, %dma_start3A_713] : memref<2x80xi32, #tpu.memory_space<vmem>> -> memref<1x80xi32, #tpu.memory_space<vmem>>
        %dma_start3A_715 = tpu.memref_squeeze %dma_start3A_714 : memref<1x80xi32, #tpu.memory_space<vmem>> -> memref<80xi32, #tpu.memory_space<vmem>>
        %dma_start3A_716 = arith.constant 0 : i32
        %dma_start3A_717 = arith.constant 0 : i32
        %dma_start3A_718 = tpu.memref_slice %arg2[%dma_start3A_716, %dma_start3A_717] : memref<10000x128xf32, #tpu.memory_space<hbm>> -> memref<10000x128xf32, #tpu.memory_space<hbm>>
        tpu.enqueue_indirect_dma source(%dma_start3A_718 : memref<10000x128xf32, #tpu.memory_space<hbm>>) target(%arg11 : memref<80x128xf32, #tpu.memory_space<vmem>>) offsets(%dma_start3A_715 : memref<80xi32, #tpu.memory_space<vmem>>) semaphore(%arg15 : memref<!tpu.dma_semaphore, #tpu.memory_space<semaphore_mem>>)
        %add3A_719 = arith.constant 2 : i32
        %add3A_720 = arith.addi %add3A_687, %add3A_719 : i32
        %mul3A_721 = arith.constant 125 : i32
        %mul3A_722 = arith.muli %arg1, %mul3A_721 : i32
        %add3A_723 = arith.addi %mul3A_722, %add3A_720 : i32
        %dma_start3A_724 = arith.constant 0 : i32
        %dma_start3A_725 = arith.constant 0 : i32
        %dma_start3A_726 = tpu.memref_slice %arg4[%add3A_723, %dma_start3A_724, %dma_start3A_725] : memref<2000x2x80xi32, #tpu.memory_space<hbm>> -> memref<1x2x80xi32, #tpu.memory_space<hbm>>
        %dma_start3A_727 = tpu.memref_squeeze %dma_start3A_726 : memref<1x2x80xi32, #tpu.memory_space<hbm>> -> memref<2x80xi32, #tpu.memory_space<hbm>>
        %dma_start3A_728 = arith.constant 0 : i32
        %dma_start3A_729 = arith.constant 0 : i32
        %dma_start3A_730 = tpu.memref_slice %arg4[%add3A_723, %dma_start3A_728, %dma_start3A_729] : memref<2000x2x80xi32, #tpu.memory_space<hbm>> -> memref<1x2x80xi32, #tpu.memory_space<hbm>>
        %dma_start3A_731 = tpu.memref_squeeze %dma_start3A_730 : memref<1x2x80xi32, #tpu.memory_space<hbm>> -> memref<2x80xi32, #tpu.memory_space<hbm>>
        tpu.enqueue_dma source(%dma_start3A_731 : memref<2x80xi32, #tpu.memory_space<hbm>>) target(%arg9 : memref<2x80xi32, #tpu.memory_space<vmem>>) target_semaphore(%arg23 : memref<!tpu.dma_semaphore, #tpu.memory_space<semaphore_mem>>)
        %dma_wait3A_732 = arith.constant 0 : i32
        %dma_wait3A_733 = arith.constant 0 : i32
        %dma_wait3A_734 = tpu.memref_slice %arg7[%dma_wait3A_732, %dma_wait3A_733] : memref<2x80xi32, #tpu.memory_space<vmem>> -> memref<1x80xi32, #tpu.memory_space<vmem>>
        %dma_wait3A_735 = tpu.memref_squeeze %dma_wait3A_734 : memref<1x80xi32, #tpu.memory_space<vmem>> -> memref<80xi32, #tpu.memory_space<vmem>>
        %dma_wait3A_736 = arith.constant 0 : i32
        %dma_wait3A_737 = arith.constant 0 : i32
        %dma_wait3A_738 = tpu.memref_slice %arg2[%dma_wait3A_736, %dma_wait3A_737] : memref<10000x128xf32, #tpu.memory_space<hbm>> -> memref<10000x128xf32, #tpu.memory_space<hbm>>
        tpu.wait_indirect_dma semaphore(%arg17 : memref<!tpu.dma_semaphore, #tpu.memory_space<semaphore_mem>>) src(%dma_wait3A_738 : memref<10000x128xf32, #tpu.memory_space<hbm>>) dst(%arg13 : memref<80x128xf32, #tpu.memory_space<vmem>>)
        %dma_start3A_739 = arith.constant 1 : i32
        %dma_start3A_740 = arith.constant 0 : i32
        %dma_start3A_741 = tpu.memref_slice %arg7[%dma_start3A_739, %dma_start3A_740] : memref<2x80xi32, #tpu.memory_space<vmem>> -> memref<1x80xi32, #tpu.memory_space<vmem>>
        %dma_start3A_742 = tpu.memref_squeeze %dma_start3A_741 : memref<1x80xi32, #tpu.memory_space<vmem>> -> memref<80xi32, #tpu.memory_space<vmem>>
        %dma_start3A_743 = arith.constant 0 : i32
        %dma_start3A_744 = arith.constant 0 : i32
        %dma_start3A_745 = tpu.memref_slice %arg14[%dma_start3A_743, %dma_start3A_744] : memref<10240x128xf32, #tpu.memory_space<vmem_shared>> -> memref<10240x128xf32, #tpu.memory_space<vmem_shared>>
        tpu.enqueue_indirect_dma source(%arg13 : memref<80x128xf32, #tpu.memory_space<vmem>>) target(%dma_start3A_745 : memref<10240x128xf32, #tpu.memory_space<vmem_shared>>) offsets(%dma_start3A_742 : memref<80xi32, #tpu.memory_space<vmem>>) semaphore(%arg20 : memref<!tpu.dma_semaphore, #tpu.memory_space<semaphore_mem>>) {add = true}
        %mul3A_746 = arith.constant 12 : i32
        %mul3A_747 = arith.muli %mul3A_746, %scan3A_297 : i32
        %add3A_748 = arith.constant 2 : i32
        %add3A_749 = arith.addi %mul3A_747, %add3A_748 : i32
        %add3A_750 = arith.constant 7 : i32
        %add3A_751 = arith.addi %add3A_749, %add3A_750 : i32
        %sub3A_752 = arith.constant 2 : i32
        %sub3A_753 = arith.subi %add3A_751, %sub3A_752 : i32
        %dma_wait3A_754 = arith.constant 1 : i32
        %dma_wait3A_755 = arith.constant 0 : i32
        %dma_wait3A_756 = tpu.memref_slice %arg10[%dma_wait3A_754, %dma_wait3A_755] : memref<2x80xi32, #tpu.memory_space<vmem>> -> memref<1x80xi32, #tpu.memory_space<vmem>>
        %dma_wait3A_757 = tpu.memref_squeeze %dma_wait3A_756 : memref<1x80xi32, #tpu.memory_space<vmem>> -> memref<80xi32, #tpu.memory_space<vmem>>
        %dma_wait3A_758 = arith.constant 0 : i32
        %dma_wait3A_759 = arith.constant 0 : i32
        %dma_wait3A_760 = tpu.memref_slice %arg14[%dma_wait3A_758, %dma_wait3A_759] : memref<10240x128xf32, #tpu.memory_space<vmem_shared>> -> memref<10240x128xf32, #tpu.memory_space<vmem_shared>>
        tpu.wait_indirect_dma semaphore(%arg19 : memref<!tpu.dma_semaphore, #tpu.memory_space<semaphore_mem>>) src(%arg12 : memref<80x128xf32, #tpu.memory_space<vmem>>) dst(%dma_wait3A_760 : memref<10240x128xf32, #tpu.memory_space<vmem_shared>>)
        %add3A_761 = arith.constant 1 : i32
        %add3A_762 = arith.addi %add3A_751, %add3A_761 : i32
        %mul3A_763 = arith.constant 125 : i32
        %mul3A_764 = arith.muli %arg1, %mul3A_763 : i32
        %add3A_765 = arith.addi %mul3A_764, %add3A_762 : i32
        %dma_wait3A_766 = arith.constant 0 : i32
        %dma_wait3A_767 = arith.constant 0 : i32
        %dma_wait3A_768 = tpu.memref_slice %arg4[%add3A_765, %dma_wait3A_766, %dma_wait3A_767] : memref<2000x2x80xi32, #tpu.memory_space<hbm>> -> memref<1x2x80xi32, #tpu.memory_space<hbm>>
        %dma_wait3A_769 = tpu.memref_squeeze %dma_wait3A_768 : memref<1x2x80xi32, #tpu.memory_space<hbm>> -> memref<2x80xi32, #tpu.memory_space<hbm>>
        %dma_wait3A_770 = arith.constant 0 : i32
        %dma_wait3A_771 = arith.constant 0 : i32
        %dma_wait3A_772 = tpu.memref_slice %arg4[%add3A_765, %dma_wait3A_770, %dma_wait3A_771] : memref<2000x2x80xi32, #tpu.memory_space<hbm>> -> memref<1x2x80xi32, #tpu.memory_space<hbm>>
        %dma_wait3A_773 = tpu.memref_squeeze %dma_wait3A_772 : memref<1x2x80xi32, #tpu.memory_space<hbm>> -> memref<2x80xi32, #tpu.memory_space<hbm>>
        tpu.wait_dma2 semaphore(%arg23 : memref<!tpu.dma_semaphore, #tpu.memory_space<semaphore_mem>>) src(%dma_wait3A_773 : memref<2x80xi32, #tpu.memory_space<hbm>>) dst(%arg9 : memref<2x80xi32, #tpu.memory_space<vmem>>)
        %add3A_774 = arith.constant 1 : i32
        %add3A_775 = arith.addi %add3A_751, %add3A_774 : i32
        %dma_start3A_776 = arith.constant 0 : i32
        %dma_start3A_777 = arith.constant 0 : i32
        %dma_start3A_778 = tpu.memref_slice %arg9[%dma_start3A_776, %dma_start3A_777] : memref<2x80xi32, #tpu.memory_space<vmem>> -> memref<1x80xi32, #tpu.memory_space<vmem>>
        %dma_start3A_779 = tpu.memref_squeeze %dma_start3A_778 : memref<1x80xi32, #tpu.memory_space<vmem>> -> memref<80xi32, #tpu.memory_space<vmem>>
        %dma_start3A_780 = arith.constant 0 : i32
        %dma_start3A_781 = arith.constant 0 : i32
        %dma_start3A_782 = tpu.memref_slice %arg2[%dma_start3A_780, %dma_start3A_781] : memref<10000x128xf32, #tpu.memory_space<hbm>> -> memref<10000x128xf32, #tpu.memory_space<hbm>>
        tpu.enqueue_indirect_dma source(%dma_start3A_782 : memref<10000x128xf32, #tpu.memory_space<hbm>>) target(%arg12 : memref<80x128xf32, #tpu.memory_space<vmem>>) offsets(%dma_start3A_779 : memref<80xi32, #tpu.memory_space<vmem>>) semaphore(%arg16 : memref<!tpu.dma_semaphore, #tpu.memory_space<semaphore_mem>>)
        %add3A_783 = arith.constant 2 : i32
        %add3A_784 = arith.addi %add3A_751, %add3A_783 : i32
        %mul3A_785 = arith.constant 125 : i32
        %mul3A_786 = arith.muli %arg1, %mul3A_785 : i32
        %add3A_787 = arith.addi %mul3A_786, %add3A_784 : i32
        %dma_start3A_788 = arith.constant 0 : i32
        %dma_start3A_789 = arith.constant 0 : i32
        %dma_start3A_790 = tpu.memref_slice %arg4[%add3A_787, %dma_start3A_788, %dma_start3A_789] : memref<2000x2x80xi32, #tpu.memory_space<hbm>> -> memref<1x2x80xi32, #tpu.memory_space<hbm>>
        %dma_start3A_791 = tpu.memref_squeeze %dma_start3A_790 : memref<1x2x80xi32, #tpu.memory_space<hbm>> -> memref<2x80xi32, #tpu.memory_space<hbm>>
        %dma_start3A_792 = arith.constant 0 : i32
        %dma_start3A_793 = arith.constant 0 : i32
        %dma_start3A_794 = tpu.memref_slice %arg4[%add3A_787, %dma_start3A_792, %dma_start3A_793] : memref<2000x2x80xi32, #tpu.memory_space<hbm>> -> memref<1x2x80xi32, #tpu.memory_space<hbm>>
        %dma_start3A_795 = tpu.memref_squeeze %dma_start3A_794 : memref<1x2x80xi32, #tpu.memory_space<hbm>> -> memref<2x80xi32, #tpu.memory_space<hbm>>
        tpu.enqueue_dma source(%dma_start3A_795 : memref<2x80xi32, #tpu.memory_space<hbm>>) target(%arg10 : memref<2x80xi32, #tpu.memory_space<vmem>>) target_semaphore(%arg24 : memref<!tpu.dma_semaphore, #tpu.memory_space<semaphore_mem>>)
        %dma_wait3A_796 = arith.constant 0 : i32
        %dma_wait3A_797 = arith.constant 0 : i32
        %dma_wait3A_798 = tpu.memref_slice %arg8[%dma_wait3A_796, %dma_wait3A_797] : memref<2x80xi32, #tpu.memory_space<vmem>> -> memref<1x80xi32, #tpu.memory_space<vmem>>
        %dma_wait3A_799 = tpu.memref_squeeze %dma_wait3A_798 : memref<1x80xi32, #tpu.memory_space<vmem>> -> memref<80xi32, #tpu.memory_space<vmem>>
        %dma_wait3A_800 = arith.constant 0 : i32
        %dma_wait3A_801 = arith.constant 0 : i32
        %dma_wait3A_802 = tpu.memref_slice %arg2[%dma_wait3A_800, %dma_wait3A_801] : memref<10000x128xf32, #tpu.memory_space<hbm>> -> memref<10000x128xf32, #tpu.memory_space<hbm>>
        tpu.wait_indirect_dma semaphore(%arg15 : memref<!tpu.dma_semaphore, #tpu.memory_space<semaphore_mem>>) src(%dma_wait3A_802 : memref<10000x128xf32, #tpu.memory_space<hbm>>) dst(%arg11 : memref<80x128xf32, #tpu.memory_space<vmem>>)
        %dma_start3A_803 = arith.constant 1 : i32
        %dma_start3A_804 = arith.constant 0 : i32
        %dma_start3A_805 = tpu.memref_slice %arg8[%dma_start3A_803, %dma_start3A_804] : memref<2x80xi32, #tpu.memory_space<vmem>> -> memref<1x80xi32, #tpu.memory_space<vmem>>
        %dma_start3A_806 = tpu.memref_squeeze %dma_start3A_805 : memref<1x80xi32, #tpu.memory_space<vmem>> -> memref<80xi32, #tpu.memory_space<vmem>>
        %dma_start3A_807 = arith.constant 0 : i32
        %dma_start3A_808 = arith.constant 0 : i32
        %dma_start3A_809 = tpu.memref_slice %arg14[%dma_start3A_807, %dma_start3A_808] : memref<10240x128xf32, #tpu.memory_space<vmem_shared>> -> memref<10240x128xf32, #tpu.memory_space<vmem_shared>>
        tpu.enqueue_indirect_dma source(%arg11 : memref<80x128xf32, #tpu.memory_space<vmem>>) target(%dma_start3A_809 : memref<10240x128xf32, #tpu.memory_space<vmem_shared>>) offsets(%dma_start3A_806 : memref<80xi32, #tpu.memory_space<vmem>>) semaphore(%arg18 : memref<!tpu.dma_semaphore, #tpu.memory_space<semaphore_mem>>) {add = true}
        %mul3A_810 = arith.constant 12 : i32
        %mul3A_811 = arith.muli %mul3A_810, %scan3A_297 : i32
        %add3A_812 = arith.constant 2 : i32
        %add3A_813 = arith.addi %mul3A_811, %add3A_812 : i32
        %add3A_814 = arith.constant 8 : i32
        %add3A_815 = arith.addi %add3A_813, %add3A_814 : i32
        %sub3A_816 = arith.constant 2 : i32
        %sub3A_817 = arith.subi %add3A_815, %sub3A_816 : i32
        %dma_wait3A_818 = arith.constant 1 : i32
        %dma_wait3A_819 = arith.constant 0 : i32
        %dma_wait3A_820 = tpu.memref_slice %arg7[%dma_wait3A_818, %dma_wait3A_819] : memref<2x80xi32, #tpu.memory_space<vmem>> -> memref<1x80xi32, #tpu.memory_space<vmem>>
        %dma_wait3A_821 = tpu.memref_squeeze %dma_wait3A_820 : memref<1x80xi32, #tpu.memory_space<vmem>> -> memref<80xi32, #tpu.memory_space<vmem>>
        %dma_wait3A_822 = arith.constant 0 : i32
        %dma_wait3A_823 = arith.constant 0 : i32
        %dma_wait3A_824 = tpu.memref_slice %arg14[%dma_wait3A_822, %dma_wait3A_823] : memref<10240x128xf32, #tpu.memory_space<vmem_shared>> -> memref<10240x128xf32, #tpu.memory_space<vmem_shared>>
        tpu.wait_indirect_dma semaphore(%arg20 : memref<!tpu.dma_semaphore, #tpu.memory_space<semaphore_mem>>) src(%arg13 : memref<80x128xf32, #tpu.memory_space<vmem>>) dst(%dma_wait3A_824 : memref<10240x128xf32, #tpu.memory_space<vmem_shared>>)
        %add3A_825 = arith.constant 1 : i32
        %add3A_826 = arith.addi %add3A_815, %add3A_825 : i32
        %mul3A_827 = arith.constant 125 : i32
        %mul3A_828 = arith.muli %arg1, %mul3A_827 : i32
        %add3A_829 = arith.addi %mul3A_828, %add3A_826 : i32
        %dma_wait3A_830 = arith.constant 0 : i32
        %dma_wait3A_831 = arith.constant 0 : i32
        %dma_wait3A_832 = tpu.memref_slice %arg4[%add3A_829, %dma_wait3A_830, %dma_wait3A_831] : memref<2000x2x80xi32, #tpu.memory_space<hbm>> -> memref<1x2x80xi32, #tpu.memory_space<hbm>>
        %dma_wait3A_833 = tpu.memref_squeeze %dma_wait3A_832 : memref<1x2x80xi32, #tpu.memory_space<hbm>> -> memref<2x80xi32, #tpu.memory_space<hbm>>
        %dma_wait3A_834 = arith.constant 0 : i32
        %dma_wait3A_835 = arith.constant 0 : i32
        %dma_wait3A_836 = tpu.memref_slice %arg4[%add3A_829, %dma_wait3A_834, %dma_wait3A_835] : memref<2000x2x80xi32, #tpu.memory_space<hbm>> -> memref<1x2x80xi32, #tpu.memory_space<hbm>>
        %dma_wait3A_837 = tpu.memref_squeeze %dma_wait3A_836 : memref<1x2x80xi32, #tpu.memory_space<hbm>> -> memref<2x80xi32, #tpu.memory_space<hbm>>
        tpu.wait_dma2 semaphore(%arg24 : memref<!tpu.dma_semaphore, #tpu.memory_space<semaphore_mem>>) src(%dma_wait3A_837 : memref<2x80xi32, #tpu.memory_space<hbm>>) dst(%arg10 : memref<2x80xi32, #tpu.memory_space<vmem>>)
        %add3A_838 = arith.constant 1 : i32
        %add3A_839 = arith.addi %add3A_815, %add3A_838 : i32
        %dma_start3A_840 = arith.constant 0 : i32
        %dma_start3A_841 = arith.constant 0 : i32
        %dma_start3A_842 = tpu.memref_slice %arg10[%dma_start3A_840, %dma_start3A_841] : memref<2x80xi32, #tpu.memory_space<vmem>> -> memref<1x80xi32, #tpu.memory_space<vmem>>
        %dma_start3A_843 = tpu.memref_squeeze %dma_start3A_842 : memref<1x80xi32, #tpu.memory_space<vmem>> -> memref<80xi32, #tpu.memory_space<vmem>>
        %dma_start3A_844 = arith.constant 0 : i32
        %dma_start3A_845 = arith.constant 0 : i32
        %dma_start3A_846 = tpu.memref_slice %arg2[%dma_start3A_844, %dma_start3A_845] : memref<10000x128xf32, #tpu.memory_space<hbm>> -> memref<10000x128xf32, #tpu.memory_space<hbm>>
        tpu.enqueue_indirect_dma source(%dma_start3A_846 : memref<10000x128xf32, #tpu.memory_space<hbm>>) target(%arg13 : memref<80x128xf32, #tpu.memory_space<vmem>>) offsets(%dma_start3A_843 : memref<80xi32, #tpu.memory_space<vmem>>) semaphore(%arg17 : memref<!tpu.dma_semaphore, #tpu.memory_space<semaphore_mem>>)
        %add3A_847 = arith.constant 2 : i32
        %add3A_848 = arith.addi %add3A_815, %add3A_847 : i32
        %mul3A_849 = arith.constant 125 : i32
        %mul3A_850 = arith.muli %arg1, %mul3A_849 : i32
        %add3A_851 = arith.addi %mul3A_850, %add3A_848 : i32
        %dma_start3A_852 = arith.constant 0 : i32
        %dma_start3A_853 = arith.constant 0 : i32
        %dma_start3A_854 = tpu.memref_slice %arg4[%add3A_851, %dma_start3A_852, %dma_start3A_853] : memref<2000x2x80xi32, #tpu.memory_space<hbm>> -> memref<1x2x80xi32, #tpu.memory_space<hbm>>
        %dma_start3A_855 = tpu.memref_squeeze %dma_start3A_854 : memref<1x2x80xi32, #tpu.memory_space<hbm>> -> memref<2x80xi32, #tpu.memory_space<hbm>>
        %dma_start3A_856 = arith.constant 0 : i32
        %dma_start3A_857 = arith.constant 0 : i32
        %dma_start3A_858 = tpu.memref_slice %arg4[%add3A_851, %dma_start3A_856, %dma_start3A_857] : memref<2000x2x80xi32, #tpu.memory_space<hbm>> -> memref<1x2x80xi32, #tpu.memory_space<hbm>>
        %dma_start3A_859 = tpu.memref_squeeze %dma_start3A_858 : memref<1x2x80xi32, #tpu.memory_space<hbm>> -> memref<2x80xi32, #tpu.memory_space<hbm>>
        tpu.enqueue_dma source(%dma_start3A_859 : memref<2x80xi32, #tpu.memory_space<hbm>>) target(%arg7 : memref<2x80xi32, #tpu.memory_space<vmem>>) target_semaphore(%arg21 : memref<!tpu.dma_semaphore, #tpu.memory_space<semaphore_mem>>)
        %dma_wait3A_860 = arith.constant 0 : i32
        %dma_wait3A_861 = arith.constant 0 : i32
        %dma_wait3A_862 = tpu.memref_slice %arg9[%dma_wait3A_860, %dma_wait3A_861] : memref<2x80xi32, #tpu.memory_space<vmem>> -> memref<1x80xi32, #tpu.memory_space<vmem>>
        %dma_wait3A_863 = tpu.memref_squeeze %dma_wait3A_862 : memref<1x80xi32, #tpu.memory_space<vmem>> -> memref<80xi32, #tpu.memory_space<vmem>>
        %dma_wait3A_864 = arith.constant 0 : i32
        %dma_wait3A_865 = arith.constant 0 : i32
        %dma_wait3A_866 = tpu.memref_slice %arg2[%dma_wait3A_864, %dma_wait3A_865] : memref<10000x128xf32, #tpu.memory_space<hbm>> -> memref<10000x128xf32, #tpu.memory_space<hbm>>
        tpu.wait_indirect_dma semaphore(%arg16 : memref<!tpu.dma_semaphore, #tpu.memory_space<semaphore_mem>>) src(%dma_wait3A_866 : memref<10000x128xf32, #tpu.memory_space<hbm>>) dst(%arg12 : memref<80x128xf32, #tpu.memory_space<vmem>>)
        %dma_start3A_867 = arith.constant 1 : i32
        %dma_start3A_868 = arith.constant 0 : i32
        %dma_start3A_869 = tpu.memref_slice %arg9[%dma_start3A_867, %dma_start3A_868] : memref<2x80xi32, #tpu.memory_space<vmem>> -> memref<1x80xi32, #tpu.memory_space<vmem>>
        %dma_start3A_870 = tpu.memref_squeeze %dma_start3A_869 : memref<1x80xi32, #tpu.memory_space<vmem>> -> memref<80xi32, #tpu.memory_space<vmem>>
        %dma_start3A_871 = arith.constant 0 : i32
        %dma_start3A_872 = arith.constant 0 : i32
        %dma_start3A_873 = tpu.memref_slice %arg14[%dma_start3A_871, %dma_start3A_872] : memref<10240x128xf32, #tpu.memory_space<vmem_shared>> -> memref<10240x128xf32, #tpu.memory_space<vmem_shared>>
        tpu.enqueue_indirect_dma source(%arg12 : memref<80x128xf32, #tpu.memory_space<vmem>>) target(%dma_start3A_873 : memref<10240x128xf32, #tpu.memory_space<vmem_shared>>) offsets(%dma_start3A_870 : memref<80xi32, #tpu.memory_space<vmem>>) semaphore(%arg19 : memref<!tpu.dma_semaphore, #tpu.memory_space<semaphore_mem>>) {add = true}
        %mul3A_874 = arith.constant 12 : i32
        %mul3A_875 = arith.muli %mul3A_874, %scan3A_297 : i32
        %add3A_876 = arith.constant 2 : i32
        %add3A_877 = arith.addi %mul3A_875, %add3A_876 : i32
        %add3A_878 = arith.constant 9 : i32
        %add3A_879 = arith.addi %add3A_877, %add3A_878 : i32
        %sub3A_880 = arith.constant 2 : i32
        %sub3A_881 = arith.subi %add3A_879, %sub3A_880 : i32
        %dma_wait3A_882 = arith.constant 1 : i32
        %dma_wait3A_883 = arith.constant 0 : i32
        %dma_wait3A_884 = tpu.memref_slice %arg8[%dma_wait3A_882, %dma_wait3A_883] : memref<2x80xi32, #tpu.memory_space<vmem>> -> memref<1x80xi32, #tpu.memory_space<vmem>>
        %dma_wait3A_885 = tpu.memref_squeeze %dma_wait3A_884 : memref<1x80xi32, #tpu.memory_space<vmem>> -> memref<80xi32, #tpu.memory_space<vmem>>
        %dma_wait3A_886 = arith.constant 0 : i32
        %dma_wait3A_887 = arith.constant 0 : i32
        %dma_wait3A_888 = tpu.memref_slice %arg14[%dma_wait3A_886, %dma_wait3A_887] : memref<10240x128xf32, #tpu.memory_space<vmem_shared>> -> memref<10240x128xf32, #tpu.memory_space<vmem_shared>>
        tpu.wait_indirect_dma semaphore(%arg18 : memref<!tpu.dma_semaphore, #tpu.memory_space<semaphore_mem>>) src(%arg11 : memref<80x128xf32, #tpu.memory_space<vmem>>) dst(%dma_wait3A_888 : memref<10240x128xf32, #tpu.memory_space<vmem_shared>>)
        %add3A_889 = arith.constant 1 : i32
        %add3A_890 = arith.addi %add3A_879, %add3A_889 : i32
        %mul3A_891 = arith.constant 125 : i32
        %mul3A_892 = arith.muli %arg1, %mul3A_891 : i32
        %add3A_893 = arith.addi %mul3A_892, %add3A_890 : i32
        %dma_wait3A_894 = arith.constant 0 : i32
        %dma_wait3A_895 = arith.constant 0 : i32
        %dma_wait3A_896 = tpu.memref_slice %arg4[%add3A_893, %dma_wait3A_894, %dma_wait3A_895] : memref<2000x2x80xi32, #tpu.memory_space<hbm>> -> memref<1x2x80xi32, #tpu.memory_space<hbm>>
        %dma_wait3A_897 = tpu.memref_squeeze %dma_wait3A_896 : memref<1x2x80xi32, #tpu.memory_space<hbm>> -> memref<2x80xi32, #tpu.memory_space<hbm>>
        %dma_wait3A_898 = arith.constant 0 : i32
        %dma_wait3A_899 = arith.constant 0 : i32
        %dma_wait3A_900 = tpu.memref_slice %arg4[%add3A_893, %dma_wait3A_898, %dma_wait3A_899] : memref<2000x2x80xi32, #tpu.memory_space<hbm>> -> memref<1x2x80xi32, #tpu.memory_space<hbm>>
        %dma_wait3A_901 = tpu.memref_squeeze %dma_wait3A_900 : memref<1x2x80xi32, #tpu.memory_space<hbm>> -> memref<2x80xi32, #tpu.memory_space<hbm>>
        tpu.wait_dma2 semaphore(%arg21 : memref<!tpu.dma_semaphore, #tpu.memory_space<semaphore_mem>>) src(%dma_wait3A_901 : memref<2x80xi32, #tpu.memory_space<hbm>>) dst(%arg7 : memref<2x80xi32, #tpu.memory_space<vmem>>)
        %add3A_902 = arith.constant 1 : i32
        %add3A_903 = arith.addi %add3A_879, %add3A_902 : i32
        %dma_start3A_904 = arith.constant 0 : i32
        %dma_start3A_905 = arith.constant 0 : i32
        %dma_start3A_906 = tpu.memref_slice %arg7[%dma_start3A_904, %dma_start3A_905] : memref<2x80xi32, #tpu.memory_space<vmem>> -> memref<1x80xi32, #tpu.memory_space<vmem>>
        %dma_start3A_907 = tpu.memref_squeeze %dma_start3A_906 : memref<1x80xi32, #tpu.memory_space<vmem>> -> memref<80xi32, #tpu.memory_space<vmem>>
        %dma_start3A_908 = arith.constant 0 : i32
        %dma_start3A_909 = arith.constant 0 : i32
        %dma_start3A_910 = tpu.memref_slice %arg2[%dma_start3A_908, %dma_start3A_909] : memref<10000x128xf32, #tpu.memory_space<hbm>> -> memref<10000x128xf32, #tpu.memory_space<hbm>>
        tpu.enqueue_indirect_dma source(%dma_start3A_910 : memref<10000x128xf32, #tpu.memory_space<hbm>>) target(%arg11 : memref<80x128xf32, #tpu.memory_space<vmem>>) offsets(%dma_start3A_907 : memref<80xi32, #tpu.memory_space<vmem>>) semaphore(%arg15 : memref<!tpu.dma_semaphore, #tpu.memory_space<semaphore_mem>>)
        %add3A_911 = arith.constant 2 : i32
        %add3A_912 = arith.addi %add3A_879, %add3A_911 : i32
        %mul3A_913 = arith.constant 125 : i32
        %mul3A_914 = arith.muli %arg1, %mul3A_913 : i32
        %add3A_915 = arith.addi %mul3A_914, %add3A_912 : i32
        %dma_start3A_916 = arith.constant 0 : i32
        %dma_start3A_917 = arith.constant 0 : i32
        %dma_start3A_918 = tpu.memref_slice %arg4[%add3A_915, %dma_start3A_916, %dma_start3A_917] : memref<2000x2x80xi32, #tpu.memory_space<hbm>> -> memref<1x2x80xi32, #tpu.memory_space<hbm>>
        %dma_start3A_919 = tpu.memref_squeeze %dma_start3A_918 : memref<1x2x80xi32, #tpu.memory_space<hbm>> -> memref<2x80xi32, #tpu.memory_space<hbm>>
        %dma_start3A_920 = arith.constant 0 : i32
        %dma_start3A_921 = arith.constant 0 : i32
        %dma_start3A_922 = tpu.memref_slice %arg4[%add3A_915, %dma_start3A_920, %dma_start3A_921] : memref<2000x2x80xi32, #tpu.memory_space<hbm>> -> memref<1x2x80xi32, #tpu.memory_space<hbm>>
        %dma_start3A_923 = tpu.memref_squeeze %dma_start3A_922 : memref<1x2x80xi32, #tpu.memory_space<hbm>> -> memref<2x80xi32, #tpu.memory_space<hbm>>
        tpu.enqueue_dma source(%dma_start3A_923 : memref<2x80xi32, #tpu.memory_space<hbm>>) target(%arg8 : memref<2x80xi32, #tpu.memory_space<vmem>>) target_semaphore(%arg22 : memref<!tpu.dma_semaphore, #tpu.memory_space<semaphore_mem>>)
        %dma_wait3A_924 = arith.constant 0 : i32
        %dma_wait3A_925 = arith.constant 0 : i32
        %dma_wait3A_926 = tpu.memref_slice %arg10[%dma_wait3A_924, %dma_wait3A_925] : memref<2x80xi32, #tpu.memory_space<vmem>> -> memref<1x80xi32, #tpu.memory_space<vmem>>
        %dma_wait3A_927 = tpu.memref_squeeze %dma_wait3A_926 : memref<1x80xi32, #tpu.memory_space<vmem>> -> memref<80xi32, #tpu.memory_space<vmem>>
        %dma_wait3A_928 = arith.constant 0 : i32
        %dma_wait3A_929 = arith.constant 0 : i32
        %dma_wait3A_930 = tpu.memref_slice %arg2[%dma_wait3A_928, %dma_wait3A_929] : memref<10000x128xf32, #tpu.memory_space<hbm>> -> memref<10000x128xf32, #tpu.memory_space<hbm>>
        tpu.wait_indirect_dma semaphore(%arg17 : memref<!tpu.dma_semaphore, #tpu.memory_space<semaphore_mem>>) src(%dma_wait3A_930 : memref<10000x128xf32, #tpu.memory_space<hbm>>) dst(%arg13 : memref<80x128xf32, #tpu.memory_space<vmem>>)
        %dma_start3A_931 = arith.constant 1 : i32
        %dma_start3A_932 = arith.constant 0 : i32
        %dma_start3A_933 = tpu.memref_slice %arg10[%dma_start3A_931, %dma_start3A_932] : memref<2x80xi32, #tpu.memory_space<vmem>> -> memref<1x80xi32, #tpu.memory_space<vmem>>
        %dma_start3A_934 = tpu.memref_squeeze %dma_start3A_933 : memref<1x80xi32, #tpu.memory_space<vmem>> -> memref<80xi32, #tpu.memory_space<vmem>>
        %dma_start3A_935 = arith.constant 0 : i32
        %dma_start3A_936 = arith.constant 0 : i32
        %dma_start3A_937 = tpu.memref_slice %arg14[%dma_start3A_935, %dma_start3A_936] : memref<10240x128xf32, #tpu.memory_space<vmem_shared>> -> memref<10240x128xf32, #tpu.memory_space<vmem_shared>>
        tpu.enqueue_indirect_dma source(%arg13 : memref<80x128xf32, #tpu.memory_space<vmem>>) target(%dma_start3A_937 : memref<10240x128xf32, #tpu.memory_space<vmem_shared>>) offsets(%dma_start3A_934 : memref<80xi32, #tpu.memory_space<vmem>>) semaphore(%arg20 : memref<!tpu.dma_semaphore, #tpu.memory_space<semaphore_mem>>) {add = true}
        %mul3A_938 = arith.constant 12 : i32
        %mul3A_939 = arith.muli %mul3A_938, %scan3A_297 : i32
        %add3A_940 = arith.constant 2 : i32
        %add3A_941 = arith.addi %mul3A_939, %add3A_940 : i32
        %add3A_942 = arith.constant 10 : i32
        %add3A_943 = arith.addi %add3A_941, %add3A_942 : i32
        %sub3A_944 = arith.constant 2 : i32
        %sub3A_945 = arith.subi %add3A_943, %sub3A_944 : i32
        %dma_wait3A_946 = arith.constant 1 : i32
        %dma_wait3A_947 = arith.constant 0 : i32
        %dma_wait3A_948 = tpu.memref_slice %arg9[%dma_wait3A_946, %dma_wait3A_947] : memref<2x80xi32, #tpu.memory_space<vmem>> -> memref<1x80xi32, #tpu.memory_space<vmem>>
        %dma_wait3A_949 = tpu.memref_squeeze %dma_wait3A_948 : memref<1x80xi32, #tpu.memory_space<vmem>> -> memref<80xi32, #tpu.memory_space<vmem>>
        %dma_wait3A_950 = arith.constant 0 : i32
        %dma_wait3A_951 = arith.constant 0 : i32
        %dma_wait3A_952 = tpu.memref_slice %arg14[%dma_wait3A_950, %dma_wait3A_951] : memref<10240x128xf32, #tpu.memory_space<vmem_shared>> -> memref<10240x128xf32, #tpu.memory_space<vmem_shared>>
        tpu.wait_indirect_dma semaphore(%arg19 : memref<!tpu.dma_semaphore, #tpu.memory_space<semaphore_mem>>) src(%arg12 : memref<80x128xf32, #tpu.memory_space<vmem>>) dst(%dma_wait3A_952 : memref<10240x128xf32, #tpu.memory_space<vmem_shared>>)
        %add3A_953 = arith.constant 1 : i32
        %add3A_954 = arith.addi %add3A_943, %add3A_953 : i32
        %mul3A_955 = arith.constant 125 : i32
        %mul3A_956 = arith.muli %arg1, %mul3A_955 : i32
        %add3A_957 = arith.addi %mul3A_956, %add3A_954 : i32
        %dma_wait3A_958 = arith.constant 0 : i32
        %dma_wait3A_959 = arith.constant 0 : i32
        %dma_wait3A_960 = tpu.memref_slice %arg4[%add3A_957, %dma_wait3A_958, %dma_wait3A_959] : memref<2000x2x80xi32, #tpu.memory_space<hbm>> -> memref<1x2x80xi32, #tpu.memory_space<hbm>>
        %dma_wait3A_961 = tpu.memref_squeeze %dma_wait3A_960 : memref<1x2x80xi32, #tpu.memory_space<hbm>> -> memref<2x80xi32, #tpu.memory_space<hbm>>
        %dma_wait3A_962 = arith.constant 0 : i32
        %dma_wait3A_963 = arith.constant 0 : i32
        %dma_wait3A_964 = tpu.memref_slice %arg4[%add3A_957, %dma_wait3A_962, %dma_wait3A_963] : memref<2000x2x80xi32, #tpu.memory_space<hbm>> -> memref<1x2x80xi32, #tpu.memory_space<hbm>>
        %dma_wait3A_965 = tpu.memref_squeeze %dma_wait3A_964 : memref<1x2x80xi32, #tpu.memory_space<hbm>> -> memref<2x80xi32, #tpu.memory_space<hbm>>
        tpu.wait_dma2 semaphore(%arg22 : memref<!tpu.dma_semaphore, #tpu.memory_space<semaphore_mem>>) src(%dma_wait3A_965 : memref<2x80xi32, #tpu.memory_space<hbm>>) dst(%arg8 : memref<2x80xi32, #tpu.memory_space<vmem>>)
        %add3A_966 = arith.constant 1 : i32
        %add3A_967 = arith.addi %add3A_943, %add3A_966 : i32
        %dma_start3A_968 = arith.constant 0 : i32
        %dma_start3A_969 = arith.constant 0 : i32
        %dma_start3A_970 = tpu.memref_slice %arg8[%dma_start3A_968, %dma_start3A_969] : memref<2x80xi32, #tpu.memory_space<vmem>> -> memref<1x80xi32, #tpu.memory_space<vmem>>
        %dma_start3A_971 = tpu.memref_squeeze %dma_start3A_970 : memref<1x80xi32, #tpu.memory_space<vmem>> -> memref<80xi32, #tpu.memory_space<vmem>>
        %dma_start3A_972 = arith.constant 0 : i32
        %dma_start3A_973 = arith.constant 0 : i32
        %dma_start3A_974 = tpu.memref_slice %arg2[%dma_start3A_972, %dma_start3A_973] : memref<10000x128xf32, #tpu.memory_space<hbm>> -> memref<10000x128xf32, #tpu.memory_space<hbm>>
        tpu.enqueue_indirect_dma source(%dma_start3A_974 : memref<10000x128xf32, #tpu.memory_space<hbm>>) target(%arg12 : memref<80x128xf32, #tpu.memory_space<vmem>>) offsets(%dma_start3A_971 : memref<80xi32, #tpu.memory_space<vmem>>) semaphore(%arg16 : memref<!tpu.dma_semaphore, #tpu.memory_space<semaphore_mem>>)
        %add3A_975 = arith.constant 2 : i32
        %add3A_976 = arith.addi %add3A_943, %add3A_975 : i32
        %mul3A_977 = arith.constant 125 : i32
        %mul3A_978 = arith.muli %arg1, %mul3A_977 : i32
        %add3A_979 = arith.addi %mul3A_978, %add3A_976 : i32
        %dma_start3A_980 = arith.constant 0 : i32
        %dma_start3A_981 = arith.constant 0 : i32
        %dma_start3A_982 = tpu.memref_slice %arg4[%add3A_979, %dma_start3A_980, %dma_start3A_981] : memref<2000x2x80xi32, #tpu.memory_space<hbm>> -> memref<1x2x80xi32, #tpu.memory_space<hbm>>
        %dma_start3A_983 = tpu.memref_squeeze %dma_start3A_982 : memref<1x2x80xi32, #tpu.memory_space<hbm>> -> memref<2x80xi32, #tpu.memory_space<hbm>>
        %dma_start3A_984 = arith.constant 0 : i32
        %dma_start3A_985 = arith.constant 0 : i32
        %dma_start3A_986 = tpu.memref_slice %arg4[%add3A_979, %dma_start3A_984, %dma_start3A_985] : memref<2000x2x80xi32, #tpu.memory_space<hbm>> -> memref<1x2x80xi32, #tpu.memory_space<hbm>>
        %dma_start3A_987 = tpu.memref_squeeze %dma_start3A_986 : memref<1x2x80xi32, #tpu.memory_space<hbm>> -> memref<2x80xi32, #tpu.memory_space<hbm>>
        tpu.enqueue_dma source(%dma_start3A_987 : memref<2x80xi32, #tpu.memory_space<hbm>>) target(%arg9 : memref<2x80xi32, #tpu.memory_space<vmem>>) target_semaphore(%arg23 : memref<!tpu.dma_semaphore, #tpu.memory_space<semaphore_mem>>)
        %dma_wait3A_988 = arith.constant 0 : i32
        %dma_wait3A_989 = arith.constant 0 : i32
        %dma_wait3A_990 = tpu.memref_slice %arg7[%dma_wait3A_988, %dma_wait3A_989] : memref<2x80xi32, #tpu.memory_space<vmem>> -> memref<1x80xi32, #tpu.memory_space<vmem>>
        %dma_wait3A_991 = tpu.memref_squeeze %dma_wait3A_990 : memref<1x80xi32, #tpu.memory_space<vmem>> -> memref<80xi32, #tpu.memory_space<vmem>>
        %dma_wait3A_992 = arith.constant 0 : i32
        %dma_wait3A_993 = arith.constant 0 : i32
        %dma_wait3A_994 = tpu.memref_slice %arg2[%dma_wait3A_992, %dma_wait3A_993] : memref<10000x128xf32, #tpu.memory_space<hbm>> -> memref<10000x128xf32, #tpu.memory_space<hbm>>
        tpu.wait_indirect_dma semaphore(%arg15 : memref<!tpu.dma_semaphore, #tpu.memory_space<semaphore_mem>>) src(%dma_wait3A_994 : memref<10000x128xf32, #tpu.memory_space<hbm>>) dst(%arg11 : memref<80x128xf32, #tpu.memory_space<vmem>>)
        %dma_start3A_995 = arith.constant 1 : i32
        %dma_start3A_996 = arith.constant 0 : i32
        %dma_start3A_997 = tpu.memref_slice %arg7[%dma_start3A_995, %dma_start3A_996] : memref<2x80xi32, #tpu.memory_space<vmem>> -> memref<1x80xi32, #tpu.memory_space<vmem>>
        %dma_start3A_998 = tpu.memref_squeeze %dma_start3A_997 : memref<1x80xi32, #tpu.memory_space<vmem>> -> memref<80xi32, #tpu.memory_space<vmem>>
        %dma_start3A_999 = arith.constant 0 : i32
        %dma_start3A_1000 = arith.constant 0 : i32
        %dma_start3A_1001 = tpu.memref_slice %arg14[%dma_start3A_999, %dma_start3A_1000] : memref<10240x128xf32, #tpu.memory_space<vmem_shared>> -> memref<10240x128xf32, #tpu.memory_space<vmem_shared>>
        tpu.enqueue_indirect_dma source(%arg11 : memref<80x128xf32, #tpu.memory_space<vmem>>) target(%dma_start3A_1001 : memref<10240x128xf32, #tpu.memory_space<vmem_shared>>) offsets(%dma_start3A_998 : memref<80xi32, #tpu.memory_space<vmem>>) semaphore(%arg18 : memref<!tpu.dma_semaphore, #tpu.memory_space<semaphore_mem>>) {add = true}
        %mul3A_1002 = arith.constant 12 : i32
        %mul3A_1003 = arith.muli %mul3A_1002, %scan3A_297 : i32
        %add3A_1004 = arith.constant 2 : i32
        %add3A_1005 = arith.addi %mul3A_1003, %add3A_1004 : i32
        %add3A_1006 = arith.constant 11 : i32
        %add3A_1007 = arith.addi %add3A_1005, %add3A_1006 : i32
        %sub3A_1008 = arith.constant 2 : i32
        %sub3A_1009 = arith.subi %add3A_1007, %sub3A_1008 : i32
        %dma_wait3A_1010 = arith.constant 1 : i32
        %dma_wait3A_1011 = arith.constant 0 : i32
        %dma_wait3A_1012 = tpu.memref_slice %arg10[%dma_wait3A_1010, %dma_wait3A_1011] : memref<2x80xi32, #tpu.memory_space<vmem>> -> memref<1x80xi32, #tpu.memory_space<vmem>>
        %dma_wait3A_1013 = tpu.memref_squeeze %dma_wait3A_1012 : memref<1x80xi32, #tpu.memory_space<vmem>> -> memref<80xi32, #tpu.memory_space<vmem>>
        %dma_wait3A_1014 = arith.constant 0 : i32
        %dma_wait3A_1015 = arith.constant 0 : i32
        %dma_wait3A_1016 = tpu.memref_slice %arg14[%dma_wait3A_1014, %dma_wait3A_1015] : memref<10240x128xf32, #tpu.memory_space<vmem_shared>> -> memref<10240x128xf32, #tpu.memory_space<vmem_shared>>
        tpu.wait_indirect_dma semaphore(%arg20 : memref<!tpu.dma_semaphore, #tpu.memory_space<semaphore_mem>>) src(%arg13 : memref<80x128xf32, #tpu.memory_space<vmem>>) dst(%dma_wait3A_1016 : memref<10240x128xf32, #tpu.memory_space<vmem_shared>>)
        %add3A_1017 = arith.constant 1 : i32
        %add3A_1018 = arith.addi %add3A_1007, %add3A_1017 : i32
        %mul3A_1019 = arith.constant 125 : i32
        %mul3A_1020 = arith.muli %arg1, %mul3A_1019 : i32
        %add3A_1021 = arith.addi %mul3A_1020, %add3A_1018 : i32
        %dma_wait3A_1022 = arith.constant 0 : i32
        %dma_wait3A_1023 = arith.constant 0 : i32
        %dma_wait3A_1024 = tpu.memref_slice %arg4[%add3A_1021, %dma_wait3A_1022, %dma_wait3A_1023] : memref<2000x2x80xi32, #tpu.memory_space<hbm>> -> memref<1x2x80xi32, #tpu.memory_space<hbm>>
        %dma_wait3A_1025 = tpu.memref_squeeze %dma_wait3A_1024 : memref<1x2x80xi32, #tpu.memory_space<hbm>> -> memref<2x80xi32, #tpu.memory_space<hbm>>
        %dma_wait3A_1026 = arith.constant 0 : i32
        %dma_wait3A_1027 = arith.constant 0 : i32
        %dma_wait3A_1028 = tpu.memref_slice %arg4[%add3A_1021, %dma_wait3A_1026, %dma_wait3A_1027] : memref<2000x2x80xi32, #tpu.memory_space<hbm>> -> memref<1x2x80xi32, #tpu.memory_space<hbm>>
        %dma_wait3A_1029 = tpu.memref_squeeze %dma_wait3A_1028 : memref<1x2x80xi32, #tpu.memory_space<hbm>> -> memref<2x80xi32, #tpu.memory_space<hbm>>
        tpu.wait_dma2 semaphore(%arg23 : memref<!tpu.dma_semaphore, #tpu.memory_space<semaphore_mem>>) src(%dma_wait3A_1029 : memref<2x80xi32, #tpu.memory_space<hbm>>) dst(%arg9 : memref<2x80xi32, #tpu.memory_space<vmem>>)
        %add3A_1030 = arith.constant 1 : i32
        %add3A_1031 = arith.addi %add3A_1007, %add3A_1030 : i32
        %dma_start3A_1032 = arith.constant 0 : i32
        %dma_start3A_1033 = arith.constant 0 : i32
        %dma_start3A_1034 = tpu.memref_slice %arg9[%dma_start3A_1032, %dma_start3A_1033] : memref<2x80xi32, #tpu.memory_space<vmem>> -> memref<1x80xi32, #tpu.memory_space<vmem>>
        %dma_start3A_1035 = tpu.memref_squeeze %dma_start3A_1034 : memref<1x80xi32, #tpu.memory_space<vmem>> -> memref<80xi32, #tpu.memory_space<vmem>>
        %dma_start3A_1036 = arith.constant 0 : i32
        %dma_start3A_1037 = arith.constant 0 : i32
        %dma_start3A_1038 = tpu.memref_slice %arg2[%dma_start3A_1036, %dma_start3A_1037] : memref<10000x128xf32, #tpu.memory_space<hbm>> -> memref<10000x128xf32, #tpu.memory_space<hbm>>
        tpu.enqueue_indirect_dma source(%dma_start3A_1038 : memref<10000x128xf32, #tpu.memory_space<hbm>>) target(%arg13 : memref<80x128xf32, #tpu.memory_space<vmem>>) offsets(%dma_start3A_1035 : memref<80xi32, #tpu.memory_space<vmem>>) semaphore(%arg17 : memref<!tpu.dma_semaphore, #tpu.memory_space<semaphore_mem>>)
        %add3A_1039 = arith.constant 2 : i32
        %add3A_1040 = arith.addi %add3A_1007, %add3A_1039 : i32
        %mul3A_1041 = arith.constant 125 : i32
        %mul3A_1042 = arith.muli %arg1, %mul3A_1041 : i32
        %add3A_1043 = arith.addi %mul3A_1042, %add3A_1040 : i32
        %dma_start3A_1044 = arith.constant 0 : i32
        %dma_start3A_1045 = arith.constant 0 : i32
        %dma_start3A_1046 = tpu.memref_slice %arg4[%add3A_1043, %dma_start3A_1044, %dma_start3A_1045] : memref<2000x2x80xi32, #tpu.memory_space<hbm>> -> memref<1x2x80xi32, #tpu.memory_space<hbm>>
        %dma_start3A_1047 = tpu.memref_squeeze %dma_start3A_1046 : memref<1x2x80xi32, #tpu.memory_space<hbm>> -> memref<2x80xi32, #tpu.memory_space<hbm>>
        %dma_start3A_1048 = arith.constant 0 : i32
        %dma_start3A_1049 = arith.constant 0 : i32
        %dma_start3A_1050 = tpu.memref_slice %arg4[%add3A_1043, %dma_start3A_1048, %dma_start3A_1049] : memref<2000x2x80xi32, #tpu.memory_space<hbm>> -> memref<1x2x80xi32, #tpu.memory_space<hbm>>
        %dma_start3A_1051 = tpu.memref_squeeze %dma_start3A_1050 : memref<1x2x80xi32, #tpu.memory_space<hbm>> -> memref<2x80xi32, #tpu.memory_space<hbm>>
        tpu.enqueue_dma source(%dma_start3A_1051 : memref<2x80xi32, #tpu.memory_space<hbm>>) target(%arg10 : memref<2x80xi32, #tpu.memory_space<vmem>>) target_semaphore(%arg24 : memref<!tpu.dma_semaphore, #tpu.memory_space<semaphore_mem>>)
        %dma_wait3A_1052 = arith.constant 0 : i32
        %dma_wait3A_1053 = arith.constant 0 : i32
        %dma_wait3A_1054 = tpu.memref_slice %arg8[%dma_wait3A_1052, %dma_wait3A_1053] : memref<2x80xi32, #tpu.memory_space<vmem>> -> memref<1x80xi32, #tpu.memory_space<vmem>>
        %dma_wait3A_1055 = tpu.memref_squeeze %dma_wait3A_1054 : memref<1x80xi32, #tpu.memory_space<vmem>> -> memref<80xi32, #tpu.memory_space<vmem>>
        %dma_wait3A_1056 = arith.constant 0 : i32
        %dma_wait3A_1057 = arith.constant 0 : i32
        %dma_wait3A_1058 = tpu.memref_slice %arg2[%dma_wait3A_1056, %dma_wait3A_1057] : memref<10000x128xf32, #tpu.memory_space<hbm>> -> memref<10000x128xf32, #tpu.memory_space<hbm>>
        tpu.wait_indirect_dma semaphore(%arg16 : memref<!tpu.dma_semaphore, #tpu.memory_space<semaphore_mem>>) src(%dma_wait3A_1058 : memref<10000x128xf32, #tpu.memory_space<hbm>>) dst(%arg12 : memref<80x128xf32, #tpu.memory_space<vmem>>)
        %dma_start3A_1059 = arith.constant 1 : i32
        %dma_start3A_1060 = arith.constant 0 : i32
        %dma_start3A_1061 = tpu.memref_slice %arg8[%dma_start3A_1059, %dma_start3A_1060] : memref<2x80xi32, #tpu.memory_space<vmem>> -> memref<1x80xi32, #tpu.memory_space<vmem>>
        %dma_start3A_1062 = tpu.memref_squeeze %dma_start3A_1061 : memref<1x80xi32, #tpu.memory_space<vmem>> -> memref<80xi32, #tpu.memory_space<vmem>>
        %dma_start3A_1063 = arith.constant 0 : i32
        %dma_start3A_1064 = arith.constant 0 : i32
        %dma_start3A_1065 = tpu.memref_slice %arg14[%dma_start3A_1063, %dma_start3A_1064] : memref<10240x128xf32, #tpu.memory_space<vmem_shared>> -> memref<10240x128xf32, #tpu.memory_space<vmem_shared>>
        tpu.enqueue_indirect_dma source(%arg12 : memref<80x128xf32, #tpu.memory_space<vmem>>) target(%dma_start3A_1065 : memref<10240x128xf32, #tpu.memory_space<vmem_shared>>) offsets(%dma_start3A_1062 : memref<80xi32, #tpu.memory_space<vmem>>) semaphore(%arg19 : memref<!tpu.dma_semaphore, #tpu.memory_space<semaphore_mem>>) {add = true}
        %scan3A_1066 = arith.constant 0 : i32
        scf.yield %scan3A_1066 : i32
      }
      %scan3A_169 = arith.constant 10 : i32
      %dma_wait3A_170 = arith.constant 1 : i32
      %dma_wait3A_171 = arith.constant 0 : i32
      %dma_wait3A_172 = tpu.memref_slice %arg7[%dma_wait3A_170, %dma_wait3A_171] : memref<2x80xi32, #tpu.memory_space<vmem>> -> memref<1x80xi32, #tpu.memory_space<vmem>>
      %dma_wait3A_173 = tpu.memref_squeeze %dma_wait3A_172 : memref<1x80xi32, #tpu.memory_space<vmem>> -> memref<80xi32, #tpu.memory_space<vmem>>
      %dma_wait3A_174 = arith.constant 0 : i32
      %dma_wait3A_175 = arith.constant 0 : i32
      %dma_wait3A_176 = tpu.memref_slice %arg14[%dma_wait3A_174, %dma_wait3A_175] : memref<10240x128xf32, #tpu.memory_space<vmem_shared>> -> memref<10240x128xf32, #tpu.memory_space<vmem_shared>>
      tpu.wait_indirect_dma semaphore(%arg18 : memref<!tpu.dma_semaphore, #tpu.memory_space<semaphore_mem>>) src(%arg11 : memref<80x128xf32, #tpu.memory_space<vmem>>) dst(%dma_wait3A_176 : memref<10240x128xf32, #tpu.memory_space<vmem_shared>>)
      %mul3A_177 = arith.constant 125 : i32
      %mul3A_178 = arith.muli %arg1, %mul3A_177 : i32
      %add3A_179 = arith.constant 123 : i32
      %add3A_180 = arith.addi %mul3A_178, %add3A_179 : i32
      %dma_wait3A_181 = arith.constant 0 : i32
      %dma_wait3A_182 = arith.constant 0 : i32
      %dma_wait3A_183 = tpu.memref_slice %arg4[%add3A_180, %dma_wait3A_181, %dma_wait3A_182] : memref<2000x2x80xi32, #tpu.memory_space<hbm>> -> memref<1x2x80xi32, #tpu.memory_space<hbm>>
      %dma_wait3A_184 = tpu.memref_squeeze %dma_wait3A_183 : memref<1x2x80xi32, #tpu.memory_space<hbm>> -> memref<2x80xi32, #tpu.memory_space<hbm>>
      %dma_wait3A_185 = arith.constant 0 : i32
      %dma_wait3A_186 = arith.constant 0 : i32
      %dma_wait3A_187 = tpu.memref_slice %arg4[%add3A_180, %dma_wait3A_185, %dma_wait3A_186] : memref<2000x2x80xi32, #tpu.memory_space<hbm>> -> memref<1x2x80xi32, #tpu.memory_space<hbm>>
      %dma_wait3A_188 = tpu.memref_squeeze %dma_wait3A_187 : memref<1x2x80xi32, #tpu.memory_space<hbm>> -> memref<2x80xi32, #tpu.memory_space<hbm>>
      tpu.wait_dma2 semaphore(%arg24 : memref<!tpu.dma_semaphore, #tpu.memory_space<semaphore_mem>>) src(%dma_wait3A_188 : memref<2x80xi32, #tpu.memory_space<hbm>>) dst(%arg10 : memref<2x80xi32, #tpu.memory_space<vmem>>)
      %dma_start3A_189 = arith.constant 0 : i32
      %dma_start3A_190 = arith.constant 0 : i32
      %dma_start3A_191 = tpu.memref_slice %arg10[%dma_start3A_189, %dma_start3A_190] : memref<2x80xi32, #tpu.memory_space<vmem>> -> memref<1x80xi32, #tpu.memory_space<vmem>>
      %dma_start3A_192 = tpu.memref_squeeze %dma_start3A_191 : memref<1x80xi32, #tpu.memory_space<vmem>> -> memref<80xi32, #tpu.memory_space<vmem>>
      %dma_start3A_193 = arith.constant 0 : i32
      %dma_start3A_194 = arith.constant 0 : i32
      %dma_start3A_195 = tpu.memref_slice %arg2[%dma_start3A_193, %dma_start3A_194] : memref<10000x128xf32, #tpu.memory_space<hbm>> -> memref<10000x128xf32, #tpu.memory_space<hbm>>
      tpu.enqueue_indirect_dma source(%dma_start3A_195 : memref<10000x128xf32, #tpu.memory_space<hbm>>) target(%arg11 : memref<80x128xf32, #tpu.memory_space<vmem>>) offsets(%dma_start3A_192 : memref<80xi32, #tpu.memory_space<vmem>>) semaphore(%arg15 : memref<!tpu.dma_semaphore, #tpu.memory_space<semaphore_mem>>)
      %mul3A_196 = arith.constant 125 : i32
      %mul3A_197 = arith.muli %arg1, %mul3A_196 : i32
      %add3A_198 = arith.constant 124 : i32
      %add3A_199 = arith.addi %mul3A_197, %add3A_198 : i32
      %dma_start3A_200 = arith.constant 0 : i32
      %dma_start3A_201 = arith.constant 0 : i32
      %dma_start3A_202 = tpu.memref_slice %arg4[%add3A_199, %dma_start3A_200, %dma_start3A_201] : memref<2000x2x80xi32, #tpu.memory_space<hbm>> -> memref<1x2x80xi32, #tpu.memory_space<hbm>>
      %dma_start3A_203 = tpu.memref_squeeze %dma_start3A_202 : memref<1x2x80xi32, #tpu.memory_space<hbm>> -> memref<2x80xi32, #tpu.memory_space<hbm>>
      %dma_start3A_204 = arith.constant 0 : i32
      %dma_start3A_205 = arith.constant 0 : i32
      %dma_start3A_206 = tpu.memref_slice %arg4[%add3A_199, %dma_start3A_204, %dma_start3A_205] : memref<2000x2x80xi32, #tpu.memory_space<hbm>> -> memref<1x2x80xi32, #tpu.memory_space<hbm>>
      %dma_start3A_207 = tpu.memref_squeeze %dma_start3A_206 : memref<1x2x80xi32, #tpu.memory_space<hbm>> -> memref<2x80xi32, #tpu.memory_space<hbm>>
      tpu.enqueue_dma source(%dma_start3A_207 : memref<2x80xi32, #tpu.memory_space<hbm>>) target(%arg7 : memref<2x80xi32, #tpu.memory_space<vmem>>) target_semaphore(%arg21 : memref<!tpu.dma_semaphore, #tpu.memory_space<semaphore_mem>>)
      %dma_wait3A_208 = arith.constant 0 : i32
      %dma_wait3A_209 = arith.constant 0 : i32
      %dma_wait3A_210 = tpu.memref_slice %arg9[%dma_wait3A_208, %dma_wait3A_209] : memref<2x80xi32, #tpu.memory_space<vmem>> -> memref<1x80xi32, #tpu.memory_space<vmem>>
      %dma_wait3A_211 = tpu.memref_squeeze %dma_wait3A_210 : memref<1x80xi32, #tpu.memory_space<vmem>> -> memref<80xi32, #tpu.memory_space<vmem>>
      %dma_wait3A_212 = arith.constant 0 : i32
      %dma_wait3A_213 = arith.constant 0 : i32
      %dma_wait3A_214 = tpu.memref_slice %arg2[%dma_wait3A_212, %dma_wait3A_213] : memref<10000x128xf32, #tpu.memory_space<hbm>> -> memref<10000x128xf32, #tpu.memory_space<hbm>>
      tpu.wait_indirect_dma semaphore(%arg17 : memref<!tpu.dma_semaphore, #tpu.memory_space<semaphore_mem>>) src(%dma_wait3A_214 : memref<10000x128xf32, #tpu.memory_space<hbm>>) dst(%arg13 : memref<80x128xf32, #tpu.memory_space<vmem>>)
      %dma_start3A_215 = arith.constant 1 : i32
      %dma_start3A_216 = arith.constant 0 : i32
      %dma_start3A_217 = tpu.memref_slice %arg9[%dma_start3A_215, %dma_start3A_216] : memref<2x80xi32, #tpu.memory_space<vmem>> -> memref<1x80xi32, #tpu.memory_space<vmem>>
      %dma_start3A_218 = tpu.memref_squeeze %dma_start3A_217 : memref<1x80xi32, #tpu.memory_space<vmem>> -> memref<80xi32, #tpu.memory_space<vmem>>
      %dma_start3A_219 = arith.constant 0 : i32
      %dma_start3A_220 = arith.constant 0 : i32
      %dma_start3A_221 = tpu.memref_slice %arg14[%dma_start3A_219, %dma_start3A_220] : memref<10240x128xf32, #tpu.memory_space<vmem_shared>> -> memref<10240x128xf32, #tpu.memory_space<vmem_shared>>
      tpu.enqueue_indirect_dma source(%arg13 : memref<80x128xf32, #tpu.memory_space<vmem>>) target(%dma_start3A_221 : memref<10240x128xf32, #tpu.memory_space<vmem_shared>>) offsets(%dma_start3A_218 : memref<80xi32, #tpu.memory_space<vmem>>) semaphore(%arg20 : memref<!tpu.dma_semaphore, #tpu.memory_space<semaphore_mem>>) {add = true}
      %dma_wait3A_222 = arith.constant 1 : i32
      %dma_wait3A_223 = arith.constant 0 : i32
      %dma_wait3A_224 = tpu.memref_slice %arg8[%dma_wait3A_222, %dma_wait3A_223] : memref<2x80xi32, #tpu.memory_space<vmem>> -> memref<1x80xi32, #tpu.memory_space<vmem>>
      %dma_wait3A_225 = tpu.memref_squeeze %dma_wait3A_224 : memref<1x80xi32, #tpu.memory_space<vmem>> -> memref<80xi32, #tpu.memory_space<vmem>>
      %dma_wait3A_226 = arith.constant 0 : i32
      %dma_wait3A_227 = arith.constant 0 : i32
      %dma_wait3A_228 = tpu.memref_slice %arg14[%dma_wait3A_226, %dma_wait3A_227] : memref<10240x128xf32, #tpu.memory_space<vmem_shared>> -> memref<10240x128xf32, #tpu.memory_space<vmem_shared>>
      tpu.wait_indirect_dma semaphore(%arg19 : memref<!tpu.dma_semaphore, #tpu.memory_space<semaphore_mem>>) src(%arg12 : memref<80x128xf32, #tpu.memory_space<vmem>>) dst(%dma_wait3A_228 : memref<10240x128xf32, #tpu.memory_space<vmem_shared>>)
      %mul3A_229 = arith.constant 125 : i32
      %mul3A_230 = arith.muli %arg1, %mul3A_229 : i32
      %add3A_231 = arith.constant 124 : i32
      %add3A_232 = arith.addi %mul3A_230, %add3A_231 : i32
      %dma_wait3A_233 = arith.constant 0 : i32
      %dma_wait3A_234 = arith.constant 0 : i32
      %dma_wait3A_235 = tpu.memref_slice %arg4[%add3A_232, %dma_wait3A_233, %dma_wait3A_234] : memref<2000x2x80xi32, #tpu.memory_space<hbm>> -> memref<1x2x80xi32, #tpu.memory_space<hbm>>
      %dma_wait3A_236 = tpu.memref_squeeze %dma_wait3A_235 : memref<1x2x80xi32, #tpu.memory_space<hbm>> -> memref<2x80xi32, #tpu.memory_space<hbm>>
      %dma_wait3A_237 = arith.constant 0 : i32
      %dma_wait3A_238 = arith.constant 0 : i32
      %dma_wait3A_239 = tpu.memref_slice %arg4[%add3A_232, %dma_wait3A_237, %dma_wait3A_238] : memref<2000x2x80xi32, #tpu.memory_space<hbm>> -> memref<1x2x80xi32, #tpu.memory_space<hbm>>
      %dma_wait3A_240 = tpu.memref_squeeze %dma_wait3A_239 : memref<1x2x80xi32, #tpu.memory_space<hbm>> -> memref<2x80xi32, #tpu.memory_space<hbm>>
      tpu.wait_dma2 semaphore(%arg21 : memref<!tpu.dma_semaphore, #tpu.memory_space<semaphore_mem>>) src(%dma_wait3A_240 : memref<2x80xi32, #tpu.memory_space<hbm>>) dst(%arg7 : memref<2x80xi32, #tpu.memory_space<vmem>>)
      %dma_start3A_241 = arith.constant 0 : i32
      %dma_start3A_242 = arith.constant 0 : i32
      %dma_start3A_243 = tpu.memref_slice %arg7[%dma_start3A_241, %dma_start3A_242] : memref<2x80xi32, #tpu.memory_space<vmem>> -> memref<1x80xi32, #tpu.memory_space<vmem>>
      %dma_start3A_244 = tpu.memref_squeeze %dma_start3A_243 : memref<1x80xi32, #tpu.memory_space<vmem>> -> memref<80xi32, #tpu.memory_space<vmem>>
      %dma_start3A_245 = arith.constant 0 : i32
      %dma_start3A_246 = arith.constant 0 : i32
      %dma_start3A_247 = tpu.memref_slice %arg2[%dma_start3A_245, %dma_start3A_246] : memref<10000x128xf32, #tpu.memory_space<hbm>> -> memref<10000x128xf32, #tpu.memory_space<hbm>>
      tpu.enqueue_indirect_dma source(%dma_start3A_247 : memref<10000x128xf32, #tpu.memory_space<hbm>>) target(%arg12 : memref<80x128xf32, #tpu.memory_space<vmem>>) offsets(%dma_start3A_244 : memref<80xi32, #tpu.memory_space<vmem>>) semaphore(%arg16 : memref<!tpu.dma_semaphore, #tpu.memory_space<semaphore_mem>>)
      %dma_wait3A_248 = arith.constant 0 : i32
      %dma_wait3A_249 = arith.constant 0 : i32
      %dma_wait3A_250 = tpu.memref_slice %arg10[%dma_wait3A_248, %dma_wait3A_249] : memref<2x80xi32, #tpu.memory_space<vmem>> -> memref<1x80xi32, #tpu.memory_space<vmem>>
      %dma_wait3A_251 = tpu.memref_squeeze %dma_wait3A_250 : memref<1x80xi32, #tpu.memory_space<vmem>> -> memref<80xi32, #tpu.memory_space<vmem>>
      %dma_wait3A_252 = arith.constant 0 : i32
      %dma_wait3A_253 = arith.constant 0 : i32
      %dma_wait3A_254 = tpu.memref_slice %arg2[%dma_wait3A_252, %dma_wait3A_253] : memref<10000x128xf32, #tpu.memory_space<hbm>> -> memref<10000x128xf32, #tpu.memory_space<hbm>>
      tpu.wait_indirect_dma semaphore(%arg15 : memref<!tpu.dma_semaphore, #tpu.memory_space<semaphore_mem>>) src(%dma_wait3A_254 : memref<10000x128xf32, #tpu.memory_space<hbm>>) dst(%arg11 : memref<80x128xf32, #tpu.memory_space<vmem>>)
      %dma_start3A_255 = arith.constant 1 : i32
      %dma_start3A_256 = arith.constant 0 : i32
      %dma_start3A_257 = tpu.memref_slice %arg10[%dma_start3A_255, %dma_start3A_256] : memref<2x80xi32, #tpu.memory_space<vmem>> -> memref<1x80xi32, #tpu.memory_space<vmem>>
      %dma_start3A_258 = tpu.memref_squeeze %dma_start3A_257 : memref<1x80xi32, #tpu.memory_space<vmem>> -> memref<80xi32, #tpu.memory_space<vmem>>
      %dma_start3A_259 = arith.constant 0 : i32
      %dma_start3A_260 = arith.constant 0 : i32
      %dma_start3A_261 = tpu.memref_slice %arg14[%dma_start3A_259, %dma_start3A_260] : memref<10240x128xf32, #tpu.memory_space<vmem_shared>> -> memref<10240x128xf32, #tpu.memory_space<vmem_shared>>
      tpu.enqueue_indirect_dma source(%arg11 : memref<80x128xf32, #tpu.memory_space<vmem>>) target(%dma_start3A_261 : memref<10240x128xf32, #tpu.memory_space<vmem_shared>>) offsets(%dma_start3A_258 : memref<80xi32, #tpu.memory_space<vmem>>) semaphore(%arg18 : memref<!tpu.dma_semaphore, #tpu.memory_space<semaphore_mem>>) {add = true}
      %dma_wait3A_262 = arith.constant 1 : i32
      %dma_wait3A_263 = arith.constant 0 : i32
      %dma_wait3A_264 = tpu.memref_slice %arg9[%dma_wait3A_262, %dma_wait3A_263] : memref<2x80xi32, #tpu.memory_space<vmem>> -> memref<1x80xi32, #tpu.memory_space<vmem>>
      %dma_wait3A_265 = tpu.memref_squeeze %dma_wait3A_264 : memref<1x80xi32, #tpu.memory_space<vmem>> -> memref<80xi32, #tpu.memory_space<vmem>>
      %dma_wait3A_266 = arith.constant 0 : i32
      %dma_wait3A_267 = arith.constant 0 : i32
      %dma_wait3A_268 = tpu.memref_slice %arg14[%dma_wait3A_266, %dma_wait3A_267] : memref<10240x128xf32, #tpu.memory_space<vmem_shared>> -> memref<10240x128xf32, #tpu.memory_space<vmem_shared>>
      tpu.wait_indirect_dma semaphore(%arg20 : memref<!tpu.dma_semaphore, #tpu.memory_space<semaphore_mem>>) src(%arg13 : memref<80x128xf32, #tpu.memory_space<vmem>>) dst(%dma_wait3A_268 : memref<10240x128xf32, #tpu.memory_space<vmem_shared>>)
      %dma_wait3A_269 = arith.constant 0 : i32
      %dma_wait3A_270 = arith.constant 0 : i32
      %dma_wait3A_271 = tpu.memref_slice %arg7[%dma_wait3A_269, %dma_wait3A_270] : memref<2x80xi32, #tpu.memory_space<vmem>> -> memref<1x80xi32, #tpu.memory_space<vmem>>
      %dma_wait3A_272 = tpu.memref_squeeze %dma_wait3A_271 : memref<1x80xi32, #tpu.memory_space<vmem>> -> memref<80xi32, #tpu.memory_space<vmem>>
      %dma_wait3A_273 = arith.constant 0 : i32
      %dma_wait3A_274 = arith.constant 0 : i32
      %dma_wait3A_275 = tpu.memref_slice %arg2[%dma_wait3A_273, %dma_wait3A_274] : memref<10000x128xf32, #tpu.memory_space<hbm>> -> memref<10000x128xf32, #tpu.memory_space<hbm>>
      tpu.wait_indirect_dma semaphore(%arg16 : memref<!tpu.dma_semaphore, #tpu.memory_space<semaphore_mem>>) src(%dma_wait3A_275 : memref<10000x128xf32, #tpu.memory_space<hbm>>) dst(%arg12 : memref<80x128xf32, #tpu.memory_space<vmem>>)
      %dma_start3A_276 = arith.constant 1 : i32
      %dma_start3A_277 = arith.constant 0 : i32
      %dma_start3A_278 = tpu.memref_slice %arg7[%dma_start3A_276, %dma_start3A_277] : memref<2x80xi32, #tpu.memory_space<vmem>> -> memref<1x80xi32, #tpu.memory_space<vmem>>
      %dma_start3A_279 = tpu.memref_squeeze %dma_start3A_278 : memref<1x80xi32, #tpu.memory_space<vmem>> -> memref<80xi32, #tpu.memory_space<vmem>>
      %dma_start3A_280 = arith.constant 0 : i32
      %dma_start3A_281 = arith.constant 0 : i32
      %dma_start3A_282 = tpu.memref_slice %arg14[%dma_start3A_280, %dma_start3A_281] : memref<10240x128xf32, #tpu.memory_space<vmem_shared>> -> memref<10240x128xf32, #tpu.memory_space<vmem_shared>>
      tpu.enqueue_indirect_dma source(%arg12 : memref<80x128xf32, #tpu.memory_space<vmem>>) target(%dma_start3A_282 : memref<10240x128xf32, #tpu.memory_space<vmem_shared>>) offsets(%dma_start3A_279 : memref<80xi32, #tpu.memory_space<vmem>>) semaphore(%arg19 : memref<!tpu.dma_semaphore, #tpu.memory_space<semaphore_mem>>) {add = true}
      %dma_wait3A_283 = arith.constant 1 : i32
      %dma_wait3A_284 = arith.constant 0 : i32
      %dma_wait3A_285 = tpu.memref_slice %arg10[%dma_wait3A_283, %dma_wait3A_284] : memref<2x80xi32, #tpu.memory_space<vmem>> -> memref<1x80xi32, #tpu.memory_space<vmem>>
      %dma_wait3A_286 = tpu.memref_squeeze %dma_wait3A_285 : memref<1x80xi32, #tpu.memory_space<vmem>> -> memref<80xi32, #tpu.memory_space<vmem>>
      %dma_wait3A_287 = arith.constant 0 : i32
      %dma_wait3A_288 = arith.constant 0 : i32
      %dma_wait3A_289 = tpu.memref_slice %arg14[%dma_wait3A_287, %dma_wait3A_288] : memref<10240x128xf32, #tpu.memory_space<vmem_shared>> -> memref<10240x128xf32, #tpu.memory_space<vmem_shared>>
      tpu.wait_indirect_dma semaphore(%arg18 : memref<!tpu.dma_semaphore, #tpu.memory_space<semaphore_mem>>) src(%arg11 : memref<80x128xf32, #tpu.memory_space<vmem>>) dst(%dma_wait3A_289 : memref<10240x128xf32, #tpu.memory_space<vmem_shared>>)
      %dma_wait3A_290 = arith.constant 1 : i32
      %dma_wait3A_291 = arith.constant 0 : i32
      %dma_wait3A_292 = tpu.memref_slice %arg7[%dma_wait3A_290, %dma_wait3A_291] : memref<2x80xi32, #tpu.memory_space<vmem>> -> memref<1x80xi32, #tpu.memory_space<vmem>>
      %dma_wait3A_293 = tpu.memref_squeeze %dma_wait3A_292 : memref<1x80xi32, #tpu.memory_space<vmem>> -> memref<80xi32, #tpu.memory_space<vmem>>
      %dma_wait3A_294 = arith.constant 0 : i32
      %dma_wait3A_295 = arith.constant 0 : i32
      %dma_wait3A_296 = tpu.memref_slice %arg14[%dma_wait3A_294, %dma_wait3A_295] : memref<10240x128xf32, #tpu.memory_space<vmem_shared>> -> memref<10240x128xf32, #tpu.memory_space<vmem_shared>>
      tpu.wait_indirect_dma semaphore(%arg19 : memref<!tpu.dma_semaphore, #tpu.memory_space<semaphore_mem>>) src(%arg12 : memref<80x128xf32, #tpu.memory_space<vmem>>) dst(%dma_wait3A_296 : memref<10240x128xf32, #tpu.memory_space<vmem_shared>>)
    } else {
    }
    %eq3A_17 = arith.constant 1 : i32
    %eq3A_18 = arith.cmpi eq, %arg0, %eq3A_17 : i32
    %convert_element_type3A_19 = arith.extui %eq3A_18 : i1 to i32
    %cond3A_20 = arith.constant 0 : i32
    %cond3A_21 = arith.cmpi ne, %convert_element_type3A_19, %cond3A_20 : i32
    scf.if %cond3A_21 {
      %mul3A_33 = arith.constant 125 : i32
      %mul3A_34 = arith.muli %arg1, %mul3A_33 : i32
      %add3A = arith.constant 0 : i32
      %add3A_35 = arith.addi %mul3A_34, %add3A : i32
      %dma_start3A = arith.constant 0 : i32
      %dma_start3A_36 = arith.constant 0 : i32
      %dma_start3A_37 = tpu.memref_slice %arg4[%add3A_35, %dma_start3A, %dma_start3A_36] : memref<2000x2x80xi32, #tpu.memory_space<hbm>> -> memref<1x2x80xi32, #tpu.memory_space<hbm>>
      %dma_start3A_38 = tpu.memref_squeeze %dma_start3A_37 : memref<1x2x80xi32, #tpu.memory_space<hbm>> -> memref<2x80xi32, #tpu.memory_space<hbm>>
      %dma_start3A_39 = arith.constant 0 : i32
      %dma_start3A_40 = arith.constant 0 : i32
      %dma_start3A_41 = tpu.memref_slice %arg4[%add3A_35, %dma_start3A_39, %dma_start3A_40] : memref<2000x2x80xi32, #tpu.memory_space<hbm>> -> memref<1x2x80xi32, #tpu.memory_space<hbm>>
      %dma_start3A_42 = tpu.memref_squeeze %dma_start3A_41 : memref<1x2x80xi32, #tpu.memory_space<hbm>> -> memref<2x80xi32, #tpu.memory_space<hbm>>
      tpu.enqueue_dma source(%dma_start3A_42 : memref<2x80xi32, #tpu.memory_space<hbm>>) target(%arg7 : memref<2x80xi32, #tpu.memory_space<vmem>>) target_semaphore(%arg21 : memref<!tpu.dma_semaphore, #tpu.memory_space<semaphore_mem>>)
      %mul3A_43 = arith.constant 125 : i32
      %mul3A_44 = arith.muli %arg1, %mul3A_43 : i32
      %add3A_45 = arith.constant 1 : i32
      %add3A_46 = arith.addi %mul3A_44, %add3A_45 : i32
      %dma_start3A_47 = arith.constant 0 : i32
      %dma_start3A_48 = arith.constant 0 : i32
      %dma_start3A_49 = tpu.memref_slice %arg4[%add3A_46, %dma_start3A_47, %dma_start3A_48] : memref<2000x2x80xi32, #tpu.memory_space<hbm>> -> memref<1x2x80xi32, #tpu.memory_space<hbm>>
      %dma_start3A_50 = tpu.memref_squeeze %dma_start3A_49 : memref<1x2x80xi32, #tpu.memory_space<hbm>> -> memref<2x80xi32, #tpu.memory_space<hbm>>
      %dma_start3A_51 = arith.constant 0 : i32
      %dma_start3A_52 = arith.constant 0 : i32
      %dma_start3A_53 = tpu.memref_slice %arg4[%add3A_46, %dma_start3A_51, %dma_start3A_52] : memref<2000x2x80xi32, #tpu.memory_space<hbm>> -> memref<1x2x80xi32, #tpu.memory_space<hbm>>
      %dma_start3A_54 = tpu.memref_squeeze %dma_start3A_53 : memref<1x2x80xi32, #tpu.memory_space<hbm>> -> memref<2x80xi32, #tpu.memory_space<hbm>>
      tpu.enqueue_dma source(%dma_start3A_54 : memref<2x80xi32, #tpu.memory_space<hbm>>) target(%arg8 : memref<2x80xi32, #tpu.memory_space<vmem>>) target_semaphore(%arg22 : memref<!tpu.dma_semaphore, #tpu.memory_space<semaphore_mem>>)
      %mul3A_55 = arith.constant 125 : i32
      %mul3A_56 = arith.muli %arg1, %mul3A_55 : i32
      %add3A_57 = arith.constant 0 : i32
      %add3A_58 = arith.addi %mul3A_56, %add3A_57 : i32
      %dma_wait3A = arith.constant 0 : i32
      %dma_wait3A_59 = arith.constant 0 : i32
      %dma_wait3A_60 = tpu.memref_slice %arg4[%add3A_58, %dma_wait3A, %dma_wait3A_59] : memref<2000x2x80xi32, #tpu.memory_space<hbm>> -> memref<1x2x80xi32, #tpu.memory_space<hbm>>
      %dma_wait3A_61 = tpu.memref_squeeze %dma_wait3A_60 : memref<1x2x80xi32, #tpu.memory_space<hbm>> -> memref<2x80xi32, #tpu.memory_space<hbm>>
      %dma_wait3A_62 = arith.constant 0 : i32
      %dma_wait3A_63 = arith.constant 0 : i32
      %dma_wait3A_64 = tpu.memref_slice %arg4[%add3A_58, %dma_wait3A_62, %dma_wait3A_63] : memref<2000x2x80xi32, #tpu.memory_space<hbm>> -> memref<1x2x80xi32, #tpu.memory_space<hbm>>
      %dma_wait3A_65 = tpu.memref_squeeze %dma_wait3A_64 : memref<1x2x80xi32, #tpu.memory_space<hbm>> -> memref<2x80xi32, #tpu.memory_space<hbm>>
      tpu.wait_dma2 semaphore(%arg21 : memref<!tpu.dma_semaphore, #tpu.memory_space<semaphore_mem>>) src(%dma_wait3A_65 : memref<2x80xi32, #tpu.memory_space<hbm>>) dst(%arg7 : memref<2x80xi32, #tpu.memory_space<vmem>>)
      %dma_start3A_66 = arith.constant 0 : i32
      %dma_start3A_67 = arith.constant 0 : i32
      %dma_start3A_68 = tpu.memref_slice %arg7[%dma_start3A_66, %dma_start3A_67] : memref<2x80xi32, #tpu.memory_space<vmem>> -> memref<1x80xi32, #tpu.memory_space<vmem>>
      %dma_start3A_69 = tpu.memref_squeeze %dma_start3A_68 : memref<1x80xi32, #tpu.memory_space<vmem>> -> memref<80xi32, #tpu.memory_space<vmem>>
      %dma_start3A_70 = arith.constant 0 : i32
      %dma_start3A_71 = arith.constant 0 : i32
      %dma_start3A_72 = tpu.memref_slice %arg3[%dma_start3A_70, %dma_start3A_71] : memref<10000x128xf32, #tpu.memory_space<hbm>> -> memref<10000x128xf32, #tpu.memory_space<hbm>>
      tpu.enqueue_indirect_dma source(%dma_start3A_72 : memref<10000x128xf32, #tpu.memory_space<hbm>>) target(%arg11 : memref<80x128xf32, #tpu.memory_space<vmem>>) offsets(%dma_start3A_69 : memref<80xi32, #tpu.memory_space<vmem>>) semaphore(%arg15 : memref<!tpu.dma_semaphore, #tpu.memory_space<semaphore_mem>>)
      %mul3A_73 = arith.constant 125 : i32
      %mul3A_74 = arith.muli %arg1, %mul3A_73 : i32
      %add3A_75 = arith.constant 1 : i32
      %add3A_76 = arith.addi %mul3A_74, %add3A_75 : i32
      %dma_wait3A_77 = arith.constant 0 : i32
      %dma_wait3A_78 = arith.constant 0 : i32
      %dma_wait3A_79 = tpu.memref_slice %arg4[%add3A_76, %dma_wait3A_77, %dma_wait3A_78] : memref<2000x2x80xi32, #tpu.memory_space<hbm>> -> memref<1x2x80xi32, #tpu.memory_space<hbm>>
      %dma_wait3A_80 = tpu.memref_squeeze %dma_wait3A_79 : memref<1x2x80xi32, #tpu.memory_space<hbm>> -> memref<2x80xi32, #tpu.memory_space<hbm>>
      %dma_wait3A_81 = arith.constant 0 : i32
      %dma_wait3A_82 = arith.constant 0 : i32
      %dma_wait3A_83 = tpu.memref_slice %arg4[%add3A_76, %dma_wait3A_81, %dma_wait3A_82] : memref<2000x2x80xi32, #tpu.memory_space<hbm>> -> memref<1x2x80xi32, #tpu.memory_space<hbm>>
      %dma_wait3A_84 = tpu.memref_squeeze %dma_wait3A_83 : memref<1x2x80xi32, #tpu.memory_space<hbm>> -> memref<2x80xi32, #tpu.memory_space<hbm>>
      tpu.wait_dma2 semaphore(%arg22 : memref<!tpu.dma_semaphore, #tpu.memory_space<semaphore_mem>>) src(%dma_wait3A_84 : memref<2x80xi32, #tpu.memory_space<hbm>>) dst(%arg8 : memref<2x80xi32, #tpu.memory_space<vmem>>)
      %dma_start3A_85 = arith.constant 0 : i32
      %dma_start3A_86 = arith.constant 0 : i32
      %dma_start3A_87 = tpu.memref_slice %arg8[%dma_start3A_85, %dma_start3A_86] : memref<2x80xi32, #tpu.memory_space<vmem>> -> memref<1x80xi32, #tpu.memory_space<vmem>>
      %dma_start3A_88 = tpu.memref_squeeze %dma_start3A_87 : memref<1x80xi32, #tpu.memory_space<vmem>> -> memref<80xi32, #tpu.memory_space<vmem>>
      %dma_start3A_89 = arith.constant 0 : i32
      %dma_start3A_90 = arith.constant 0 : i32
      %dma_start3A_91 = tpu.memref_slice %arg3[%dma_start3A_89, %dma_start3A_90] : memref<10000x128xf32, #tpu.memory_space<hbm>> -> memref<10000x128xf32, #tpu.memory_space<hbm>>
      tpu.enqueue_indirect_dma source(%dma_start3A_91 : memref<10000x128xf32, #tpu.memory_space<hbm>>) target(%arg12 : memref<80x128xf32, #tpu.memory_space<vmem>>) offsets(%dma_start3A_88 : memref<80xi32, #tpu.memory_space<vmem>>) semaphore(%arg16 : memref<!tpu.dma_semaphore, #tpu.memory_space<semaphore_mem>>)
      %mul3A_92 = arith.constant 125 : i32
      %mul3A_93 = arith.muli %arg1, %mul3A_92 : i32
      %add3A_94 = arith.constant 2 : i32
      %add3A_95 = arith.addi %mul3A_93, %add3A_94 : i32
      %dma_start3A_96 = arith.constant 0 : i32
      %dma_start3A_97 = arith.constant 0 : i32
      %dma_start3A_98 = tpu.memref_slice %arg4[%add3A_95, %dma_start3A_96, %dma_start3A_97] : memref<2000x2x80xi32, #tpu.memory_space<hbm>> -> memref<1x2x80xi32, #tpu.memory_space<hbm>>
      %dma_start3A_99 = tpu.memref_squeeze %dma_start3A_98 : memref<1x2x80xi32, #tpu.memory_space<hbm>> -> memref<2x80xi32, #tpu.memory_space<hbm>>
      %dma_start3A_100 = arith.constant 0 : i32
      %dma_start3A_101 = arith.constant 0 : i32
      %dma_start3A_102 = tpu.memref_slice %arg4[%add3A_95, %dma_start3A_100, %dma_start3A_101] : memref<2000x2x80xi32, #tpu.memory_space<hbm>> -> memref<1x2x80xi32, #tpu.memory_space<hbm>>
      %dma_start3A_103 = tpu.memref_squeeze %dma_start3A_102 : memref<1x2x80xi32, #tpu.memory_space<hbm>> -> memref<2x80xi32, #tpu.memory_space<hbm>>
      tpu.enqueue_dma source(%dma_start3A_103 : memref<2x80xi32, #tpu.memory_space<hbm>>) target(%arg9 : memref<2x80xi32, #tpu.memory_space<vmem>>) target_semaphore(%arg23 : memref<!tpu.dma_semaphore, #tpu.memory_space<semaphore_mem>>)
      %dma_wait3A_104 = arith.constant 0 : i32
      %dma_wait3A_105 = arith.constant 0 : i32
      %dma_wait3A_106 = tpu.memref_slice %arg7[%dma_wait3A_104, %dma_wait3A_105] : memref<2x80xi32, #tpu.memory_space<vmem>> -> memref<1x80xi32, #tpu.memory_space<vmem>>
      %dma_wait3A_107 = tpu.memref_squeeze %dma_wait3A_106 : memref<1x80xi32, #tpu.memory_space<vmem>> -> memref<80xi32, #tpu.memory_space<vmem>>
      %dma_wait3A_108 = arith.constant 0 : i32
      %dma_wait3A_109 = arith.constant 0 : i32
      %dma_wait3A_110 = tpu.memref_slice %arg3[%dma_wait3A_108, %dma_wait3A_109] : memref<10000x128xf32, #tpu.memory_space<hbm>> -> memref<10000x128xf32, #tpu.memory_space<hbm>>
      tpu.wait_indirect_dma semaphore(%arg15 : memref<!tpu.dma_semaphore, #tpu.memory_space<semaphore_mem>>) src(%dma_wait3A_110 : memref<10000x128xf32, #tpu.memory_space<hbm>>) dst(%arg11 : memref<80x128xf32, #tpu.memory_space<vmem>>)
      %dma_start3A_111 = arith.constant 1 : i32
      %dma_start3A_112 = arith.constant 0 : i32
      %dma_start3A_113 = tpu.memref_slice %arg7[%dma_start3A_111, %dma_start3A_112] : memref<2x80xi32, #tpu.memory_space<vmem>> -> memref<1x80xi32, #tpu.memory_space<vmem>>
      %dma_start3A_114 = tpu.memref_squeeze %dma_start3A_113 : memref<1x80xi32, #tpu.memory_space<vmem>> -> memref<80xi32, #tpu.memory_space<vmem>>
      %dma_start3A_115 = arith.constant 0 : i32
      %dma_start3A_116 = arith.constant 0 : i32
      %dma_start3A_117 = tpu.memref_slice %arg14[%dma_start3A_115, %dma_start3A_116] : memref<10240x128xf32, #tpu.memory_space<vmem_shared>> -> memref<10240x128xf32, #tpu.memory_space<vmem_shared>>
      tpu.enqueue_indirect_dma source(%arg11 : memref<80x128xf32, #tpu.memory_space<vmem>>) target(%dma_start3A_117 : memref<10240x128xf32, #tpu.memory_space<vmem_shared>>) offsets(%dma_start3A_114 : memref<80xi32, #tpu.memory_space<vmem>>) semaphore(%arg18 : memref<!tpu.dma_semaphore, #tpu.memory_space<semaphore_mem>>) {add = true}
      %mul3A_118 = arith.constant 125 : i32
      %mul3A_119 = arith.muli %arg1, %mul3A_118 : i32
      %add3A_120 = arith.constant 2 : i32
      %add3A_121 = arith.addi %mul3A_119, %add3A_120 : i32
      %dma_wait3A_122 = arith.constant 0 : i32
      %dma_wait3A_123 = arith.constant 0 : i32
      %dma_wait3A_124 = tpu.memref_slice %arg4[%add3A_121, %dma_wait3A_122, %dma_wait3A_123] : memref<2000x2x80xi32, #tpu.memory_space<hbm>> -> memref<1x2x80xi32, #tpu.memory_space<hbm>>
      %dma_wait3A_125 = tpu.memref_squeeze %dma_wait3A_124 : memref<1x2x80xi32, #tpu.memory_space<hbm>> -> memref<2x80xi32, #tpu.memory_space<hbm>>
      %dma_wait3A_126 = arith.constant 0 : i32
      %dma_wait3A_127 = arith.constant 0 : i32
      %dma_wait3A_128 = tpu.memref_slice %arg4[%add3A_121, %dma_wait3A_126, %dma_wait3A_127] : memref<2000x2x80xi32, #tpu.memory_space<hbm>> -> memref<1x2x80xi32, #tpu.memory_space<hbm>>
      %dma_wait3A_129 = tpu.memref_squeeze %dma_wait3A_128 : memref<1x2x80xi32, #tpu.memory_space<hbm>> -> memref<2x80xi32, #tpu.memory_space<hbm>>
      tpu.wait_dma2 semaphore(%arg23 : memref<!tpu.dma_semaphore, #tpu.memory_space<semaphore_mem>>) src(%dma_wait3A_129 : memref<2x80xi32, #tpu.memory_space<hbm>>) dst(%arg9 : memref<2x80xi32, #tpu.memory_space<vmem>>)
      %dma_start3A_130 = arith.constant 0 : i32
      %dma_start3A_131 = arith.constant 0 : i32
      %dma_start3A_132 = tpu.memref_slice %arg9[%dma_start3A_130, %dma_start3A_131] : memref<2x80xi32, #tpu.memory_space<vmem>> -> memref<1x80xi32, #tpu.memory_space<vmem>>
      %dma_start3A_133 = tpu.memref_squeeze %dma_start3A_132 : memref<1x80xi32, #tpu.memory_space<vmem>> -> memref<80xi32, #tpu.memory_space<vmem>>
      %dma_start3A_134 = arith.constant 0 : i32
      %dma_start3A_135 = arith.constant 0 : i32
      %dma_start3A_136 = tpu.memref_slice %arg3[%dma_start3A_134, %dma_start3A_135] : memref<10000x128xf32, #tpu.memory_space<hbm>> -> memref<10000x128xf32, #tpu.memory_space<hbm>>
      tpu.enqueue_indirect_dma source(%dma_start3A_136 : memref<10000x128xf32, #tpu.memory_space<hbm>>) target(%arg13 : memref<80x128xf32, #tpu.memory_space<vmem>>) offsets(%dma_start3A_133 : memref<80xi32, #tpu.memory_space<vmem>>) semaphore(%arg17 : memref<!tpu.dma_semaphore, #tpu.memory_space<semaphore_mem>>)
      %mul3A_137 = arith.constant 125 : i32
      %mul3A_138 = arith.muli %arg1, %mul3A_137 : i32
      %add3A_139 = arith.constant 3 : i32
      %add3A_140 = arith.addi %mul3A_138, %add3A_139 : i32
      %dma_start3A_141 = arith.constant 0 : i32
      %dma_start3A_142 = arith.constant 0 : i32
      %dma_start3A_143 = tpu.memref_slice %arg4[%add3A_140, %dma_start3A_141, %dma_start3A_142] : memref<2000x2x80xi32, #tpu.memory_space<hbm>> -> memref<1x2x80xi32, #tpu.memory_space<hbm>>
      %dma_start3A_144 = tpu.memref_squeeze %dma_start3A_143 : memref<1x2x80xi32, #tpu.memory_space<hbm>> -> memref<2x80xi32, #tpu.memory_space<hbm>>
      %dma_start3A_145 = arith.constant 0 : i32
      %dma_start3A_146 = arith.constant 0 : i32
      %dma_start3A_147 = tpu.memref_slice %arg4[%add3A_140, %dma_start3A_145, %dma_start3A_146] : memref<2000x2x80xi32, #tpu.memory_space<hbm>> -> memref<1x2x80xi32, #tpu.memory_space<hbm>>
      %dma_start3A_148 = tpu.memref_squeeze %dma_start3A_147 : memref<1x2x80xi32, #tpu.memory_space<hbm>> -> memref<2x80xi32, #tpu.memory_space<hbm>>
      tpu.enqueue_dma source(%dma_start3A_148 : memref<2x80xi32, #tpu.memory_space<hbm>>) target(%arg10 : memref<2x80xi32, #tpu.memory_space<vmem>>) target_semaphore(%arg24 : memref<!tpu.dma_semaphore, #tpu.memory_space<semaphore_mem>>)
      %dma_wait3A_149 = arith.constant 0 : i32
      %dma_wait3A_150 = arith.constant 0 : i32
      %dma_wait3A_151 = tpu.memref_slice %arg8[%dma_wait3A_149, %dma_wait3A_150] : memref<2x80xi32, #tpu.memory_space<vmem>> -> memref<1x80xi32, #tpu.memory_space<vmem>>
      %dma_wait3A_152 = tpu.memref_squeeze %dma_wait3A_151 : memref<1x80xi32, #tpu.memory_space<vmem>> -> memref<80xi32, #tpu.memory_space<vmem>>
      %dma_wait3A_153 = arith.constant 0 : i32
      %dma_wait3A_154 = arith.constant 0 : i32
      %dma_wait3A_155 = tpu.memref_slice %arg3[%dma_wait3A_153, %dma_wait3A_154] : memref<10000x128xf32, #tpu.memory_space<hbm>> -> memref<10000x128xf32, #tpu.memory_space<hbm>>
      tpu.wait_indirect_dma semaphore(%arg16 : memref<!tpu.dma_semaphore, #tpu.memory_space<semaphore_mem>>) src(%dma_wait3A_155 : memref<10000x128xf32, #tpu.memory_space<hbm>>) dst(%arg12 : memref<80x128xf32, #tpu.memory_space<vmem>>)
      %dma_start3A_156 = arith.constant 1 : i32
      %dma_start3A_157 = arith.constant 0 : i32
      %dma_start3A_158 = tpu.memref_slice %arg8[%dma_start3A_156, %dma_start3A_157] : memref<2x80xi32, #tpu.memory_space<vmem>> -> memref<1x80xi32, #tpu.memory_space<vmem>>
      %dma_start3A_159 = tpu.memref_squeeze %dma_start3A_158 : memref<1x80xi32, #tpu.memory_space<vmem>> -> memref<80xi32, #tpu.memory_space<vmem>>
      %dma_start3A_160 = arith.constant 0 : i32
      %dma_start3A_161 = arith.constant 0 : i32
      %dma_start3A_162 = tpu.memref_slice %arg14[%dma_start3A_160, %dma_start3A_161] : memref<10240x128xf32, #tpu.memory_space<vmem_shared>> -> memref<10240x128xf32, #tpu.memory_space<vmem_shared>>
      tpu.enqueue_indirect_dma source(%arg12 : memref<80x128xf32, #tpu.memory_space<vmem>>) target(%dma_start3A_162 : memref<10240x128xf32, #tpu.memory_space<vmem_shared>>) offsets(%dma_start3A_159 : memref<80xi32, #tpu.memory_space<vmem>>) semaphore(%arg19 : memref<!tpu.dma_semaphore, #tpu.memory_space<semaphore_mem>>) {add = true}
      %scan3A_163 = arith.constant 0 : i32
      %scan3A_164 = arith.constant 0 : i32
      %scan3A_165 = arith.constant 10 : i32
      %scan3A_166 = arith.addi %scan3A_164, %scan3A_165 : i32
      %scan3A_167 = arith.constant 1 : i32
      %scan3A_168 = scf.for %scan3A_297 = %scan3A_164 to %scan3A_166 step %scan3A_167 iter_args(%scan3A_298 = %scan3A_163) -> (i32)  : i32 {
        %mul3A_299 = arith.constant 12 : i32
        %mul3A_300 = arith.muli %mul3A_299, %scan3A_297 : i32
        %add3A_301 = arith.constant 2 : i32
        %add3A_302 = arith.addi %mul3A_300, %add3A_301 : i32
        %add3A_303 = arith.constant 0 : i32
        %add3A_304 = arith.addi %add3A_302, %add3A_303 : i32
        %sub3A = arith.constant 2 : i32
        %sub3A_305 = arith.subi %add3A_304, %sub3A : i32
        %dma_wait3A_306 = arith.constant 1 : i32
        %dma_wait3A_307 = arith.constant 0 : i32
        %dma_wait3A_308 = tpu.memref_slice %arg7[%dma_wait3A_306, %dma_wait3A_307] : memref<2x80xi32, #tpu.memory_space<vmem>> -> memref<1x80xi32, #tpu.memory_space<vmem>>
        %dma_wait3A_309 = tpu.memref_squeeze %dma_wait3A_308 : memref<1x80xi32, #tpu.memory_space<vmem>> -> memref<80xi32, #tpu.memory_space<vmem>>
        %dma_wait3A_310 = arith.constant 0 : i32
        %dma_wait3A_311 = arith.constant 0 : i32
        %dma_wait3A_312 = tpu.memref_slice %arg14[%dma_wait3A_310, %dma_wait3A_311] : memref<10240x128xf32, #tpu.memory_space<vmem_shared>> -> memref<10240x128xf32, #tpu.memory_space<vmem_shared>>
        tpu.wait_indirect_dma semaphore(%arg18 : memref<!tpu.dma_semaphore, #tpu.memory_space<semaphore_mem>>) src(%arg11 : memref<80x128xf32, #tpu.memory_space<vmem>>) dst(%dma_wait3A_312 : memref<10240x128xf32, #tpu.memory_space<vmem_shared>>)
        %add3A_313 = arith.constant 1 : i32
        %add3A_314 = arith.addi %add3A_304, %add3A_313 : i32
        %mul3A_315 = arith.constant 125 : i32
        %mul3A_316 = arith.muli %arg1, %mul3A_315 : i32
        %add3A_317 = arith.addi %mul3A_316, %add3A_314 : i32
        %dma_wait3A_318 = arith.constant 0 : i32
        %dma_wait3A_319 = arith.constant 0 : i32
        %dma_wait3A_320 = tpu.memref_slice %arg4[%add3A_317, %dma_wait3A_318, %dma_wait3A_319] : memref<2000x2x80xi32, #tpu.memory_space<hbm>> -> memref<1x2x80xi32, #tpu.memory_space<hbm>>
        %dma_wait3A_321 = tpu.memref_squeeze %dma_wait3A_320 : memref<1x2x80xi32, #tpu.memory_space<hbm>> -> memref<2x80xi32, #tpu.memory_space<hbm>>
        %dma_wait3A_322 = arith.constant 0 : i32
        %dma_wait3A_323 = arith.constant 0 : i32
        %dma_wait3A_324 = tpu.memref_slice %arg4[%add3A_317, %dma_wait3A_322, %dma_wait3A_323] : memref<2000x2x80xi32, #tpu.memory_space<hbm>> -> memref<1x2x80xi32, #tpu.memory_space<hbm>>
        %dma_wait3A_325 = tpu.memref_squeeze %dma_wait3A_324 : memref<1x2x80xi32, #tpu.memory_space<hbm>> -> memref<2x80xi32, #tpu.memory_space<hbm>>
        tpu.wait_dma2 semaphore(%arg24 : memref<!tpu.dma_semaphore, #tpu.memory_space<semaphore_mem>>) src(%dma_wait3A_325 : memref<2x80xi32, #tpu.memory_space<hbm>>) dst(%arg10 : memref<2x80xi32, #tpu.memory_space<vmem>>)
        %add3A_326 = arith.constant 1 : i32
        %add3A_327 = arith.addi %add3A_304, %add3A_326 : i32
        %dma_start3A_328 = arith.constant 0 : i32
        %dma_start3A_329 = arith.constant 0 : i32
        %dma_start3A_330 = tpu.memref_slice %arg10[%dma_start3A_328, %dma_start3A_329] : memref<2x80xi32, #tpu.memory_space<vmem>> -> memref<1x80xi32, #tpu.memory_space<vmem>>
        %dma_start3A_331 = tpu.memref_squeeze %dma_start3A_330 : memref<1x80xi32, #tpu.memory_space<vmem>> -> memref<80xi32, #tpu.memory_space<vmem>>
        %dma_start3A_332 = arith.constant 0 : i32
        %dma_start3A_333 = arith.constant 0 : i32
        %dma_start3A_334 = tpu.memref_slice %arg3[%dma_start3A_332, %dma_start3A_333] : memref<10000x128xf32, #tpu.memory_space<hbm>> -> memref<10000x128xf32, #tpu.memory_space<hbm>>
        tpu.enqueue_indirect_dma source(%dma_start3A_334 : memref<10000x128xf32, #tpu.memory_space<hbm>>) target(%arg11 : memref<80x128xf32, #tpu.memory_space<vmem>>) offsets(%dma_start3A_331 : memref<80xi32, #tpu.memory_space<vmem>>) semaphore(%arg15 : memref<!tpu.dma_semaphore, #tpu.memory_space<semaphore_mem>>)
        %add3A_335 = arith.constant 2 : i32
        %add3A_336 = arith.addi %add3A_304, %add3A_335 : i32
        %mul3A_337 = arith.constant 125 : i32
        %mul3A_338 = arith.muli %arg1, %mul3A_337 : i32
        %add3A_339 = arith.addi %mul3A_338, %add3A_336 : i32
        %dma_start3A_340 = arith.constant 0 : i32
        %dma_start3A_341 = arith.constant 0 : i32
        %dma_start3A_342 = tpu.memref_slice %arg4[%add3A_339, %dma_start3A_340, %dma_start3A_341] : memref<2000x2x80xi32, #tpu.memory_space<hbm>> -> memref<1x2x80xi32, #tpu.memory_space<hbm>>
        %dma_start3A_343 = tpu.memref_squeeze %dma_start3A_342 : memref<1x2x80xi32, #tpu.memory_space<hbm>> -> memref<2x80xi32, #tpu.memory_space<hbm>>
        %dma_start3A_344 = arith.constant 0 : i32
        %dma_start3A_345 = arith.constant 0 : i32
        %dma_start3A_346 = tpu.memref_slice %arg4[%add3A_339, %dma_start3A_344, %dma_start3A_345] : memref<2000x2x80xi32, #tpu.memory_space<hbm>> -> memref<1x2x80xi32, #tpu.memory_space<hbm>>
        %dma_start3A_347 = tpu.memref_squeeze %dma_start3A_346 : memref<1x2x80xi32, #tpu.memory_space<hbm>> -> memref<2x80xi32, #tpu.memory_space<hbm>>
        tpu.enqueue_dma source(%dma_start3A_347 : memref<2x80xi32, #tpu.memory_space<hbm>>) target(%arg7 : memref<2x80xi32, #tpu.memory_space<vmem>>) target_semaphore(%arg21 : memref<!tpu.dma_semaphore, #tpu.memory_space<semaphore_mem>>)
        %dma_wait3A_348 = arith.constant 0 : i32
        %dma_wait3A_349 = arith.constant 0 : i32
        %dma_wait3A_350 = tpu.memref_slice %arg9[%dma_wait3A_348, %dma_wait3A_349] : memref<2x80xi32, #tpu.memory_space<vmem>> -> memref<1x80xi32, #tpu.memory_space<vmem>>
        %dma_wait3A_351 = tpu.memref_squeeze %dma_wait3A_350 : memref<1x80xi32, #tpu.memory_space<vmem>> -> memref<80xi32, #tpu.memory_space<vmem>>
        %dma_wait3A_352 = arith.constant 0 : i32
        %dma_wait3A_353 = arith.constant 0 : i32
        %dma_wait3A_354 = tpu.memref_slice %arg3[%dma_wait3A_352, %dma_wait3A_353] : memref<10000x128xf32, #tpu.memory_space<hbm>> -> memref<10000x128xf32, #tpu.memory_space<hbm>>
        tpu.wait_indirect_dma semaphore(%arg17 : memref<!tpu.dma_semaphore, #tpu.memory_space<semaphore_mem>>) src(%dma_wait3A_354 : memref<10000x128xf32, #tpu.memory_space<hbm>>) dst(%arg13 : memref<80x128xf32, #tpu.memory_space<vmem>>)
        %dma_start3A_355 = arith.constant 1 : i32
        %dma_start3A_356 = arith.constant 0 : i32
        %dma_start3A_357 = tpu.memref_slice %arg9[%dma_start3A_355, %dma_start3A_356] : memref<2x80xi32, #tpu.memory_space<vmem>> -> memref<1x80xi32, #tpu.memory_space<vmem>>
        %dma_start3A_358 = tpu.memref_squeeze %dma_start3A_357 : memref<1x80xi32, #tpu.memory_space<vmem>> -> memref<80xi32, #tpu.memory_space<vmem>>
        %dma_start3A_359 = arith.constant 0 : i32
        %dma_start3A_360 = arith.constant 0 : i32
        %dma_start3A_361 = tpu.memref_slice %arg14[%dma_start3A_359, %dma_start3A_360] : memref<10240x128xf32, #tpu.memory_space<vmem_shared>> -> memref<10240x128xf32, #tpu.memory_space<vmem_shared>>
        tpu.enqueue_indirect_dma source(%arg13 : memref<80x128xf32, #tpu.memory_space<vmem>>) target(%dma_start3A_361 : memref<10240x128xf32, #tpu.memory_space<vmem_shared>>) offsets(%dma_start3A_358 : memref<80xi32, #tpu.memory_space<vmem>>) semaphore(%arg20 : memref<!tpu.dma_semaphore, #tpu.memory_space<semaphore_mem>>) {add = true}
        %mul3A_362 = arith.constant 12 : i32
        %mul3A_363 = arith.muli %mul3A_362, %scan3A_297 : i32
        %add3A_364 = arith.constant 2 : i32
        %add3A_365 = arith.addi %mul3A_363, %add3A_364 : i32
        %add3A_366 = arith.constant 1 : i32
        %add3A_367 = arith.addi %add3A_365, %add3A_366 : i32
        %sub3A_368 = arith.constant 2 : i32
        %sub3A_369 = arith.subi %add3A_367, %sub3A_368 : i32
        %dma_wait3A_370 = arith.constant 1 : i32
        %dma_wait3A_371 = arith.constant 0 : i32
        %dma_wait3A_372 = tpu.memref_slice %arg8[%dma_wait3A_370, %dma_wait3A_371] : memref<2x80xi32, #tpu.memory_space<vmem>> -> memref<1x80xi32, #tpu.memory_space<vmem>>
        %dma_wait3A_373 = tpu.memref_squeeze %dma_wait3A_372 : memref<1x80xi32, #tpu.memory_space<vmem>> -> memref<80xi32, #tpu.memory_space<vmem>>
        %dma_wait3A_374 = arith.constant 0 : i32
        %dma_wait3A_375 = arith.constant 0 : i32
        %dma_wait3A_376 = tpu.memref_slice %arg14[%dma_wait3A_374, %dma_wait3A_375] : memref<10240x128xf32, #tpu.memory_space<vmem_shared>> -> memref<10240x128xf32, #tpu.memory_space<vmem_shared>>
        tpu.wait_indirect_dma semaphore(%arg19 : memref<!tpu.dma_semaphore, #tpu.memory_space<semaphore_mem>>) src(%arg12 : memref<80x128xf32, #tpu.memory_space<vmem>>) dst(%dma_wait3A_376 : memref<10240x128xf32, #tpu.memory_space<vmem_shared>>)
        %add3A_377 = arith.constant 1 : i32
        %add3A_378 = arith.addi %add3A_367, %add3A_377 : i32
        %mul3A_379 = arith.constant 125 : i32
        %mul3A_380 = arith.muli %arg1, %mul3A_379 : i32
        %add3A_381 = arith.addi %mul3A_380, %add3A_378 : i32
        %dma_wait3A_382 = arith.constant 0 : i32
        %dma_wait3A_383 = arith.constant 0 : i32
        %dma_wait3A_384 = tpu.memref_slice %arg4[%add3A_381, %dma_wait3A_382, %dma_wait3A_383] : memref<2000x2x80xi32, #tpu.memory_space<hbm>> -> memref<1x2x80xi32, #tpu.memory_space<hbm>>
        %dma_wait3A_385 = tpu.memref_squeeze %dma_wait3A_384 : memref<1x2x80xi32, #tpu.memory_space<hbm>> -> memref<2x80xi32, #tpu.memory_space<hbm>>
        %dma_wait3A_386 = arith.constant 0 : i32
        %dma_wait3A_387 = arith.constant 0 : i32
        %dma_wait3A_388 = tpu.memref_slice %arg4[%add3A_381, %dma_wait3A_386, %dma_wait3A_387] : memref<2000x2x80xi32, #tpu.memory_space<hbm>> -> memref<1x2x80xi32, #tpu.memory_space<hbm>>
        %dma_wait3A_389 = tpu.memref_squeeze %dma_wait3A_388 : memref<1x2x80xi32, #tpu.memory_space<hbm>> -> memref<2x80xi32, #tpu.memory_space<hbm>>
        tpu.wait_dma2 semaphore(%arg21 : memref<!tpu.dma_semaphore, #tpu.memory_space<semaphore_mem>>) src(%dma_wait3A_389 : memref<2x80xi32, #tpu.memory_space<hbm>>) dst(%arg7 : memref<2x80xi32, #tpu.memory_space<vmem>>)
        %add3A_390 = arith.constant 1 : i32
        %add3A_391 = arith.addi %add3A_367, %add3A_390 : i32
        %dma_start3A_392 = arith.constant 0 : i32
        %dma_start3A_393 = arith.constant 0 : i32
        %dma_start3A_394 = tpu.memref_slice %arg7[%dma_start3A_392, %dma_start3A_393] : memref<2x80xi32, #tpu.memory_space<vmem>> -> memref<1x80xi32, #tpu.memory_space<vmem>>
        %dma_start3A_395 = tpu.memref_squeeze %dma_start3A_394 : memref<1x80xi32, #tpu.memory_space<vmem>> -> memref<80xi32, #tpu.memory_space<vmem>>
        %dma_start3A_396 = arith.constant 0 : i32
        %dma_start3A_397 = arith.constant 0 : i32
        %dma_start3A_398 = tpu.memref_slice %arg3[%dma_start3A_396, %dma_start3A_397] : memref<10000x128xf32, #tpu.memory_space<hbm>> -> memref<10000x128xf32, #tpu.memory_space<hbm>>
        tpu.enqueue_indirect_dma source(%dma_start3A_398 : memref<10000x128xf32, #tpu.memory_space<hbm>>) target(%arg12 : memref<80x128xf32, #tpu.memory_space<vmem>>) offsets(%dma_start3A_395 : memref<80xi32, #tpu.memory_space<vmem>>) semaphore(%arg16 : memref<!tpu.dma_semaphore, #tpu.memory_space<semaphore_mem>>)
        %add3A_399 = arith.constant 2 : i32
        %add3A_400 = arith.addi %add3A_367, %add3A_399 : i32
        %mul3A_401 = arith.constant 125 : i32
        %mul3A_402 = arith.muli %arg1, %mul3A_401 : i32
        %add3A_403 = arith.addi %mul3A_402, %add3A_400 : i32
        %dma_start3A_404 = arith.constant 0 : i32
        %dma_start3A_405 = arith.constant 0 : i32
        %dma_start3A_406 = tpu.memref_slice %arg4[%add3A_403, %dma_start3A_404, %dma_start3A_405] : memref<2000x2x80xi32, #tpu.memory_space<hbm>> -> memref<1x2x80xi32, #tpu.memory_space<hbm>>
        %dma_start3A_407 = tpu.memref_squeeze %dma_start3A_406 : memref<1x2x80xi32, #tpu.memory_space<hbm>> -> memref<2x80xi32, #tpu.memory_space<hbm>>
        %dma_start3A_408 = arith.constant 0 : i32
        %dma_start3A_409 = arith.constant 0 : i32
        %dma_start3A_410 = tpu.memref_slice %arg4[%add3A_403, %dma_start3A_408, %dma_start3A_409] : memref<2000x2x80xi32, #tpu.memory_space<hbm>> -> memref<1x2x80xi32, #tpu.memory_space<hbm>>
        %dma_start3A_411 = tpu.memref_squeeze %dma_start3A_410 : memref<1x2x80xi32, #tpu.memory_space<hbm>> -> memref<2x80xi32, #tpu.memory_space<hbm>>
        tpu.enqueue_dma source(%dma_start3A_411 : memref<2x80xi32, #tpu.memory_space<hbm>>) target(%arg8 : memref<2x80xi32, #tpu.memory_space<vmem>>) target_semaphore(%arg22 : memref<!tpu.dma_semaphore, #tpu.memory_space<semaphore_mem>>)
        %dma_wait3A_412 = arith.constant 0 : i32
        %dma_wait3A_413 = arith.constant 0 : i32
        %dma_wait3A_414 = tpu.memref_slice %arg10[%dma_wait3A_412, %dma_wait3A_413] : memref<2x80xi32, #tpu.memory_space<vmem>> -> memref<1x80xi32, #tpu.memory_space<vmem>>
        %dma_wait3A_415 = tpu.memref_squeeze %dma_wait3A_414 : memref<1x80xi32, #tpu.memory_space<vmem>> -> memref<80xi32, #tpu.memory_space<vmem>>
        %dma_wait3A_416 = arith.constant 0 : i32
        %dma_wait3A_417 = arith.constant 0 : i32
        %dma_wait3A_418 = tpu.memref_slice %arg3[%dma_wait3A_416, %dma_wait3A_417] : memref<10000x128xf32, #tpu.memory_space<hbm>> -> memref<10000x128xf32, #tpu.memory_space<hbm>>
        tpu.wait_indirect_dma semaphore(%arg15 : memref<!tpu.dma_semaphore, #tpu.memory_space<semaphore_mem>>) src(%dma_wait3A_418 : memref<10000x128xf32, #tpu.memory_space<hbm>>) dst(%arg11 : memref<80x128xf32, #tpu.memory_space<vmem>>)
        %dma_start3A_419 = arith.constant 1 : i32
        %dma_start3A_420 = arith.constant 0 : i32
        %dma_start3A_421 = tpu.memref_slice %arg10[%dma_start3A_419, %dma_start3A_420] : memref<2x80xi32, #tpu.memory_space<vmem>> -> memref<1x80xi32, #tpu.memory_space<vmem>>
        %dma_start3A_422 = tpu.memref_squeeze %dma_start3A_421 : memref<1x80xi32, #tpu.memory_space<vmem>> -> memref<80xi32, #tpu.memory_space<vmem>>
        %dma_start3A_423 = arith.constant 0 : i32
        %dma_start3A_424 = arith.constant 0 : i32
        %dma_start3A_425 = tpu.memref_slice %arg14[%dma_start3A_423, %dma_start3A_424] : memref<10240x128xf32, #tpu.memory_space<vmem_shared>> -> memref<10240x128xf32, #tpu.memory_space<vmem_shared>>
        tpu.enqueue_indirect_dma source(%arg11 : memref<80x128xf32, #tpu.memory_space<vmem>>) target(%dma_start3A_425 : memref<10240x128xf32, #tpu.memory_space<vmem_shared>>) offsets(%dma_start3A_422 : memref<80xi32, #tpu.memory_space<vmem>>) semaphore(%arg18 : memref<!tpu.dma_semaphore, #tpu.memory_space<semaphore_mem>>) {add = true}
        %mul3A_426 = arith.constant 12 : i32
        %mul3A_427 = arith.muli %mul3A_426, %scan3A_297 : i32
        %add3A_428 = arith.constant 2 : i32
        %add3A_429 = arith.addi %mul3A_427, %add3A_428 : i32
        %add3A_430 = arith.constant 2 : i32
        %add3A_431 = arith.addi %add3A_429, %add3A_430 : i32
        %sub3A_432 = arith.constant 2 : i32
        %sub3A_433 = arith.subi %add3A_431, %sub3A_432 : i32
        %dma_wait3A_434 = arith.constant 1 : i32
        %dma_wait3A_435 = arith.constant 0 : i32
        %dma_wait3A_436 = tpu.memref_slice %arg9[%dma_wait3A_434, %dma_wait3A_435] : memref<2x80xi32, #tpu.memory_space<vmem>> -> memref<1x80xi32, #tpu.memory_space<vmem>>
        %dma_wait3A_437 = tpu.memref_squeeze %dma_wait3A_436 : memref<1x80xi32, #tpu.memory_space<vmem>> -> memref<80xi32, #tpu.memory_space<vmem>>
        %dma_wait3A_438 = arith.constant 0 : i32
        %dma_wait3A_439 = arith.constant 0 : i32
        %dma_wait3A_440 = tpu.memref_slice %arg14[%dma_wait3A_438, %dma_wait3A_439] : memref<10240x128xf32, #tpu.memory_space<vmem_shared>> -> memref<10240x128xf32, #tpu.memory_space<vmem_shared>>
        tpu.wait_indirect_dma semaphore(%arg20 : memref<!tpu.dma_semaphore, #tpu.memory_space<semaphore_mem>>) src(%arg13 : memref<80x128xf32, #tpu.memory_space<vmem>>) dst(%dma_wait3A_440 : memref<10240x128xf32, #tpu.memory_space<vmem_shared>>)
        %add3A_441 = arith.constant 1 : i32
        %add3A_442 = arith.addi %add3A_431, %add3A_441 : i32
        %mul3A_443 = arith.constant 125 : i32
        %mul3A_444 = arith.muli %arg1, %mul3A_443 : i32
        %add3A_445 = arith.addi %mul3A_444, %add3A_442 : i32
        %dma_wait3A_446 = arith.constant 0 : i32
        %dma_wait3A_447 = arith.constant 0 : i32
        %dma_wait3A_448 = tpu.memref_slice %arg4[%add3A_445, %dma_wait3A_446, %dma_wait3A_447] : memref<2000x2x80xi32, #tpu.memory_space<hbm>> -> memref<1x2x80xi32, #tpu.memory_space<hbm>>
        %dma_wait3A_449 = tpu.memref_squeeze %dma_wait3A_448 : memref<1x2x80xi32, #tpu.memory_space<hbm>> -> memref<2x80xi32, #tpu.memory_space<hbm>>
        %dma_wait3A_450 = arith.constant 0 : i32
        %dma_wait3A_451 = arith.constant 0 : i32
        %dma_wait3A_452 = tpu.memref_slice %arg4[%add3A_445, %dma_wait3A_450, %dma_wait3A_451] : memref<2000x2x80xi32, #tpu.memory_space<hbm>> -> memref<1x2x80xi32, #tpu.memory_space<hbm>>
        %dma_wait3A_453 = tpu.memref_squeeze %dma_wait3A_452 : memref<1x2x80xi32, #tpu.memory_space<hbm>> -> memref<2x80xi32, #tpu.memory_space<hbm>>
        tpu.wait_dma2 semaphore(%arg22 : memref<!tpu.dma_semaphore, #tpu.memory_space<semaphore_mem>>) src(%dma_wait3A_453 : memref<2x80xi32, #tpu.memory_space<hbm>>) dst(%arg8 : memref<2x80xi32, #tpu.memory_space<vmem>>)
        %add3A_454 = arith.constant 1 : i32
        %add3A_455 = arith.addi %add3A_431, %add3A_454 : i32
        %dma_start3A_456 = arith.constant 0 : i32
        %dma_start3A_457 = arith.constant 0 : i32
        %dma_start3A_458 = tpu.memref_slice %arg8[%dma_start3A_456, %dma_start3A_457] : memref<2x80xi32, #tpu.memory_space<vmem>> -> memref<1x80xi32, #tpu.memory_space<vmem>>
        %dma_start3A_459 = tpu.memref_squeeze %dma_start3A_458 : memref<1x80xi32, #tpu.memory_space<vmem>> -> memref<80xi32, #tpu.memory_space<vmem>>
        %dma_start3A_460 = arith.constant 0 : i32
        %dma_start3A_461 = arith.constant 0 : i32
        %dma_start3A_462 = tpu.memref_slice %arg3[%dma_start3A_460, %dma_start3A_461] : memref<10000x128xf32, #tpu.memory_space<hbm>> -> memref<10000x128xf32, #tpu.memory_space<hbm>>
        tpu.enqueue_indirect_dma source(%dma_start3A_462 : memref<10000x128xf32, #tpu.memory_space<hbm>>) target(%arg13 : memref<80x128xf32, #tpu.memory_space<vmem>>) offsets(%dma_start3A_459 : memref<80xi32, #tpu.memory_space<vmem>>) semaphore(%arg17 : memref<!tpu.dma_semaphore, #tpu.memory_space<semaphore_mem>>)
        %add3A_463 = arith.constant 2 : i32
        %add3A_464 = arith.addi %add3A_431, %add3A_463 : i32
        %mul3A_465 = arith.constant 125 : i32
        %mul3A_466 = arith.muli %arg1, %mul3A_465 : i32
        %add3A_467 = arith.addi %mul3A_466, %add3A_464 : i32
        %dma_start3A_468 = arith.constant 0 : i32
        %dma_start3A_469 = arith.constant 0 : i32
        %dma_start3A_470 = tpu.memref_slice %arg4[%add3A_467, %dma_start3A_468, %dma_start3A_469] : memref<2000x2x80xi32, #tpu.memory_space<hbm>> -> memref<1x2x80xi32, #tpu.memory_space<hbm>>
        %dma_start3A_471 = tpu.memref_squeeze %dma_start3A_470 : memref<1x2x80xi32, #tpu.memory_space<hbm>> -> memref<2x80xi32, #tpu.memory_space<hbm>>
        %dma_start3A_472 = arith.constant 0 : i32
        %dma_start3A_473 = arith.constant 0 : i32
        %dma_start3A_474 = tpu.memref_slice %arg4[%add3A_467, %dma_start3A_472, %dma_start3A_473] : memref<2000x2x80xi32, #tpu.memory_space<hbm>> -> memref<1x2x80xi32, #tpu.memory_space<hbm>>
        %dma_start3A_475 = tpu.memref_squeeze %dma_start3A_474 : memref<1x2x80xi32, #tpu.memory_space<hbm>> -> memref<2x80xi32, #tpu.memory_space<hbm>>
        tpu.enqueue_dma source(%dma_start3A_475 : memref<2x80xi32, #tpu.memory_space<hbm>>) target(%arg9 : memref<2x80xi32, #tpu.memory_space<vmem>>) target_semaphore(%arg23 : memref<!tpu.dma_semaphore, #tpu.memory_space<semaphore_mem>>)
        %dma_wait3A_476 = arith.constant 0 : i32
        %dma_wait3A_477 = arith.constant 0 : i32
        %dma_wait3A_478 = tpu.memref_slice %arg7[%dma_wait3A_476, %dma_wait3A_477] : memref<2x80xi32, #tpu.memory_space<vmem>> -> memref<1x80xi32, #tpu.memory_space<vmem>>
        %dma_wait3A_479 = tpu.memref_squeeze %dma_wait3A_478 : memref<1x80xi32, #tpu.memory_space<vmem>> -> memref<80xi32, #tpu.memory_space<vmem>>
        %dma_wait3A_480 = arith.constant 0 : i32
        %dma_wait3A_481 = arith.constant 0 : i32
        %dma_wait3A_482 = tpu.memref_slice %arg3[%dma_wait3A_480, %dma_wait3A_481] : memref<10000x128xf32, #tpu.memory_space<hbm>> -> memref<10000x128xf32, #tpu.memory_space<hbm>>
        tpu.wait_indirect_dma semaphore(%arg16 : memref<!tpu.dma_semaphore, #tpu.memory_space<semaphore_mem>>) src(%dma_wait3A_482 : memref<10000x128xf32, #tpu.memory_space<hbm>>) dst(%arg12 : memref<80x128xf32, #tpu.memory_space<vmem>>)
        %dma_start3A_483 = arith.constant 1 : i32
        %dma_start3A_484 = arith.constant 0 : i32
        %dma_start3A_485 = tpu.memref_slice %arg7[%dma_start3A_483, %dma_start3A_484] : memref<2x80xi32, #tpu.memory_space<vmem>> -> memref<1x80xi32, #tpu.memory_space<vmem>>
        %dma_start3A_486 = tpu.memref_squeeze %dma_start3A_485 : memref<1x80xi32, #tpu.memory_space<vmem>> -> memref<80xi32, #tpu.memory_space<vmem>>
        %dma_start3A_487 = arith.constant 0 : i32
        %dma_start3A_488 = arith.constant 0 : i32
        %dma_start3A_489 = tpu.memref_slice %arg14[%dma_start3A_487, %dma_start3A_488] : memref<10240x128xf32, #tpu.memory_space<vmem_shared>> -> memref<10240x128xf32, #tpu.memory_space<vmem_shared>>
        tpu.enqueue_indirect_dma source(%arg12 : memref<80x128xf32, #tpu.memory_space<vmem>>) target(%dma_start3A_489 : memref<10240x128xf32, #tpu.memory_space<vmem_shared>>) offsets(%dma_start3A_486 : memref<80xi32, #tpu.memory_space<vmem>>) semaphore(%arg19 : memref<!tpu.dma_semaphore, #tpu.memory_space<semaphore_mem>>) {add = true}
        %mul3A_490 = arith.constant 12 : i32
        %mul3A_491 = arith.muli %mul3A_490, %scan3A_297 : i32
        %add3A_492 = arith.constant 2 : i32
        %add3A_493 = arith.addi %mul3A_491, %add3A_492 : i32
        %add3A_494 = arith.constant 3 : i32
        %add3A_495 = arith.addi %add3A_493, %add3A_494 : i32
        %sub3A_496 = arith.constant 2 : i32
        %sub3A_497 = arith.subi %add3A_495, %sub3A_496 : i32
        %dma_wait3A_498 = arith.constant 1 : i32
        %dma_wait3A_499 = arith.constant 0 : i32
        %dma_wait3A_500 = tpu.memref_slice %arg10[%dma_wait3A_498, %dma_wait3A_499] : memref<2x80xi32, #tpu.memory_space<vmem>> -> memref<1x80xi32, #tpu.memory_space<vmem>>
        %dma_wait3A_501 = tpu.memref_squeeze %dma_wait3A_500 : memref<1x80xi32, #tpu.memory_space<vmem>> -> memref<80xi32, #tpu.memory_space<vmem>>
        %dma_wait3A_502 = arith.constant 0 : i32
        %dma_wait3A_503 = arith.constant 0 : i32
        %dma_wait3A_504 = tpu.memref_slice %arg14[%dma_wait3A_502, %dma_wait3A_503] : memref<10240x128xf32, #tpu.memory_space<vmem_shared>> -> memref<10240x128xf32, #tpu.memory_space<vmem_shared>>
        tpu.wait_indirect_dma semaphore(%arg18 : memref<!tpu.dma_semaphore, #tpu.memory_space<semaphore_mem>>) src(%arg11 : memref<80x128xf32, #tpu.memory_space<vmem>>) dst(%dma_wait3A_504 : memref<10240x128xf32, #tpu.memory_space<vmem_shared>>)
        %add3A_505 = arith.constant 1 : i32
        %add3A_506 = arith.addi %add3A_495, %add3A_505 : i32
        %mul3A_507 = arith.constant 125 : i32
        %mul3A_508 = arith.muli %arg1, %mul3A_507 : i32
        %add3A_509 = arith.addi %mul3A_508, %add3A_506 : i32
        %dma_wait3A_510 = arith.constant 0 : i32
        %dma_wait3A_511 = arith.constant 0 : i32
        %dma_wait3A_512 = tpu.memref_slice %arg4[%add3A_509, %dma_wait3A_510, %dma_wait3A_511] : memref<2000x2x80xi32, #tpu.memory_space<hbm>> -> memref<1x2x80xi32, #tpu.memory_space<hbm>>
        %dma_wait3A_513 = tpu.memref_squeeze %dma_wait3A_512 : memref<1x2x80xi32, #tpu.memory_space<hbm>> -> memref<2x80xi32, #tpu.memory_space<hbm>>
        %dma_wait3A_514 = arith.constant 0 : i32
        %dma_wait3A_515 = arith.constant 0 : i32
        %dma_wait3A_516 = tpu.memref_slice %arg4[%add3A_509, %dma_wait3A_514, %dma_wait3A_515] : memref<2000x2x80xi32, #tpu.memory_space<hbm>> -> memref<1x2x80xi32, #tpu.memory_space<hbm>>
        %dma_wait3A_517 = tpu.memref_squeeze %dma_wait3A_516 : memref<1x2x80xi32, #tpu.memory_space<hbm>> -> memref<2x80xi32, #tpu.memory_space<hbm>>
        tpu.wait_dma2 semaphore(%arg23 : memref<!tpu.dma_semaphore, #tpu.memory_space<semaphore_mem>>) src(%dma_wait3A_517 : memref<2x80xi32, #tpu.memory_space<hbm>>) dst(%arg9 : memref<2x80xi32, #tpu.memory_space<vmem>>)
        %add3A_518 = arith.constant 1 : i32
        %add3A_519 = arith.addi %add3A_495, %add3A_518 : i32
        %dma_start3A_520 = arith.constant 0 : i32
        %dma_start3A_521 = arith.constant 0 : i32
        %dma_start3A_522 = tpu.memref_slice %arg9[%dma_start3A_520, %dma_start3A_521] : memref<2x80xi32, #tpu.memory_space<vmem>> -> memref<1x80xi32, #tpu.memory_space<vmem>>
        %dma_start3A_523 = tpu.memref_squeeze %dma_start3A_522 : memref<1x80xi32, #tpu.memory_space<vmem>> -> memref<80xi32, #tpu.memory_space<vmem>>
        %dma_start3A_524 = arith.constant 0 : i32
        %dma_start3A_525 = arith.constant 0 : i32
        %dma_start3A_526 = tpu.memref_slice %arg3[%dma_start3A_524, %dma_start3A_525] : memref<10000x128xf32, #tpu.memory_space<hbm>> -> memref<10000x128xf32, #tpu.memory_space<hbm>>
        tpu.enqueue_indirect_dma source(%dma_start3A_526 : memref<10000x128xf32, #tpu.memory_space<hbm>>) target(%arg11 : memref<80x128xf32, #tpu.memory_space<vmem>>) offsets(%dma_start3A_523 : memref<80xi32, #tpu.memory_space<vmem>>) semaphore(%arg15 : memref<!tpu.dma_semaphore, #tpu.memory_space<semaphore_mem>>)
        %add3A_527 = arith.constant 2 : i32
        %add3A_528 = arith.addi %add3A_495, %add3A_527 : i32
        %mul3A_529 = arith.constant 125 : i32
        %mul3A_530 = arith.muli %arg1, %mul3A_529 : i32
        %add3A_531 = arith.addi %mul3A_530, %add3A_528 : i32
        %dma_start3A_532 = arith.constant 0 : i32
        %dma_start3A_533 = arith.constant 0 : i32
        %dma_start3A_534 = tpu.memref_slice %arg4[%add3A_531, %dma_start3A_532, %dma_start3A_533] : memref<2000x2x80xi32, #tpu.memory_space<hbm>> -> memref<1x2x80xi32, #tpu.memory_space<hbm>>
        %dma_start3A_535 = tpu.memref_squeeze %dma_start3A_534 : memref<1x2x80xi32, #tpu.memory_space<hbm>> -> memref<2x80xi32, #tpu.memory_space<hbm>>
        %dma_start3A_536 = arith.constant 0 : i32
        %dma_start3A_537 = arith.constant 0 : i32
        %dma_start3A_538 = tpu.memref_slice %arg4[%add3A_531, %dma_start3A_536, %dma_start3A_537] : memref<2000x2x80xi32, #tpu.memory_space<hbm>> -> memref<1x2x80xi32, #tpu.memory_space<hbm>>
        %dma_start3A_539 = tpu.memref_squeeze %dma_start3A_538 : memref<1x2x80xi32, #tpu.memory_space<hbm>> -> memref<2x80xi32, #tpu.memory_space<hbm>>
        tpu.enqueue_dma source(%dma_start3A_539 : memref<2x80xi32, #tpu.memory_space<hbm>>) target(%arg10 : memref<2x80xi32, #tpu.memory_space<vmem>>) target_semaphore(%arg24 : memref<!tpu.dma_semaphore, #tpu.memory_space<semaphore_mem>>)
        %dma_wait3A_540 = arith.constant 0 : i32
        %dma_wait3A_541 = arith.constant 0 : i32
        %dma_wait3A_542 = tpu.memref_slice %arg8[%dma_wait3A_540, %dma_wait3A_541] : memref<2x80xi32, #tpu.memory_space<vmem>> -> memref<1x80xi32, #tpu.memory_space<vmem>>
        %dma_wait3A_543 = tpu.memref_squeeze %dma_wait3A_542 : memref<1x80xi32, #tpu.memory_space<vmem>> -> memref<80xi32, #tpu.memory_space<vmem>>
        %dma_wait3A_544 = arith.constant 0 : i32
        %dma_wait3A_545 = arith.constant 0 : i32
        %dma_wait3A_546 = tpu.memref_slice %arg3[%dma_wait3A_544, %dma_wait3A_545] : memref<10000x128xf32, #tpu.memory_space<hbm>> -> memref<10000x128xf32, #tpu.memory_space<hbm>>
        tpu.wait_indirect_dma semaphore(%arg17 : memref<!tpu.dma_semaphore, #tpu.memory_space<semaphore_mem>>) src(%dma_wait3A_546 : memref<10000x128xf32, #tpu.memory_space<hbm>>) dst(%arg13 : memref<80x128xf32, #tpu.memory_space<vmem>>)
        %dma_start3A_547 = arith.constant 1 : i32
        %dma_start3A_548 = arith.constant 0 : i32
        %dma_start3A_549 = tpu.memref_slice %arg8[%dma_start3A_547, %dma_start3A_548] : memref<2x80xi32, #tpu.memory_space<vmem>> -> memref<1x80xi32, #tpu.memory_space<vmem>>
        %dma_start3A_550 = tpu.memref_squeeze %dma_start3A_549 : memref<1x80xi32, #tpu.memory_space<vmem>> -> memref<80xi32, #tpu.memory_space<vmem>>
        %dma_start3A_551 = arith.constant 0 : i32
        %dma_start3A_552 = arith.constant 0 : i32
        %dma_start3A_553 = tpu.memref_slice %arg14[%dma_start3A_551, %dma_start3A_552] : memref<10240x128xf32, #tpu.memory_space<vmem_shared>> -> memref<10240x128xf32, #tpu.memory_space<vmem_shared>>
        tpu.enqueue_indirect_dma source(%arg13 : memref<80x128xf32, #tpu.memory_space<vmem>>) target(%dma_start3A_553 : memref<10240x128xf32, #tpu.memory_space<vmem_shared>>) offsets(%dma_start3A_550 : memref<80xi32, #tpu.memory_space<vmem>>) semaphore(%arg20 : memref<!tpu.dma_semaphore, #tpu.memory_space<semaphore_mem>>) {add = true}
        %mul3A_554 = arith.constant 12 : i32
        %mul3A_555 = arith.muli %mul3A_554, %scan3A_297 : i32
        %add3A_556 = arith.constant 2 : i32
        %add3A_557 = arith.addi %mul3A_555, %add3A_556 : i32
        %add3A_558 = arith.constant 4 : i32
        %add3A_559 = arith.addi %add3A_557, %add3A_558 : i32
        %sub3A_560 = arith.constant 2 : i32
        %sub3A_561 = arith.subi %add3A_559, %sub3A_560 : i32
        %dma_wait3A_562 = arith.constant 1 : i32
        %dma_wait3A_563 = arith.constant 0 : i32
        %dma_wait3A_564 = tpu.memref_slice %arg7[%dma_wait3A_562, %dma_wait3A_563] : memref<2x80xi32, #tpu.memory_space<vmem>> -> memref<1x80xi32, #tpu.memory_space<vmem>>
        %dma_wait3A_565 = tpu.memref_squeeze %dma_wait3A_564 : memref<1x80xi32, #tpu.memory_space<vmem>> -> memref<80xi32, #tpu.memory_space<vmem>>
        %dma_wait3A_566 = arith.constant 0 : i32
        %dma_wait3A_567 = arith.constant 0 : i32
        %dma_wait3A_568 = tpu.memref_slice %arg14[%dma_wait3A_566, %dma_wait3A_567] : memref<10240x128xf32, #tpu.memory_space<vmem_shared>> -> memref<10240x128xf32, #tpu.memory_space<vmem_shared>>
        tpu.wait_indirect_dma semaphore(%arg19 : memref<!tpu.dma_semaphore, #tpu.memory_space<semaphore_mem>>) src(%arg12 : memref<80x128xf32, #tpu.memory_space<vmem>>) dst(%dma_wait3A_568 : memref<10240x128xf32, #tpu.memory_space<vmem_shared>>)
        %add3A_569 = arith.constant 1 : i32
        %add3A_570 = arith.addi %add3A_559, %add3A_569 : i32
        %mul3A_571 = arith.constant 125 : i32
        %mul3A_572 = arith.muli %arg1, %mul3A_571 : i32
        %add3A_573 = arith.addi %mul3A_572, %add3A_570 : i32
        %dma_wait3A_574 = arith.constant 0 : i32
        %dma_wait3A_575 = arith.constant 0 : i32
        %dma_wait3A_576 = tpu.memref_slice %arg4[%add3A_573, %dma_wait3A_574, %dma_wait3A_575] : memref<2000x2x80xi32, #tpu.memory_space<hbm>> -> memref<1x2x80xi32, #tpu.memory_space<hbm>>
        %dma_wait3A_577 = tpu.memref_squeeze %dma_wait3A_576 : memref<1x2x80xi32, #tpu.memory_space<hbm>> -> memref<2x80xi32, #tpu.memory_space<hbm>>
        %dma_wait3A_578 = arith.constant 0 : i32
        %dma_wait3A_579 = arith.constant 0 : i32
        %dma_wait3A_580 = tpu.memref_slice %arg4[%add3A_573, %dma_wait3A_578, %dma_wait3A_579] : memref<2000x2x80xi32, #tpu.memory_space<hbm>> -> memref<1x2x80xi32, #tpu.memory_space<hbm>>
        %dma_wait3A_581 = tpu.memref_squeeze %dma_wait3A_580 : memref<1x2x80xi32, #tpu.memory_space<hbm>> -> memref<2x80xi32, #tpu.memory_space<hbm>>
        tpu.wait_dma2 semaphore(%arg24 : memref<!tpu.dma_semaphore, #tpu.memory_space<semaphore_mem>>) src(%dma_wait3A_581 : memref<2x80xi32, #tpu.memory_space<hbm>>) dst(%arg10 : memref<2x80xi32, #tpu.memory_space<vmem>>)
        %add3A_582 = arith.constant 1 : i32
        %add3A_583 = arith.addi %add3A_559, %add3A_582 : i32
        %dma_start3A_584 = arith.constant 0 : i32
        %dma_start3A_585 = arith.constant 0 : i32
        %dma_start3A_586 = tpu.memref_slice %arg10[%dma_start3A_584, %dma_start3A_585] : memref<2x80xi32, #tpu.memory_space<vmem>> -> memref<1x80xi32, #tpu.memory_space<vmem>>
        %dma_start3A_587 = tpu.memref_squeeze %dma_start3A_586 : memref<1x80xi32, #tpu.memory_space<vmem>> -> memref<80xi32, #tpu.memory_space<vmem>>
        %dma_start3A_588 = arith.constant 0 : i32
        %dma_start3A_589 = arith.constant 0 : i32
        %dma_start3A_590 = tpu.memref_slice %arg3[%dma_start3A_588, %dma_start3A_589] : memref<10000x128xf32, #tpu.memory_space<hbm>> -> memref<10000x128xf32, #tpu.memory_space<hbm>>
        tpu.enqueue_indirect_dma source(%dma_start3A_590 : memref<10000x128xf32, #tpu.memory_space<hbm>>) target(%arg12 : memref<80x128xf32, #tpu.memory_space<vmem>>) offsets(%dma_start3A_587 : memref<80xi32, #tpu.memory_space<vmem>>) semaphore(%arg16 : memref<!tpu.dma_semaphore, #tpu.memory_space<semaphore_mem>>)
        %add3A_591 = arith.constant 2 : i32
        %add3A_592 = arith.addi %add3A_559, %add3A_591 : i32
        %mul3A_593 = arith.constant 125 : i32
        %mul3A_594 = arith.muli %arg1, %mul3A_593 : i32
        %add3A_595 = arith.addi %mul3A_594, %add3A_592 : i32
        %dma_start3A_596 = arith.constant 0 : i32
        %dma_start3A_597 = arith.constant 0 : i32
        %dma_start3A_598 = tpu.memref_slice %arg4[%add3A_595, %dma_start3A_596, %dma_start3A_597] : memref<2000x2x80xi32, #tpu.memory_space<hbm>> -> memref<1x2x80xi32, #tpu.memory_space<hbm>>
        %dma_start3A_599 = tpu.memref_squeeze %dma_start3A_598 : memref<1x2x80xi32, #tpu.memory_space<hbm>> -> memref<2x80xi32, #tpu.memory_space<hbm>>
        %dma_start3A_600 = arith.constant 0 : i32
        %dma_start3A_601 = arith.constant 0 : i32
        %dma_start3A_602 = tpu.memref_slice %arg4[%add3A_595, %dma_start3A_600, %dma_start3A_601] : memref<2000x2x80xi32, #tpu.memory_space<hbm>> -> memref<1x2x80xi32, #tpu.memory_space<hbm>>
        %dma_start3A_603 = tpu.memref_squeeze %dma_start3A_602 : memref<1x2x80xi32, #tpu.memory_space<hbm>> -> memref<2x80xi32, #tpu.memory_space<hbm>>
        tpu.enqueue_dma source(%dma_start3A_603 : memref<2x80xi32, #tpu.memory_space<hbm>>) target(%arg7 : memref<2x80xi32, #tpu.memory_space<vmem>>) target_semaphore(%arg21 : memref<!tpu.dma_semaphore, #tpu.memory_space<semaphore_mem>>)
        %dma_wait3A_604 = arith.constant 0 : i32
        %dma_wait3A_605 = arith.constant 0 : i32
        %dma_wait3A_606 = tpu.memref_slice %arg9[%dma_wait3A_604, %dma_wait3A_605] : memref<2x80xi32, #tpu.memory_space<vmem>> -> memref<1x80xi32, #tpu.memory_space<vmem>>
        %dma_wait3A_607 = tpu.memref_squeeze %dma_wait3A_606 : memref<1x80xi32, #tpu.memory_space<vmem>> -> memref<80xi32, #tpu.memory_space<vmem>>
        %dma_wait3A_608 = arith.constant 0 : i32
        %dma_wait3A_609 = arith.constant 0 : i32
        %dma_wait3A_610 = tpu.memref_slice %arg3[%dma_wait3A_608, %dma_wait3A_609] : memref<10000x128xf32, #tpu.memory_space<hbm>> -> memref<10000x128xf32, #tpu.memory_space<hbm>>
        tpu.wait_indirect_dma semaphore(%arg15 : memref<!tpu.dma_semaphore, #tpu.memory_space<semaphore_mem>>) src(%dma_wait3A_610 : memref<10000x128xf32, #tpu.memory_space<hbm>>) dst(%arg11 : memref<80x128xf32, #tpu.memory_space<vmem>>)
        %dma_start3A_611 = arith.constant 1 : i32
        %dma_start3A_612 = arith.constant 0 : i32
        %dma_start3A_613 = tpu.memref_slice %arg9[%dma_start3A_611, %dma_start3A_612] : memref<2x80xi32, #tpu.memory_space<vmem>> -> memref<1x80xi32, #tpu.memory_space<vmem>>
        %dma_start3A_614 = tpu.memref_squeeze %dma_start3A_613 : memref<1x80xi32, #tpu.memory_space<vmem>> -> memref<80xi32, #tpu.memory_space<vmem>>
        %dma_start3A_615 = arith.constant 0 : i32
        %dma_start3A_616 = arith.constant 0 : i32
        %dma_start3A_617 = tpu.memref_slice %arg14[%dma_start3A_615, %dma_start3A_616] : memref<10240x128xf32, #tpu.memory_space<vmem_shared>> -> memref<10240x128xf32, #tpu.memory_space<vmem_shared>>
        tpu.enqueue_indirect_dma source(%arg11 : memref<80x128xf32, #tpu.memory_space<vmem>>) target(%dma_start3A_617 : memref<10240x128xf32, #tpu.memory_space<vmem_shared>>) offsets(%dma_start3A_614 : memref<80xi32, #tpu.memory_space<vmem>>) semaphore(%arg18 : memref<!tpu.dma_semaphore, #tpu.memory_space<semaphore_mem>>) {add = true}
        %mul3A_618 = arith.constant 12 : i32
        %mul3A_619 = arith.muli %mul3A_618, %scan3A_297 : i32
        %add3A_620 = arith.constant 2 : i32
        %add3A_621 = arith.addi %mul3A_619, %add3A_620 : i32
        %add3A_622 = arith.constant 5 : i32
        %add3A_623 = arith.addi %add3A_621, %add3A_622 : i32
        %sub3A_624 = arith.constant 2 : i32
        %sub3A_625 = arith.subi %add3A_623, %sub3A_624 : i32
        %dma_wait3A_626 = arith.constant 1 : i32
        %dma_wait3A_627 = arith.constant 0 : i32
        %dma_wait3A_628 = tpu.memref_slice %arg8[%dma_wait3A_626, %dma_wait3A_627] : memref<2x80xi32, #tpu.memory_space<vmem>> -> memref<1x80xi32, #tpu.memory_space<vmem>>
        %dma_wait3A_629 = tpu.memref_squeeze %dma_wait3A_628 : memref<1x80xi32, #tpu.memory_space<vmem>> -> memref<80xi32, #tpu.memory_space<vmem>>
        %dma_wait3A_630 = arith.constant 0 : i32
        %dma_wait3A_631 = arith.constant 0 : i32
        %dma_wait3A_632 = tpu.memref_slice %arg14[%dma_wait3A_630, %dma_wait3A_631] : memref<10240x128xf32, #tpu.memory_space<vmem_shared>> -> memref<10240x128xf32, #tpu.memory_space<vmem_shared>>
        tpu.wait_indirect_dma semaphore(%arg20 : memref<!tpu.dma_semaphore, #tpu.memory_space<semaphore_mem>>) src(%arg13 : memref<80x128xf32, #tpu.memory_space<vmem>>) dst(%dma_wait3A_632 : memref<10240x128xf32, #tpu.memory_space<vmem_shared>>)
        %add3A_633 = arith.constant 1 : i32
        %add3A_634 = arith.addi %add3A_623, %add3A_633 : i32
        %mul3A_635 = arith.constant 125 : i32
        %mul3A_636 = arith.muli %arg1, %mul3A_635 : i32
        %add3A_637 = arith.addi %mul3A_636, %add3A_634 : i32
        %dma_wait3A_638 = arith.constant 0 : i32
        %dma_wait3A_639 = arith.constant 0 : i32
        %dma_wait3A_640 = tpu.memref_slice %arg4[%add3A_637, %dma_wait3A_638, %dma_wait3A_639] : memref<2000x2x80xi32, #tpu.memory_space<hbm>> -> memref<1x2x80xi32, #tpu.memory_space<hbm>>
        %dma_wait3A_641 = tpu.memref_squeeze %dma_wait3A_640 : memref<1x2x80xi32, #tpu.memory_space<hbm>> -> memref<2x80xi32, #tpu.memory_space<hbm>>
        %dma_wait3A_642 = arith.constant 0 : i32
        %dma_wait3A_643 = arith.constant 0 : i32
        %dma_wait3A_644 = tpu.memref_slice %arg4[%add3A_637, %dma_wait3A_642, %dma_wait3A_643] : memref<2000x2x80xi32, #tpu.memory_space<hbm>> -> memref<1x2x80xi32, #tpu.memory_space<hbm>>
        %dma_wait3A_645 = tpu.memref_squeeze %dma_wait3A_644 : memref<1x2x80xi32, #tpu.memory_space<hbm>> -> memref<2x80xi32, #tpu.memory_space<hbm>>
        tpu.wait_dma2 semaphore(%arg21 : memref<!tpu.dma_semaphore, #tpu.memory_space<semaphore_mem>>) src(%dma_wait3A_645 : memref<2x80xi32, #tpu.memory_space<hbm>>) dst(%arg7 : memref<2x80xi32, #tpu.memory_space<vmem>>)
        %add3A_646 = arith.constant 1 : i32
        %add3A_647 = arith.addi %add3A_623, %add3A_646 : i32
        %dma_start3A_648 = arith.constant 0 : i32
        %dma_start3A_649 = arith.constant 0 : i32
        %dma_start3A_650 = tpu.memref_slice %arg7[%dma_start3A_648, %dma_start3A_649] : memref<2x80xi32, #tpu.memory_space<vmem>> -> memref<1x80xi32, #tpu.memory_space<vmem>>
        %dma_start3A_651 = tpu.memref_squeeze %dma_start3A_650 : memref<1x80xi32, #tpu.memory_space<vmem>> -> memref<80xi32, #tpu.memory_space<vmem>>
        %dma_start3A_652 = arith.constant 0 : i32
        %dma_start3A_653 = arith.constant 0 : i32
        %dma_start3A_654 = tpu.memref_slice %arg3[%dma_start3A_652, %dma_start3A_653] : memref<10000x128xf32, #tpu.memory_space<hbm>> -> memref<10000x128xf32, #tpu.memory_space<hbm>>
        tpu.enqueue_indirect_dma source(%dma_start3A_654 : memref<10000x128xf32, #tpu.memory_space<hbm>>) target(%arg13 : memref<80x128xf32, #tpu.memory_space<vmem>>) offsets(%dma_start3A_651 : memref<80xi32, #tpu.memory_space<vmem>>) semaphore(%arg17 : memref<!tpu.dma_semaphore, #tpu.memory_space<semaphore_mem>>)
        %add3A_655 = arith.constant 2 : i32
        %add3A_656 = arith.addi %add3A_623, %add3A_655 : i32
        %mul3A_657 = arith.constant 125 : i32
        %mul3A_658 = arith.muli %arg1, %mul3A_657 : i32
        %add3A_659 = arith.addi %mul3A_658, %add3A_656 : i32
        %dma_start3A_660 = arith.constant 0 : i32
        %dma_start3A_661 = arith.constant 0 : i32
        %dma_start3A_662 = tpu.memref_slice %arg4[%add3A_659, %dma_start3A_660, %dma_start3A_661] : memref<2000x2x80xi32, #tpu.memory_space<hbm>> -> memref<1x2x80xi32, #tpu.memory_space<hbm>>
        %dma_start3A_663 = tpu.memref_squeeze %dma_start3A_662 : memref<1x2x80xi32, #tpu.memory_space<hbm>> -> memref<2x80xi32, #tpu.memory_space<hbm>>
        %dma_start3A_664 = arith.constant 0 : i32
        %dma_start3A_665 = arith.constant 0 : i32
        %dma_start3A_666 = tpu.memref_slice %arg4[%add3A_659, %dma_start3A_664, %dma_start3A_665] : memref<2000x2x80xi32, #tpu.memory_space<hbm>> -> memref<1x2x80xi32, #tpu.memory_space<hbm>>
        %dma_start3A_667 = tpu.memref_squeeze %dma_start3A_666 : memref<1x2x80xi32, #tpu.memory_space<hbm>> -> memref<2x80xi32, #tpu.memory_space<hbm>>
        tpu.enqueue_dma source(%dma_start3A_667 : memref<2x80xi32, #tpu.memory_space<hbm>>) target(%arg8 : memref<2x80xi32, #tpu.memory_space<vmem>>) target_semaphore(%arg22 : memref<!tpu.dma_semaphore, #tpu.memory_space<semaphore_mem>>)
        %dma_wait3A_668 = arith.constant 0 : i32
        %dma_wait3A_669 = arith.constant 0 : i32
        %dma_wait3A_670 = tpu.memref_slice %arg10[%dma_wait3A_668, %dma_wait3A_669] : memref<2x80xi32, #tpu.memory_space<vmem>> -> memref<1x80xi32, #tpu.memory_space<vmem>>
        %dma_wait3A_671 = tpu.memref_squeeze %dma_wait3A_670 : memref<1x80xi32, #tpu.memory_space<vmem>> -> memref<80xi32, #tpu.memory_space<vmem>>
        %dma_wait3A_672 = arith.constant 0 : i32
        %dma_wait3A_673 = arith.constant 0 : i32
        %dma_wait3A_674 = tpu.memref_slice %arg3[%dma_wait3A_672, %dma_wait3A_673] : memref<10000x128xf32, #tpu.memory_space<hbm>> -> memref<10000x128xf32, #tpu.memory_space<hbm>>
        tpu.wait_indirect_dma semaphore(%arg16 : memref<!tpu.dma_semaphore, #tpu.memory_space<semaphore_mem>>) src(%dma_wait3A_674 : memref<10000x128xf32, #tpu.memory_space<hbm>>) dst(%arg12 : memref<80x128xf32, #tpu.memory_space<vmem>>)
        %dma_start3A_675 = arith.constant 1 : i32
        %dma_start3A_676 = arith.constant 0 : i32
        %dma_start3A_677 = tpu.memref_slice %arg10[%dma_start3A_675, %dma_start3A_676] : memref<2x80xi32, #tpu.memory_space<vmem>> -> memref<1x80xi32, #tpu.memory_space<vmem>>
        %dma_start3A_678 = tpu.memref_squeeze %dma_start3A_677 : memref<1x80xi32, #tpu.memory_space<vmem>> -> memref<80xi32, #tpu.memory_space<vmem>>
        %dma_start3A_679 = arith.constant 0 : i32
        %dma_start3A_680 = arith.constant 0 : i32
        %dma_start3A_681 = tpu.memref_slice %arg14[%dma_start3A_679, %dma_start3A_680] : memref<10240x128xf32, #tpu.memory_space<vmem_shared>> -> memref<10240x128xf32, #tpu.memory_space<vmem_shared>>
        tpu.enqueue_indirect_dma source(%arg12 : memref<80x128xf32, #tpu.memory_space<vmem>>) target(%dma_start3A_681 : memref<10240x128xf32, #tpu.memory_space<vmem_shared>>) offsets(%dma_start3A_678 : memref<80xi32, #tpu.memory_space<vmem>>) semaphore(%arg19 : memref<!tpu.dma_semaphore, #tpu.memory_space<semaphore_mem>>) {add = true}
        %mul3A_682 = arith.constant 12 : i32
        %mul3A_683 = arith.muli %mul3A_682, %scan3A_297 : i32
        %add3A_684 = arith.constant 2 : i32
        %add3A_685 = arith.addi %mul3A_683, %add3A_684 : i32
        %add3A_686 = arith.constant 6 : i32
        %add3A_687 = arith.addi %add3A_685, %add3A_686 : i32
        %sub3A_688 = arith.constant 2 : i32
        %sub3A_689 = arith.subi %add3A_687, %sub3A_688 : i32
        %dma_wait3A_690 = arith.constant 1 : i32
        %dma_wait3A_691 = arith.constant 0 : i32
        %dma_wait3A_692 = tpu.memref_slice %arg9[%dma_wait3A_690, %dma_wait3A_691] : memref<2x80xi32, #tpu.memory_space<vmem>> -> memref<1x80xi32, #tpu.memory_space<vmem>>
        %dma_wait3A_693 = tpu.memref_squeeze %dma_wait3A_692 : memref<1x80xi32, #tpu.memory_space<vmem>> -> memref<80xi32, #tpu.memory_space<vmem>>
        %dma_wait3A_694 = arith.constant 0 : i32
        %dma_wait3A_695 = arith.constant 0 : i32
        %dma_wait3A_696 = tpu.memref_slice %arg14[%dma_wait3A_694, %dma_wait3A_695] : memref<10240x128xf32, #tpu.memory_space<vmem_shared>> -> memref<10240x128xf32, #tpu.memory_space<vmem_shared>>
        tpu.wait_indirect_dma semaphore(%arg18 : memref<!tpu.dma_semaphore, #tpu.memory_space<semaphore_mem>>) src(%arg11 : memref<80x128xf32, #tpu.memory_space<vmem>>) dst(%dma_wait3A_696 : memref<10240x128xf32, #tpu.memory_space<vmem_shared>>)
        %add3A_697 = arith.constant 1 : i32
        %add3A_698 = arith.addi %add3A_687, %add3A_697 : i32
        %mul3A_699 = arith.constant 125 : i32
        %mul3A_700 = arith.muli %arg1, %mul3A_699 : i32
        %add3A_701 = arith.addi %mul3A_700, %add3A_698 : i32
        %dma_wait3A_702 = arith.constant 0 : i32
        %dma_wait3A_703 = arith.constant 0 : i32
        %dma_wait3A_704 = tpu.memref_slice %arg4[%add3A_701, %dma_wait3A_702, %dma_wait3A_703] : memref<2000x2x80xi32, #tpu.memory_space<hbm>> -> memref<1x2x80xi32, #tpu.memory_space<hbm>>
        %dma_wait3A_705 = tpu.memref_squeeze %dma_wait3A_704 : memref<1x2x80xi32, #tpu.memory_space<hbm>> -> memref<2x80xi32, #tpu.memory_space<hbm>>
        %dma_wait3A_706 = arith.constant 0 : i32
        %dma_wait3A_707 = arith.constant 0 : i32
        %dma_wait3A_708 = tpu.memref_slice %arg4[%add3A_701, %dma_wait3A_706, %dma_wait3A_707] : memref<2000x2x80xi32, #tpu.memory_space<hbm>> -> memref<1x2x80xi32, #tpu.memory_space<hbm>>
        %dma_wait3A_709 = tpu.memref_squeeze %dma_wait3A_708 : memref<1x2x80xi32, #tpu.memory_space<hbm>> -> memref<2x80xi32, #tpu.memory_space<hbm>>
        tpu.wait_dma2 semaphore(%arg22 : memref<!tpu.dma_semaphore, #tpu.memory_space<semaphore_mem>>) src(%dma_wait3A_709 : memref<2x80xi32, #tpu.memory_space<hbm>>) dst(%arg8 : memref<2x80xi32, #tpu.memory_space<vmem>>)
        %add3A_710 = arith.constant 1 : i32
        %add3A_711 = arith.addi %add3A_687, %add3A_710 : i32
        %dma_start3A_712 = arith.constant 0 : i32
        %dma_start3A_713 = arith.constant 0 : i32
        %dma_start3A_714 = tpu.memref_slice %arg8[%dma_start3A_712, %dma_start3A_713] : memref<2x80xi32, #tpu.memory_space<vmem>> -> memref<1x80xi32, #tpu.memory_space<vmem>>
        %dma_start3A_715 = tpu.memref_squeeze %dma_start3A_714 : memref<1x80xi32, #tpu.memory_space<vmem>> -> memref<80xi32, #tpu.memory_space<vmem>>
        %dma_start3A_716 = arith.constant 0 : i32
        %dma_start3A_717 = arith.constant 0 : i32
        %dma_start3A_718 = tpu.memref_slice %arg3[%dma_start3A_716, %dma_start3A_717] : memref<10000x128xf32, #tpu.memory_space<hbm>> -> memref<10000x128xf32, #tpu.memory_space<hbm>>
        tpu.enqueue_indirect_dma source(%dma_start3A_718 : memref<10000x128xf32, #tpu.memory_space<hbm>>) target(%arg11 : memref<80x128xf32, #tpu.memory_space<vmem>>) offsets(%dma_start3A_715 : memref<80xi32, #tpu.memory_space<vmem>>) semaphore(%arg15 : memref<!tpu.dma_semaphore, #tpu.memory_space<semaphore_mem>>)
        %add3A_719 = arith.constant 2 : i32
        %add3A_720 = arith.addi %add3A_687, %add3A_719 : i32
        %mul3A_721 = arith.constant 125 : i32
        %mul3A_722 = arith.muli %arg1, %mul3A_721 : i32
        %add3A_723 = arith.addi %mul3A_722, %add3A_720 : i32
        %dma_start3A_724 = arith.constant 0 : i32
        %dma_start3A_725 = arith.constant 0 : i32
        %dma_start3A_726 = tpu.memref_slice %arg4[%add3A_723, %dma_start3A_724, %dma_start3A_725] : memref<2000x2x80xi32, #tpu.memory_space<hbm>> -> memref<1x2x80xi32, #tpu.memory_space<hbm>>
        %dma_start3A_727 = tpu.memref_squeeze %dma_start3A_726 : memref<1x2x80xi32, #tpu.memory_space<hbm>> -> memref<2x80xi32, #tpu.memory_space<hbm>>
        %dma_start3A_728 = arith.constant 0 : i32
        %dma_start3A_729 = arith.constant 0 : i32
        %dma_start3A_730 = tpu.memref_slice %arg4[%add3A_723, %dma_start3A_728, %dma_start3A_729] : memref<2000x2x80xi32, #tpu.memory_space<hbm>> -> memref<1x2x80xi32, #tpu.memory_space<hbm>>
        %dma_start3A_731 = tpu.memref_squeeze %dma_start3A_730 : memref<1x2x80xi32, #tpu.memory_space<hbm>> -> memref<2x80xi32, #tpu.memory_space<hbm>>
        tpu.enqueue_dma source(%dma_start3A_731 : memref<2x80xi32, #tpu.memory_space<hbm>>) target(%arg9 : memref<2x80xi32, #tpu.memory_space<vmem>>) target_semaphore(%arg23 : memref<!tpu.dma_semaphore, #tpu.memory_space<semaphore_mem>>)
        %dma_wait3A_732 = arith.constant 0 : i32
        %dma_wait3A_733 = arith.constant 0 : i32
        %dma_wait3A_734 = tpu.memref_slice %arg7[%dma_wait3A_732, %dma_wait3A_733] : memref<2x80xi32, #tpu.memory_space<vmem>> -> memref<1x80xi32, #tpu.memory_space<vmem>>
        %dma_wait3A_735 = tpu.memref_squeeze %dma_wait3A_734 : memref<1x80xi32, #tpu.memory_space<vmem>> -> memref<80xi32, #tpu.memory_space<vmem>>
        %dma_wait3A_736 = arith.constant 0 : i32
        %dma_wait3A_737 = arith.constant 0 : i32
        %dma_wait3A_738 = tpu.memref_slice %arg3[%dma_wait3A_736, %dma_wait3A_737] : memref<10000x128xf32, #tpu.memory_space<hbm>> -> memref<10000x128xf32, #tpu.memory_space<hbm>>
        tpu.wait_indirect_dma semaphore(%arg17 : memref<!tpu.dma_semaphore, #tpu.memory_space<semaphore_mem>>) src(%dma_wait3A_738 : memref<10000x128xf32, #tpu.memory_space<hbm>>) dst(%arg13 : memref<80x128xf32, #tpu.memory_space<vmem>>)
        %dma_start3A_739 = arith.constant 1 : i32
        %dma_start3A_740 = arith.constant 0 : i32
        %dma_start3A_741 = tpu.memref_slice %arg7[%dma_start3A_739, %dma_start3A_740] : memref<2x80xi32, #tpu.memory_space<vmem>> -> memref<1x80xi32, #tpu.memory_space<vmem>>
        %dma_start3A_742 = tpu.memref_squeeze %dma_start3A_741 : memref<1x80xi32, #tpu.memory_space<vmem>> -> memref<80xi32, #tpu.memory_space<vmem>>
        %dma_start3A_743 = arith.constant 0 : i32
        %dma_start3A_744 = arith.constant 0 : i32
        %dma_start3A_745 = tpu.memref_slice %arg14[%dma_start3A_743, %dma_start3A_744] : memref<10240x128xf32, #tpu.memory_space<vmem_shared>> -> memref<10240x128xf32, #tpu.memory_space<vmem_shared>>
        tpu.enqueue_indirect_dma source(%arg13 : memref<80x128xf32, #tpu.memory_space<vmem>>) target(%dma_start3A_745 : memref<10240x128xf32, #tpu.memory_space<vmem_shared>>) offsets(%dma_start3A_742 : memref<80xi32, #tpu.memory_space<vmem>>) semaphore(%arg20 : memref<!tpu.dma_semaphore, #tpu.memory_space<semaphore_mem>>) {add = true}
        %mul3A_746 = arith.constant 12 : i32
        %mul3A_747 = arith.muli %mul3A_746, %scan3A_297 : i32
        %add3A_748 = arith.constant 2 : i32
        %add3A_749 = arith.addi %mul3A_747, %add3A_748 : i32
        %add3A_750 = arith.constant 7 : i32
        %add3A_751 = arith.addi %add3A_749, %add3A_750 : i32
        %sub3A_752 = arith.constant 2 : i32
        %sub3A_753 = arith.subi %add3A_751, %sub3A_752 : i32
        %dma_wait3A_754 = arith.constant 1 : i32
        %dma_wait3A_755 = arith.constant 0 : i32
        %dma_wait3A_756 = tpu.memref_slice %arg10[%dma_wait3A_754, %dma_wait3A_755] : memref<2x80xi32, #tpu.memory_space<vmem>> -> memref<1x80xi32, #tpu.memory_space<vmem>>
        %dma_wait3A_757 = tpu.memref_squeeze %dma_wait3A_756 : memref<1x80xi32, #tpu.memory_space<vmem>> -> memref<80xi32, #tpu.memory_space<vmem>>
        %dma_wait3A_758 = arith.constant 0 : i32
        %dma_wait3A_759 = arith.constant 0 : i32
        %dma_wait3A_760 = tpu.memref_slice %arg14[%dma_wait3A_758, %dma_wait3A_759] : memref<10240x128xf32, #tpu.memory_space<vmem_shared>> -> memref<10240x128xf32, #tpu.memory_space<vmem_shared>>
        tpu.wait_indirect_dma semaphore(%arg19 : memref<!tpu.dma_semaphore, #tpu.memory_space<semaphore_mem>>) src(%arg12 : memref<80x128xf32, #tpu.memory_space<vmem>>) dst(%dma_wait3A_760 : memref<10240x128xf32, #tpu.memory_space<vmem_shared>>)
        %add3A_761 = arith.constant 1 : i32
        %add3A_762 = arith.addi %add3A_751, %add3A_761 : i32
        %mul3A_763 = arith.constant 125 : i32
        %mul3A_764 = arith.muli %arg1, %mul3A_763 : i32
        %add3A_765 = arith.addi %mul3A_764, %add3A_762 : i32
        %dma_wait3A_766 = arith.constant 0 : i32
        %dma_wait3A_767 = arith.constant 0 : i32
        %dma_wait3A_768 = tpu.memref_slice %arg4[%add3A_765, %dma_wait3A_766, %dma_wait3A_767] : memref<2000x2x80xi32, #tpu.memory_space<hbm>> -> memref<1x2x80xi32, #tpu.memory_space<hbm>>
        %dma_wait3A_769 = tpu.memref_squeeze %dma_wait3A_768 : memref<1x2x80xi32, #tpu.memory_space<hbm>> -> memref<2x80xi32, #tpu.memory_space<hbm>>
        %dma_wait3A_770 = arith.constant 0 : i32
        %dma_wait3A_771 = arith.constant 0 : i32
        %dma_wait3A_772 = tpu.memref_slice %arg4[%add3A_765, %dma_wait3A_770, %dma_wait3A_771] : memref<2000x2x80xi32, #tpu.memory_space<hbm>> -> memref<1x2x80xi32, #tpu.memory_space<hbm>>
        %dma_wait3A_773 = tpu.memref_squeeze %dma_wait3A_772 : memref<1x2x80xi32, #tpu.memory_space<hbm>> -> memref<2x80xi32, #tpu.memory_space<hbm>>
        tpu.wait_dma2 semaphore(%arg23 : memref<!tpu.dma_semaphore, #tpu.memory_space<semaphore_mem>>) src(%dma_wait3A_773 : memref<2x80xi32, #tpu.memory_space<hbm>>) dst(%arg9 : memref<2x80xi32, #tpu.memory_space<vmem>>)
        %add3A_774 = arith.constant 1 : i32
        %add3A_775 = arith.addi %add3A_751, %add3A_774 : i32
        %dma_start3A_776 = arith.constant 0 : i32
        %dma_start3A_777 = arith.constant 0 : i32
        %dma_start3A_778 = tpu.memref_slice %arg9[%dma_start3A_776, %dma_start3A_777] : memref<2x80xi32, #tpu.memory_space<vmem>> -> memref<1x80xi32, #tpu.memory_space<vmem>>
        %dma_start3A_779 = tpu.memref_squeeze %dma_start3A_778 : memref<1x80xi32, #tpu.memory_space<vmem>> -> memref<80xi32, #tpu.memory_space<vmem>>
        %dma_start3A_780 = arith.constant 0 : i32
        %dma_start3A_781 = arith.constant 0 : i32
        %dma_start3A_782 = tpu.memref_slice %arg3[%dma_start3A_780, %dma_start3A_781] : memref<10000x128xf32, #tpu.memory_space<hbm>> -> memref<10000x128xf32, #tpu.memory_space<hbm>>
        tpu.enqueue_indirect_dma source(%dma_start3A_782 : memref<10000x128xf32, #tpu.memory_space<hbm>>) target(%arg12 : memref<80x128xf32, #tpu.memory_space<vmem>>) offsets(%dma_start3A_779 : memref<80xi32, #tpu.memory_space<vmem>>) semaphore(%arg16 : memref<!tpu.dma_semaphore, #tpu.memory_space<semaphore_mem>>)
        %add3A_783 = arith.constant 2 : i32
        %add3A_784 = arith.addi %add3A_751, %add3A_783 : i32
        %mul3A_785 = arith.constant 125 : i32
        %mul3A_786 = arith.muli %arg1, %mul3A_785 : i32
        %add3A_787 = arith.addi %mul3A_786, %add3A_784 : i32
        %dma_start3A_788 = arith.constant 0 : i32
        %dma_start3A_789 = arith.constant 0 : i32
        %dma_start3A_790 = tpu.memref_slice %arg4[%add3A_787, %dma_start3A_788, %dma_start3A_789] : memref<2000x2x80xi32, #tpu.memory_space<hbm>> -> memref<1x2x80xi32, #tpu.memory_space<hbm>>
        %dma_start3A_791 = tpu.memref_squeeze %dma_start3A_790 : memref<1x2x80xi32, #tpu.memory_space<hbm>> -> memref<2x80xi32, #tpu.memory_space<hbm>>
        %dma_start3A_792 = arith.constant 0 : i32
        %dma_start3A_793 = arith.constant 0 : i32
        %dma_start3A_794 = tpu.memref_slice %arg4[%add3A_787, %dma_start3A_792, %dma_start3A_793] : memref<2000x2x80xi32, #tpu.memory_space<hbm>> -> memref<1x2x80xi32, #tpu.memory_space<hbm>>
        %dma_start3A_795 = tpu.memref_squeeze %dma_start3A_794 : memref<1x2x80xi32, #tpu.memory_space<hbm>> -> memref<2x80xi32, #tpu.memory_space<hbm>>
        tpu.enqueue_dma source(%dma_start3A_795 : memref<2x80xi32, #tpu.memory_space<hbm>>) target(%arg10 : memref<2x80xi32, #tpu.memory_space<vmem>>) target_semaphore(%arg24 : memref<!tpu.dma_semaphore, #tpu.memory_space<semaphore_mem>>)
        %dma_wait3A_796 = arith.constant 0 : i32
        %dma_wait3A_797 = arith.constant 0 : i32
        %dma_wait3A_798 = tpu.memref_slice %arg8[%dma_wait3A_796, %dma_wait3A_797] : memref<2x80xi32, #tpu.memory_space<vmem>> -> memref<1x80xi32, #tpu.memory_space<vmem>>
        %dma_wait3A_799 = tpu.memref_squeeze %dma_wait3A_798 : memref<1x80xi32, #tpu.memory_space<vmem>> -> memref<80xi32, #tpu.memory_space<vmem>>
        %dma_wait3A_800 = arith.constant 0 : i32
        %dma_wait3A_801 = arith.constant 0 : i32
        %dma_wait3A_802 = tpu.memref_slice %arg3[%dma_wait3A_800, %dma_wait3A_801] : memref<10000x128xf32, #tpu.memory_space<hbm>> -> memref<10000x128xf32, #tpu.memory_space<hbm>>
        tpu.wait_indirect_dma semaphore(%arg15 : memref<!tpu.dma_semaphore, #tpu.memory_space<semaphore_mem>>) src(%dma_wait3A_802 : memref<10000x128xf32, #tpu.memory_space<hbm>>) dst(%arg11 : memref<80x128xf32, #tpu.memory_space<vmem>>)
        %dma_start3A_803 = arith.constant 1 : i32
        %dma_start3A_804 = arith.constant 0 : i32
        %dma_start3A_805 = tpu.memref_slice %arg8[%dma_start3A_803, %dma_start3A_804] : memref<2x80xi32, #tpu.memory_space<vmem>> -> memref<1x80xi32, #tpu.memory_space<vmem>>
        %dma_start3A_806 = tpu.memref_squeeze %dma_start3A_805 : memref<1x80xi32, #tpu.memory_space<vmem>> -> memref<80xi32, #tpu.memory_space<vmem>>
        %dma_start3A_807 = arith.constant 0 : i32
        %dma_start3A_808 = arith.constant 0 : i32
        %dma_start3A_809 = tpu.memref_slice %arg14[%dma_start3A_807, %dma_start3A_808] : memref<10240x128xf32, #tpu.memory_space<vmem_shared>> -> memref<10240x128xf32, #tpu.memory_space<vmem_shared>>
        tpu.enqueue_indirect_dma source(%arg11 : memref<80x128xf32, #tpu.memory_space<vmem>>) target(%dma_start3A_809 : memref<10240x128xf32, #tpu.memory_space<vmem_shared>>) offsets(%dma_start3A_806 : memref<80xi32, #tpu.memory_space<vmem>>) semaphore(%arg18 : memref<!tpu.dma_semaphore, #tpu.memory_space<semaphore_mem>>) {add = true}
        %mul3A_810 = arith.constant 12 : i32
        %mul3A_811 = arith.muli %mul3A_810, %scan3A_297 : i32
        %add3A_812 = arith.constant 2 : i32
        %add3A_813 = arith.addi %mul3A_811, %add3A_812 : i32
        %add3A_814 = arith.constant 8 : i32
        %add3A_815 = arith.addi %add3A_813, %add3A_814 : i32
        %sub3A_816 = arith.constant 2 : i32
        %sub3A_817 = arith.subi %add3A_815, %sub3A_816 : i32
        %dma_wait3A_818 = arith.constant 1 : i32
        %dma_wait3A_819 = arith.constant 0 : i32
        %dma_wait3A_820 = tpu.memref_slice %arg7[%dma_wait3A_818, %dma_wait3A_819] : memref<2x80xi32, #tpu.memory_space<vmem>> -> memref<1x80xi32, #tpu.memory_space<vmem>>
        %dma_wait3A_821 = tpu.memref_squeeze %dma_wait3A_820 : memref<1x80xi32, #tpu.memory_space<vmem>> -> memref<80xi32, #tpu.memory_space<vmem>>
        %dma_wait3A_822 = arith.constant 0 : i32
        %dma_wait3A_823 = arith.constant 0 : i32
        %dma_wait3A_824 = tpu.memref_slice %arg14[%dma_wait3A_822, %dma_wait3A_823] : memref<10240x128xf32, #tpu.memory_space<vmem_shared>> -> memref<10240x128xf32, #tpu.memory_space<vmem_shared>>
        tpu.wait_indirect_dma semaphore(%arg20 : memref<!tpu.dma_semaphore, #tpu.memory_space<semaphore_mem>>) src(%arg13 : memref<80x128xf32, #tpu.memory_space<vmem>>) dst(%dma_wait3A_824 : memref<10240x128xf32, #tpu.memory_space<vmem_shared>>)
        %add3A_825 = arith.constant 1 : i32
        %add3A_826 = arith.addi %add3A_815, %add3A_825 : i32
        %mul3A_827 = arith.constant 125 : i32
        %mul3A_828 = arith.muli %arg1, %mul3A_827 : i32
        %add3A_829 = arith.addi %mul3A_828, %add3A_826 : i32
        %dma_wait3A_830 = arith.constant 0 : i32
        %dma_wait3A_831 = arith.constant 0 : i32
        %dma_wait3A_832 = tpu.memref_slice %arg4[%add3A_829, %dma_wait3A_830, %dma_wait3A_831] : memref<2000x2x80xi32, #tpu.memory_space<hbm>> -> memref<1x2x80xi32, #tpu.memory_space<hbm>>
        %dma_wait3A_833 = tpu.memref_squeeze %dma_wait3A_832 : memref<1x2x80xi32, #tpu.memory_space<hbm>> -> memref<2x80xi32, #tpu.memory_space<hbm>>
        %dma_wait3A_834 = arith.constant 0 : i32
        %dma_wait3A_835 = arith.constant 0 : i32
        %dma_wait3A_836 = tpu.memref_slice %arg4[%add3A_829, %dma_wait3A_834, %dma_wait3A_835] : memref<2000x2x80xi32, #tpu.memory_space<hbm>> -> memref<1x2x80xi32, #tpu.memory_space<hbm>>
        %dma_wait3A_837 = tpu.memref_squeeze %dma_wait3A_836 : memref<1x2x80xi32, #tpu.memory_space<hbm>> -> memref<2x80xi32, #tpu.memory_space<hbm>>
        tpu.wait_dma2 semaphore(%arg24 : memref<!tpu.dma_semaphore, #tpu.memory_space<semaphore_mem>>) src(%dma_wait3A_837 : memref<2x80xi32, #tpu.memory_space<hbm>>) dst(%arg10 : memref<2x80xi32, #tpu.memory_space<vmem>>)
        %add3A_838 = arith.constant 1 : i32
        %add3A_839 = arith.addi %add3A_815, %add3A_838 : i32
        %dma_start3A_840 = arith.constant 0 : i32
        %dma_start3A_841 = arith.constant 0 : i32
        %dma_start3A_842 = tpu.memref_slice %arg10[%dma_start3A_840, %dma_start3A_841] : memref<2x80xi32, #tpu.memory_space<vmem>> -> memref<1x80xi32, #tpu.memory_space<vmem>>
        %dma_start3A_843 = tpu.memref_squeeze %dma_start3A_842 : memref<1x80xi32, #tpu.memory_space<vmem>> -> memref<80xi32, #tpu.memory_space<vmem>>
        %dma_start3A_844 = arith.constant 0 : i32
        %dma_start3A_845 = arith.constant 0 : i32
        %dma_start3A_846 = tpu.memref_slice %arg3[%dma_start3A_844, %dma_start3A_845] : memref<10000x128xf32, #tpu.memory_space<hbm>> -> memref<10000x128xf32, #tpu.memory_space<hbm>>
        tpu.enqueue_indirect_dma source(%dma_start3A_846 : memref<10000x128xf32, #tpu.memory_space<hbm>>) target(%arg13 : memref<80x128xf32, #tpu.memory_space<vmem>>) offsets(%dma_start3A_843 : memref<80xi32, #tpu.memory_space<vmem>>) semaphore(%arg17 : memref<!tpu.dma_semaphore, #tpu.memory_space<semaphore_mem>>)
        %add3A_847 = arith.constant 2 : i32
        %add3A_848 = arith.addi %add3A_815, %add3A_847 : i32
        %mul3A_849 = arith.constant 125 : i32
        %mul3A_850 = arith.muli %arg1, %mul3A_849 : i32
        %add3A_851 = arith.addi %mul3A_850, %add3A_848 : i32
        %dma_start3A_852 = arith.constant 0 : i32
        %dma_start3A_853 = arith.constant 0 : i32
        %dma_start3A_854 = tpu.memref_slice %arg4[%add3A_851, %dma_start3A_852, %dma_start3A_853] : memref<2000x2x80xi32, #tpu.memory_space<hbm>> -> memref<1x2x80xi32, #tpu.memory_space<hbm>>
        %dma_start3A_855 = tpu.memref_squeeze %dma_start3A_854 : memref<1x2x80xi32, #tpu.memory_space<hbm>> -> memref<2x80xi32, #tpu.memory_space<hbm>>
        %dma_start3A_856 = arith.constant 0 : i32
        %dma_start3A_857 = arith.constant 0 : i32
        %dma_start3A_858 = tpu.memref_slice %arg4[%add3A_851, %dma_start3A_856, %dma_start3A_857] : memref<2000x2x80xi32, #tpu.memory_space<hbm>> -> memref<1x2x80xi32, #tpu.memory_space<hbm>>
        %dma_start3A_859 = tpu.memref_squeeze %dma_start3A_858 : memref<1x2x80xi32, #tpu.memory_space<hbm>> -> memref<2x80xi32, #tpu.memory_space<hbm>>
        tpu.enqueue_dma source(%dma_start3A_859 : memref<2x80xi32, #tpu.memory_space<hbm>>) target(%arg7 : memref<2x80xi32, #tpu.memory_space<vmem>>) target_semaphore(%arg21 : memref<!tpu.dma_semaphore, #tpu.memory_space<semaphore_mem>>)
        %dma_wait3A_860 = arith.constant 0 : i32
        %dma_wait3A_861 = arith.constant 0 : i32
        %dma_wait3A_862 = tpu.memref_slice %arg9[%dma_wait3A_860, %dma_wait3A_861] : memref<2x80xi32, #tpu.memory_space<vmem>> -> memref<1x80xi32, #tpu.memory_space<vmem>>
        %dma_wait3A_863 = tpu.memref_squeeze %dma_wait3A_862 : memref<1x80xi32, #tpu.memory_space<vmem>> -> memref<80xi32, #tpu.memory_space<vmem>>
        %dma_wait3A_864 = arith.constant 0 : i32
        %dma_wait3A_865 = arith.constant 0 : i32
        %dma_wait3A_866 = tpu.memref_slice %arg3[%dma_wait3A_864, %dma_wait3A_865] : memref<10000x128xf32, #tpu.memory_space<hbm>> -> memref<10000x128xf32, #tpu.memory_space<hbm>>
        tpu.wait_indirect_dma semaphore(%arg16 : memref<!tpu.dma_semaphore, #tpu.memory_space<semaphore_mem>>) src(%dma_wait3A_866 : memref<10000x128xf32, #tpu.memory_space<hbm>>) dst(%arg12 : memref<80x128xf32, #tpu.memory_space<vmem>>)
        %dma_start3A_867 = arith.constant 1 : i32
        %dma_start3A_868 = arith.constant 0 : i32
        %dma_start3A_869 = tpu.memref_slice %arg9[%dma_start3A_867, %dma_start3A_868] : memref<2x80xi32, #tpu.memory_space<vmem>> -> memref<1x80xi32, #tpu.memory_space<vmem>>
        %dma_start3A_870 = tpu.memref_squeeze %dma_start3A_869 : memref<1x80xi32, #tpu.memory_space<vmem>> -> memref<80xi32, #tpu.memory_space<vmem>>
        %dma_start3A_871 = arith.constant 0 : i32
        %dma_start3A_872 = arith.constant 0 : i32
        %dma_start3A_873 = tpu.memref_slice %arg14[%dma_start3A_871, %dma_start3A_872] : memref<10240x128xf32, #tpu.memory_space<vmem_shared>> -> memref<10240x128xf32, #tpu.memory_space<vmem_shared>>
        tpu.enqueue_indirect_dma source(%arg12 : memref<80x128xf32, #tpu.memory_space<vmem>>) target(%dma_start3A_873 : memref<10240x128xf32, #tpu.memory_space<vmem_shared>>) offsets(%dma_start3A_870 : memref<80xi32, #tpu.memory_space<vmem>>) semaphore(%arg19 : memref<!tpu.dma_semaphore, #tpu.memory_space<semaphore_mem>>) {add = true}
        %mul3A_874 = arith.constant 12 : i32
        %mul3A_875 = arith.muli %mul3A_874, %scan3A_297 : i32
        %add3A_876 = arith.constant 2 : i32
        %add3A_877 = arith.addi %mul3A_875, %add3A_876 : i32
        %add3A_878 = arith.constant 9 : i32
        %add3A_879 = arith.addi %add3A_877, %add3A_878 : i32
        %sub3A_880 = arith.constant 2 : i32
        %sub3A_881 = arith.subi %add3A_879, %sub3A_880 : i32
        %dma_wait3A_882 = arith.constant 1 : i32
        %dma_wait3A_883 = arith.constant 0 : i32
        %dma_wait3A_884 = tpu.memref_slice %arg8[%dma_wait3A_882, %dma_wait3A_883] : memref<2x80xi32, #tpu.memory_space<vmem>> -> memref<1x80xi32, #tpu.memory_space<vmem>>
        %dma_wait3A_885 = tpu.memref_squeeze %dma_wait3A_884 : memref<1x80xi32, #tpu.memory_space<vmem>> -> memref<80xi32, #tpu.memory_space<vmem>>
        %dma_wait3A_886 = arith.constant 0 : i32
        %dma_wait3A_887 = arith.constant 0 : i32
        %dma_wait3A_888 = tpu.memref_slice %arg14[%dma_wait3A_886, %dma_wait3A_887] : memref<10240x128xf32, #tpu.memory_space<vmem_shared>> -> memref<10240x128xf32, #tpu.memory_space<vmem_shared>>
        tpu.wait_indirect_dma semaphore(%arg18 : memref<!tpu.dma_semaphore, #tpu.memory_space<semaphore_mem>>) src(%arg11 : memref<80x128xf32, #tpu.memory_space<vmem>>) dst(%dma_wait3A_888 : memref<10240x128xf32, #tpu.memory_space<vmem_shared>>)
        %add3A_889 = arith.constant 1 : i32
        %add3A_890 = arith.addi %add3A_879, %add3A_889 : i32
        %mul3A_891 = arith.constant 125 : i32
        %mul3A_892 = arith.muli %arg1, %mul3A_891 : i32
        %add3A_893 = arith.addi %mul3A_892, %add3A_890 : i32
        %dma_wait3A_894 = arith.constant 0 : i32
        %dma_wait3A_895 = arith.constant 0 : i32
        %dma_wait3A_896 = tpu.memref_slice %arg4[%add3A_893, %dma_wait3A_894, %dma_wait3A_895] : memref<2000x2x80xi32, #tpu.memory_space<hbm>> -> memref<1x2x80xi32, #tpu.memory_space<hbm>>
        %dma_wait3A_897 = tpu.memref_squeeze %dma_wait3A_896 : memref<1x2x80xi32, #tpu.memory_space<hbm>> -> memref<2x80xi32, #tpu.memory_space<hbm>>
        %dma_wait3A_898 = arith.constant 0 : i32
        %dma_wait3A_899 = arith.constant 0 : i32
        %dma_wait3A_900 = tpu.memref_slice %arg4[%add3A_893, %dma_wait3A_898, %dma_wait3A_899] : memref<2000x2x80xi32, #tpu.memory_space<hbm>> -> memref<1x2x80xi32, #tpu.memory_space<hbm>>
        %dma_wait3A_901 = tpu.memref_squeeze %dma_wait3A_900 : memref<1x2x80xi32, #tpu.memory_space<hbm>> -> memref<2x80xi32, #tpu.memory_space<hbm>>
        tpu.wait_dma2 semaphore(%arg21 : memref<!tpu.dma_semaphore, #tpu.memory_space<semaphore_mem>>) src(%dma_wait3A_901 : memref<2x80xi32, #tpu.memory_space<hbm>>) dst(%arg7 : memref<2x80xi32, #tpu.memory_space<vmem>>)
        %add3A_902 = arith.constant 1 : i32
        %add3A_903 = arith.addi %add3A_879, %add3A_902 : i32
        %dma_start3A_904 = arith.constant 0 : i32
        %dma_start3A_905 = arith.constant 0 : i32
        %dma_start3A_906 = tpu.memref_slice %arg7[%dma_start3A_904, %dma_start3A_905] : memref<2x80xi32, #tpu.memory_space<vmem>> -> memref<1x80xi32, #tpu.memory_space<vmem>>
        %dma_start3A_907 = tpu.memref_squeeze %dma_start3A_906 : memref<1x80xi32, #tpu.memory_space<vmem>> -> memref<80xi32, #tpu.memory_space<vmem>>
        %dma_start3A_908 = arith.constant 0 : i32
        %dma_start3A_909 = arith.constant 0 : i32
        %dma_start3A_910 = tpu.memref_slice %arg3[%dma_start3A_908, %dma_start3A_909] : memref<10000x128xf32, #tpu.memory_space<hbm>> -> memref<10000x128xf32, #tpu.memory_space<hbm>>
        tpu.enqueue_indirect_dma source(%dma_start3A_910 : memref<10000x128xf32, #tpu.memory_space<hbm>>) target(%arg11 : memref<80x128xf32, #tpu.memory_space<vmem>>) offsets(%dma_start3A_907 : memref<80xi32, #tpu.memory_space<vmem>>) semaphore(%arg15 : memref<!tpu.dma_semaphore, #tpu.memory_space<semaphore_mem>>)
        %add3A_911 = arith.constant 2 : i32
        %add3A_912 = arith.addi %add3A_879, %add3A_911 : i32
        %mul3A_913 = arith.constant 125 : i32
        %mul3A_914 = arith.muli %arg1, %mul3A_913 : i32
        %add3A_915 = arith.addi %mul3A_914, %add3A_912 : i32
        %dma_start3A_916 = arith.constant 0 : i32
        %dma_start3A_917 = arith.constant 0 : i32
        %dma_start3A_918 = tpu.memref_slice %arg4[%add3A_915, %dma_start3A_916, %dma_start3A_917] : memref<2000x2x80xi32, #tpu.memory_space<hbm>> -> memref<1x2x80xi32, #tpu.memory_space<hbm>>
        %dma_start3A_919 = tpu.memref_squeeze %dma_start3A_918 : memref<1x2x80xi32, #tpu.memory_space<hbm>> -> memref<2x80xi32, #tpu.memory_space<hbm>>
        %dma_start3A_920 = arith.constant 0 : i32
        %dma_start3A_921 = arith.constant 0 : i32
        %dma_start3A_922 = tpu.memref_slice %arg4[%add3A_915, %dma_start3A_920, %dma_start3A_921] : memref<2000x2x80xi32, #tpu.memory_space<hbm>> -> memref<1x2x80xi32, #tpu.memory_space<hbm>>
        %dma_start3A_923 = tpu.memref_squeeze %dma_start3A_922 : memref<1x2x80xi32, #tpu.memory_space<hbm>> -> memref<2x80xi32, #tpu.memory_space<hbm>>
        tpu.enqueue_dma source(%dma_start3A_923 : memref<2x80xi32, #tpu.memory_space<hbm>>) target(%arg8 : memref<2x80xi32, #tpu.memory_space<vmem>>) target_semaphore(%arg22 : memref<!tpu.dma_semaphore, #tpu.memory_space<semaphore_mem>>)
        %dma_wait3A_924 = arith.constant 0 : i32
        %dma_wait3A_925 = arith.constant 0 : i32
        %dma_wait3A_926 = tpu.memref_slice %arg10[%dma_wait3A_924, %dma_wait3A_925] : memref<2x80xi32, #tpu.memory_space<vmem>> -> memref<1x80xi32, #tpu.memory_space<vmem>>
        %dma_wait3A_927 = tpu.memref_squeeze %dma_wait3A_926 : memref<1x80xi32, #tpu.memory_space<vmem>> -> memref<80xi32, #tpu.memory_space<vmem>>
        %dma_wait3A_928 = arith.constant 0 : i32
        %dma_wait3A_929 = arith.constant 0 : i32
        %dma_wait3A_930 = tpu.memref_slice %arg3[%dma_wait3A_928, %dma_wait3A_929] : memref<10000x128xf32, #tpu.memory_space<hbm>> -> memref<10000x128xf32, #tpu.memory_space<hbm>>
        tpu.wait_indirect_dma semaphore(%arg17 : memref<!tpu.dma_semaphore, #tpu.memory_space<semaphore_mem>>) src(%dma_wait3A_930 : memref<10000x128xf32, #tpu.memory_space<hbm>>) dst(%arg13 : memref<80x128xf32, #tpu.memory_space<vmem>>)
        %dma_start3A_931 = arith.constant 1 : i32
        %dma_start3A_932 = arith.constant 0 : i32
        %dma_start3A_933 = tpu.memref_slice %arg10[%dma_start3A_931, %dma_start3A_932] : memref<2x80xi32, #tpu.memory_space<vmem>> -> memref<1x80xi32, #tpu.memory_space<vmem>>
        %dma_start3A_934 = tpu.memref_squeeze %dma_start3A_933 : memref<1x80xi32, #tpu.memory_space<vmem>> -> memref<80xi32, #tpu.memory_space<vmem>>
        %dma_start3A_935 = arith.constant 0 : i32
        %dma_start3A_936 = arith.constant 0 : i32
        %dma_start3A_937 = tpu.memref_slice %arg14[%dma_start3A_935, %dma_start3A_936] : memref<10240x128xf32, #tpu.memory_space<vmem_shared>> -> memref<10240x128xf32, #tpu.memory_space<vmem_shared>>
        tpu.enqueue_indirect_dma source(%arg13 : memref<80x128xf32, #tpu.memory_space<vmem>>) target(%dma_start3A_937 : memref<10240x128xf32, #tpu.memory_space<vmem_shared>>) offsets(%dma_start3A_934 : memref<80xi32, #tpu.memory_space<vmem>>) semaphore(%arg20 : memref<!tpu.dma_semaphore, #tpu.memory_space<semaphore_mem>>) {add = true}
        %mul3A_938 = arith.constant 12 : i32
        %mul3A_939 = arith.muli %mul3A_938, %scan3A_297 : i32
        %add3A_940 = arith.constant 2 : i32
        %add3A_941 = arith.addi %mul3A_939, %add3A_940 : i32
        %add3A_942 = arith.constant 10 : i32
        %add3A_943 = arith.addi %add3A_941, %add3A_942 : i32
        %sub3A_944 = arith.constant 2 : i32
        %sub3A_945 = arith.subi %add3A_943, %sub3A_944 : i32
        %dma_wait3A_946 = arith.constant 1 : i32
        %dma_wait3A_947 = arith.constant 0 : i32
        %dma_wait3A_948 = tpu.memref_slice %arg9[%dma_wait3A_946, %dma_wait3A_947] : memref<2x80xi32, #tpu.memory_space<vmem>> -> memref<1x80xi32, #tpu.memory_space<vmem>>
        %dma_wait3A_949 = tpu.memref_squeeze %dma_wait3A_948 : memref<1x80xi32, #tpu.memory_space<vmem>> -> memref<80xi32, #tpu.memory_space<vmem>>
        %dma_wait3A_950 = arith.constant 0 : i32
        %dma_wait3A_951 = arith.constant 0 : i32
        %dma_wait3A_952 = tpu.memref_slice %arg14[%dma_wait3A_950, %dma_wait3A_951] : memref<10240x128xf32, #tpu.memory_space<vmem_shared>> -> memref<10240x128xf32, #tpu.memory_space<vmem_shared>>
        tpu.wait_indirect_dma semaphore(%arg19 : memref<!tpu.dma_semaphore, #tpu.memory_space<semaphore_mem>>) src(%arg12 : memref<80x128xf32, #tpu.memory_space<vmem>>) dst(%dma_wait3A_952 : memref<10240x128xf32, #tpu.memory_space<vmem_shared>>)
        %add3A_953 = arith.constant 1 : i32
        %add3A_954 = arith.addi %add3A_943, %add3A_953 : i32
        %mul3A_955 = arith.constant 125 : i32
        %mul3A_956 = arith.muli %arg1, %mul3A_955 : i32
        %add3A_957 = arith.addi %mul3A_956, %add3A_954 : i32
        %dma_wait3A_958 = arith.constant 0 : i32
        %dma_wait3A_959 = arith.constant 0 : i32
        %dma_wait3A_960 = tpu.memref_slice %arg4[%add3A_957, %dma_wait3A_958, %dma_wait3A_959] : memref<2000x2x80xi32, #tpu.memory_space<hbm>> -> memref<1x2x80xi32, #tpu.memory_space<hbm>>
        %dma_wait3A_961 = tpu.memref_squeeze %dma_wait3A_960 : memref<1x2x80xi32, #tpu.memory_space<hbm>> -> memref<2x80xi32, #tpu.memory_space<hbm>>
        %dma_wait3A_962 = arith.constant 0 : i32
        %dma_wait3A_963 = arith.constant 0 : i32
        %dma_wait3A_964 = tpu.memref_slice %arg4[%add3A_957, %dma_wait3A_962, %dma_wait3A_963] : memref<2000x2x80xi32, #tpu.memory_space<hbm>> -> memref<1x2x80xi32, #tpu.memory_space<hbm>>
        %dma_wait3A_965 = tpu.memref_squeeze %dma_wait3A_964 : memref<1x2x80xi32, #tpu.memory_space<hbm>> -> memref<2x80xi32, #tpu.memory_space<hbm>>
        tpu.wait_dma2 semaphore(%arg22 : memref<!tpu.dma_semaphore, #tpu.memory_space<semaphore_mem>>) src(%dma_wait3A_965 : memref<2x80xi32, #tpu.memory_space<hbm>>) dst(%arg8 : memref<2x80xi32, #tpu.memory_space<vmem>>)
        %add3A_966 = arith.constant 1 : i32
        %add3A_967 = arith.addi %add3A_943, %add3A_966 : i32
        %dma_start3A_968 = arith.constant 0 : i32
        %dma_start3A_969 = arith.constant 0 : i32
        %dma_start3A_970 = tpu.memref_slice %arg8[%dma_start3A_968, %dma_start3A_969] : memref<2x80xi32, #tpu.memory_space<vmem>> -> memref<1x80xi32, #tpu.memory_space<vmem>>
        %dma_start3A_971 = tpu.memref_squeeze %dma_start3A_970 : memref<1x80xi32, #tpu.memory_space<vmem>> -> memref<80xi32, #tpu.memory_space<vmem>>
        %dma_start3A_972 = arith.constant 0 : i32
        %dma_start3A_973 = arith.constant 0 : i32
        %dma_start3A_974 = tpu.memref_slice %arg3[%dma_start3A_972, %dma_start3A_973] : memref<10000x128xf32, #tpu.memory_space<hbm>> -> memref<10000x128xf32, #tpu.memory_space<hbm>>
        tpu.enqueue_indirect_dma source(%dma_start3A_974 : memref<10000x128xf32, #tpu.memory_space<hbm>>) target(%arg12 : memref<80x128xf32, #tpu.memory_space<vmem>>) offsets(%dma_start3A_971 : memref<80xi32, #tpu.memory_space<vmem>>) semaphore(%arg16 : memref<!tpu.dma_semaphore, #tpu.memory_space<semaphore_mem>>)
        %add3A_975 = arith.constant 2 : i32
        %add3A_976 = arith.addi %add3A_943, %add3A_975 : i32
        %mul3A_977 = arith.constant 125 : i32
        %mul3A_978 = arith.muli %arg1, %mul3A_977 : i32
        %add3A_979 = arith.addi %mul3A_978, %add3A_976 : i32
        %dma_start3A_980 = arith.constant 0 : i32
        %dma_start3A_981 = arith.constant 0 : i32
        %dma_start3A_982 = tpu.memref_slice %arg4[%add3A_979, %dma_start3A_980, %dma_start3A_981] : memref<2000x2x80xi32, #tpu.memory_space<hbm>> -> memref<1x2x80xi32, #tpu.memory_space<hbm>>
        %dma_start3A_983 = tpu.memref_squeeze %dma_start3A_982 : memref<1x2x80xi32, #tpu.memory_space<hbm>> -> memref<2x80xi32, #tpu.memory_space<hbm>>
        %dma_start3A_984 = arith.constant 0 : i32
        %dma_start3A_985 = arith.constant 0 : i32
        %dma_start3A_986 = tpu.memref_slice %arg4[%add3A_979, %dma_start3A_984, %dma_start3A_985] : memref<2000x2x80xi32, #tpu.memory_space<hbm>> -> memref<1x2x80xi32, #tpu.memory_space<hbm>>
        %dma_start3A_987 = tpu.memref_squeeze %dma_start3A_986 : memref<1x2x80xi32, #tpu.memory_space<hbm>> -> memref<2x80xi32, #tpu.memory_space<hbm>>
        tpu.enqueue_dma source(%dma_start3A_987 : memref<2x80xi32, #tpu.memory_space<hbm>>) target(%arg9 : memref<2x80xi32, #tpu.memory_space<vmem>>) target_semaphore(%arg23 : memref<!tpu.dma_semaphore, #tpu.memory_space<semaphore_mem>>)
        %dma_wait3A_988 = arith.constant 0 : i32
        %dma_wait3A_989 = arith.constant 0 : i32
        %dma_wait3A_990 = tpu.memref_slice %arg7[%dma_wait3A_988, %dma_wait3A_989] : memref<2x80xi32, #tpu.memory_space<vmem>> -> memref<1x80xi32, #tpu.memory_space<vmem>>
        %dma_wait3A_991 = tpu.memref_squeeze %dma_wait3A_990 : memref<1x80xi32, #tpu.memory_space<vmem>> -> memref<80xi32, #tpu.memory_space<vmem>>
        %dma_wait3A_992 = arith.constant 0 : i32
        %dma_wait3A_993 = arith.constant 0 : i32
        %dma_wait3A_994 = tpu.memref_slice %arg3[%dma_wait3A_992, %dma_wait3A_993] : memref<10000x128xf32, #tpu.memory_space<hbm>> -> memref<10000x128xf32, #tpu.memory_space<hbm>>
        tpu.wait_indirect_dma semaphore(%arg15 : memref<!tpu.dma_semaphore, #tpu.memory_space<semaphore_mem>>) src(%dma_wait3A_994 : memref<10000x128xf32, #tpu.memory_space<hbm>>) dst(%arg11 : memref<80x128xf32, #tpu.memory_space<vmem>>)
        %dma_start3A_995 = arith.constant 1 : i32
        %dma_start3A_996 = arith.constant 0 : i32
        %dma_start3A_997 = tpu.memref_slice %arg7[%dma_start3A_995, %dma_start3A_996] : memref<2x80xi32, #tpu.memory_space<vmem>> -> memref<1x80xi32, #tpu.memory_space<vmem>>
        %dma_start3A_998 = tpu.memref_squeeze %dma_start3A_997 : memref<1x80xi32, #tpu.memory_space<vmem>> -> memref<80xi32, #tpu.memory_space<vmem>>
        %dma_start3A_999 = arith.constant 0 : i32
        %dma_start3A_1000 = arith.constant 0 : i32
        %dma_start3A_1001 = tpu.memref_slice %arg14[%dma_start3A_999, %dma_start3A_1000] : memref<10240x128xf32, #tpu.memory_space<vmem_shared>> -> memref<10240x128xf32, #tpu.memory_space<vmem_shared>>
        tpu.enqueue_indirect_dma source(%arg11 : memref<80x128xf32, #tpu.memory_space<vmem>>) target(%dma_start3A_1001 : memref<10240x128xf32, #tpu.memory_space<vmem_shared>>) offsets(%dma_start3A_998 : memref<80xi32, #tpu.memory_space<vmem>>) semaphore(%arg18 : memref<!tpu.dma_semaphore, #tpu.memory_space<semaphore_mem>>) {add = true}
        %mul3A_1002 = arith.constant 12 : i32
        %mul3A_1003 = arith.muli %mul3A_1002, %scan3A_297 : i32
        %add3A_1004 = arith.constant 2 : i32
        %add3A_1005 = arith.addi %mul3A_1003, %add3A_1004 : i32
        %add3A_1006 = arith.constant 11 : i32
        %add3A_1007 = arith.addi %add3A_1005, %add3A_1006 : i32
        %sub3A_1008 = arith.constant 2 : i32
        %sub3A_1009 = arith.subi %add3A_1007, %sub3A_1008 : i32
        %dma_wait3A_1010 = arith.constant 1 : i32
        %dma_wait3A_1011 = arith.constant 0 : i32
        %dma_wait3A_1012 = tpu.memref_slice %arg10[%dma_wait3A_1010, %dma_wait3A_1011] : memref<2x80xi32, #tpu.memory_space<vmem>> -> memref<1x80xi32, #tpu.memory_space<vmem>>
        %dma_wait3A_1013 = tpu.memref_squeeze %dma_wait3A_1012 : memref<1x80xi32, #tpu.memory_space<vmem>> -> memref<80xi32, #tpu.memory_space<vmem>>
        %dma_wait3A_1014 = arith.constant 0 : i32
        %dma_wait3A_1015 = arith.constant 0 : i32
        %dma_wait3A_1016 = tpu.memref_slice %arg14[%dma_wait3A_1014, %dma_wait3A_1015] : memref<10240x128xf32, #tpu.memory_space<vmem_shared>> -> memref<10240x128xf32, #tpu.memory_space<vmem_shared>>
        tpu.wait_indirect_dma semaphore(%arg20 : memref<!tpu.dma_semaphore, #tpu.memory_space<semaphore_mem>>) src(%arg13 : memref<80x128xf32, #tpu.memory_space<vmem>>) dst(%dma_wait3A_1016 : memref<10240x128xf32, #tpu.memory_space<vmem_shared>>)
        %add3A_1017 = arith.constant 1 : i32
        %add3A_1018 = arith.addi %add3A_1007, %add3A_1017 : i32
        %mul3A_1019 = arith.constant 125 : i32
        %mul3A_1020 = arith.muli %arg1, %mul3A_1019 : i32
        %add3A_1021 = arith.addi %mul3A_1020, %add3A_1018 : i32
        %dma_wait3A_1022 = arith.constant 0 : i32
        %dma_wait3A_1023 = arith.constant 0 : i32
        %dma_wait3A_1024 = tpu.memref_slice %arg4[%add3A_1021, %dma_wait3A_1022, %dma_wait3A_1023] : memref<2000x2x80xi32, #tpu.memory_space<hbm>> -> memref<1x2x80xi32, #tpu.memory_space<hbm>>
        %dma_wait3A_1025 = tpu.memref_squeeze %dma_wait3A_1024 : memref<1x2x80xi32, #tpu.memory_space<hbm>> -> memref<2x80xi32, #tpu.memory_space<hbm>>
        %dma_wait3A_1026 = arith.constant 0 : i32
        %dma_wait3A_1027 = arith.constant 0 : i32
        %dma_wait3A_1028 = tpu.memref_slice %arg4[%add3A_1021, %dma_wait3A_1026, %dma_wait3A_1027] : memref<2000x2x80xi32, #tpu.memory_space<hbm>> -> memref<1x2x80xi32, #tpu.memory_space<hbm>>
        %dma_wait3A_1029 = tpu.memref_squeeze %dma_wait3A_1028 : memref<1x2x80xi32, #tpu.memory_space<hbm>> -> memref<2x80xi32, #tpu.memory_space<hbm>>
        tpu.wait_dma2 semaphore(%arg23 : memref<!tpu.dma_semaphore, #tpu.memory_space<semaphore_mem>>) src(%dma_wait3A_1029 : memref<2x80xi32, #tpu.memory_space<hbm>>) dst(%arg9 : memref<2x80xi32, #tpu.memory_space<vmem>>)
        %add3A_1030 = arith.constant 1 : i32
        %add3A_1031 = arith.addi %add3A_1007, %add3A_1030 : i32
        %dma_start3A_1032 = arith.constant 0 : i32
        %dma_start3A_1033 = arith.constant 0 : i32
        %dma_start3A_1034 = tpu.memref_slice %arg9[%dma_start3A_1032, %dma_start3A_1033] : memref<2x80xi32, #tpu.memory_space<vmem>> -> memref<1x80xi32, #tpu.memory_space<vmem>>
        %dma_start3A_1035 = tpu.memref_squeeze %dma_start3A_1034 : memref<1x80xi32, #tpu.memory_space<vmem>> -> memref<80xi32, #tpu.memory_space<vmem>>
        %dma_start3A_1036 = arith.constant 0 : i32
        %dma_start3A_1037 = arith.constant 0 : i32
        %dma_start3A_1038 = tpu.memref_slice %arg3[%dma_start3A_1036, %dma_start3A_1037] : memref<10000x128xf32, #tpu.memory_space<hbm>> -> memref<10000x128xf32, #tpu.memory_space<hbm>>
        tpu.enqueue_indirect_dma source(%dma_start3A_1038 : memref<10000x128xf32, #tpu.memory_space<hbm>>) target(%arg13 : memref<80x128xf32, #tpu.memory_space<vmem>>) offsets(%dma_start3A_1035 : memref<80xi32, #tpu.memory_space<vmem>>) semaphore(%arg17 : memref<!tpu.dma_semaphore, #tpu.memory_space<semaphore_mem>>)
        %add3A_1039 = arith.constant 2 : i32
        %add3A_1040 = arith.addi %add3A_1007, %add3A_1039 : i32
        %mul3A_1041 = arith.constant 125 : i32
        %mul3A_1042 = arith.muli %arg1, %mul3A_1041 : i32
        %add3A_1043 = arith.addi %mul3A_1042, %add3A_1040 : i32
        %dma_start3A_1044 = arith.constant 0 : i32
        %dma_start3A_1045 = arith.constant 0 : i32
        %dma_start3A_1046 = tpu.memref_slice %arg4[%add3A_1043, %dma_start3A_1044, %dma_start3A_1045] : memref<2000x2x80xi32, #tpu.memory_space<hbm>> -> memref<1x2x80xi32, #tpu.memory_space<hbm>>
        %dma_start3A_1047 = tpu.memref_squeeze %dma_start3A_1046 : memref<1x2x80xi32, #tpu.memory_space<hbm>> -> memref<2x80xi32, #tpu.memory_space<hbm>>
        %dma_start3A_1048 = arith.constant 0 : i32
        %dma_start3A_1049 = arith.constant 0 : i32
        %dma_start3A_1050 = tpu.memref_slice %arg4[%add3A_1043, %dma_start3A_1048, %dma_start3A_1049] : memref<2000x2x80xi32, #tpu.memory_space<hbm>> -> memref<1x2x80xi32, #tpu.memory_space<hbm>>
        %dma_start3A_1051 = tpu.memref_squeeze %dma_start3A_1050 : memref<1x2x80xi32, #tpu.memory_space<hbm>> -> memref<2x80xi32, #tpu.memory_space<hbm>>
        tpu.enqueue_dma source(%dma_start3A_1051 : memref<2x80xi32, #tpu.memory_space<hbm>>) target(%arg10 : memref<2x80xi32, #tpu.memory_space<vmem>>) target_semaphore(%arg24 : memref<!tpu.dma_semaphore, #tpu.memory_space<semaphore_mem>>)
        %dma_wait3A_1052 = arith.constant 0 : i32
        %dma_wait3A_1053 = arith.constant 0 : i32
        %dma_wait3A_1054 = tpu.memref_slice %arg8[%dma_wait3A_1052, %dma_wait3A_1053] : memref<2x80xi32, #tpu.memory_space<vmem>> -> memref<1x80xi32, #tpu.memory_space<vmem>>
        %dma_wait3A_1055 = tpu.memref_squeeze %dma_wait3A_1054 : memref<1x80xi32, #tpu.memory_space<vmem>> -> memref<80xi32, #tpu.memory_space<vmem>>
        %dma_wait3A_1056 = arith.constant 0 : i32
        %dma_wait3A_1057 = arith.constant 0 : i32
        %dma_wait3A_1058 = tpu.memref_slice %arg3[%dma_wait3A_1056, %dma_wait3A_1057] : memref<10000x128xf32, #tpu.memory_space<hbm>> -> memref<10000x128xf32, #tpu.memory_space<hbm>>
        tpu.wait_indirect_dma semaphore(%arg16 : memref<!tpu.dma_semaphore, #tpu.memory_space<semaphore_mem>>) src(%dma_wait3A_1058 : memref<10000x128xf32, #tpu.memory_space<hbm>>) dst(%arg12 : memref<80x128xf32, #tpu.memory_space<vmem>>)
        %dma_start3A_1059 = arith.constant 1 : i32
        %dma_start3A_1060 = arith.constant 0 : i32
        %dma_start3A_1061 = tpu.memref_slice %arg8[%dma_start3A_1059, %dma_start3A_1060] : memref<2x80xi32, #tpu.memory_space<vmem>> -> memref<1x80xi32, #tpu.memory_space<vmem>>
        %dma_start3A_1062 = tpu.memref_squeeze %dma_start3A_1061 : memref<1x80xi32, #tpu.memory_space<vmem>> -> memref<80xi32, #tpu.memory_space<vmem>>
        %dma_start3A_1063 = arith.constant 0 : i32
        %dma_start3A_1064 = arith.constant 0 : i32
        %dma_start3A_1065 = tpu.memref_slice %arg14[%dma_start3A_1063, %dma_start3A_1064] : memref<10240x128xf32, #tpu.memory_space<vmem_shared>> -> memref<10240x128xf32, #tpu.memory_space<vmem_shared>>
        tpu.enqueue_indirect_dma source(%arg12 : memref<80x128xf32, #tpu.memory_space<vmem>>) target(%dma_start3A_1065 : memref<10240x128xf32, #tpu.memory_space<vmem_shared>>) offsets(%dma_start3A_1062 : memref<80xi32, #tpu.memory_space<vmem>>) semaphore(%arg19 : memref<!tpu.dma_semaphore, #tpu.memory_space<semaphore_mem>>) {add = true}
        %scan3A_1066 = arith.constant 0 : i32
        scf.yield %scan3A_1066 : i32
      }
      %scan3A_169 = arith.constant 10 : i32
      %dma_wait3A_170 = arith.constant 1 : i32
      %dma_wait3A_171 = arith.constant 0 : i32
      %dma_wait3A_172 = tpu.memref_slice %arg7[%dma_wait3A_170, %dma_wait3A_171] : memref<2x80xi32, #tpu.memory_space<vmem>> -> memref<1x80xi32, #tpu.memory_space<vmem>>
      %dma_wait3A_173 = tpu.memref_squeeze %dma_wait3A_172 : memref<1x80xi32, #tpu.memory_space<vmem>> -> memref<80xi32, #tpu.memory_space<vmem>>
      %dma_wait3A_174 = arith.constant 0 : i32
      %dma_wait3A_175 = arith.constant 0 : i32
      %dma_wait3A_176 = tpu.memref_slice %arg14[%dma_wait3A_174, %dma_wait3A_175] : memref<10240x128xf32, #tpu.memory_space<vmem_shared>> -> memref<10240x128xf32, #tpu.memory_space<vmem_shared>>
      tpu.wait_indirect_dma semaphore(%arg18 : memref<!tpu.dma_semaphore, #tpu.memory_space<semaphore_mem>>) src(%arg11 : memref<80x128xf32, #tpu.memory_space<vmem>>) dst(%dma_wait3A_176 : memref<10240x128xf32, #tpu.memory_space<vmem_shared>>)
      %mul3A_177 = arith.constant 125 : i32
      %mul3A_178 = arith.muli %arg1, %mul3A_177 : i32
      %add3A_179 = arith.constant 123 : i32
      %add3A_180 = arith.addi %mul3A_178, %add3A_179 : i32
      %dma_wait3A_181 = arith.constant 0 : i32
      %dma_wait3A_182 = arith.constant 0 : i32
      %dma_wait3A_183 = tpu.memref_slice %arg4[%add3A_180, %dma_wait3A_181, %dma_wait3A_182] : memref<2000x2x80xi32, #tpu.memory_space<hbm>> -> memref<1x2x80xi32, #tpu.memory_space<hbm>>
      %dma_wait3A_184 = tpu.memref_squeeze %dma_wait3A_183 : memref<1x2x80xi32, #tpu.memory_space<hbm>> -> memref<2x80xi32, #tpu.memory_space<hbm>>
      %dma_wait3A_185 = arith.constant 0 : i32
      %dma_wait3A_186 = arith.constant 0 : i32
      %dma_wait3A_187 = tpu.memref_slice %arg4[%add3A_180, %dma_wait3A_185, %dma_wait3A_186] : memref<2000x2x80xi32, #tpu.memory_space<hbm>> -> memref<1x2x80xi32, #tpu.memory_space<hbm>>
      %dma_wait3A_188 = tpu.memref_squeeze %dma_wait3A_187 : memref<1x2x80xi32, #tpu.memory_space<hbm>> -> memref<2x80xi32, #tpu.memory_space<hbm>>
      tpu.wait_dma2 semaphore(%arg24 : memref<!tpu.dma_semaphore, #tpu.memory_space<semaphore_mem>>) src(%dma_wait3A_188 : memref<2x80xi32, #tpu.memory_space<hbm>>) dst(%arg10 : memref<2x80xi32, #tpu.memory_space<vmem>>)
      %dma_start3A_189 = arith.constant 0 : i32
      %dma_start3A_190 = arith.constant 0 : i32
      %dma_start3A_191 = tpu.memref_slice %arg10[%dma_start3A_189, %dma_start3A_190] : memref<2x80xi32, #tpu.memory_space<vmem>> -> memref<1x80xi32, #tpu.memory_space<vmem>>
      %dma_start3A_192 = tpu.memref_squeeze %dma_start3A_191 : memref<1x80xi32, #tpu.memory_space<vmem>> -> memref<80xi32, #tpu.memory_space<vmem>>
      %dma_start3A_193 = arith.constant 0 : i32
      %dma_start3A_194 = arith.constant 0 : i32
      %dma_start3A_195 = tpu.memref_slice %arg3[%dma_start3A_193, %dma_start3A_194] : memref<10000x128xf32, #tpu.memory_space<hbm>> -> memref<10000x128xf32, #tpu.memory_space<hbm>>
      tpu.enqueue_indirect_dma source(%dma_start3A_195 : memref<10000x128xf32, #tpu.memory_space<hbm>>) target(%arg11 : memref<80x128xf32, #tpu.memory_space<vmem>>) offsets(%dma_start3A_192 : memref<80xi32, #tpu.memory_space<vmem>>) semaphore(%arg15 : memref<!tpu.dma_semaphore, #tpu.memory_space<semaphore_mem>>)
      %mul3A_196 = arith.constant 125 : i32
      %mul3A_197 = arith.muli %arg1, %mul3A_196 : i32
      %add3A_198 = arith.constant 124 : i32
      %add3A_199 = arith.addi %mul3A_197, %add3A_198 : i32
      %dma_start3A_200 = arith.constant 0 : i32
      %dma_start3A_201 = arith.constant 0 : i32
      %dma_start3A_202 = tpu.memref_slice %arg4[%add3A_199, %dma_start3A_200, %dma_start3A_201] : memref<2000x2x80xi32, #tpu.memory_space<hbm>> -> memref<1x2x80xi32, #tpu.memory_space<hbm>>
      %dma_start3A_203 = tpu.memref_squeeze %dma_start3A_202 : memref<1x2x80xi32, #tpu.memory_space<hbm>> -> memref<2x80xi32, #tpu.memory_space<hbm>>
      %dma_start3A_204 = arith.constant 0 : i32
      %dma_start3A_205 = arith.constant 0 : i32
      %dma_start3A_206 = tpu.memref_slice %arg4[%add3A_199, %dma_start3A_204, %dma_start3A_205] : memref<2000x2x80xi32, #tpu.memory_space<hbm>> -> memref<1x2x80xi32, #tpu.memory_space<hbm>>
      %dma_start3A_207 = tpu.memref_squeeze %dma_start3A_206 : memref<1x2x80xi32, #tpu.memory_space<hbm>> -> memref<2x80xi32, #tpu.memory_space<hbm>>
      tpu.enqueue_dma source(%dma_start3A_207 : memref<2x80xi32, #tpu.memory_space<hbm>>) target(%arg7 : memref<2x80xi32, #tpu.memory_space<vmem>>) target_semaphore(%arg21 : memref<!tpu.dma_semaphore, #tpu.memory_space<semaphore_mem>>)
      %dma_wait3A_208 = arith.constant 0 : i32
      %dma_wait3A_209 = arith.constant 0 : i32
      %dma_wait3A_210 = tpu.memref_slice %arg9[%dma_wait3A_208, %dma_wait3A_209] : memref<2x80xi32, #tpu.memory_space<vmem>> -> memref<1x80xi32, #tpu.memory_space<vmem>>
      %dma_wait3A_211 = tpu.memref_squeeze %dma_wait3A_210 : memref<1x80xi32, #tpu.memory_space<vmem>> -> memref<80xi32, #tpu.memory_space<vmem>>
      %dma_wait3A_212 = arith.constant 0 : i32
      %dma_wait3A_213 = arith.constant 0 : i32
      %dma_wait3A_214 = tpu.memref_slice %arg3[%dma_wait3A_212, %dma_wait3A_213] : memref<10000x128xf32, #tpu.memory_space<hbm>> -> memref<10000x128xf32, #tpu.memory_space<hbm>>
      tpu.wait_indirect_dma semaphore(%arg17 : memref<!tpu.dma_semaphore, #tpu.memory_space<semaphore_mem>>) src(%dma_wait3A_214 : memref<10000x128xf32, #tpu.memory_space<hbm>>) dst(%arg13 : memref<80x128xf32, #tpu.memory_space<vmem>>)
      %dma_start3A_215 = arith.constant 1 : i32
      %dma_start3A_216 = arith.constant 0 : i32
      %dma_start3A_217 = tpu.memref_slice %arg9[%dma_start3A_215, %dma_start3A_216] : memref<2x80xi32, #tpu.memory_space<vmem>> -> memref<1x80xi32, #tpu.memory_space<vmem>>
      %dma_start3A_218 = tpu.memref_squeeze %dma_start3A_217 : memref<1x80xi32, #tpu.memory_space<vmem>> -> memref<80xi32, #tpu.memory_space<vmem>>
      %dma_start3A_219 = arith.constant 0 : i32
      %dma_start3A_220 = arith.constant 0 : i32
      %dma_start3A_221 = tpu.memref_slice %arg14[%dma_start3A_219, %dma_start3A_220] : memref<10240x128xf32, #tpu.memory_space<vmem_shared>> -> memref<10240x128xf32, #tpu.memory_space<vmem_shared>>
      tpu.enqueue_indirect_dma source(%arg13 : memref<80x128xf32, #tpu.memory_space<vmem>>) target(%dma_start3A_221 : memref<10240x128xf32, #tpu.memory_space<vmem_shared>>) offsets(%dma_start3A_218 : memref<80xi32, #tpu.memory_space<vmem>>) semaphore(%arg20 : memref<!tpu.dma_semaphore, #tpu.memory_space<semaphore_mem>>) {add = true}
      %dma_wait3A_222 = arith.constant 1 : i32
      %dma_wait3A_223 = arith.constant 0 : i32
      %dma_wait3A_224 = tpu.memref_slice %arg8[%dma_wait3A_222, %dma_wait3A_223] : memref<2x80xi32, #tpu.memory_space<vmem>> -> memref<1x80xi32, #tpu.memory_space<vmem>>
      %dma_wait3A_225 = tpu.memref_squeeze %dma_wait3A_224 : memref<1x80xi32, #tpu.memory_space<vmem>> -> memref<80xi32, #tpu.memory_space<vmem>>
      %dma_wait3A_226 = arith.constant 0 : i32
      %dma_wait3A_227 = arith.constant 0 : i32
      %dma_wait3A_228 = tpu.memref_slice %arg14[%dma_wait3A_226, %dma_wait3A_227] : memref<10240x128xf32, #tpu.memory_space<vmem_shared>> -> memref<10240x128xf32, #tpu.memory_space<vmem_shared>>
      tpu.wait_indirect_dma semaphore(%arg19 : memref<!tpu.dma_semaphore, #tpu.memory_space<semaphore_mem>>) src(%arg12 : memref<80x128xf32, #tpu.memory_space<vmem>>) dst(%dma_wait3A_228 : memref<10240x128xf32, #tpu.memory_space<vmem_shared>>)
      %mul3A_229 = arith.constant 125 : i32
      %mul3A_230 = arith.muli %arg1, %mul3A_229 : i32
      %add3A_231 = arith.constant 124 : i32
      %add3A_232 = arith.addi %mul3A_230, %add3A_231 : i32
      %dma_wait3A_233 = arith.constant 0 : i32
      %dma_wait3A_234 = arith.constant 0 : i32
      %dma_wait3A_235 = tpu.memref_slice %arg4[%add3A_232, %dma_wait3A_233, %dma_wait3A_234] : memref<2000x2x80xi32, #tpu.memory_space<hbm>> -> memref<1x2x80xi32, #tpu.memory_space<hbm>>
      %dma_wait3A_236 = tpu.memref_squeeze %dma_wait3A_235 : memref<1x2x80xi32, #tpu.memory_space<hbm>> -> memref<2x80xi32, #tpu.memory_space<hbm>>
      %dma_wait3A_237 = arith.constant 0 : i32
      %dma_wait3A_238 = arith.constant 0 : i32
      %dma_wait3A_239 = tpu.memref_slice %arg4[%add3A_232, %dma_wait3A_237, %dma_wait3A_238] : memref<2000x2x80xi32, #tpu.memory_space<hbm>> -> memref<1x2x80xi32, #tpu.memory_space<hbm>>
      %dma_wait3A_240 = tpu.memref_squeeze %dma_wait3A_239 : memref<1x2x80xi32, #tpu.memory_space<hbm>> -> memref<2x80xi32, #tpu.memory_space<hbm>>
      tpu.wait_dma2 semaphore(%arg21 : memref<!tpu.dma_semaphore, #tpu.memory_space<semaphore_mem>>) src(%dma_wait3A_240 : memref<2x80xi32, #tpu.memory_space<hbm>>) dst(%arg7 : memref<2x80xi32, #tpu.memory_space<vmem>>)
      %dma_start3A_241 = arith.constant 0 : i32
      %dma_start3A_242 = arith.constant 0 : i32
      %dma_start3A_243 = tpu.memref_slice %arg7[%dma_start3A_241, %dma_start3A_242] : memref<2x80xi32, #tpu.memory_space<vmem>> -> memref<1x80xi32, #tpu.memory_space<vmem>>
      %dma_start3A_244 = tpu.memref_squeeze %dma_start3A_243 : memref<1x80xi32, #tpu.memory_space<vmem>> -> memref<80xi32, #tpu.memory_space<vmem>>
      %dma_start3A_245 = arith.constant 0 : i32
      %dma_start3A_246 = arith.constant 0 : i32
      %dma_start3A_247 = tpu.memref_slice %arg3[%dma_start3A_245, %dma_start3A_246] : memref<10000x128xf32, #tpu.memory_space<hbm>> -> memref<10000x128xf32, #tpu.memory_space<hbm>>
      tpu.enqueue_indirect_dma source(%dma_start3A_247 : memref<10000x128xf32, #tpu.memory_space<hbm>>) target(%arg12 : memref<80x128xf32, #tpu.memory_space<vmem>>) offsets(%dma_start3A_244 : memref<80xi32, #tpu.memory_space<vmem>>) semaphore(%arg16 : memref<!tpu.dma_semaphore, #tpu.memory_space<semaphore_mem>>)
      %dma_wait3A_248 = arith.constant 0 : i32
      %dma_wait3A_249 = arith.constant 0 : i32
      %dma_wait3A_250 = tpu.memref_slice %arg10[%dma_wait3A_248, %dma_wait3A_249] : memref<2x80xi32, #tpu.memory_space<vmem>> -> memref<1x80xi32, #tpu.memory_space<vmem>>
      %dma_wait3A_251 = tpu.memref_squeeze %dma_wait3A_250 : memref<1x80xi32, #tpu.memory_space<vmem>> -> memref<80xi32, #tpu.memory_space<vmem>>
      %dma_wait3A_252 = arith.constant 0 : i32
      %dma_wait3A_253 = arith.constant 0 : i32
      %dma_wait3A_254 = tpu.memref_slice %arg3[%dma_wait3A_252, %dma_wait3A_253] : memref<10000x128xf32, #tpu.memory_space<hbm>> -> memref<10000x128xf32, #tpu.memory_space<hbm>>
      tpu.wait_indirect_dma semaphore(%arg15 : memref<!tpu.dma_semaphore, #tpu.memory_space<semaphore_mem>>) src(%dma_wait3A_254 : memref<10000x128xf32, #tpu.memory_space<hbm>>) dst(%arg11 : memref<80x128xf32, #tpu.memory_space<vmem>>)
      %dma_start3A_255 = arith.constant 1 : i32
      %dma_start3A_256 = arith.constant 0 : i32
      %dma_start3A_257 = tpu.memref_slice %arg10[%dma_start3A_255, %dma_start3A_256] : memref<2x80xi32, #tpu.memory_space<vmem>> -> memref<1x80xi32, #tpu.memory_space<vmem>>
      %dma_start3A_258 = tpu.memref_squeeze %dma_start3A_257 : memref<1x80xi32, #tpu.memory_space<vmem>> -> memref<80xi32, #tpu.memory_space<vmem>>
      %dma_start3A_259 = arith.constant 0 : i32
      %dma_start3A_260 = arith.constant 0 : i32
      %dma_start3A_261 = tpu.memref_slice %arg14[%dma_start3A_259, %dma_start3A_260] : memref<10240x128xf32, #tpu.memory_space<vmem_shared>> -> memref<10240x128xf32, #tpu.memory_space<vmem_shared>>
      tpu.enqueue_indirect_dma source(%arg11 : memref<80x128xf32, #tpu.memory_space<vmem>>) target(%dma_start3A_261 : memref<10240x128xf32, #tpu.memory_space<vmem_shared>>) offsets(%dma_start3A_258 : memref<80xi32, #tpu.memory_space<vmem>>) semaphore(%arg18 : memref<!tpu.dma_semaphore, #tpu.memory_space<semaphore_mem>>) {add = true}
      %dma_wait3A_262 = arith.constant 1 : i32
      %dma_wait3A_263 = arith.constant 0 : i32
      %dma_wait3A_264 = tpu.memref_slice %arg9[%dma_wait3A_262, %dma_wait3A_263] : memref<2x80xi32, #tpu.memory_space<vmem>> -> memref<1x80xi32, #tpu.memory_space<vmem>>
      %dma_wait3A_265 = tpu.memref_squeeze %dma_wait3A_264 : memref<1x80xi32, #tpu.memory_space<vmem>> -> memref<80xi32, #tpu.memory_space<vmem>>
      %dma_wait3A_266 = arith.constant 0 : i32
      %dma_wait3A_267 = arith.constant 0 : i32
      %dma_wait3A_268 = tpu.memref_slice %arg14[%dma_wait3A_266, %dma_wait3A_267] : memref<10240x128xf32, #tpu.memory_space<vmem_shared>> -> memref<10240x128xf32, #tpu.memory_space<vmem_shared>>
      tpu.wait_indirect_dma semaphore(%arg20 : memref<!tpu.dma_semaphore, #tpu.memory_space<semaphore_mem>>) src(%arg13 : memref<80x128xf32, #tpu.memory_space<vmem>>) dst(%dma_wait3A_268 : memref<10240x128xf32, #tpu.memory_space<vmem_shared>>)
      %dma_wait3A_269 = arith.constant 0 : i32
      %dma_wait3A_270 = arith.constant 0 : i32
      %dma_wait3A_271 = tpu.memref_slice %arg7[%dma_wait3A_269, %dma_wait3A_270] : memref<2x80xi32, #tpu.memory_space<vmem>> -> memref<1x80xi32, #tpu.memory_space<vmem>>
      %dma_wait3A_272 = tpu.memref_squeeze %dma_wait3A_271 : memref<1x80xi32, #tpu.memory_space<vmem>> -> memref<80xi32, #tpu.memory_space<vmem>>
      %dma_wait3A_273 = arith.constant 0 : i32
      %dma_wait3A_274 = arith.constant 0 : i32
      %dma_wait3A_275 = tpu.memref_slice %arg3[%dma_wait3A_273, %dma_wait3A_274] : memref<10000x128xf32, #tpu.memory_space<hbm>> -> memref<10000x128xf32, #tpu.memory_space<hbm>>
      tpu.wait_indirect_dma semaphore(%arg16 : memref<!tpu.dma_semaphore, #tpu.memory_space<semaphore_mem>>) src(%dma_wait3A_275 : memref<10000x128xf32, #tpu.memory_space<hbm>>) dst(%arg12 : memref<80x128xf32, #tpu.memory_space<vmem>>)
      %dma_start3A_276 = arith.constant 1 : i32
      %dma_start3A_277 = arith.constant 0 : i32
      %dma_start3A_278 = tpu.memref_slice %arg7[%dma_start3A_276, %dma_start3A_277] : memref<2x80xi32, #tpu.memory_space<vmem>> -> memref<1x80xi32, #tpu.memory_space<vmem>>
      %dma_start3A_279 = tpu.memref_squeeze %dma_start3A_278 : memref<1x80xi32, #tpu.memory_space<vmem>> -> memref<80xi32, #tpu.memory_space<vmem>>
      %dma_start3A_280 = arith.constant 0 : i32
      %dma_start3A_281 = arith.constant 0 : i32
      %dma_start3A_282 = tpu.memref_slice %arg14[%dma_start3A_280, %dma_start3A_281] : memref<10240x128xf32, #tpu.memory_space<vmem_shared>> -> memref<10240x128xf32, #tpu.memory_space<vmem_shared>>
      tpu.enqueue_indirect_dma source(%arg12 : memref<80x128xf32, #tpu.memory_space<vmem>>) target(%dma_start3A_282 : memref<10240x128xf32, #tpu.memory_space<vmem_shared>>) offsets(%dma_start3A_279 : memref<80xi32, #tpu.memory_space<vmem>>) semaphore(%arg19 : memref<!tpu.dma_semaphore, #tpu.memory_space<semaphore_mem>>) {add = true}
      %dma_wait3A_283 = arith.constant 1 : i32
      %dma_wait3A_284 = arith.constant 0 : i32
      %dma_wait3A_285 = tpu.memref_slice %arg10[%dma_wait3A_283, %dma_wait3A_284] : memref<2x80xi32, #tpu.memory_space<vmem>> -> memref<1x80xi32, #tpu.memory_space<vmem>>
      %dma_wait3A_286 = tpu.memref_squeeze %dma_wait3A_285 : memref<1x80xi32, #tpu.memory_space<vmem>> -> memref<80xi32, #tpu.memory_space<vmem>>
      %dma_wait3A_287 = arith.constant 0 : i32
      %dma_wait3A_288 = arith.constant 0 : i32
      %dma_wait3A_289 = tpu.memref_slice %arg14[%dma_wait3A_287, %dma_wait3A_288] : memref<10240x128xf32, #tpu.memory_space<vmem_shared>> -> memref<10240x128xf32, #tpu.memory_space<vmem_shared>>
      tpu.wait_indirect_dma semaphore(%arg18 : memref<!tpu.dma_semaphore, #tpu.memory_space<semaphore_mem>>) src(%arg11 : memref<80x128xf32, #tpu.memory_space<vmem>>) dst(%dma_wait3A_289 : memref<10240x128xf32, #tpu.memory_space<vmem_shared>>)
      %dma_wait3A_290 = arith.constant 1 : i32
      %dma_wait3A_291 = arith.constant 0 : i32
      %dma_wait3A_292 = tpu.memref_slice %arg7[%dma_wait3A_290, %dma_wait3A_291] : memref<2x80xi32, #tpu.memory_space<vmem>> -> memref<1x80xi32, #tpu.memory_space<vmem>>
      %dma_wait3A_293 = tpu.memref_squeeze %dma_wait3A_292 : memref<1x80xi32, #tpu.memory_space<vmem>> -> memref<80xi32, #tpu.memory_space<vmem>>
      %dma_wait3A_294 = arith.constant 0 : i32
      %dma_wait3A_295 = arith.constant 0 : i32
      %dma_wait3A_296 = tpu.memref_slice %arg14[%dma_wait3A_294, %dma_wait3A_295] : memref<10240x128xf32, #tpu.memory_space<vmem_shared>> -> memref<10240x128xf32, #tpu.memory_space<vmem_shared>>
      tpu.wait_indirect_dma semaphore(%arg19 : memref<!tpu.dma_semaphore, #tpu.memory_space<semaphore_mem>>) src(%arg12 : memref<80x128xf32, #tpu.memory_space<vmem>>) dst(%dma_wait3A_296 : memref<10240x128xf32, #tpu.memory_space<vmem_shared>>)
    } else {
    }
    %barrier3A_22 = arith.constant 0 : index
    tpu.barrier barrier_id(%barrier3A_22)
    %eq3A_23 = arith.constant 0 : i32
    %eq3A_24 = arith.cmpi eq, %arg0, %eq3A_23 : i32
    %convert_element_type3A_25 = arith.extui %eq3A_24 : i1 to i32
    %cond3A_26 = arith.constant 0 : i32
    %cond3A_27 = arith.cmpi ne, %convert_element_type3A_25, %cond3A_26 : i32
    scf.if %cond3A_27 {
      %scan3A_33 = arith.constant 0 : i32
      %scan3A_34 = arith.constant 0 : i32
      %scan3A_35 = arith.constant 8 : i32
      %scan3A_36 = arith.addi %scan3A_34, %scan3A_35 : i32
      %scan3A_37 = arith.constant 1 : i32
      %scan3A_38 = scf.for %scan3A_40 = %scan3A_34 to %scan3A_36 step %scan3A_37 iter_args(%scan3A_41 = %scan3A_33) -> (i32)  : i32 {
        %mul3A_42 = arith.constant 80 : i32
        %mul3A_43 = arith.muli %scan3A_40, %mul3A_42 : i32
        %add3A = arith.addi %multiple_of3A, %mul3A_43 : i32
        %multiple_of3A_44 = tpu.assume_multiple %add3A, 8 : i32
        "tpu.region"() ({
          %run_scoped3A = tpu.sem_alloc : memref<!tpu.dma_semaphore, #tpu.memory_space<semaphore_mem>>
          %dma_start3A = arith.constant 0 : i32
          %dma_start3A_46 = tpu.memref_slice %arg14[%multiple_of3A_44, %dma_start3A] : memref<10240x128xf32, #tpu.memory_space<vmem_shared>> -> memref<80x128xf32, #tpu.memory_space<vmem_shared>>
          %dma_start3A_47 = arith.constant 0 : i32
          %dma_start3A_48 = tpu.memref_slice %arg14[%multiple_of3A_44, %dma_start3A_47] : memref<10240x128xf32, #tpu.memory_space<vmem_shared>> -> memref<80x128xf32, #tpu.memory_space<vmem_shared>>
          tpu.enqueue_dma source(%dma_start3A_48 : memref<80x128xf32, #tpu.memory_space<vmem_shared>>) target(%arg11 : memref<80x128xf32, #tpu.memory_space<vmem>>) target_semaphore(%run_scoped3A : memref<!tpu.dma_semaphore, #tpu.memory_space<semaphore_mem>>)
          %dma_wait3A = arith.constant 0 : i32
          %dma_wait3A_49 = tpu.memref_slice %arg14[%multiple_of3A_44, %dma_wait3A] : memref<10240x128xf32, #tpu.memory_space<vmem_shared>> -> memref<80x128xf32, #tpu.memory_space<vmem_shared>>
          %dma_wait3A_50 = arith.constant 0 : i32
          %dma_wait3A_51 = tpu.memref_slice %arg14[%multiple_of3A_44, %dma_wait3A_50] : memref<10240x128xf32, #tpu.memory_space<vmem_shared>> -> memref<80x128xf32, #tpu.memory_space<vmem_shared>>
          tpu.wait_dma2 semaphore(%run_scoped3A : memref<!tpu.dma_semaphore, #tpu.memory_space<semaphore_mem>>) src(%dma_wait3A_51 : memref<80x128xf32, #tpu.memory_space<vmem_shared>>) dst(%arg11 : memref<80x128xf32, #tpu.memory_space<vmem>>)
          tpu.yield
        }) : () -> ()
        "tpu.region"() ({
          %run_scoped3A = tpu.sem_alloc : memref<!tpu.dma_semaphore, #tpu.memory_space<semaphore_mem>>
          %dma_start3A = arith.constant 0 : i32
          %dma_start3A_46 = tpu.memref_slice %arg5[%multiple_of3A_44, %dma_start3A] : memref<10240x128xf32, #tpu.memory_space<hbm>> -> memref<80x128xf32, #tpu.memory_space<hbm>>
          %dma_start3A_47 = arith.constant 0 : i32
          %dma_start3A_48 = tpu.memref_slice %arg5[%multiple_of3A_44, %dma_start3A_47] : memref<10240x128xf32, #tpu.memory_space<hbm>> -> memref<80x128xf32, #tpu.memory_space<hbm>>
          tpu.enqueue_dma source(%arg11 : memref<80x128xf32, #tpu.memory_space<vmem>>) target(%dma_start3A_48 : memref<80x128xf32, #tpu.memory_space<hbm>>) target_semaphore(%run_scoped3A : memref<!tpu.dma_semaphore, #tpu.memory_space<semaphore_mem>>)
          %dma_wait3A = arith.constant 0 : i32
          %dma_wait3A_49 = tpu.memref_slice %arg5[%multiple_of3A_44, %dma_wait3A] : memref<10240x128xf32, #tpu.memory_space<hbm>> -> memref<80x128xf32, #tpu.memory_space<hbm>>
          %dma_wait3A_50 = arith.constant 0 : i32
          %dma_wait3A_51 = tpu.memref_slice %arg5[%multiple_of3A_44, %dma_wait3A_50] : memref<10240x128xf32, #tpu.memory_space<hbm>> -> memref<80x128xf32, #tpu.memory_space<hbm>>
          tpu.wait_dma2 semaphore(%run_scoped3A : memref<!tpu.dma_semaphore, #tpu.memory_space<semaphore_mem>>) src(%arg11 : memref<80x128xf32, #tpu.memory_space<vmem>>) dst(%dma_wait3A_51 : memref<80x128xf32, #tpu.memory_space<hbm>>)
          tpu.yield
        }) : () -> ()
        %scan3A_45 = arith.constant 0 : i32
        scf.yield %scan3A_45 : i32
      }
      %scan3A_39 = arith.constant 8 : i32
    } else {
    }
    %eq3A_28 = arith.constant 1 : i32
    %eq3A_29 = arith.cmpi eq, %arg0, %eq3A_28 : i32
    %convert_element_type3A_30 = arith.extui %eq3A_29 : i1 to i32
    %cond3A_31 = arith.constant 0 : i32
    %cond3A_32 = arith.cmpi ne, %convert_element_type3A_30, %cond3A_31 : i32
    scf.if %cond3A_32 {
      %scan3A_33 = arith.constant 0 : i32
      %scan3A_34 = arith.constant 0 : i32
      %scan3A_35 = arith.constant 8 : i32
      %scan3A_36 = arith.addi %scan3A_34, %scan3A_35 : i32
      %scan3A_37 = arith.constant 1 : i32
      %scan3A_38 = scf.for %scan3A_40 = %scan3A_34 to %scan3A_36 step %scan3A_37 iter_args(%scan3A_41 = %scan3A_33) -> (i32)  : i32 {
        %mul3A_42 = arith.constant 80 : i32
        %mul3A_43 = arith.muli %scan3A_40, %mul3A_42 : i32
        %add3A = arith.addi %multiple_of3A, %mul3A_43 : i32
        %multiple_of3A_44 = tpu.assume_multiple %add3A, 8 : i32
        "tpu.region"() ({
          %run_scoped3A = tpu.sem_alloc : memref<!tpu.dma_semaphore, #tpu.memory_space<semaphore_mem>>
          %dma_start3A = arith.constant 0 : i32
          %dma_start3A_46 = tpu.memref_slice %arg14[%multiple_of3A_44, %dma_start3A] : memref<10240x128xf32, #tpu.memory_space<vmem_shared>> -> memref<80x128xf32, #tpu.memory_space<vmem_shared>>
          %dma_start3A_47 = arith.constant 0 : i32
          %dma_start3A_48 = tpu.memref_slice %arg14[%multiple_of3A_44, %dma_start3A_47] : memref<10240x128xf32, #tpu.memory_space<vmem_shared>> -> memref<80x128xf32, #tpu.memory_space<vmem_shared>>
          tpu.enqueue_dma source(%dma_start3A_48 : memref<80x128xf32, #tpu.memory_space<vmem_shared>>) target(%arg11 : memref<80x128xf32, #tpu.memory_space<vmem>>) target_semaphore(%run_scoped3A : memref<!tpu.dma_semaphore, #tpu.memory_space<semaphore_mem>>)
          %dma_wait3A = arith.constant 0 : i32
          %dma_wait3A_49 = tpu.memref_slice %arg14[%multiple_of3A_44, %dma_wait3A] : memref<10240x128xf32, #tpu.memory_space<vmem_shared>> -> memref<80x128xf32, #tpu.memory_space<vmem_shared>>
          %dma_wait3A_50 = arith.constant 0 : i32
          %dma_wait3A_51 = tpu.memref_slice %arg14[%multiple_of3A_44, %dma_wait3A_50] : memref<10240x128xf32, #tpu.memory_space<vmem_shared>> -> memref<80x128xf32, #tpu.memory_space<vmem_shared>>
          tpu.wait_dma2 semaphore(%run_scoped3A : memref<!tpu.dma_semaphore, #tpu.memory_space<semaphore_mem>>) src(%dma_wait3A_51 : memref<80x128xf32, #tpu.memory_space<vmem_shared>>) dst(%arg11 : memref<80x128xf32, #tpu.memory_space<vmem>>)
          tpu.yield
        }) : () -> ()
        "tpu.region"() ({
          %run_scoped3A = tpu.sem_alloc : memref<!tpu.dma_semaphore, #tpu.memory_space<semaphore_mem>>
          %dma_start3A = arith.constant 0 : i32
          %dma_start3A_46 = tpu.memref_slice %arg6[%multiple_of3A_44, %dma_start3A] : memref<10240x128xf32, #tpu.memory_space<hbm>> -> memref<80x128xf32, #tpu.memory_space<hbm>>
          %dma_start3A_47 = arith.constant 0 : i32
          %dma_start3A_48 = tpu.memref_slice %arg6[%multiple_of3A_44, %dma_start3A_47] : memref<10240x128xf32, #tpu.memory_space<hbm>> -> memref<80x128xf32, #tpu.memory_space<hbm>>
          tpu.enqueue_dma source(%arg11 : memref<80x128xf32, #tpu.memory_space<vmem>>) target(%dma_start3A_48 : memref<80x128xf32, #tpu.memory_space<hbm>>) target_semaphore(%run_scoped3A : memref<!tpu.dma_semaphore, #tpu.memory_space<semaphore_mem>>)
          %dma_wait3A = arith.constant 0 : i32
          %dma_wait3A_49 = tpu.memref_slice %arg6[%multiple_of3A_44, %dma_wait3A] : memref<10240x128xf32, #tpu.memory_space<hbm>> -> memref<80x128xf32, #tpu.memory_space<hbm>>
          %dma_wait3A_50 = arith.constant 0 : i32
          %dma_wait3A_51 = tpu.memref_slice %arg6[%multiple_of3A_44, %dma_wait3A_50] : memref<10240x128xf32, #tpu.memory_space<hbm>> -> memref<80x128xf32, #tpu.memory_space<hbm>>
          tpu.wait_dma2 semaphore(%run_scoped3A : memref<!tpu.dma_semaphore, #tpu.memory_space<semaphore_mem>>) src(%arg11 : memref<80x128xf32, #tpu.memory_space<vmem>>) dst(%dma_wait3A_51 : memref<80x128xf32, #tpu.memory_space<hbm>>)
          tpu.yield
        }) : () -> ()
        %scan3A_45 = arith.constant 0 : i32
        scf.yield %scan3A_45 : i32
      }
      %scan3A_39 = arith.constant 8 : i32
    } else {
    }
    return
  }
}

module attributes {stable_mosaic.version = 14 : i64} {
  func.func @_scale_mm_body(%arg0: i32, %arg1: memref<1000x256xf32, #tpu.memory_space<vmem>>, %arg2: memref<256x256xf32, #tpu.memory_space<vmem>>, %arg3: memref<1x32x1000xf32, #tpu.memory_space<vmem>>, %arg4: memref<1000x128xf32, #tpu.memory_space<vmem>>, %arg5: memref<1000x128xf32, #tpu.memory_space<vmem>>) attributes {dimension_semantics = [#tpu.dimension_semantics<arbitrary>], iteration_bounds = array<i64: 10>, scalar_prefetch = 0 : i64, scratch_operands = 0 : i64, tpu.core_type = #tpu.core_type<tc>, window_params = [{transform_indices = @transform_0, window_bounds = array<i64: 1000, 256>}, {pipeline_mode = #tpu.pipeline_mode<synchronous>, transform_indices = @transform_1, window_bounds = array<i64: 256, 256>}, {transform_indices = @transform_2, window_bounds = array<i64: 1, 32, 1000>}, {transform_indices = @transform_3, window_bounds = array<i64: 1000, 128>}, {transform_indices = @transform_4, window_bounds = array<i64: 1000, 128>}]} {
    %get3A = arith.constant 0 : index
    %get3A_0 = arith.constant 0 : index
    %get3A_1 = vector.load %arg1[%get3A, %get3A_0] : memref<1000x256xf32, #tpu.memory_space<vmem>>, vector<1000x256xf32>
    %get3A_2 = arith.constant 0 : index
    %get3A_3 = arith.constant 0 : index
    %get3A_4 = vector.load %arg2[%get3A_2, %get3A_3] : memref<256x256xf32, #tpu.memory_space<vmem>>, vector<256x256xf32>
    %dot_general3A = arith.constant dense<0.000000e+00> : vector<1000x256xf32>
    %dot_general3A_5 = tpu.matmul %get3A_1, %get3A_4, %dot_general3A {dimension_numbers = #tpu.dot_dimension_numbers<[1], [0], [0], [1], [0, 0, 1, 1], [], []>, transpose_lhs_hint = false} : vector<1000x256xf32>, vector<256x256xf32>, vector<1000x256xf32> -> vector<1000x256xf32>
    %get3A_6 = arith.constant 0 : index
    %get3A_7 = arith.constant 0 : index
    %get3A_8 = arith.constant 0 : index
    %get3A_9 = vector.load %arg3[%get3A_6, %get3A_7, %get3A_8] : memref<1x32x1000xf32, #tpu.memory_space<vmem>>, vector<1x32x1000xf32>
    %get3A_10 = vector.shape_cast %get3A_9 : vector<1x32x1000xf32> to vector<32x1000xf32>
    %reduce_sum3A = arith.constant dense<0.000000e+00> : vector<1000xf32>
    %reduce_sum3A_11 = vector.multi_reduction <add>, %get3A_10, %reduce_sum3A [0] : vector<32x1000xf32> to vector<1000xf32>
    %add3A = arith.constant 1.000000e+00 : f32
    %add3A_12 = vector.broadcast %add3A : f32 to vector<1000xf32>
    %add3A_13 = arith.addf %reduce_sum3A_11, %add3A_12 : vector<1000xf32>
    %rsqrt3A = math.rsqrt %add3A_13 : vector<1000xf32>
    %broadcast_in_dim3A = vector.shape_cast %rsqrt3A : vector<1000xf32> to vector<1000x1xf32>
    %mul3A = vector.broadcast %broadcast_in_dim3A : vector<1000x1xf32> to vector<1000x256xf32>
    %mul3A_14 = arith.mulf %dot_general3A_5, %mul3A : vector<1000x256xf32>
    %slice3A = vector.extract_strided_slice %mul3A_14 {offsets = [0, 0], sizes = [1000, 128], strides = [1, 1]} : vector<1000x256xf32> to vector<1000x128xf32>
    %swap3A = arith.constant 0 : index
    %swap3A_15 = arith.constant 0 : index
    %swap3A_16 = vector.load %arg4[%swap3A, %swap3A_15] : memref<1000x128xf32, #tpu.memory_space<vmem>>, vector<1000x128xf32>
    tpu.vector_store %arg4[%swap3A, %swap3A_15], %slice3A {strides = array<i32>} : memref<1000x128xf32, #tpu.memory_space<vmem>>, vector<1000x128xf32>,
    %slice3A_17 = vector.extract_strided_slice %mul3A_14 {offsets = [0, 128], sizes = [1000, 128], strides = [1, 1]} : vector<1000x256xf32> to vector<1000x128xf32>
    %swap3A_18 = arith.constant 0 : index
    %swap3A_19 = arith.constant 0 : index
    %swap3A_20 = vector.load %arg5[%swap3A_18, %swap3A_19] : memref<1000x128xf32, #tpu.memory_space<vmem>>, vector<1000x128xf32>
    tpu.vector_store %arg5[%swap3A_18, %swap3A_19], %slice3A_17 {strides = array<i32>} : memref<1000x128xf32, #tpu.memory_space<vmem>>, vector<1000x128xf32>,
    return
  }
  func.func @transform_0(%arg0: i32) -> (i32, i32) {
    %c0_i32 = arith.constant 0 : i32
    %c0_i32_0 = arith.constant 0 : i32
    return %arg0, %c0_i32 : i32, i32
  }
  func.func @transform_1(%arg0: i32) -> (i32, i32) {
    %c0_i32 = arith.constant 0 : i32
    %c0_i32_0 = arith.constant 0 : i32
    %c0_i32_1 = arith.constant 0 : i32
    return %c0_i32, %c0_i32_0 : i32, i32
  }
  func.func @transform_2(%arg0: i32) -> (i32, i32, i32) {
    %c0_i32 = arith.constant 0 : i32
    %c0_i32_0 = arith.constant 0 : i32
    %c0_i32_1 = arith.constant 0 : i32
    return %arg0, %c0_i32, %c0_i32_0 : i32, i32, i32
  }
  func.func @transform_3(%arg0: i32) -> (i32, i32) {
    %c0_i32 = arith.constant 0 : i32
    %c0_i32_0 = arith.constant 0 : i32
    return %arg0, %c0_i32 : i32, i32
  }
  func.func @transform_4(%arg0: i32) -> (i32, i32) {
    %c0_i32 = arith.constant 0 : i32
    %c0_i32_0 = arith.constant 0 : i32
    return %arg0, %c0_i32 : i32, i32
  }
}

module attributes {stable_mosaic.version = 14 : i64} {
  func.func @_pool_body(%arg0: i32, %arg1: memref<1000x128xf32, #tpu.memory_space<vmem>>, %arg2: memref<1000x128xf32, #tpu.memory_space<vmem>>, %arg3: memref<1000x128xf32, #tpu.memory_space<vmem>>, %arg4: memref<1000x128xf32, #tpu.memory_space<vmem>>, %arg5: memref<1x32x1000xf32, #tpu.memory_space<vmem>>, %arg6: memref<1x256xf32, #tpu.memory_space<vmem>>, %arg7: memref<1x1x1000xi32, #tpu.memory_space<vmem>>, %arg8: memref<128x256xf32, #tpu.memory_space<vmem>>, %arg9: memref<128x256xf32, #tpu.memory_space<vmem>>, %arg10: memref<128x256xf32, #tpu.memory_space<vmem>>) attributes {dimension_semantics = [#tpu.dimension_semantics<arbitrary>], iteration_bounds = array<i64: 10>, scalar_prefetch = 0 : i64, scratch_operands = 2 : i64, tpu.core_type = #tpu.core_type<tc>, window_params = [{transform_indices = @transform_0, window_bounds = array<i64: 1000, 128>}, {transform_indices = @transform_1, window_bounds = array<i64: 1000, 128>}, {transform_indices = @transform_2, window_bounds = array<i64: 1000, 128>}, {transform_indices = @transform_3, window_bounds = array<i64: 1000, 128>}, {transform_indices = @transform_4, window_bounds = array<i64: 1, 32, 1000>}, {pipeline_mode = #tpu.pipeline_mode<synchronous>, transform_indices = @transform_5, window_bounds = array<i64: 1, 256>}, {transform_indices = @transform_6, window_bounds = array<i64: 1, 1, 1000>}, {pipeline_mode = #tpu.pipeline_mode<synchronous>, transform_indices = @transform_7, window_bounds = array<i64: 128, 256>}]} {
    %get3A = arith.constant 0 : index
    %get3A_0 = arith.constant 0 : index
    %get3A_1 = arith.constant 0 : index
    %get3A_2 = vector.load %arg5[%get3A, %get3A_0, %get3A_1] : memref<1x32x1000xf32, #tpu.memory_space<vmem>>, vector<1x32x1000xf32>
    %get3A_3 = vector.shape_cast %get3A_2 : vector<1x32x1000xf32> to vector<32x1000xf32>
    %reduce_sum3A = arith.constant dense<0.000000e+00> : vector<1000xf32>
    %reduce_sum3A_4 = vector.multi_reduction <add>, %get3A_3, %reduce_sum3A [0] : vector<32x1000xf32> to vector<1000xf32>
    %add3A = arith.constant 1.000000e+00 : f32
    %add3A_5 = vector.broadcast %add3A : f32 to vector<1000xf32>
    %add3A_6 = arith.addf %reduce_sum3A_4, %add3A_5 : vector<1000xf32>
    %rsqrt3A = math.rsqrt %add3A_6 : vector<1000xf32>
    %get3A_7 = arith.constant 0 : index
    %get3A_8 = arith.constant 0 : index
    %get3A_9 = vector.load %arg1[%get3A_7, %get3A_8] : memref<1000x128xf32, #tpu.memory_space<vmem>>, vector<1000x128xf32>
    %get3A_10 = arith.constant 0 : index
    %get3A_11 = arith.constant 0 : index
    %get3A_12 = vector.load %arg2[%get3A_10, %get3A_11] : memref<1000x128xf32, #tpu.memory_space<vmem>>, vector<1000x128xf32>
    %concatenate3A = tpu.concatenate %get3A_9, %get3A_12 in 1 : vector<1000x128xf32>, vector<1000x128xf32> -> vector<1000x256xf32>
    %get3A_13 = arith.constant 0 : index
    %get3A_14 = arith.constant 0 : index
    %get3A_15 = vector.load %arg3[%get3A_13, %get3A_14] : memref<1000x128xf32, #tpu.memory_space<vmem>>, vector<1000x128xf32>
    %get3A_16 = arith.constant 0 : index
    %get3A_17 = arith.constant 0 : index
    %get3A_18 = vector.load %arg4[%get3A_16, %get3A_17] : memref<1000x128xf32, #tpu.memory_space<vmem>>, vector<1000x128xf32>
    %concatenate3A_19 = tpu.concatenate %get3A_15, %get3A_18 in 1 : vector<1000x128xf32>, vector<1000x128xf32> -> vector<1000x256xf32>
    %broadcast_in_dim3A = vector.shape_cast %rsqrt3A : vector<1000xf32> to vector<1000x1xf32>
    %add3A_20 = arith.addf %concatenate3A, %concatenate3A_19 : vector<1000x256xf32>
    %mul3A = vector.broadcast %broadcast_in_dim3A : vector<1000x1xf32> to vector<1000x256xf32>
    %mul3A_21 = arith.mulf %mul3A, %add3A_20 : vector<1000x256xf32>
    %get3A_22 = arith.constant 0 : index
    %get3A_23 = arith.constant 0 : index
    %get3A_24 = vector.load %arg6[%get3A_22, %get3A_23] : memref<1x256xf32, #tpu.memory_space<vmem>>, vector<1x256xf32>
    %add3A_25 = vector.broadcast %get3A_24 : vector<1x256xf32> to vector<1000x256xf32>
    %add3A_26 = arith.addf %mul3A_21, %add3A_25 : vector<1000x256xf32>
    %max3A = arith.constant 0.000000e+00 : f32
    %max3A_27 = vector.broadcast %max3A : f32 to vector<1000x256xf32>
    %max3A_28 = arith.maximumf %add3A_26, %max3A_27 : vector<1000x256xf32>
    %get3A_29 = arith.constant 0 : index
    %get3A_30 = arith.constant 0 : index
    %get3A_31 = arith.constant 0 : index
    %get3A_32 = vector.load %arg7[%get3A_29, %get3A_30, %get3A_31] : memref<1x1x1000xi32, #tpu.memory_space<vmem>>, vector<1x1x1000xi32>
    %reshape3A = vector.shape_cast %get3A_32 : vector<1x1x1000xi32> to vector<1x1000xi32>
    %iota3A = tpu.iota {dimensions = array<i32: 0>} : vector<128x1000xi32>
    %eq3A = vector.broadcast %reshape3A : vector<1x1000xi32> to vector<128x1000xi32>
    %eq3A_33 = arith.cmpi eq, %iota3A, %eq3A : vector<128x1000xi32>
    %convert_element_type3A = arith.extui %eq3A_33 : vector<128x1000xi1> to vector<128x1000xi32>
    %convert_element_type3A_34 = arith.sitofp %convert_element_type3A : vector<128x1000xi32> to vector<128x1000xf32>
    %eq3A_35 = arith.constant 0 : i32
    %eq3A_36 = arith.cmpi eq, %arg0, %eq3A_35 : i32
    %convert_element_type3A_37 = arith.extui %eq3A_36 : i1 to i32
    %cond3A = arith.constant 0 : i32
    %cond3A_38 = arith.cmpi ne, %convert_element_type3A_37, %cond3A : i32
    scf.if %cond3A_38 {
      %broadcast_in_dim3A_62 = arith.constant 0.000000e+00 : f32
      %broadcast_in_dim3A_63 = vector.broadcast %broadcast_in_dim3A_62 : f32 to vector<128x256xf32>
      %swap3A_64 = arith.constant 0 : index
      %swap3A_65 = arith.constant 0 : index
      %swap3A_66 = vector.load %arg9[%swap3A_64, %swap3A_65] : memref<128x256xf32, #tpu.memory_space<vmem>>, vector<128x256xf32>
      tpu.vector_store %arg9[%swap3A_64, %swap3A_65], %broadcast_in_dim3A_63 {strides = array<i32>} : memref<128x256xf32, #tpu.memory_space<vmem>>, vector<128x256xf32>,
      %broadcast_in_dim3A_67 = arith.constant 0.000000e+00 : f32
      %broadcast_in_dim3A_68 = vector.broadcast %broadcast_in_dim3A_67 : f32 to vector<128x256xf32>
      %swap3A_69 = arith.constant 0 : index
      %swap3A_70 = arith.constant 0 : index
      %swap3A_71 = vector.load %arg10[%swap3A_69, %swap3A_70] : memref<128x256xf32, #tpu.memory_space<vmem>>, vector<128x256xf32>
      tpu.vector_store %arg10[%swap3A_69, %swap3A_70], %broadcast_in_dim3A_68 {strides = array<i32>} : memref<128x256xf32, #tpu.memory_space<vmem>>, vector<128x256xf32>,
    } else {
    }
    %get3A_39 = arith.constant 0 : index
    %get3A_40 = arith.constant 0 : index
    %get3A_41 = vector.load %arg9[%get3A_39, %get3A_40] : memref<128x256xf32, #tpu.memory_space<vmem>>, vector<128x256xf32>
    %dot_general3A = arith.constant dense<0.000000e+00> : vector<128x256xf32>
    %dot_general3A_42 = tpu.matmul %convert_element_type3A_34, %max3A_28, %dot_general3A {dimension_numbers = #tpu.dot_dimension_numbers<[1], [0], [0], [1], [0, 0, 1, 1], [], []>, transpose_lhs_hint = false} : vector<128x1000xf32>, vector<1000x256xf32>, vector<128x256xf32> -> vector<128x256xf32>
    %add3A_43 = arith.addf %get3A_41, %dot_general3A_42 : vector<128x256xf32>
    %swap3A = arith.constant 0 : index
    %swap3A_44 = arith.constant 0 : index
    %swap3A_45 = vector.load %arg9[%swap3A, %swap3A_44] : memref<128x256xf32, #tpu.memory_space<vmem>>, vector<128x256xf32>
    tpu.vector_store %arg9[%swap3A, %swap3A_44], %add3A_43 {strides = array<i32>} : memref<128x256xf32, #tpu.memory_space<vmem>>, vector<128x256xf32>,
    %get3A_46 = arith.constant 0 : index
    %get3A_47 = arith.constant 0 : index
    %get3A_48 = vector.load %arg10[%get3A_46, %get3A_47] : memref<128x256xf32, #tpu.memory_space<vmem>>, vector<128x256xf32>
    %broadcast_in_dim3A_49 = arith.constant 1.000000e+00 : f32
    %broadcast_in_dim3A_50 = vector.broadcast %broadcast_in_dim3A_49 : f32 to vector<1000x256xf32>
    %dot_general3A_51 = arith.constant dense<0.000000e+00> : vector<128x256xf32>
    %dot_general3A_52 = tpu.matmul %convert_element_type3A_34, %broadcast_in_dim3A_50, %dot_general3A_51 {dimension_numbers = #tpu.dot_dimension_numbers<[1], [0], [0], [1], [0, 0, 1, 1], [], []>, transpose_lhs_hint = false} : vector<128x1000xf32>, vector<1000x256xf32>, vector<128x256xf32> -> vector<128x256xf32>
    %add3A_53 = arith.addf %get3A_48, %dot_general3A_52 : vector<128x256xf32>
    %swap3A_54 = arith.constant 0 : index
    %swap3A_55 = arith.constant 0 : index
    %swap3A_56 = vector.load %arg10[%swap3A_54, %swap3A_55] : memref<128x256xf32, #tpu.memory_space<vmem>>, vector<128x256xf32>
    tpu.vector_store %arg10[%swap3A_54, %swap3A_55], %add3A_53 {strides = array<i32>} : memref<128x256xf32, #tpu.memory_space<vmem>>, vector<128x256xf32>,
    %eq3A_57 = arith.constant 9 : i32
    %eq3A_58 = arith.cmpi eq, %arg0, %eq3A_57 : i32
    %convert_element_type3A_59 = arith.extui %eq3A_58 : i1 to i32
    %cond3A_60 = arith.constant 0 : i32
    %cond3A_61 = arith.cmpi ne, %convert_element_type3A_59, %cond3A_60 : i32
    scf.if %cond3A_61 {
      %get3A_62 = arith.constant 0 : index
      %get3A_63 = arith.constant 0 : index
      %get3A_64 = vector.load %arg9[%get3A_62, %get3A_63] : memref<128x256xf32, #tpu.memory_space<vmem>>, vector<128x256xf32>
      %get3A_65 = arith.constant 0 : index
      %get3A_66 = arith.constant 0 : index
      %get3A_67 = vector.load %arg10[%get3A_65, %get3A_66] : memref<128x256xf32, #tpu.memory_space<vmem>>, vector<128x256xf32>
      %max3A_68 = arith.constant 1.000000e+00 : f32
      %max3A_69 = vector.broadcast %max3A_68 : f32 to vector<128x256xf32>
      %max3A_70 = arith.maximumf %get3A_67, %max3A_69 : vector<128x256xf32>
      %div3A = arith.divf %get3A_64, %max3A_70 : vector<128x256xf32>
      %swap3A_71 = arith.constant 0 : index
      %swap3A_72 = arith.constant 0 : index
      %swap3A_73 = vector.load %arg8[%swap3A_71, %swap3A_72] : memref<128x256xf32, #tpu.memory_space<vmem>>, vector<128x256xf32>
      tpu.vector_store %arg8[%swap3A_71, %swap3A_72], %div3A {strides = array<i32>} : memref<128x256xf32, #tpu.memory_space<vmem>>, vector<128x256xf32>,
    } else {
    }
    return
  }
  func.func @transform_0(%arg0: i32) -> (i32, i32) {
    %c0_i32 = arith.constant 0 : i32
    %c0_i32_0 = arith.constant 0 : i32
    return %arg0, %c0_i32 : i32, i32
  }
  func.func @transform_1(%arg0: i32) -> (i32, i32) {
    %c0_i32 = arith.constant 0 : i32
    %c0_i32_0 = arith.constant 0 : i32
    return %arg0, %c0_i32 : i32, i32
  }
  func.func @transform_2(%arg0: i32) -> (i32, i32) {
    %c0_i32 = arith.constant 0 : i32
    %c0_i32_0 = arith.constant 0 : i32
    return %arg0, %c0_i32 : i32, i32
  }
  func.func @transform_3(%arg0: i32) -> (i32, i32) {
    %c0_i32 = arith.constant 0 : i32
    %c0_i32_0 = arith.constant 0 : i32
    return %arg0, %c0_i32 : i32, i32
  }
  func.func @transform_4(%arg0: i32) -> (i32, i32, i32) {
    %c0_i32 = arith.constant 0 : i32
    %c0_i32_0 = arith.constant 0 : i32
    %c0_i32_1 = arith.constant 0 : i32
    return %arg0, %c0_i32, %c0_i32_0 : i32, i32, i32
  }
  func.func @transform_5(%arg0: i32) -> (i32, i32) {
    %c0_i32 = arith.constant 0 : i32
    %c0_i32_0 = arith.constant 0 : i32
    %c0_i32_1 = arith.constant 0 : i32
    return %c0_i32, %c0_i32_0 : i32, i32
  }
  func.func @transform_6(%arg0: i32) -> (i32, i32, i32) {
    %c0_i32 = arith.constant 0 : i32
    %c0_i32_0 = arith.constant 0 : i32
    %c0_i32_1 = arith.constant 0 : i32
    return %arg0, %c0_i32, %c0_i32_0 : i32, i32, i32
  }
  func.func @transform_7(%arg0: i32) -> (i32, i32) {
    %c0_i32 = arith.constant 0 : i32
    %c0_i32_0 = arith.constant 0 : i32
    %c0_i32_1 = arith.constant 0 : i32
    return %c0_i32, %c0_i32_0 : i32, i32
  }
}

</mosaic_0001>

<sc_bundles>
// kernel: kernel.6.cloned.1.call-start
scs
__scs_entry_jumppad:
0x0: {  	(pc) =	sbr.rel $0x88, $3  }
0x1: {  	(tag) =	ssettag $0x0;
	lr =	simm.s32 $0x1  }
0x2: {  	[smem:$0x3F9C] =	sst lr;
	_ =	strace $0xD0000000  }
0x3: {  	_ = 	snop  }
0x4: {  	_ = 	snop  }
0x5: {  	_ = 	snop  }
0x6: {  	_ = 	snop  }
0x7: {  	_ = 	snop  }
__scs_overlays_trampoline_lowered:
0x8: {  	[smem:$0x3FAB] =	sst s0  }
0x9: {  	[smem:$0x3FAC] =	sst s1  }
0xa: {  	[smem:$0x3FAD] =	sst s2  }
0xb: {  	[smem:$0x3FAE] =	sst s3  }
0xc: {  	[smem:$0x3FAF] =	sst s4  }
0xd: {  	[smem:$0x3FB0] =	sst s5  }
0xe: {  	[smem:$0x3FB1] =	sst s6  }
0xf: {  	[smem:$0x3FB2] =	sst s7  }
0x10: {  	[smem:$0x3FB3] =	sst s8  }
0x11: {  	[smem:$0x3FB4] =	sst s9;
	s0 =	simm.s32 @!p0 $0x0  }
0x12: {  	s1 =	sld [smem:$0x3F9A];
	s0 =	simm.s32 @p0 $0x1  }
0x13: {  	[smem:$0x3FB5] =	sst s0;
	s0 =	simm.s32 @!p1 $0x0  }
0x14: {  	s2 =	sld [smem:$0x3F99];
	s0 =	simm.s32 @p1 $0x1  }
0x15: {  	[smem:$0x3FB6] =	sst s0;
	s0 =	simm.s32 @!p2 $0x0  }
0x16: {  	s3 =	sld [smem:$0x3FDB];
	s0 =	simm.s32 @p2 $0x1  }
0x17: {  	s4 =	simm.s32 $0x1BF5;
	[smem:$0x3FB8] =	sst s0  }
0x18: {  	s0 =	sld [smem:$0x3F9B];
	_ =	swait.ge [sflag:s4], $0x0  }
0x19: {  	s7 =	sld [smem:$0x3F9C]  }
0x1a: {  	s8 =	sadd.s32 $0xFFFFE003, lr  }
0x1b: {  	s9 =	sadd.s32 $0xFFFFFEF7, lr;
	s5 =	simm.s32 $0xFFFFFFFF;
	p2 =	slt.u32 s8, $0xFFFFF086  }
0x1c: {  	p1 =	slt.u32 s9, $0xF7A;
	s5 =	simm.s32 @!p2 $0x0  }
0x1d: {  	s5 =	simm.s32 @p1 $0x1;
	p0 =	seq.s32 s7, s2  }
0x1e: {  	s7 =	smul.u32 @!p0 $0xF7A, s2;
	p2 =	seq.s32 @!p0 s5, $0x0  }
0x1f: {  	s9 =	smul.u32 $0xF7A, s1;
	s8 =	simm.s32 @!p0 $0x1BF5;
	p2 =	por !p2, p0  }
0x20: {  	[sflag:s8] =	ssyncset.s32 @!p0 $0xFFFFF086;
	s6 =	sadd.s32 @!p0 s3, s7;
	s7 =	simm.s32 @!p0 $0x108  }
0x21: {  	s3 =	sadd.s32 s3, s9;
	s6 =	sadd.s32 @!p0 $0x88, s6;
	s7 =	simm.s32 @p2 $0x1082  }
0x22: {  	[simem:s7], [sflag:s8] =	dma.local @!p0 [hbm:s6], $0xF7A  }
0x23: {  	s9 =	sor.u32 $0xD0000000, s2;
	s6 =	simm.s32 $0x108;
	_ =	swait.ge @!p0 [sflag:s8], $0x0  }
0x24: {  	s3 =	sadd.s32 $0x88, s3;
	s6 =	simm.s32 @!p1 $0x1082;
	[sflag:s4] =	ssyncset.s32 $0xFFFFF086  }
0x25: {  	[simem:s6], [sflag:s4] =	dma.local [hbm:s3], $0xF7A  }
0x26: {  	[smem:$0x3F9C] =	sst s1;
	(tag) =	ssettag s2;
	_ =	strace s9  }
0x27: {  	s1 =	sld [smem:$0x3FAC]  }
0x28: {  	s2 =	sld [smem:$0x3FAD]  }
0x29: {  	s4 =	sld [smem:$0x3FAF]  }
0x2a: {  	p0 =	seq.s32 s5, $0x0;
	s5 =	sld [smem:$0x3FB0]  }
0x2b: {  	s6 =	sld [smem:$0x3FB1]  }
0x2c: {  	s7 =	sld [smem:$0x3FB2]  }
0x2d: {  	s3 =	simm.s32 $0x108;
	s8 =	sld [smem:$0x3FB3]  }
0x2e: {  	s3 =	simm.s32 @!p0 $0x1082;
	s9 =	sld [smem:$0x3FB4]  }
0x2f: {  	lr =	sadd.s32 s0, s3;
	s0 =	sld [smem:$0x3FAB]  }
0x30: {  	s3 =	sld [smem:$0x3FAE]  }
0x31: {  	[smem:$0x3FB7] =	sst s10  }
0x32: {  	s10 =	sld [smem:$0x3FB5];
	_ =	sdelay $0x3  }
0x33: {  	p0 =	seq.s32 s10, $0x1;
	s10 =	sld [smem:$0x3FB7];
	_ =	sdelay $0x3  }
0x34: {  	[smem:$0x3FB7] =	sst s10  }
0x35: {  	s10 =	sld [smem:$0x3FB6];
	_ =	sdelay $0x3  }
0x36: {  	p1 =	seq.s32 s10, $0x1;
	s10 =	sld [smem:$0x3FB7];
	_ =	sdelay $0x3  }
0x37: {  	[smem:$0x3FB7] =	sst s10  }
0x38: {  	s10 =	sld [smem:$0x3FB8]  }
0x39: {  	_ = 	snop;
	(pc) =	sbr.ind lr, $3  }
0x3a: {  	_ = 	snop  }
0x3b: {  	_ = 	snop  }
0x3c: {  	p2 =	seq.s32 s10, $0x1;
	s10 =	sld [smem:$0x3FB7]  }
0x3d: {  	_ =	shalt  }
0x3e: {  	_ =	shalt  }
0x3f: {  	_ =	shalt  }
0x40: {  	_ =	shalt  }
0x41: {  	_ =	shalt  }
0x42: {  	_ =	shalt  }
0x43: {  	_ =	shalt  }
0x44: {  	_ =	shalt  }
0x45: {  	_ =	shalt  }
0x46: {  	_ =	shalt  }
0x47: {  	_ =	shalt  }
0x48: {  	_ =	shalt  }
0x49: {  	_ =	shalt  }
0x4a: {  	_ =	shalt  }
0x4b: {  	_ =	shalt  }
0x4c: {  	_ =	shalt  }
0x4d: {  	_ =	shalt  }
0x4e: {  	_ =	shalt  }
0x4f: {  	_ =	shalt  }
0x50: {  	_ =	shalt  }
0x51: {  	_ =	shalt  }
0x52: {  	_ =	shalt  }
0x53: {  	_ =	shalt  }
0x54: {  	_ =	shalt  }
0x55: {  	_ =	shalt  }
0x56: {  	_ =	shalt  }
0x57: {  	_ =	shalt  }
0x58: {  	_ =	shalt  }
0x59: {  	_ =	shalt  }
0x5a: {  	_ =	shalt  }
0x5b: {  	_ =	shalt  }
0x5c: {  	_ =	shalt  }
0x5d: {  	_ =	shalt  }
0x5e: {  	_ =	shalt  }
0x5f: {  	_ =	shalt  }
0x60: {  	_ =	shalt  }
0x61: {  	_ =	shalt  }
0x62: {  	_ =	shalt  }
0x63: {  	_ =	shalt  }
0x64: {  	_ =	shalt  }
0x65: {  	_ =	shalt  }
0x66: {  	_ =	shalt  }
0x67: {  	_ =	shalt  }
0x68: {  	_ =	shalt  }
0x69: {  	_ =	shalt  }
0x6a: {  	_ =	shalt  }
0x6b: {  	_ =	shalt  }
0x6c: {  	_ =	shalt  }
0x6d: {  	_ =	shalt  }
0x6e: {  	_ =	shalt  }
0x6f: {  	_ =	shalt  }
0x70: {  	_ =	shalt  }
0x71: {  	_ =	shalt  }
0x72: {  	_ =	shalt  }
0x73: {  	_ =	shalt  }
0x74: {  	_ =	shalt  }
0x75: {  	_ =	shalt  }
0x76: {  	_ =	shalt  }
0x77: {  	_ =	shalt  }
0x78: {  	_ =	shalt  }
0x79: {  	_ =	shalt  }
0x7a: {  	_ =	shalt  }
0x7b: {  	_ =	shalt  }
0x7c: {  	_ =	shalt  }
0x7d: {  	_ =	shalt  }
0x7e: {  	_ =	shalt  }
0x7f: {  	_ =	shalt  }
0x80: {  	_ =	shalt  }
0x81: {  	_ =	shalt  }
0x82: {  	_ =	shalt  }
0x83: {  	_ =	shalt  }
0x84: {  	_ =	shalt  }
0x85: {  	_ =	shalt  }
0x86: {  	_ =	shalt  }
0x87: {  	_ =	shalt  }
.Lfunc_end0:
.L_simem_size_0:
called_computation_lowered:
.L_overlay_start_0:
0x88: {  	s2 =	sld [smem:$0x3FD9]  }
0x89: {  	s3 =	sld [smem:$0x3FFE];
	_ =	sdelay $0x1  }
0x8a: {  	s1 =	srdreg.scid  }
0x8b: {  	s0 =	sand.u32 $0x1, s1  }
0x8c: {  	s16 =	sshll.u32 s0, $0xA;
	s2 =	sadd.s32 s3, s2  }
0x8d: {  	s2 =	sadd.s32 s2, s16  }
0x8e: {  	[smem:$0x3FC3] =	sst s2  }
0x8f: {  	_ = 	snop  }
0x90: {  	(tm) =	ssettm $0x1  }
0x91: {  	s17 =	sld [smem:$0x3FFB];
	_ =	sdelay $0x3  }
0x92: {  	_ =	strace s17  }
0x93: {  	s2 =	sld [smem:$0x3FFC];
	_ =	sdelay $0x3  }
0x94: {  	_ =	strace s2  }
0x95: {  	s2 =	sld [smem:$0x3FFD];
	_ =	sdelay $0x3  }
0x96: {  	_ =	strace s2  }
0x97: {  	_ =	strace $0x8FFFFFFF  }
0x98: {  	s18 =	sld [smem:$0x3FDB];
	_ =	sdelay $0x1  }
0x99: {  	s19 =	simm.s32 $_scs_section_size  }
0x9a: {  	s4 =	simm.s32 $_size__tile_overlayer_lowered;
	s5 =	simm.s32 $_tile_overlayer_lowered  }
0x9b: {  	s22 =	simm.s32 $0x1BFF;
	s21 =	sshll.u32 s5, $0x1;
	s2 =	sadd.s32 s19, s18  }
0x9c: {  	s6 =	simm.s32 $0x0;
	s20 =	sshll.u32 s4, $0x1;
	s4 =	sadd.s32 s21, s2  }
0x9d: {  	[timem:s6], [sflag:s22] =	dma.local [hbm:s4], s20  }
0x9e: {  	_ =	swait.ge [sflag:s22], s20  }
0x9f: {  	s3 =	ssub.s32 $0x0, s20;
	[sflag:s22] =	ssyncset.done $0x0  }
0xa0: {  	[sflag:s22] =	ssyncadd.s32 s3;
	_ =	sdelay $0x1  }
0xa1: {  	s23 =	simm.s32 $0x1B8B  }
0xa2: {  	_ =	swait.ge [sflag:s23], $0x1  }
0xa3: {  	[sflag:s23] =	ssyncset.done $0x0  }
0xa4: {  	s25 =	simm.s32 $0x1B8E;
	s24 =	sld [smem:$0x3FFE];
	[sflag:s23] =	ssyncadd.s32 $0xFFFFFFFF  }
0xa5: {  	s26 =	simm.s32 $execute0_lowered;
	[smem:$0x3FD2] =	sst s25  }
0xa6: {  	s4 =	sshll.u32 s26, $0x1;
	_ =	strace $0x80000046;
	[dreg:$0x1] =	wrdreg $0xFFFFFFFF  }
0xa7: {  	s28 =	simm.s32 $_size_execute0_lowered;
	s2 =	sadd.s32 s2, s4;
	[dreg:$0x0] =	wrdreg $0x0  }
0xa8: {  	s4 =	sshll.u32 s28, $0x1;
	[dreg:$0x2] =	wrdreg s2  }
0xa9: {  	[dreg:$0x3] =	wrdreg s4  }
0xaa: {  	[dreg:$0x4] =	wrdreg $0xC0  }
0xab: {  	_ =	task [dreg:s6], $0x5FFFF  }
0xac: {  	[dreg:$0x1] =	wrdreg $0xFFFFFFFF  }
0xad: {  	[dreg:$0x0] =	wrdreg $0x60  }
0xae: {  	[dreg:$0x2] =	wrdreg s24  }
0xaf: {  	[dreg:$0x3] =	wrdreg $0x9  }
0xb0: {  	_ =	task.clear_ibuf [dreg:s6], $0x4FFFF;
	_ =	strace $0x90000046  }
0xb1: {  	s29 =	simm.s32 $0x9;
	_ =	strace $0x80000048  }
0xb2: {  	_ =	swait.ge [sflag:s29], $0x1  }
0xb3: {  	[sflag:s29] =	ssyncadd.s32 $0xFFFFFFFF  }
0xb4: {  	_ =	strace $0x90000048  }
0xb5: {  	_ =	sfence  }
0xb6: {  	s30 =	sld [smem:$0x0];
	_ =	sdelay $0x2  }
0xb7: {  	s31 =	sshll.u32 s1, $0xD;
	s1 =	sshrl.u32 s1, $0x2  }
0xb8: {  	s3 =	sand.u32 $0x4000, s31;
	s1 =	sadd.s32 s1, s30  }
0xb9: {  	s0 =	sor.u32 s3, s0;
	s1 =	sshll.u32 s1, $0x11  }
0xba: {  	s0 =	sor.u32 s1, s0  }
0xbb: {  	s0 =	sadd.s32 $0x8F2B, s0  }
0xbc: {  	[sflag:s0] =	ssyncadd.remote.s32 $0x1  }
0xbd: {  	_ =	sfence.sel $0xFFFF  }
0xbe: {  	[dreg:$0x0] =	wrdreg $0xFFFFFFFF;
	(pc) =	sbr.abs _section_cstart, $3  }
0xbf: {  	[dreg:$0x1] =	wrdreg $0xFFFFFFFF  }
0xc0: {  	_ =	task.clear_ibuf [dreg:s6], $0x2FFFF;
	_ =	strace $0x9FFFFFFF  }
0xc1: {  	(tm) =	ssettm $0x7FFFFFFF  }
tec
execute0_lowered:
.L_overlay_start_1:
0x0: {  	(tag) =	ssettag $0x1  }
0x1: {  	s1 =	srdreg.scid  }
0x2: {  	s0 =	stileid.u32;
	s4 =	rddreg [dreg:$0x0]  }
0x3: {  	s2 =	simm.s32 $0x0;
	s15 =	simm.s32 $0x1;
	s16 =	simm.s32 $0x1400  }
0x4: {  	s17 =	simm.s32 $0x17E8;
	s18 =	simm.s32 $0x1BD0;
	s19 =	simm.s32 $0x1FB8  }
0x5: {  	s20 =	simm.s32 $0x23A0;
	s21 =	simm.s32 $0x2788;
	s22 =	simm.s32 $0x2B70  }
0x6: {  	s23 =	simm.s32 $0x2F58;
	s3 =	sand.u32 $0x1, s1;
	s30 =	sshll.u32 s0, $0x1  }
0x7: {  	s24 =	simm.s32 $0x3340;
	s25 =	simm.s32 $0x3728;
	s5 =	sor.u32 s3, s30  }
0x8: {  	s26 =	simm.s32 $0x0;
	s1 =	rddreg [dreg:$0x1];
	s6 =	smul.u32 $0x3E8, s5  }
0x9: {  	[smem:$0x7FF] =	sst s2;
	s3 =	ssub.s32 $0x2, s3;
	s5 =	smul.u32 $0x271, s5  }
0xa: {  	_ =	strace $0x80000047;
	s7 =	sshrl.u32 s3, $0x1;
	s6 =	sshrl.u32 s6, $0x3  }
0xb: {  	s31 =	ssub.s32 s3, s7;
	s5 =	sadd.s32 s5, s4;
	s14 =	sadd.s32 s6, s4  }
0xc: {  	s3 =	sadd.s32 $0x3000, s5;
	s5 =	smax.u32 s31, $0x1;
	s4 =	sadd.s32 $0x8200, s14  }
0xd: {  	s6 =	sadd.s32 $0x91A0, s14;
	s7 =	sadd.s32 $0xA140, s14;
	s8 =	sadd.s32 $0xB0E0, s14  }
0xe: {  	s9 =	sadd.s32 $0xC080, s14;
	s10 =	sadd.s32 $0xD020, s14;
	s11 =	sadd.s32 $0xDFC0, s14  }
0xf: {  	v0 =	vimm.f32 $0.0e+00;
	v1 =	vimm.f32 $1.000000000e+00;
	s12 =	sadd.s32 $0xEF60, s14;
	s13 =	sadd.s32 $0xFF00, s14;
	s14 =	sadd.s32 $0x10EA0, s14  }
.LBB2_1:
0x10: {  	s28 =	simm.s32 $0x40;
	s29 =	simm.s32 $0x0  }
.LBB2_2:
0x11: {  	p0 =	sne.s32 s28, $0x9C00;
	[tilespmem:s29+$0x1400] =	vst v0;
	s29 =	smov.u32 s28;
	s28 =	sadd.s32 $0x40, s28  }
.Ltmp0:
0x12: {  	(pc) =	sbr.rel @p0 .LBB2_2-.Ltmp0, $2  }
0x13: {  	_ =	sdelay $0x2  }
0x14: {  	s29 =	sshra.s32 s29, $0x2  }
0x15: {  	[tilespmem:s29+$0x1400] =	vst v0;
	s28 =	simm.s32 $0x0  }
0x16: {  	[tilespmem:s28], [sflag:$0x1] =	stream.linear.gather [hbm4b:s3+s28], $0x1390, $0x38;
	[tilespmem:$0x3B80] =	vst v63  }
0x17: {  	_ =	swait.ge [sflag:s15], $0x1390  }
0x18: {  	[sflag:s15] =	ssyncset.done $0x0  }
0x19: {  	s29 =	simm.s32 $0x0;
	s28 =	simm.s32 $0x40;
	[sflag:s15] =	ssyncadd.s32 $0xFFFFEC70  }
.LBB2_4:
0x1a: {  	p0 =	sne.s32 s28, $0x4DC0;
	v2 =	vld [tilespmem:s29+$0x0];
	_ =	sdelay $0x3  }
.Ltmp1:
0x1b: {  	(pc) =	sbr.rel @p0 .LBB2_4-.Ltmp1, $2  }
0x1c: {  	_ =	sdelay $0x2  }
0x1d: {  	s29 =	sshra.s32 s28, $0x2;
	s28 =	sadd.s32 $0x40, s28;
	[tilespmem:v2+s16+$0x0] =	vst.idx.add.f32.msk $0xffff, v1  }
0x1e: {  	v2 =	vld [tilespmem:s29+$0x0];
	_ =	sdelay $0x7  }
0x1f: {  	[tilespmem:v2+s16+$0x0] =	vst.idx.add.f32.msk $0xffff, v1  }
0x20: {  	v2 =	vld [tilespmem:$0x1380];
	_ =	sdelay $0x7  }
0x21: {  	[tilespmem:v2+s16+$0x0] =	vst.idx.add.f32.msk $0xff, v1  }
0x22: {  	[hbm4b:s4+s2] =	stream.linear.scatter [tilespmem:s16], [sflag:$0x1], $0x3E8, $0x38;
	[tilespmem:$0x3B80] =	vst v63  }
0x23: {  	_ =	swait.ge [sflag:s15], $0x3E8  }
0x24: {  	[sflag:s15] =	ssyncset.done $0x0  }
0x25: {  	[sflag:s15] =	ssyncadd.s32 $0xFFFFFC18  }
0x26: {  	[hbm4b:s6+s2] =	stream.linear.scatter [tilespmem:s17], [sflag:$0x1], $0x3E8, $0x38;
	[tilespmem:$0x3B80] =	vst v63  }
0x27: {  	_ =	swait.ge [sflag:s15], $0x3E8  }
0x28: {  	[sflag:s15] =	ssyncset.done $0x0  }
0x29: {  	[sflag:s15] =	ssyncadd.s32 $0xFFFFFC18  }
0x2a: {  	[hbm4b:s7+s2] =	stream.linear.scatter [tilespmem:s18], [sflag:$0x1], $0x3E8, $0x38;
	[tilespmem:$0x3B80] =	vst v63  }
0x2b: {  	_ =	swait.ge [sflag:s15], $0x3E8  }
0x2c: {  	[sflag:s15] =	ssyncset.done $0x0  }
0x2d: {  	[sflag:s15] =	ssyncadd.s32 $0xFFFFFC18  }
0x2e: {  	[hbm4b:s8+s2] =	stream.linear.scatter [tilespmem:s19], [sflag:$0x1], $0x3E8, $0x38;
	[tilespmem:$0x3B80] =	vst v63  }
0x2f: {  	_ =	swait.ge [sflag:s15], $0x3E8  }
0x30: {  	[sflag:s15] =	ssyncset.done $0x0  }
0x31: {  	[sflag:s15] =	ssyncadd.s32 $0xFFFFFC18  }
0x32: {  	[hbm4b:s9+s2] =	stream.linear.scatter [tilespmem:s20], [sflag:$0x1], $0x3E8, $0x38;
	[tilespmem:$0x3B80] =	vst v63  }
0x33: {  	_ =	swait.ge [sflag:s15], $0x3E8  }
0x34: {  	[sflag:s15] =	ssyncset.done $0x0  }
0x35: {  	[sflag:s15] =	ssyncadd.s32 $0xFFFFFC18  }
0x36: {  	[hbm4b:s10+s2] =	stream.linear.scatter [tilespmem:s21], [sflag:$0x1], $0x3E8, $0x38;
	[tilespmem:$0x3B80] =	vst v63  }
0x37: {  	_ =	swait.ge [sflag:s15], $0x3E8  }
0x38: {  	[sflag:s15] =	ssyncset.done $0x0  }
0x39: {  	[sflag:s15] =	ssyncadd.s32 $0xFFFFFC18  }
0x3a: {  	[hbm4b:s11+s2] =	stream.linear.scatter [tilespmem:s22], [sflag:$0x1], $0x3E8, $0x38;
	[tilespmem:$0x3B80] =	vst v63  }
0x3b: {  	_ =	swait.ge [sflag:s15], $0x3E8  }
0x3c: {  	[sflag:s15] =	ssyncset.done $0x0  }
0x3d: {  	[sflag:s15] =	ssyncadd.s32 $0xFFFFFC18  }
0x3e: {  	[hbm4b:s12+s2] =	stream.linear.scatter [tilespmem:s23], [sflag:$0x1], $0x3E8, $0x38;
	[tilespmem:$0x3B80] =	vst v63  }
0x3f: {  	_ =	swait.ge [sflag:s15], $0x3E8  }
0x40: {  	[sflag:s15] =	ssyncset.done $0x0  }
0x41: {  	[sflag:s15] =	ssyncadd.s32 $0xFFFFFC18  }
0x42: {  	[hbm4b:s13+s2] =	stream.linear.scatter [tilespmem:s24], [sflag:$0x1], $0x3E8, $0x38;
	[tilespmem:$0x3B80] =	vst v63  }
0x43: {  	s26 =	sadd.s32 $0x1, s26;
	_ =	swait.ge [sflag:s15], $0x3E8  }
0x44: {  	p0 =	sne.s32 s26, s5;
	[sflag:s15] =	ssyncset.done $0x0  }
.Ltmp2:
0x45: {  	[sflag:s15] =	ssyncadd.s32 $0xFFFFFC18;
	(pc) =	sbr.rel @p0 .LBB2_1-.Ltmp2, $4  }
0x46: {  	[hbm4b:s14+s2] =	stream.linear.scatter [tilespmem:s25], [sflag:$0x1], $0x3E8, $0x38;
	[tilespmem:$0x3B80] =	vst v63  }
0x47: {  	_ =	swait.ge [sflag:s15], $0x3E8  }
0x48: {  	[sflag:s15] =	ssyncset.done $0x0  }
0x49: {  	[sflag:s15] =	ssyncadd.s32 $0xFFFFFC18  }
0x4a: {  	_ =	sfence.sel $0x180000  }
0x4b: {  	[bflag:$0x0] =	sbarrier.arrive $0xFFFF  }
0x4c: {  	p0 =	sne.s32 s0, $0x0;
	_ =	strace $0x90000047  }
0x4d: {  	s0 =	sadd.s32 @!p0 $0x100000, s1;
	[bflag:$0x2] =	sbarrier.arrive $0xFFFF  }
0x4e: {  	[sflag:s0] =	ssyncadd.tile.s32 @!p0 $0x1;
	_ =	shalt  }
.Lfunc_end2:
_tile_overlayer_lowered:
.L_overlay_start_2:
0x4f: {  	(tag) =	ssettag $0x2  }
0x50: {  	s0 =	rddreg [dreg:$0x0];
	s2 =	stileid.u32  }
0x51: {  	s1 =	rddreg [dreg:$0x1];
	p0 =	sne.s32 s2, $0x0  }
0x52: {  	s3 =	rddreg [dreg:$0x2];
	[bflag:$0x3] =	sbarrier.arrive $0xFFFF;
	s2 =	simm.s32 @!p0 $0x1C01  }
0x53: {  	[timem:s3], [sflag:s2] =	dma.local @!p0 [hbm:s0], s1  }
0x54: {  	s0 =	simm.s32 @!p0 $0x1  }
0x55: {  	_ =	swait.ge @!p0 [sflag:s0], s1  }
0x56: {  	s1 =	ssub.s32 @!p0 $0x0, s1;
	[sflag:s0] =	ssyncset.done @!p0 $0x0  }
0x57: {  	[sflag:s0] =	ssyncadd.s32 @!p0 s1  }
0x58: {  	[bflag:$0x3] =	sbarrier.arrive $0xFFFF  }
0x59: {  	_ =	shalt  }

// kernel: kernel.9.cloned.1.call-start
scs
__scs_entry_jumppad:
0x0: {  	(pc) =	sbr.rel $0x88, $3  }
0x1: {  	(tag) =	ssettag $0x0;
	lr =	simm.s32 $0x1  }
0x2: {  	[smem:$0x3F9C] =	sst lr;
	_ =	strace $0xD0000000  }
0x3: {  	_ = 	snop  }
0x4: {  	_ = 	snop  }
0x5: {  	_ = 	snop  }
0x6: {  	_ = 	snop  }
0x7: {  	_ = 	snop  }
__scs_overlays_trampoline_lowered:
0x8: {  	[smem:$0x3FAB] =	sst s0  }
0x9: {  	[smem:$0x3FAC] =	sst s1  }
0xa: {  	[smem:$0x3FAD] =	sst s2  }
0xb: {  	[smem:$0x3FAE] =	sst s3  }
0xc: {  	[smem:$0x3FAF] =	sst s4  }
0xd: {  	[smem:$0x3FB0] =	sst s5  }
0xe: {  	[smem:$0x3FB1] =	sst s6  }
0xf: {  	[smem:$0x3FB2] =	sst s7  }
0x10: {  	[smem:$0x3FB3] =	sst s8  }
0x11: {  	[smem:$0x3FB4] =	sst s9;
	s0 =	simm.s32 @!p0 $0x0  }
0x12: {  	s1 =	sld [smem:$0x3F9A];
	s0 =	simm.s32 @p0 $0x1  }
0x13: {  	[smem:$0x3FB5] =	sst s0;
	s0 =	simm.s32 @!p1 $0x0  }
0x14: {  	s2 =	sld [smem:$0x3F99];
	s0 =	simm.s32 @p1 $0x1  }
0x15: {  	[smem:$0x3FB6] =	sst s0;
	s0 =	simm.s32 @!p2 $0x0  }
0x16: {  	s3 =	sld [smem:$0x3FDB];
	s0 =	simm.s32 @p2 $0x1  }
0x17: {  	s4 =	simm.s32 $0x1BF5;
	[smem:$0x3FB8] =	sst s0  }
0x18: {  	s0 =	sld [smem:$0x3F9B];
	_ =	swait.ge [sflag:s4], $0x0  }
0x19: {  	s7 =	sld [smem:$0x3F9C]  }
0x1a: {  	s8 =	sadd.s32 $0xFFFFE003, lr  }
0x1b: {  	s9 =	sadd.s32 $0xFFFFFEF7, lr;
	s5 =	simm.s32 $0xFFFFFFFF;
	p2 =	slt.u32 s8, $0xFFFFF086  }
0x1c: {  	p1 =	slt.u32 s9, $0xF7A;
	s5 =	simm.s32 @!p2 $0x0  }
0x1d: {  	s5 =	simm.s32 @p1 $0x1;
	p0 =	seq.s32 s7, s2  }
0x1e: {  	s7 =	smul.u32 @!p0 $0xF7A, s2;
	p2 =	seq.s32 @!p0 s5, $0x0  }
0x1f: {  	s9 =	smul.u32 $0xF7A, s1;
	s8 =	simm.s32 @!p0 $0x1BF5;
	p2 =	por !p2, p0  }
0x20: {  	[sflag:s8] =	ssyncset.s32 @!p0 $0xFFFFF086;
	s6 =	sadd.s32 @!p0 s3, s7;
	s7 =	simm.s32 @!p0 $0x108  }
0x21: {  	s3 =	sadd.s32 s3, s9;
	s6 =	sadd.s32 @!p0 $0x88, s6;
	s7 =	simm.s32 @p2 $0x1082  }
0x22: {  	[simem:s7], [sflag:s8] =	dma.local @!p0 [hbm:s6], $0xF7A  }
0x23: {  	s9 =	sor.u32 $0xD0000000, s2;
	s6 =	simm.s32 $0x108;
	_ =	swait.ge @!p0 [sflag:s8], $0x0  }
0x24: {  	s3 =	sadd.s32 $0x88, s3;
	s6 =	simm.s32 @!p1 $0x1082;
	[sflag:s4] =	ssyncset.s32 $0xFFFFF086  }
0x25: {  	[simem:s6], [sflag:s4] =	dma.local [hbm:s3], $0xF7A  }
0x26: {  	[smem:$0x3F9C] =	sst s1;
	(tag) =	ssettag s2;
	_ =	strace s9  }
0x27: {  	s1 =	sld [smem:$0x3FAC]  }
0x28: {  	s2 =	sld [smem:$0x3FAD]  }
0x29: {  	s4 =	sld [smem:$0x3FAF]  }
0x2a: {  	p0 =	seq.s32 s5, $0x0;
	s5 =	sld [smem:$0x3FB0]  }
0x2b: {  	s6 =	sld [smem:$0x3FB1]  }
0x2c: {  	s7 =	sld [smem:$0x3FB2]  }
0x2d: {  	s3 =	simm.s32 $0x108;
	s8 =	sld [smem:$0x3FB3]  }
0x2e: {  	s3 =	simm.s32 @!p0 $0x1082;
	s9 =	sld [smem:$0x3FB4]  }
0x2f: {  	lr =	sadd.s32 s0, s3;
	s0 =	sld [smem:$0x3FAB]  }
0x30: {  	s3 =	sld [smem:$0x3FAE]  }
0x31: {  	[smem:$0x3FB7] =	sst s10  }
0x32: {  	s10 =	sld [smem:$0x3FB5];
	_ =	sdelay $0x3  }
0x33: {  	p0 =	seq.s32 s10, $0x1;
	s10 =	sld [smem:$0x3FB7];
	_ =	sdelay $0x3  }
0x34: {  	[smem:$0x3FB7] =	sst s10  }
0x35: {  	s10 =	sld [smem:$0x3FB6];
	_ =	sdelay $0x3  }
0x36: {  	p1 =	seq.s32 s10, $0x1;
	s10 =	sld [smem:$0x3FB7];
	_ =	sdelay $0x3  }
0x37: {  	[smem:$0x3FB7] =	sst s10  }
0x38: {  	s10 =	sld [smem:$0x3FB8]  }
0x39: {  	_ = 	snop;
	(pc) =	sbr.ind lr, $3  }
0x3a: {  	_ = 	snop  }
0x3b: {  	_ = 	snop  }
0x3c: {  	p2 =	seq.s32 s10, $0x1;
	s10 =	sld [smem:$0x3FB7]  }
0x3d: {  	_ =	shalt  }
0x3e: {  	_ =	shalt  }
0x3f: {  	_ =	shalt  }
0x40: {  	_ =	shalt  }
0x41: {  	_ =	shalt  }
0x42: {  	_ =	shalt  }
0x43: {  	_ =	shalt  }
0x44: {  	_ =	shalt  }
0x45: {  	_ =	shalt  }
0x46: {  	_ =	shalt  }
0x47: {  	_ =	shalt  }
0x48: {  	_ =	shalt  }
0x49: {  	_ =	shalt  }
0x4a: {  	_ =	shalt  }
0x4b: {  	_ =	shalt  }
0x4c: {  	_ =	shalt  }
0x4d: {  	_ =	shalt  }
0x4e: {  	_ =	shalt  }
0x4f: {  	_ =	shalt  }
0x50: {  	_ =	shalt  }
0x51: {  	_ =	shalt  }
0x52: {  	_ =	shalt  }
0x53: {  	_ =	shalt  }
0x54: {  	_ =	shalt  }
0x55: {  	_ =	shalt  }
0x56: {  	_ =	shalt  }
0x57: {  	_ =	shalt  }
0x58: {  	_ =	shalt  }
0x59: {  	_ =	shalt  }
0x5a: {  	_ =	shalt  }
0x5b: {  	_ =	shalt  }
0x5c: {  	_ =	shalt  }
0x5d: {  	_ =	shalt  }
0x5e: {  	_ =	shalt  }
0x5f: {  	_ =	shalt  }
0x60: {  	_ =	shalt  }
0x61: {  	_ =	shalt  }
0x62: {  	_ =	shalt  }
0x63: {  	_ =	shalt  }
0x64: {  	_ =	shalt  }
0x65: {  	_ =	shalt  }
0x66: {  	_ =	shalt  }
0x67: {  	_ =	shalt  }
0x68: {  	_ =	shalt  }
0x69: {  	_ =	shalt  }
0x6a: {  	_ =	shalt  }
0x6b: {  	_ =	shalt  }
0x6c: {  	_ =	shalt  }
0x6d: {  	_ =	shalt  }
0x6e: {  	_ =	shalt  }
0x6f: {  	_ =	shalt  }
0x70: {  	_ =	shalt  }
0x71: {  	_ =	shalt  }
0x72: {  	_ =	shalt  }
0x73: {  	_ =	shalt  }
0x74: {  	_ =	shalt  }
0x75: {  	_ =	shalt  }
0x76: {  	_ =	shalt  }
0x77: {  	_ =	shalt  }
0x78: {  	_ =	shalt  }
0x79: {  	_ =	shalt  }
0x7a: {  	_ =	shalt  }
0x7b: {  	_ =	shalt  }
0x7c: {  	_ =	shalt  }
0x7d: {  	_ =	shalt  }
0x7e: {  	_ =	shalt  }
0x7f: {  	_ =	shalt  }
0x80: {  	_ =	shalt  }
0x81: {  	_ =	shalt  }
0x82: {  	_ =	shalt  }
0x83: {  	_ =	shalt  }
0x84: {  	_ =	shalt  }
0x85: {  	_ =	shalt  }
0x86: {  	_ =	shalt  }
0x87: {  	_ =	shalt  }
.Lfunc_end0:
.L_simem_size_0:
called_computation.1_lowered:
.L_overlay_start_0:
0x88: {  	s2 =	sld [smem:$0x3FD9]  }
0x89: {  	s3 =	sld [smem:$0x3FFE];
	_ =	sdelay $0x1  }
0x8a: {  	s1 =	srdreg.scid  }
0x8b: {  	s0 =	sand.u32 $0x1, s1  }
0x8c: {  	s16 =	sshll.u32 s0, $0xA;
	s2 =	sadd.s32 s3, s2  }
0x8d: {  	s2 =	sadd.s32 s2, s16  }
0x8e: {  	[smem:$0x3FC3] =	sst s2  }
0x8f: {  	_ = 	snop  }
0x90: {  	(tm) =	ssettm $0x1  }
0x91: {  	s17 =	sld [smem:$0x3FFB];
	_ =	sdelay $0x3  }
0x92: {  	_ =	strace s17  }
0x93: {  	s2 =	sld [smem:$0x3FFC];
	_ =	sdelay $0x3  }
0x94: {  	_ =	strace s2  }
0x95: {  	s2 =	sld [smem:$0x3FFD];
	_ =	sdelay $0x3  }
0x96: {  	_ =	strace s2  }
0x97: {  	_ =	strace $0x8FFFFFFF  }
0x98: {  	s18 =	sld [smem:$0x3FDB];
	_ =	sdelay $0x1  }
0x99: {  	s19 =	simm.s32 $_scs_section_size  }
0x9a: {  	s4 =	simm.s32 $_size__tile_overlayer_lowered;
	s5 =	simm.s32 $_tile_overlayer_lowered  }
0x9b: {  	s22 =	simm.s32 $0x1BFF;
	s21 =	sshll.u32 s5, $0x1;
	s2 =	sadd.s32 s19, s18  }
0x9c: {  	s6 =	simm.s32 $0x0;
	s20 =	sshll.u32 s4, $0x1;
	s4 =	sadd.s32 s21, s2  }
0x9d: {  	[timem:s6], [sflag:s22] =	dma.local [hbm:s4], s20  }
0x9e: {  	_ =	swait.ge [sflag:s22], s20  }
0x9f: {  	s3 =	ssub.s32 $0x0, s20;
	[sflag:s22] =	ssyncset.done $0x0  }
0xa0: {  	[sflag:s22] =	ssyncadd.s32 s3;
	_ =	sdelay $0x1  }
0xa1: {  	s23 =	simm.s32 $0x1B8B  }
0xa2: {  	_ =	swait.ge [sflag:s23], $0x1  }
0xa3: {  	[sflag:s23] =	ssyncset.done $0x0  }
0xa4: {  	s25 =	simm.s32 $0x1B8E;
	s24 =	sld [smem:$0x3FFE];
	[sflag:s23] =	ssyncadd.s32 $0xFFFFFFFF  }
0xa5: {  	s26 =	simm.s32 $execute0_lowered;
	[smem:$0x3FD2] =	sst s25  }
0xa6: {  	s4 =	sshll.u32 s26, $0x1;
	_ =	strace $0x80000049;
	[dreg:$0x1] =	wrdreg $0xFFFFFFFF  }
0xa7: {  	s28 =	simm.s32 $_size_execute0_lowered;
	s2 =	sadd.s32 s2, s4;
	[dreg:$0x0] =	wrdreg $0x0  }
0xa8: {  	s4 =	sshll.u32 s28, $0x1;
	[dreg:$0x2] =	wrdreg s2  }
0xa9: {  	[dreg:$0x3] =	wrdreg s4  }
0xaa: {  	[dreg:$0x4] =	wrdreg $0xC0  }
0xab: {  	_ =	task [dreg:s6], $0x5FFFF  }
0xac: {  	[dreg:$0x1] =	wrdreg $0xFFFFFFFF  }
0xad: {  	[dreg:$0x0] =	wrdreg $0x60  }
0xae: {  	[dreg:$0x2] =	wrdreg s24  }
0xaf: {  	[dreg:$0x3] =	wrdreg $0x7C000  }
0xb0: {  	[dreg:$0x4] =	wrdreg $0x9  }
0xb1: {  	_ =	task.clear_ibuf [dreg:s6], $0x5FFFF;
	_ =	strace $0x90000049  }
0xb2: {  	s29 =	simm.s32 $0x9;
	_ =	strace $0x8000004B  }
0xb3: {  	_ =	swait.ge [sflag:s29], $0x1  }
0xb4: {  	[sflag:s29] =	ssyncadd.s32 $0xFFFFFFFF  }
0xb5: {  	_ =	strace $0x9000004B  }
0xb6: {  	_ =	sfence  }
0xb7: {  	s30 =	sld [smem:$0x0];
	_ =	sdelay $0x2  }
0xb8: {  	s31 =	sshll.u32 s1, $0xD;
	s1 =	sshrl.u32 s1, $0x2  }
0xb9: {  	s3 =	sand.u32 $0x4000, s31;
	s1 =	sadd.s32 s1, s30  }
0xba: {  	s0 =	sor.u32 s3, s0;
	s1 =	sshll.u32 s1, $0x11  }
0xbb: {  	s0 =	sor.u32 s1, s0  }
0xbc: {  	s0 =	sadd.s32 $0x8F2B, s0  }
0xbd: {  	[sflag:s0] =	ssyncadd.remote.s32 $0x1  }
0xbe: {  	_ =	sfence.sel $0xFFFF  }
0xbf: {  	[dreg:$0x0] =	wrdreg $0xFFFFFFFF;
	(pc) =	sbr.abs _section_cstart, $3  }
0xc0: {  	[dreg:$0x1] =	wrdreg $0xFFFFFFFF  }
0xc1: {  	_ =	task.clear_ibuf [dreg:s6], $0x2FFFF;
	_ =	strace $0x9FFFFFFF  }
0xc2: {  	(tm) =	ssettm $0x7FFFFFFF  }
0xc3: {  	_ =	shalt  }
tec
execute0_lowered:
.L_overlay_start_1:
0x0: {  	(tag) =	ssettag $0x1  }
0x1: {  	s0 =	rddreg [dreg:$0x0]  }
0x2: {  	s1 =	rddreg [dreg:$0x1]  }
0x3: {  	s2 =	simm.s32 $0x0;
	s3 =	srdreg.scid;
	s14 =	stileid.u32  }
0x4: {  	s31 =	simm.s32 $0x400;
	s28 =	simm.s32 $0x4;
	s29 =	simm.s32 $0xA  }
0x5: {  	s30 =	simm.s32 $0x3;
	[smem:$0x7FF] =	sst s2;
	s8 =	smul.u32 $0x7D00, s14  }
0x6: {  	s4 =	sadd.s32 $0x21A00, s0;
	s5 =	sadd.s32 $0x48C00, s0;
	s9 =	smul.u32 $0xFA0, s14  }
0x7: {  	s6 =	sadd.s32 $0x12000, s0;
	s3 =	sand.u32 $0x1, s3;
	s19 =	smul.u32 $0x280, s14  }
0x8: {  	s7 =	sadd.s32 $0x6FE00, s0;
	s0 =	sadd.s32 $0x97E00, s0;
	s20 =	smul.u32 $0x50000, s14  }
0x9: {  	_ =	strace $0x8000004A;
	[dreg:$0x3] =	wrdreg s7;
	s17 =	ssub.s32 $0x2, s3  }
0xa: {  	[dreg:$0x4] =	wrdreg s0;
	p0 =	sne.s32 s3, $0x0;
	s18 =	sshrl.u32 s17, $0x1  }
0xb: {  	s10 =	sshrl.u32 s8, $0x3;
	s8 =	sadd.s32 s6, s9;
	s23 =	sshrl.u32 s20, $0x2  }
0xc: {  	s9 =	sor.u32 $0x50, s19;
	s25 =	sadd.s32 $0xF0, s19;
	s12 =	sadd.s32 $0x140, s19  }
0xd: {  	s16 =	sadd.s32 $0x190, s19;
	s7 =	sadd.s32 $0x230, s19;
	s6 =	sadd.s32 s6, s10  }
0xe: {  	s0 =	ssub.s32 s17, s18;
	s24 =	sshll.u32 s9, $0x7;
	s10 =	sadd.s32 $0x20, s6  }
0xf: {  	s11 =	sshll.u32 s25, $0x7;
	s21 =	sadd.s32 $0x40, s6;
	[dreg:$0x5] =	wrdreg s10  }
0x10: {  	s15 =	sshll.u32 s12, $0x7;
	s22 =	sadd.s32 $0x60, s6;
	[dreg:$0x6] =	wrdreg s21  }
0x11: {  	s17 =	sadd.s32 $0x1E0, s19;
	s6 =	sadd.s32 $0xF80, s6;
	[dreg:$0x7] =	wrdreg s22  }
0x12: {  	s18 =	sshll.u32 s16, $0x7;
	s0 =	smax.u32 s0, $0x1;
	[dreg:$0x8] =	wrdreg s6  }
0x13: {  	s13 =	sadd.s32 s11, s1;
	s11 =	sadd.s32 s18, s1;
	[dreg:$0x9] =	wrdreg s0  }
0x14: {  	s3 =	sshll.u32 s17, $0x4;
	s18 =	simm.s32 $0x0;
	[dreg:$0xd] =	wrdreg s13  }
0x15: {  	s21 =	sadd.s32 s23, s1;
	s0 =	sadd.s32 s24, s1;
	[dreg:$0xf] =	wrdreg s11  }
0x16: {  	s13 =	sshll.u32 s7, $0x7;
	s7 =	sshll.u32 s7, $0x4;
	[dreg:$0x13] =	wrdreg s3  }
0x17: {  	s22 =	sshll.u32 s16, $0x4;
	s23 =	sshll.u32 s12, $0x4;
	[dreg:$0xb] =	wrdreg s0  }
0x18: {  	s24 =	sshll.u32 s25, $0x4;
	s25 =	sshll.u32 s9, $0x4;
	[dreg:$0x12] =	wrdreg s7  }
0x19: {  	s3 =	simm.s32 $0x100;
	s6 =	simm.s32 $0x7;
	[dreg:$0x14] =	wrdreg s22  }
0x1a: {  	s9 =	simm.s32 $0x8;
	s12 =	simm.s32 $0x1;
	[dreg:$0x15] =	wrdreg s23  }
0x1b: {  	s16 =	simm.s32 $0x380;
	s0 =	sadd.s32 $0xA0, s19;
	[dreg:$0x16] =	wrdreg s24  }
0x1c: {  	s19 =	sshll.u32 s17, $0x7;
	s20 =	sadd.s32 s13, s1;
	[dreg:$0x18] =	wrdreg s25  }
0x1d: {  	s7 =	simm.s32 $0x50;
	s13 =	simm.s32 $0x80;
	s22 =	simm.s32 $0x9  }
0x1e: {  	s23 =	simm.s32 $0x5400;
	s24 =	simm.s32 $0x300;
	s25 =	simm.s32 $0x2  }
0x1f: {  	s17 =	simm.s32 $0x6;
	[dreg:$0xa] =	wrdreg s21;
	s26 =	sshll.u32 s0, $0x7  }
0x20: {  	s11 =	sadd.s32 s19, s1;
	[dreg:$0x11] =	wrdreg s20;
	s0 =	sshll.u32 s0, $0x4  }
.Ltmp0:
0x21: {  	s10 =	sadd.s32 s26, s1;
	[dreg:$0x10] =	wrdreg s11;
	(pc) =	sbr.rel .LBB2_1-.Ltmp0, $4  }
0x22: {  	[dreg:$0x17] =	wrdreg s0;
	s26 =	smul.u32 $0x2800, s14;
	s0 =	simm.s32 $0xB  }
0x23: {  	s11 =	simm.s32 $0x200;
	[dreg:$0xc] =	wrdreg s10;
	s10 =	sadd.s32 s15, s1  }
0x24: {  	s14 =	simm.s32 $0x280;
	s15 =	simm.s32 $0x5;
	[dreg:$0xe] =	wrdreg s10  }
0x25: {  	v0 =	vimm.f32 $0.0e+00;
	[dreg:$0x19] =	wrdreg s26;
	s10 =	simm.s32 $0x2C00;
	s26 =	simm.s32 $0x180  }
.LBB2_9:
0x26: {  	[spmem:s1] =	stream.indirect.scatter.add.f32 [tilespmem:s10], [sflag:$0x5], $0x80, s26, s7, $0xb8;
	[tilespmem:$0x1BC00] =	vst v63  }
0x27: {  	s20 =	smov.u32 s5;
	s19 =	rddreg [dreg:$0x4]  }
.LBB2_10:
0x28: {  	_ =	swait.ge [sflag:s28], $0x2800  }
0x29: {  	[sflag:s28] =	ssyncset.done $0x0  }
0x2a: {  	[sflag:s28] =	ssyncadd.s32 $0xFFFFD800  }
0x2b: {  	_ =	swait.ge [sflag:s29], $0x100  }
0x2c: {  	[sflag:s29] =	ssyncset.done $0x0  }
0x2d: {  	[sflag:s29] =	ssyncadd.s32 $0xFFFFFF00  }
0x2e: {  	[tilespmem:s31], [sflag:$0x1] =	stream.indirect.gather [hbm4b:s20+s7], $0x80, s24, s7, $0xb8;
	[tilespmem:$0x1BC00] =	vst v63  }
0x2f: {  	s21 =	rddreg [dreg:$0x8]  }
0x30: {  	[tilespmem:s2], [sflag:$0x7] =	stream.linear.gather [hbm4b:s21+s2], $0x100, $0x38;
	[tilespmem:$0x1BC00] =	vst v63  }
0x31: {  	_ =	swait.ge [sflag:s30], $0x2800  }
0x32: {  	[sflag:s30] =	ssyncset.done $0x0  }
0x33: {  	[sflag:s30] =	ssyncadd.s32 $0xFFFFD800  }
0x34: {  	[spmem:s1] =	stream.indirect.scatter.add.f32 [tilespmem:s23], [sflag:$0x6], $0x80, s14, s7, $0xb8;
	[tilespmem:$0x1BC00] =	vst v63  }
0x35: {  	_ =	swait.ge [sflag:s15], $0x2800  }
0x36: {  	[sflag:s15] =	ssyncset.done $0x0  }
0x37: {  	[sflag:s15] =	ssyncadd.s32 $0xFFFFD800  }
0x38: {  	_ =	swait.ge [sflag:s6], $0x100  }
0x39: {  	[sflag:s6] =	ssyncset.done $0x0  }
0x3a: {  	[sflag:s6] =	ssyncadd.s32 $0xFFFFFF00  }
0x3b: {  	[tilespmem:s10], [sflag:$0x2] =	stream.indirect.gather [hbm4b:s20+s7], $0x80, s2, s7, $0xb8;
	[tilespmem:$0x1BC00] =	vst v63  }
0x3c: {  	_ =	swait.ge [sflag:s12], $0x2800  }
0x3d: {  	[sflag:s12] =	ssyncset.done $0x0  }
0x3e: {  	[sflag:s12] =	ssyncadd.s32 $0xFFFFD800  }
0x3f: {  	[spmem:s1] =	stream.indirect.scatter.add.f32 [tilespmem:s31], [sflag:$0x4], $0x80, s16, s7, $0xb8;
	[tilespmem:$0x1BC00] =	vst v63  }
0x40: {  	_ =	swait.ge [sflag:s17], $0x2800  }
0x41: {  	[sflag:s17] =	ssyncset.done $0x0  }
0x42: {  	[sflag:s17] =	ssyncadd.s32 $0xFFFFD800  }
0x43: {  	_ =	swait.ge [sflag:s25], $0x2800  }
0x44: {  	[sflag:s25] =	ssyncset.done $0x0  }
0x45: {  	[sflag:s25] =	ssyncadd.s32 $0xFFFFD800  }
0x46: {  	[spmem:s1] =	stream.indirect.scatter.add.f32 [tilespmem:s10], [sflag:$0x5], $0x80, s13, s7, $0xb8;
	[tilespmem:$0x1BC00] =	vst v63  }
0x47: {  	_ =	swait.ge [sflag:s28], $0x2800  }
0x48: {  	[sflag:s28] =	ssyncset.done $0x0  }
0x49: {  	[sflag:s28] =	ssyncadd.s32 $0xFFFFD800  }
0x4a: {  	_ =	swait.ge [sflag:s15], $0x2800  }
0x4b: {  	[sflag:s15] =	ssyncset.done $0x0  }
0x4c: {  	[sflag:s15] =	ssyncadd.s32 $0xFFFFD800  }
0x4d: {  	[bflag:$0x0] =	sbarrier.arrive $0xFFFF  }
0x4e: {  	s21 =	rddreg [dreg:$0xa]  }
0x4f: {  	[tilespmem:s31], [sflag:$0xB] =	stream.linear.gather [spmem:s21], $0x2800, $0x38;
	[tilespmem:$0x1BC00] =	vst v63  }
0x50: {  	_ =	swait.ge [sflag:s0], $0x2800  }
0x51: {  	[sflag:s0] =	ssyncset.done $0x0;
	s20 =	rddreg [dreg:$0x19]  }
0x52: {  	s20 =	sadd.s32 s19, s20;
	[sflag:s0] =	ssyncadd.s32 $0xFFFFD800  }
0x53: {  	[hbm4b:s20+s2] =	stream.linear.scatter [tilespmem:s31], [sflag:$0xB], $0x2800, $0x38;
	[tilespmem:$0x1BC00] =	vst v63  }
0x54: {  	_ =	swait.ge [sflag:s0], $0x2800  }
0x55: {  	[sflag:s0] =	ssyncset.done $0x0  }
0x56: {  	s20 =	rddreg [dreg:$0xb];
	[sflag:s0] =	ssyncadd.s32 $0xFFFFD800  }
0x57: {  	[tilespmem:s31], [sflag:$0xB] =	stream.linear.gather [spmem:s20], $0x2800, $0x38;
	[tilespmem:$0x1BC00] =	vst v63  }
0x58: {  	_ =	swait.ge [sflag:s0], $0x2800  }
0x59: {  	[sflag:s0] =	ssyncset.done $0x0;
	s20 =	rddreg [dreg:$0x18]  }
0x5a: {  	s20 =	sadd.s32 s19, s20;
	[sflag:s0] =	ssyncadd.s32 $0xFFFFD800  }
0x5b: {  	[hbm4b:s20+s2] =	stream.linear.scatter [tilespmem:s31], [sflag:$0xB], $0x2800, $0x38;
	[tilespmem:$0x1BC00] =	vst v63  }
0x5c: {  	_ =	swait.ge [sflag:s0], $0x2800  }
0x5d: {  	[sflag:s0] =	ssyncset.done $0x0  }
0x5e: {  	s20 =	rddreg [dreg:$0xc];
	[sflag:s0] =	ssyncadd.s32 $0xFFFFD800  }
0x5f: {  	[tilespmem:s31], [sflag:$0xB] =	stream.linear.gather [spmem:s20], $0x2800, $0x38;
	[tilespmem:$0x1BC00] =	vst v63  }
0x60: {  	_ =	swait.ge [sflag:s0], $0x2800  }
0x61: {  	[sflag:s0] =	ssyncset.done $0x0;
	s20 =	rddreg [dreg:$0x17]  }
0x62: {  	s20 =	sadd.s32 s19, s20;
	[sflag:s0] =	ssyncadd.s32 $0xFFFFD800  }
0x63: {  	[hbm4b:s20+s2] =	stream.linear.scatter [tilespmem:s31], [sflag:$0xB], $0x2800, $0x38;
	[tilespmem:$0x1BC00] =	vst v63  }
0x64: {  	_ =	swait.ge [sflag:s0], $0x2800  }
0x65: {  	[sflag:s0] =	ssyncset.done $0x0  }
0x66: {  	s20 =	rddreg [dreg:$0xd];
	[sflag:s0] =	ssyncadd.s32 $0xFFFFD800  }
0x67: {  	[tilespmem:s31], [sflag:$0xB] =	stream.linear.gather [spmem:s20], $0x2800, $0x38;
	[tilespmem:$0x1BC00] =	vst v63  }
0x68: {  	_ =	swait.ge [sflag:s0], $0x2800  }
0x69: {  	[sflag:s0] =	ssyncset.done $0x0;
	s20 =	rddreg [dreg:$0x16]  }
0x6a: {  	s20 =	sadd.s32 s19, s20;
	[sflag:s0] =	ssyncadd.s32 $0xFFFFD800  }
0x6b: {  	[hbm4b:s20+s2] =	stream.linear.scatter [tilespmem:s31], [sflag:$0xB], $0x2800, $0x38;
	[tilespmem:$0x1BC00] =	vst v63  }
0x6c: {  	_ =	swait.ge [sflag:s0], $0x2800  }
0x6d: {  	[sflag:s0] =	ssyncset.done $0x0  }
0x6e: {  	s20 =	rddreg [dreg:$0xe];
	[sflag:s0] =	ssyncadd.s32 $0xFFFFD800  }
0x6f: {  	[tilespmem:s31], [sflag:$0xB] =	stream.linear.gather [spmem:s20], $0x2800, $0x38;
	[tilespmem:$0x1BC00] =	vst v63  }
0x70: {  	_ =	swait.ge [sflag:s0], $0x2800  }
0x71: {  	[sflag:s0] =	ssyncset.done $0x0;
	s20 =	rddreg [dreg:$0x15]  }
0x72: {  	s20 =	sadd.s32 s19, s20;
	[sflag:s0] =	ssyncadd.s32 $0xFFFFD800  }
0x73: {  	[hbm4b:s20+s2] =	stream.linear.scatter [tilespmem:s31], [sflag:$0xB], $0x2800, $0x38;
	[tilespmem:$0x1BC00] =	vst v63  }
0x74: {  	_ =	swait.ge [sflag:s0], $0x2800  }
0x75: {  	[sflag:s0] =	ssyncset.done $0x0  }
0x76: {  	s20 =	rddreg [dreg:$0xf];
	[sflag:s0] =	ssyncadd.s32 $0xFFFFD800  }
0x77: {  	[tilespmem:s31], [sflag:$0xB] =	stream.linear.gather [spmem:s20], $0x2800, $0x38;
	[tilespmem:$0x1BC00] =	vst v63  }
0x78: {  	_ =	swait.ge [sflag:s0], $0x2800  }
0x79: {  	[sflag:s0] =	ssyncset.done $0x0;
	s20 =	rddreg [dreg:$0x14]  }
0x7a: {  	s20 =	sadd.s32 s19, s20;
	[sflag:s0] =	ssyncadd.s32 $0xFFFFD800  }
0x7b: {  	[hbm4b:s20+s2] =	stream.linear.scatter [tilespmem:s31], [sflag:$0xB], $0x2800, $0x38;
	[tilespmem:$0x1BC00] =	vst v63  }
0x7c: {  	_ =	swait.ge [sflag:s0], $0x2800  }
0x7d: {  	[sflag:s0] =	ssyncset.done $0x0  }
0x7e: {  	s20 =	rddreg [dreg:$0x10];
	[sflag:s0] =	ssyncadd.s32 $0xFFFFD800  }
0x7f: {  	[tilespmem:s31], [sflag:$0xB] =	stream.linear.gather [spmem:s20], $0x2800, $0x38;
	[tilespmem:$0x1BC00] =	vst v63  }
0x80: {  	_ =	swait.ge [sflag:s0], $0x2800  }
0x81: {  	[sflag:s0] =	ssyncset.done $0x0;
	s20 =	rddreg [dreg:$0x13]  }
0x82: {  	s20 =	sadd.s32 s19, s20;
	[sflag:s0] =	ssyncadd.s32 $0xFFFFD800  }
0x83: {  	[hbm4b:s20+s2] =	stream.linear.scatter [tilespmem:s31], [sflag:$0xB], $0x2800, $0x38;
	[tilespmem:$0x1BC00] =	vst v63  }
0x84: {  	_ =	swait.ge [sflag:s0], $0x2800  }
0x85: {  	[sflag:s0] =	ssyncset.done $0x0  }
0x86: {  	s20 =	rddreg [dreg:$0x11];
	[sflag:s0] =	ssyncadd.s32 $0xFFFFD800  }
0x87: {  	[tilespmem:s31], [sflag:$0xB] =	stream.linear.gather [spmem:s20], $0x2800, $0x38;
	[tilespmem:$0x1BC00] =	vst v63  }
0x88: {  	_ =	swait.ge [sflag:s0], $0x2800  }
0x89: {  	[sflag:s0] =	ssyncset.done $0x0;
	s20 =	rddreg [dreg:$0x12]  }
0x8a: {  	s20 =	sadd.s32 s19, s20;
	[sflag:s0] =	ssyncadd.s32 $0xFFFFD800  }
0x8b: {  	[hbm4b:s20+s2] =	stream.linear.scatter [tilespmem:s31], [sflag:$0xB], $0x2800, $0x38;
	[tilespmem:$0x1BC00] =	vst v63  }
0x8c: {  	_ =	swait.ge [sflag:s0], $0x2800  }
0x8d: {  	s18 =	sadd.s32 $0x1, s18;
	s20 =	rddreg [dreg:$0x9]  }
0x8e: {  	p1 =	sne.s32 s18, s20  }
.Ltmp1:
0x8f: {  	_ = 	snop;
	(pc) =	sbr.rel @!p1 .LBB2_11-.Ltmp1, $3  }
0x90: {  	_ =	sdelay $0x1  }
0x91: {  	[sflag:s0] =	ssyncset.done $0x0  }
0x92: {  	[sflag:s0] =	ssyncadd.s32 $0xFFFFD800  }
.LBB2_1:
0x93: {  	s19 =	simm.s32 $0x0;
	s20 =	simm.s32 $0x200  }
.LBB2_2:
0x94: {  	p1 =	sne.s32 s20, $0x9E00;
	[tilespmem:s19+$0x470] =	vst v0  }
0x95: {  	[tilespmem:s19+$0x400] =	vst v0  }
0x96: {  	[tilespmem:s19+$0x410] =	vst v0  }
.Ltmp2:
0x97: {  	[tilespmem:s19+$0x420] =	vst v0;
	(pc) =	sbr.rel @p1 .LBB2_2-.Ltmp2, $4  }
0x98: {  	[tilespmem:s19+$0x430] =	vst v0  }
0x99: {  	[tilespmem:s19+$0x440] =	vst v0  }
0x9a: {  	[tilespmem:s19+$0x450] =	vst v0  }
0x9b: {  	[tilespmem:s19+$0x460] =	vst v0;
	s19 =	sshra.s32 s20, $0x2;
	s20 =	sadd.s32 $0x200, s20  }
0x9c: {  	[tilespmem:s19+$0x470] =	vst v0  }
0x9d: {  	[tilespmem:s19+$0x400] =	vst v0  }
0x9e: {  	[tilespmem:s19+$0x410] =	vst v0  }
0x9f: {  	[tilespmem:s19+$0x420] =	vst v0  }
0xa0: {  	[tilespmem:s19+$0x430] =	vst v0  }
0xa1: {  	[tilespmem:s19+$0x440] =	vst v0  }
0xa2: {  	[tilespmem:s19+$0x450] =	vst v0  }
0xa3: {  	[tilespmem:s19+$0x460] =	vst v0  }
0xa4: {  	[spmem:s21] =	stream.linear.scatter [tilespmem:s31], [sflag:$0xB], $0x2800, $0x38;
	[tilespmem:$0x1BC00] =	vst v63  }
0xa5: {  	_ =	swait.ge [sflag:s0], $0x2800  }
0xa6: {  	[sflag:s0] =	ssyncset.done $0x0  }
0xa7: {  	s20 =	rddreg [dreg:$0xb];
	[sflag:s0] =	ssyncadd.s32 $0xFFFFD800  }
0xa8: {  	[spmem:s20] =	stream.linear.scatter [tilespmem:s31], [sflag:$0xB], $0x2800, $0x38;
	[tilespmem:$0x1BC00] =	vst v63  }
0xa9: {  	_ =	swait.ge [sflag:s0], $0x2800  }
0xaa: {  	[sflag:s0] =	ssyncset.done $0x0  }
0xab: {  	s21 =	rddreg [dreg:$0xc];
	[sflag:s0] =	ssyncadd.s32 $0xFFFFD800  }
0xac: {  	[spmem:s21] =	stream.linear.scatter [tilespmem:s31], [sflag:$0xB], $0x2800, $0x38;
	[tilespmem:$0x1BC00] =	vst v63  }
0xad: {  	_ =	swait.ge [sflag:s0], $0x2800  }
0xae: {  	[sflag:s0] =	ssyncset.done $0x0  }
0xaf: {  	s20 =	rddreg [dreg:$0xd];
	[sflag:s0] =	ssyncadd.s32 $0xFFFFD800  }
0xb0: {  	[spmem:s20] =	stream.linear.scatter [tilespmem:s31], [sflag:$0xB], $0x2800, $0x38;
	[tilespmem:$0x1BC00] =	vst v63  }
0xb1: {  	_ =	swait.ge [sflag:s0], $0x2800  }
0xb2: {  	[sflag:s0] =	ssyncset.done $0x0  }
0xb3: {  	s21 =	rddreg [dreg:$0xe];
	[sflag:s0] =	ssyncadd.s32 $0xFFFFD800  }
0xb4: {  	[spmem:s21] =	stream.linear.scatter [tilespmem:s31], [sflag:$0xB], $0x2800, $0x38;
	[tilespmem:$0x1BC00] =	vst v63  }
0xb5: {  	_ =	swait.ge [sflag:s0], $0x2800  }
0xb6: {  	[sflag:s0] =	ssyncset.done $0x0  }
0xb7: {  	s20 =	rddreg [dreg:$0xf];
	[sflag:s0] =	ssyncadd.s32 $0xFFFFD800  }
0xb8: {  	[spmem:s20] =	stream.linear.scatter [tilespmem:s31], [sflag:$0xB], $0x2800, $0x38;
	[tilespmem:$0x1BC00] =	vst v63  }
0xb9: {  	_ =	swait.ge [sflag:s0], $0x2800  }
0xba: {  	[sflag:s0] =	ssyncset.done $0x0  }
0xbb: {  	s21 =	rddreg [dreg:$0x10];
	[sflag:s0] =	ssyncadd.s32 $0xFFFFD800  }
0xbc: {  	[spmem:s21] =	stream.linear.scatter [tilespmem:s31], [sflag:$0xB], $0x2800, $0x38;
	[tilespmem:$0x1BC00] =	vst v63  }
0xbd: {  	_ =	swait.ge [sflag:s0], $0x2800  }
0xbe: {  	[sflag:s0] =	ssyncset.done $0x0  }
0xbf: {  	s20 =	rddreg [dreg:$0x11];
	[sflag:s0] =	ssyncadd.s32 $0xFFFFD800  }
0xc0: {  	[spmem:s20] =	stream.linear.scatter [tilespmem:s31], [sflag:$0xB], $0x2800, $0x38;
	[tilespmem:$0x1BC00] =	vst v63  }
0xc1: {  	_ =	swait.ge [sflag:s0], $0x2800  }
0xc2: {  	[sflag:s0] =	ssyncset.done $0x0  }
0xc3: {  	[sflag:s0] =	ssyncadd.s32 $0xFFFFD800  }
0xc4: {  	[bflag:$0x0] =	sbarrier.arrive $0xFFFF  }
0xc5: {  	[tilespmem:s2], [sflag:$0x7] =	stream.linear.gather [hbm4b:s8+s2], $0x100, $0x38;
	[tilespmem:$0x1BC00] =	vst v63  }
.Ltmp3:
0xc6: {  	s21 =	rddreg [dreg:$0x5];
	(pc) =	sbr.rel @p0 .LBB2_7-.Ltmp3, $4  }
0xc7: {  	[tilespmem:s3], [sflag:$0x8] =	stream.linear.gather [hbm4b:s21+s2], $0x100, $0x38;
	[tilespmem:$0x1BC00] =	vst v63  }
0xc8: {  	_ =	swait.ge [sflag:s6], $0x100  }
0xc9: {  	[sflag:s6] =	ssyncset.done $0x0  }
0xca: {  	s19 =	simm.s32 $0x0;
	[sflag:s6] =	ssyncadd.s32 $0xFFFFFF00  }
0xcb: {  	[tilespmem:s31], [sflag:$0x1] =	stream.indirect.gather [hbm4b:s4+s7], $0x80, s19, s7, $0xb8;
	[tilespmem:$0x1BC00] =	vst v63  }
0xcc: {  	_ =	swait.ge [sflag:s9], $0x100  }
0xcd: {  	[sflag:s9] =	ssyncset.done $0x0  }
0xce: {  	[sflag:s9] =	ssyncadd.s32 $0xFFFFFF00  }
0xcf: {  	[tilespmem:s10], [sflag:$0x2] =	stream.indirect.gather [hbm4b:s4+s7], $0x80, s3, s7, $0xb8;
	[tilespmem:$0x1BC00] =	vst v63  }
0xd0: {  	s20 =	rddreg [dreg:$0x6]  }
0xd1: {  	[tilespmem:s11], [sflag:$0x9] =	stream.linear.gather [hbm4b:s20+s19], $0x100, $0x38;
	[tilespmem:$0x1BC00] =	vst v63  }
0xd2: {  	_ =	swait.ge [sflag:s12], $0x2800  }
0xd3: {  	[sflag:s12] =	ssyncset.done $0x0  }
0xd4: {  	[sflag:s12] =	ssyncadd.s32 $0xFFFFD800  }
0xd5: {  	[spmem:s1] =	stream.indirect.scatter.add.f32 [tilespmem:s31], [sflag:$0x4], $0x80, s13, s7, $0xb8;
	[tilespmem:$0x1BC00] =	vst v63  }
0xd6: {  	_ =	swait.ge [sflag:s22], $0x100  }
0xd7: {  	[sflag:s22] =	ssyncset.done $0x0  }
0xd8: {  	[sflag:s22] =	ssyncadd.s32 $0xFFFFFF00  }
0xd9: {  	[tilespmem:s23], [sflag:$0x3] =	stream.indirect.gather [hbm4b:s4+s7], $0x80, s11, s7, $0xb8;
	[tilespmem:$0x1BC00] =	vst v63  }
0xda: {  	s21 =	rddreg [dreg:$0x7]  }
0xdb: {  	[tilespmem:s24], [sflag:$0xA] =	stream.linear.gather [hbm4b:s21+s19], $0x100, $0x38;
	[tilespmem:$0x1BC00] =	vst v63  }
0xdc: {  	_ =	swait.ge [sflag:s25], $0x2800  }
0xdd: {  	[sflag:s25] =	ssyncset.done $0x0  }
0xde: {  	[sflag:s25] =	ssyncadd.s32 $0xFFFFD800  }
0xdf: {  	[spmem:s1] =	stream.indirect.scatter.add.f32 [tilespmem:s10], [sflag:$0x5], $0x80, s26, s7, $0xb8;
	[tilespmem:$0x1BC00] =	vst v63  }
0xe0: {  	_ =	swait.ge [sflag:s28], $0x2800  }
0xe1: {  	[sflag:s28] =	ssyncset.done $0x0  }
0xe2: {  	[sflag:s28] =	ssyncadd.s32 $0xFFFFD800  }
0xe3: {  	_ =	swait.ge [sflag:s29], $0x100  }
0xe4: {  	[sflag:s29] =	ssyncset.done $0x0  }
0xe5: {  	s19 =	sadd.s32 $0x0, s8;
	[sflag:s29] =	ssyncadd.s32 $0xFFFFFF00  }
0xe6: {  	[tilespmem:s31], [sflag:$0x1] =	stream.indirect.gather [hbm4b:s4+s7], $0x80, s24, s7, $0xb8;
	[tilespmem:$0x1BC00] =	vst v63  }
0xe7: {  	s21 =	sadd.s32 $0x80, s19  }
0xe8: {  	[tilespmem:s2], [sflag:$0x7] =	stream.linear.gather [hbm4b:s21+s2], $0x100, $0x38;
	[tilespmem:$0x1BC00] =	vst v63  }
0xe9: {  	_ =	swait.ge [sflag:s30], $0x2800  }
0xea: {  	[sflag:s30] =	ssyncset.done $0x0  }
0xeb: {  	[sflag:s30] =	ssyncadd.s32 $0xFFFFD800  }
0xec: {  	[spmem:s1] =	stream.indirect.scatter.add.f32 [tilespmem:s23], [sflag:$0x6], $0x80, s14, s7, $0xb8;
	[tilespmem:$0x1BC00] =	vst v63  }
0xed: {  	_ =	swait.ge [sflag:s15], $0x2800  }
0xee: {  	[sflag:s15] =	ssyncset.done $0x0  }
0xef: {  	[sflag:s15] =	ssyncadd.s32 $0xFFFFD800  }
0xf0: {  	_ =	swait.ge [sflag:s6], $0x100  }
0xf1: {  	[sflag:s6] =	ssyncset.done $0x0  }
0xf2: {  	[sflag:s6] =	ssyncadd.s32 $0xFFFFFF00  }
0xf3: {  	[tilespmem:s10], [sflag:$0x2] =	stream.indirect.gather [hbm4b:s4+s7], $0x80, s2, s7, $0xb8;
	[tilespmem:$0x1BC00] =	vst v63  }
0xf4: {  	s21 =	sadd.s32 $0xA0, s19  }
0xf5: {  	[tilespmem:s3], [sflag:$0x8] =	stream.linear.gather [hbm4b:s21+s2], $0x100, $0x38;
	[tilespmem:$0x1BC00] =	vst v63  }
0xf6: {  	_ =	swait.ge [sflag:s12], $0x2800  }
0xf7: {  	[sflag:s12] =	ssyncset.done $0x0  }
0xf8: {  	[sflag:s12] =	ssyncadd.s32 $0xFFFFD800  }
0xf9: {  	[spmem:s1] =	stream.indirect.scatter.add.f32 [tilespmem:s31], [sflag:$0x4], $0x80, s16, s7, $0xb8;
	[tilespmem:$0x1BC00] =	vst v63  }
0xfa: {  	_ =	swait.ge [sflag:s17], $0x2800  }
0xfb: {  	[sflag:s17] =	ssyncset.done $0x0  }
0xfc: {  	[sflag:s17] =	ssyncadd.s32 $0xFFFFD800  }
0xfd: {  	_ =	swait.ge [sflag:s9], $0x100  }
0xfe: {  	[sflag:s9] =	ssyncset.done $0x0  }
0xff: {  	[sflag:s9] =	ssyncadd.s32 $0xFFFFFF00  }
0x100: {  	[tilespmem:s23], [sflag:$0x3] =	stream.indirect.gather [hbm4b:s4+s7], $0x80, s3, s7, $0xb8;
	[tilespmem:$0x1BC00] =	vst v63  }
0x101: {  	s21 =	sadd.s32 $0xC0, s19  }
0x102: {  	[tilespmem:s11], [sflag:$0x9] =	stream.linear.gather [hbm4b:s21+s2], $0x100, $0x38;
	[tilespmem:$0x1BC00] =	vst v63  }
0x103: {  	_ =	swait.ge [sflag:s25], $0x2800  }
0x104: {  	[sflag:s25] =	ssyncset.done $0x0  }
0x105: {  	[sflag:s25] =	ssyncadd.s32 $0xFFFFD800  }
0x106: {  	[spmem:s1] =	stream.indirect.scatter.add.f32 [tilespmem:s10], [sflag:$0x5], $0x80, s13, s7, $0xb8;
	[tilespmem:$0x1BC00] =	vst v63  }
0x107: {  	_ =	swait.ge [sflag:s28], $0x2800  }
0x108: {  	[sflag:s28] =	ssyncset.done $0x0  }
0x109: {  	[sflag:s28] =	ssyncadd.s32 $0xFFFFD800  }
0x10a: {  	_ =	swait.ge [sflag:s22], $0x100  }
0x10b: {  	[sflag:s22] =	ssyncset.done $0x0  }
0x10c: {  	[sflag:s22] =	ssyncadd.s32 $0xFFFFFF00  }
0x10d: {  	[tilespmem:s31], [sflag:$0x1] =	stream.indirect.gather [hbm4b:s4+s7], $0x80, s11, s7, $0xb8;
	[tilespmem:$0x1BC00] =	vst v63  }
0x10e: {  	s21 =	sadd.s32 $0xE0, s19  }
0x10f: {  	[tilespmem:s24], [sflag:$0xA] =	stream.linear.gather [hbm4b:s21+s2], $0x100, $0x38;
	[tilespmem:$0x1BC00] =	vst v63  }
0x110: {  	_ =	swait.ge [sflag:s30], $0x2800  }
0x111: {  	[sflag:s30] =	ssyncset.done $0x0  }
0x112: {  	[sflag:s30] =	ssyncadd.s32 $0xFFFFD800  }
0x113: {  	[spmem:s1] =	stream.indirect.scatter.add.f32 [tilespmem:s23], [sflag:$0x6], $0x80, s26, s7, $0xb8;
	[tilespmem:$0x1BC00] =	vst v63  }
0x114: {  	_ =	swait.ge [sflag:s15], $0x2800  }
0x115: {  	[sflag:s15] =	ssyncset.done $0x0  }
0x116: {  	[sflag:s15] =	ssyncadd.s32 $0xFFFFD800  }
0x117: {  	_ =	swait.ge [sflag:s29], $0x100  }
0x118: {  	[sflag:s29] =	ssyncset.done $0x0  }
0x119: {  	[sflag:s29] =	ssyncadd.s32 $0xFFFFFF00  }
0x11a: {  	[tilespmem:s10], [sflag:$0x2] =	stream.indirect.gather [hbm4b:s4+s7], $0x80, s24, s7, $0xb8;
	[tilespmem:$0x1BC00] =	vst v63  }
0x11b: {  	s21 =	sadd.s32 $0x100, s19  }
0x11c: {  	[tilespmem:s2], [sflag:$0x7] =	stream.linear.gather [hbm4b:s21+s2], $0x100, $0x38;
	[tilespmem:$0x1BC00] =	vst v63  }
0x11d: {  	_ =	swait.ge [sflag:s12], $0x2800  }
0x11e: {  	[sflag:s12] =	ssyncset.done $0x0  }
0x11f: {  	[sflag:s12] =	ssyncadd.s32 $0xFFFFD800  }
0x120: {  	[spmem:s1] =	stream.indirect.scatter.add.f32 [tilespmem:s31], [sflag:$0x4], $0x80, s14, s7, $0xb8;
	[tilespmem:$0x1BC00] =	vst v63  }
0x121: {  	_ =	swait.ge [sflag:s17], $0x2800  }
0x122: {  	[sflag:s17] =	ssyncset.done $0x0  }
0x123: {  	[sflag:s17] =	ssyncadd.s32 $0xFFFFD800  }
0x124: {  	_ =	swait.ge [sflag:s6], $0x100  }
0x125: {  	[sflag:s6] =	ssyncset.done $0x0  }
0x126: {  	[sflag:s6] =	ssyncadd.s32 $0xFFFFFF00  }
0x127: {  	[tilespmem:s23], [sflag:$0x3] =	stream.indirect.gather [hbm4b:s4+s7], $0x80, s2, s7, $0xb8;
	[tilespmem:$0x1BC00] =	vst v63  }
0x128: {  	s21 =	sadd.s32 $0x120, s19  }
0x129: {  	[tilespmem:s3], [sflag:$0x8] =	stream.linear.gather [hbm4b:s21+s2], $0x100, $0x38;
	[tilespmem:$0x1BC00] =	vst v63  }
0x12a: {  	_ =	swait.ge [sflag:s25], $0x2800  }
0x12b: {  	[sflag:s25] =	ssyncset.done $0x0  }
0x12c: {  	[sflag:s25] =	ssyncadd.s32 $0xFFFFD800  }
0x12d: {  	[spmem:s1] =	stream.indirect.scatter.add.f32 [tilespmem:s10], [sflag:$0x5], $0x80, s16, s7, $0xb8;
	[tilespmem:$0x1BC00] =	vst v63  }
0x12e: {  	_ =	swait.ge [sflag:s28], $0x2800  }
0x12f: {  	[sflag:s28] =	ssyncset.done $0x0  }
0x130: {  	[sflag:s28] =	ssyncadd.s32 $0xFFFFD800  }
0x131: {  	_ =	swait.ge [sflag:s9], $0x100  }
0x132: {  	[sflag:s9] =	ssyncset.done $0x0  }
0x133: {  	[sflag:s9] =	ssyncadd.s32 $0xFFFFFF00  }
0x134: {  	[tilespmem:s31], [sflag:$0x1] =	stream.indirect.gather [hbm4b:s4+s7], $0x80, s3, s7, $0xb8;
	[tilespmem:$0x1BC00] =	vst v63  }
0x135: {  	s21 =	sadd.s32 $0x140, s19  }
0x136: {  	[tilespmem:s11], [sflag:$0x9] =	stream.linear.gather [hbm4b:s21+s2], $0x100, $0x38;
	[tilespmem:$0x1BC00] =	vst v63  }
0x137: {  	_ =	swait.ge [sflag:s30], $0x2800  }
0x138: {  	[sflag:s30] =	ssyncset.done $0x0  }
0x139: {  	[sflag:s30] =	ssyncadd.s32 $0xFFFFD800  }
0x13a: {  	[spmem:s1] =	stream.indirect.scatter.add.f32 [tilespmem:s23], [sflag:$0x6], $0x80, s13, s7, $0xb8;
	[tilespmem:$0x1BC00] =	vst v63  }
0x13b: {  	_ =	swait.ge [sflag:s15], $0x2800  }
0x13c: {  	[sflag:s15] =	ssyncset.done $0x0  }
0x13d: {  	[sflag:s15] =	ssyncadd.s32 $0xFFFFD800  }
0x13e: {  	_ =	swait.ge [sflag:s22], $0x100  }
0x13f: {  	[sflag:s22] =	ssyncset.done $0x0  }
0x140: {  	[sflag:s22] =	ssyncadd.s32 $0xFFFFFF00  }
0x141: {  	[tilespmem:s10], [sflag:$0x2] =	stream.indirect.gather [hbm4b:s4+s7], $0x80, s11, s7, $0xb8;
	[tilespmem:$0x1BC00] =	vst v63  }
0x142: {  	s21 =	sadd.s32 $0x160, s19  }
0x143: {  	[tilespmem:s24], [sflag:$0xA] =	stream.linear.gather [hbm4b:s21+s2], $0x100, $0x38;
	[tilespmem:$0x1BC00] =	vst v63  }
0x144: {  	_ =	swait.ge [sflag:s12], $0x2800  }
0x145: {  	[sflag:s12] =	ssyncset.done $0x0  }
0x146: {  	[sflag:s12] =	ssyncadd.s32 $0xFFFFD800  }
0x147: {  	[spmem:s1] =	stream.indirect.scatter.add.f32 [tilespmem:s31], [sflag:$0x4], $0x80, s26, s7, $0xb8;
	[tilespmem:$0x1BC00] =	vst v63  }
0x148: {  	_ =	swait.ge [sflag:s17], $0x2800  }
0x149: {  	[sflag:s17] =	ssyncset.done $0x0  }
0x14a: {  	[sflag:s17] =	ssyncadd.s32 $0xFFFFD800  }
0x14b: {  	_ =	swait.ge [sflag:s29], $0x100  }
0x14c: {  	[sflag:s29] =	ssyncset.done $0x0  }
0x14d: {  	[sflag:s29] =	ssyncadd.s32 $0xFFFFFF00  }
0x14e: {  	[tilespmem:s23], [sflag:$0x3] =	stream.indirect.gather [hbm4b:s4+s7], $0x80, s24, s7, $0xb8;
	[tilespmem:$0x1BC00] =	vst v63  }
0x14f: {  	s21 =	sadd.s32 $0x180, s19  }
0x150: {  	[tilespmem:s2], [sflag:$0x7] =	stream.linear.gather [hbm4b:s21+s2], $0x100, $0x38;
	[tilespmem:$0x1BC00] =	vst v63  }
0x151: {  	_ =	swait.ge [sflag:s25], $0x2800  }
0x152: {  	[sflag:s25] =	ssyncset.done $0x0  }
0x153: {  	[sflag:s25] =	ssyncadd.s32 $0xFFFFD800  }
0x154: {  	[spmem:s1] =	stream.indirect.scatter.add.f32 [tilespmem:s10], [sflag:$0x5], $0x80, s14, s7, $0xb8;
	[tilespmem:$0x1BC00] =	vst v63  }
0x155: {  	_ =	swait.ge [sflag:s28], $0x2800  }
0x156: {  	[sflag:s28] =	ssyncset.done $0x0  }
0x157: {  	[sflag:s28] =	ssyncadd.s32 $0xFFFFD800  }
0x158: {  	_ =	swait.ge [sflag:s6], $0x100  }
0x159: {  	[sflag:s6] =	ssyncset.done $0x0  }
0x15a: {  	[sflag:s6] =	ssyncadd.s32 $0xFFFFFF00  }
0x15b: {  	[tilespmem:s31], [sflag:$0x1] =	stream.indirect.gather [hbm4b:s4+s7], $0x80, s2, s7, $0xb8;
	[tilespmem:$0x1BC00] =	vst v63  }
0x15c: {  	s21 =	sadd.s32 $0x1A0, s19  }
0x15d: {  	[tilespmem:s3], [sflag:$0x8] =	stream.linear.gather [hbm4b:s21+s2], $0x100, $0x38;
	[tilespmem:$0x1BC00] =	vst v63  }
0x15e: {  	_ =	swait.ge [sflag:s30], $0x2800  }
0x15f: {  	[sflag:s30] =	ssyncset.done $0x0  }
0x160: {  	[sflag:s30] =	ssyncadd.s32 $0xFFFFD800  }
0x161: {  	[spmem:s1] =	stream.indirect.scatter.add.f32 [tilespmem:s23], [sflag:$0x6], $0x80, s16, s7, $0xb8;
	[tilespmem:$0x1BC00] =	vst v63  }
0x162: {  	_ =	swait.ge [sflag:s15], $0x2800  }
0x163: {  	[sflag:s15] =	ssyncset.done $0x0  }
0x164: {  	[sflag:s15] =	ssyncadd.s32 $0xFFFFD800  }
0x165: {  	_ =	swait.ge [sflag:s9], $0x100  }
0x166: {  	[sflag:s9] =	ssyncset.done $0x0  }
0x167: {  	[sflag:s9] =	ssyncadd.s32 $0xFFFFFF00  }
0x168: {  	[tilespmem:s10], [sflag:$0x2] =	stream.indirect.gather [hbm4b:s4+s7], $0x80, s3, s7, $0xb8;
	[tilespmem:$0x1BC00] =	vst v63  }
0x169: {  	s21 =	sadd.s32 $0x1C0, s19  }
0x16a: {  	[tilespmem:s11], [sflag:$0x9] =	stream.linear.gather [hbm4b:s21+s2], $0x100, $0x38;
	[tilespmem:$0x1BC00] =	vst v63  }
0x16b: {  	_ =	swait.ge [sflag:s12], $0x2800  }
0x16c: {  	[sflag:s12] =	ssyncset.done $0x0  }
0x16d: {  	[sflag:s12] =	ssyncadd.s32 $0xFFFFD800  }
0x16e: {  	[spmem:s1] =	stream.indirect.scatter.add.f32 [tilespmem:s31], [sflag:$0x4], $0x80, s13, s7, $0xb8;
	[tilespmem:$0x1BC00] =	vst v63  }
0x16f: {  	_ =	swait.ge [sflag:s17], $0x2800  }
0x170: {  	[sflag:s17] =	ssyncset.done $0x0  }
0x171: {  	[sflag:s17] =	ssyncadd.s32 $0xFFFFD800  }
0x172: {  	_ =	swait.ge [sflag:s22], $0x100  }
0x173: {  	[sflag:s22] =	ssyncset.done $0x0  }
0x174: {  	[sflag:s22] =	ssyncadd.s32 $0xFFFFFF00  }
0x175: {  	[tilespmem:s23], [sflag:$0x3] =	stream.indirect.gather [hbm4b:s4+s7], $0x80, s11, s7, $0xb8;
	[tilespmem:$0x1BC00] =	vst v63  }
0x176: {  	s19 =	sadd.s32 $0x1E0, s19  }
0x177: {  	[tilespmem:s24], [sflag:$0xA] =	stream.linear.gather [hbm4b:s19+s2], $0x100, $0x38;
	[tilespmem:$0x1BC00] =	vst v63  }
0x178: {  	_ =	swait.ge [sflag:s25], $0x2800  }
0x179: {  	[sflag:s25] =	ssyncset.done $0x0  }
0x17a: {  	s19 =	simm.s32 $0x180;
	[sflag:s25] =	ssyncadd.s32 $0xFFFFD800  }
.LBB2_5:
0x17b: {  	[spmem:s1] =	stream.indirect.scatter.add.f32 [tilespmem:s10], [sflag:$0x5], $0x80, s26, s7, $0xb8;
	[tilespmem:$0x1BC00] =	vst v63  }
0x17c: {  	s20 =	smov.u32 s19  }
0x17d: {  	p1 =	seq.s32 s19, $0xD80;
	s19 =	sadd.s32 $0x180, s19;
	_ =	swait.ge [sflag:s28], $0x2800  }
0x17e: {  	[sflag:s28] =	ssyncset.done $0x0  }
0x17f: {  	[sflag:s28] =	ssyncadd.s32 $0xFFFFD800  }
0x180: {  	_ =	swait.ge [sflag:s29], $0x100  }
0x181: {  	[sflag:s29] =	ssyncset.done $0x0  }
0x182: {  	s20 =	sadd.s32 s20, s8;
	[sflag:s29] =	ssyncadd.s32 $0xFFFFFF00  }
0x183: {  	[tilespmem:s31], [sflag:$0x1] =	stream.indirect.gather [hbm4b:s4+s7], $0x80, s24, s7, $0xb8;
	[tilespmem:$0x1BC00] =	vst v63  }
0x184: {  	s21 =	sadd.s32 $0x80, s20  }
0x185: {  	[tilespmem:s2], [sflag:$0x7] =	stream.linear.gather [hbm4b:s21+s2], $0x100, $0x38;
	[tilespmem:$0x1BC00] =	vst v63  }
0x186: {  	_ =	swait.ge [sflag:s30], $0x2800  }
0x187: {  	[sflag:s30] =	ssyncset.done $0x0  }
0x188: {  	[sflag:s30] =	ssyncadd.s32 $0xFFFFD800  }
0x189: {  	[spmem:s1] =	stream.indirect.scatter.add.f32 [tilespmem:s23], [sflag:$0x6], $0x80, s14, s7, $0xb8;
	[tilespmem:$0x1BC00] =	vst v63  }
0x18a: {  	_ =	swait.ge [sflag:s15], $0x2800  }
0x18b: {  	[sflag:s15] =	ssyncset.done $0x0  }
0x18c: {  	[sflag:s15] =	ssyncadd.s32 $0xFFFFD800  }
0x18d: {  	_ =	swait.ge [sflag:s6], $0x100  }
0x18e: {  	[sflag:s6] =	ssyncset.done $0x0  }
0x18f: {  	[sflag:s6] =	ssyncadd.s32 $0xFFFFFF00  }
0x190: {  	[tilespmem:s10], [sflag:$0x2] =	stream.indirect.gather [hbm4b:s4+s7], $0x80, s2, s7, $0xb8;
	[tilespmem:$0x1BC00] =	vst v63  }
0x191: {  	s21 =	sadd.s32 $0xA0, s20  }
0x192: {  	[tilespmem:s3], [sflag:$0x8] =	stream.linear.gather [hbm4b:s21+s2], $0x100, $0x38;
	[tilespmem:$0x1BC00] =	vst v63  }
0x193: {  	_ =	swait.ge [sflag:s12], $0x2800  }
0x194: {  	[sflag:s12] =	ssyncset.done $0x0  }
0x195: {  	[sflag:s12] =	ssyncadd.s32 $0xFFFFD800  }
0x196: {  	[spmem:s1] =	stream.indirect.scatter.add.f32 [tilespmem:s31], [sflag:$0x4], $0x80, s16, s7, $0xb8;
	[tilespmem:$0x1BC00] =	vst v63  }
0x197: {  	_ =	swait.ge [sflag:s17], $0x2800  }
0x198: {  	[sflag:s17] =	ssyncset.done $0x0  }
0x199: {  	[sflag:s17] =	ssyncadd.s32 $0xFFFFD800  }
0x19a: {  	_ =	swait.ge [sflag:s9], $0x100  }
0x19b: {  	[sflag:s9] =	ssyncset.done $0x0  }
0x19c: {  	[sflag:s9] =	ssyncadd.s32 $0xFFFFFF00  }
0x19d: {  	[tilespmem:s23], [sflag:$0x3] =	stream.indirect.gather [hbm4b:s4+s7], $0x80, s3, s7, $0xb8;
	[tilespmem:$0x1BC00] =	vst v63  }
0x19e: {  	s21 =	sadd.s32 $0xC0, s20  }
0x19f: {  	[tilespmem:s11], [sflag:$0x9] =	stream.linear.gather [hbm4b:s21+s2], $0x100, $0x38;
	[tilespmem:$0x1BC00] =	vst v63  }
0x1a0: {  	_ =	swait.ge [sflag:s25], $0x2800  }
0x1a1: {  	[sflag:s25] =	ssyncset.done $0x0  }
0x1a2: {  	[sflag:s25] =	ssyncadd.s32 $0xFFFFD800  }
0x1a3: {  	[spmem:s1] =	stream.indirect.scatter.add.f32 [tilespmem:s10], [sflag:$0x5], $0x80, s13, s7, $0xb8;
	[tilespmem:$0x1BC00] =	vst v63  }
0x1a4: {  	_ =	swait.ge [sflag:s28], $0x2800  }
0x1a5: {  	[sflag:s28] =	ssyncset.done $0x0  }
0x1a6: {  	[sflag:s28] =	ssyncadd.s32 $0xFFFFD800  }
0x1a7: {  	_ =	swait.ge [sflag:s22], $0x100  }
0x1a8: {  	[sflag:s22] =	ssyncset.done $0x0  }
0x1a9: {  	[sflag:s22] =	ssyncadd.s32 $0xFFFFFF00  }
0x1aa: {  	[tilespmem:s31], [sflag:$0x1] =	stream.indirect.gather [hbm4b:s4+s7], $0x80, s11, s7, $0xb8;
	[tilespmem:$0x1BC00] =	vst v63  }
0x1ab: {  	s21 =	sadd.s32 $0xE0, s20  }
0x1ac: {  	[tilespmem:s24], [sflag:$0xA] =	stream.linear.gather [hbm4b:s21+s2], $0x100, $0x38;
	[tilespmem:$0x1BC00] =	vst v63  }
0x1ad: {  	_ =	swait.ge [sflag:s30], $0x2800  }
0x1ae: {  	[sflag:s30] =	ssyncset.done $0x0  }
0x1af: {  	[sflag:s30] =	ssyncadd.s32 $0xFFFFD800  }
0x1b0: {  	[spmem:s1] =	stream.indirect.scatter.add.f32 [tilespmem:s23], [sflag:$0x6], $0x80, s26, s7, $0xb8;
	[tilespmem:$0x1BC00] =	vst v63  }
0x1b1: {  	_ =	swait.ge [sflag:s15], $0x2800  }
0x1b2: {  	[sflag:s15] =	ssyncset.done $0x0  }
0x1b3: {  	[sflag:s15] =	ssyncadd.s32 $0xFFFFD800  }
0x1b4: {  	_ =	swait.ge [sflag:s29], $0x100  }
0x1b5: {  	[sflag:s29] =	ssyncset.done $0x0  }
0x1b6: {  	[sflag:s29] =	ssyncadd.s32 $0xFFFFFF00  }
0x1b7: {  	[tilespmem:s10], [sflag:$0x2] =	stream.indirect.gather [hbm4b:s4+s7], $0x80, s24, s7, $0xb8;
	[tilespmem:$0x1BC00] =	vst v63  }
0x1b8: {  	s21 =	sadd.s32 $0x100, s20  }
0x1b9: {  	[tilespmem:s2], [sflag:$0x7] =	stream.linear.gather [hbm4b:s21+s2], $0x100, $0x38;
	[tilespmem:$0x1BC00] =	vst v63  }
0x1ba: {  	_ =	swait.ge [sflag:s12], $0x2800  }
0x1bb: {  	[sflag:s12] =	ssyncset.done $0x0  }
0x1bc: {  	[sflag:s12] =	ssyncadd.s32 $0xFFFFD800  }
0x1bd: {  	[spmem:s1] =	stream.indirect.scatter.add.f32 [tilespmem:s31], [sflag:$0x4], $0x80, s14, s7, $0xb8;
	[tilespmem:$0x1BC00] =	vst v63  }
0x1be: {  	_ =	swait.ge [sflag:s17], $0x2800  }
0x1bf: {  	[sflag:s17] =	ssyncset.done $0x0  }
0x1c0: {  	[sflag:s17] =	ssyncadd.s32 $0xFFFFD800  }
0x1c1: {  	_ =	swait.ge [sflag:s6], $0x100  }
0x1c2: {  	[sflag:s6] =	ssyncset.done $0x0  }
0x1c3: {  	[sflag:s6] =	ssyncadd.s32 $0xFFFFFF00  }
0x1c4: {  	[tilespmem:s23], [sflag:$0x3] =	stream.indirect.gather [hbm4b:s4+s7], $0x80, s2, s7, $0xb8;
	[tilespmem:$0x1BC00] =	vst v63  }
0x1c5: {  	s21 =	sadd.s32 $0x120, s20  }
0x1c6: {  	[tilespmem:s3], [sflag:$0x8] =	stream.linear.gather [hbm4b:s21+s2], $0x100, $0x38;
	[tilespmem:$0x1BC00] =	vst v63  }
0x1c7: {  	_ =	swait.ge [sflag:s25], $0x2800  }
0x1c8: {  	[sflag:s25] =	ssyncset.done $0x0  }
0x1c9: {  	[sflag:s25] =	ssyncadd.s32 $0xFFFFD800  }
0x1ca: {  	[spmem:s1] =	stream.indirect.scatter.add.f32 [tilespmem:s10], [sflag:$0x5], $0x80, s16, s7, $0xb8;
	[tilespmem:$0x1BC00] =	vst v63  }
0x1cb: {  	_ =	swait.ge [sflag:s28], $0x2800  }
0x1cc: {  	[sflag:s28] =	ssyncset.done $0x0  }
0x1cd: {  	[sflag:s28] =	ssyncadd.s32 $0xFFFFD800  }
0x1ce: {  	_ =	swait.ge [sflag:s9], $0x100  }
0x1cf: {  	[sflag:s9] =	ssyncset.done $0x0  }
0x1d0: {  	[sflag:s9] =	ssyncadd.s32 $0xFFFFFF00  }
0x1d1: {  	[tilespmem:s31], [sflag:$0x1] =	stream.indirect.gather [hbm4b:s4+s7], $0x80, s3, s7, $0xb8;
	[tilespmem:$0x1BC00] =	vst v63  }
0x1d2: {  	s21 =	sadd.s32 $0x140, s20  }
0x1d3: {  	[tilespmem:s11], [sflag:$0x9] =	stream.linear.gather [hbm4b:s21+s2], $0x100, $0x38;
	[tilespmem:$0x1BC00] =	vst v63  }
0x1d4: {  	_ =	swait.ge [sflag:s30], $0x2800  }
0x1d5: {  	[sflag:s30] =	ssyncset.done $0x0  }
0x1d6: {  	[sflag:s30] =	ssyncadd.s32 $0xFFFFD800  }
0x1d7: {  	[spmem:s1] =	stream.indirect.scatter.add.f32 [tilespmem:s23], [sflag:$0x6], $0x80, s13, s7, $0xb8;
	[tilespmem:$0x1BC00] =	vst v63  }
0x1d8: {  	_ =	swait.ge [sflag:s15], $0x2800  }
0x1d9: {  	[sflag:s15] =	ssyncset.done $0x0  }
0x1da: {  	[sflag:s15] =	ssyncadd.s32 $0xFFFFD800  }
0x1db: {  	_ =	swait.ge [sflag:s22], $0x100  }
0x1dc: {  	[sflag:s22] =	ssyncset.done $0x0  }
0x1dd: {  	[sflag:s22] =	ssyncadd.s32 $0xFFFFFF00  }
0x1de: {  	[tilespmem:s10], [sflag:$0x2] =	stream.indirect.gather [hbm4b:s4+s7], $0x80, s11, s7, $0xb8;
	[tilespmem:$0x1BC00] =	vst v63  }
0x1df: {  	s21 =	sadd.s32 $0x160, s20  }
0x1e0: {  	[tilespmem:s24], [sflag:$0xA] =	stream.linear.gather [hbm4b:s21+s2], $0x100, $0x38;
	[tilespmem:$0x1BC00] =	vst v63  }
0x1e1: {  	_ =	swait.ge [sflag:s12], $0x2800  }
0x1e2: {  	[sflag:s12] =	ssyncset.done $0x0  }
0x1e3: {  	[sflag:s12] =	ssyncadd.s32 $0xFFFFD800  }
0x1e4: {  	[spmem:s1] =	stream.indirect.scatter.add.f32 [tilespmem:s31], [sflag:$0x4], $0x80, s26, s7, $0xb8;
	[tilespmem:$0x1BC00] =	vst v63  }
0x1e5: {  	_ =	swait.ge [sflag:s17], $0x2800  }
0x1e6: {  	[sflag:s17] =	ssyncset.done $0x0  }
0x1e7: {  	[sflag:s17] =	ssyncadd.s32 $0xFFFFD800  }
0x1e8: {  	_ =	swait.ge [sflag:s29], $0x100  }
0x1e9: {  	[sflag:s29] =	ssyncset.done $0x0  }
0x1ea: {  	[sflag:s29] =	ssyncadd.s32 $0xFFFFFF00  }
0x1eb: {  	[tilespmem:s23], [sflag:$0x3] =	stream.indirect.gather [hbm4b:s4+s7], $0x80, s24, s7, $0xb8;
	[tilespmem:$0x1BC00] =	vst v63  }
0x1ec: {  	s21 =	sadd.s32 $0x180, s20  }
0x1ed: {  	[tilespmem:s2], [sflag:$0x7] =	stream.linear.gather [hbm4b:s21+s2], $0x100, $0x38;
	[tilespmem:$0x1BC00] =	vst v63  }
0x1ee: {  	_ =	swait.ge [sflag:s25], $0x2800  }
0x1ef: {  	[sflag:s25] =	ssyncset.done $0x0  }
0x1f0: {  	[sflag:s25] =	ssyncadd.s32 $0xFFFFD800  }
0x1f1: {  	[spmem:s1] =	stream.indirect.scatter.add.f32 [tilespmem:s10], [sflag:$0x5], $0x80, s14, s7, $0xb8;
	[tilespmem:$0x1BC00] =	vst v63  }
0x1f2: {  	_ =	swait.ge [sflag:s28], $0x2800  }
0x1f3: {  	[sflag:s28] =	ssyncset.done $0x0  }
0x1f4: {  	[sflag:s28] =	ssyncadd.s32 $0xFFFFD800  }
0x1f5: {  	_ =	swait.ge [sflag:s6], $0x100  }
0x1f6: {  	[sflag:s6] =	ssyncset.done $0x0  }
0x1f7: {  	[sflag:s6] =	ssyncadd.s32 $0xFFFFFF00  }
0x1f8: {  	[tilespmem:s31], [sflag:$0x1] =	stream.indirect.gather [hbm4b:s4+s7], $0x80, s2, s7, $0xb8;
	[tilespmem:$0x1BC00] =	vst v63  }
0x1f9: {  	s21 =	sadd.s32 $0x1A0, s20  }
0x1fa: {  	[tilespmem:s3], [sflag:$0x8] =	stream.linear.gather [hbm4b:s21+s2], $0x100, $0x38;
	[tilespmem:$0x1BC00] =	vst v63  }
0x1fb: {  	_ =	swait.ge [sflag:s30], $0x2800  }
0x1fc: {  	[sflag:s30] =	ssyncset.done $0x0  }
0x1fd: {  	[sflag:s30] =	ssyncadd.s32 $0xFFFFD800  }
0x1fe: {  	[spmem:s1] =	stream.indirect.scatter.add.f32 [tilespmem:s23], [sflag:$0x6], $0x80, s16, s7, $0xb8;
	[tilespmem:$0x1BC00] =	vst v63  }
0x1ff: {  	_ =	swait.ge [sflag:s15], $0x2800  }
0x200: {  	[sflag:s15] =	ssyncset.done $0x0  }
0x201: {  	[sflag:s15] =	ssyncadd.s32 $0xFFFFD800  }
0x202: {  	_ =	swait.ge [sflag:s9], $0x100  }
0x203: {  	[sflag:s9] =	ssyncset.done $0x0  }
0x204: {  	[sflag:s9] =	ssyncadd.s32 $0xFFFFFF00  }
0x205: {  	[tilespmem:s10], [sflag:$0x2] =	stream.indirect.gather [hbm4b:s4+s7], $0x80, s3, s7, $0xb8;
	[tilespmem:$0x1BC00] =	vst v63  }
0x206: {  	s21 =	sadd.s32 $0x1C0, s20  }
0x207: {  	[tilespmem:s11], [sflag:$0x9] =	stream.linear.gather [hbm4b:s21+s2], $0x100, $0x38;
	[tilespmem:$0x1BC00] =	vst v63  }
0x208: {  	_ =	swait.ge [sflag:s12], $0x2800  }
0x209: {  	[sflag:s12] =	ssyncset.done $0x0  }
0x20a: {  	[sflag:s12] =	ssyncadd.s32 $0xFFFFD800  }
0x20b: {  	[spmem:s1] =	stream.indirect.scatter.add.f32 [tilespmem:s31], [sflag:$0x4], $0x80, s13, s7, $0xb8;
	[tilespmem:$0x1BC00] =	vst v63  }
0x20c: {  	_ =	swait.ge [sflag:s17], $0x2800  }
0x20d: {  	[sflag:s17] =	ssyncset.done $0x0  }
0x20e: {  	[sflag:s17] =	ssyncadd.s32 $0xFFFFD800  }
0x20f: {  	_ =	swait.ge [sflag:s22], $0x100  }
0x210: {  	[sflag:s22] =	ssyncset.done $0x0  }
0x211: {  	[sflag:s22] =	ssyncadd.s32 $0xFFFFFF00  }
0x212: {  	[tilespmem:s23], [sflag:$0x3] =	stream.indirect.gather [hbm4b:s4+s7], $0x80, s11, s7, $0xb8;
	[tilespmem:$0x1BC00] =	vst v63  }
.Ltmp4:
0x213: {  	s20 =	sadd.s32 $0x1E0, s20;
	(pc) =	sbr.rel @!p1 .LBB2_5-.Ltmp4, $4  }
0x214: {  	[tilespmem:s24], [sflag:$0xA] =	stream.linear.gather [hbm4b:s20+s2], $0x100, $0x38;
	[tilespmem:$0x1BC00] =	vst v63  }
0x215: {  	_ =	swait.ge [sflag:s25], $0x2800  }
0x216: {  	[sflag:s25] =	ssyncset.done $0x0  }
0x217: {  	[sflag:s25] =	ssyncadd.s32 $0xFFFFD800  }
.Ltmp5:
0x218: {  	(pc) =	sbr.rel .LBB2_10-.Ltmp5, $3  }
0x219: {  	_ =	sdelay $0x1  }
0x21a: {  	[spmem:s1] =	stream.indirect.scatter.add.f32 [tilespmem:s10], [sflag:$0x5], $0x80, s26, s7, $0xb8;
	[tilespmem:$0x1BC00] =	vst v63  }
0x21b: {  	s20 =	smov.u32 s4;
	s19 =	rddreg [dreg:$0x3]  }
.LBB2_7:
0x21c: {  	[tilespmem:s31], [sflag:$0x1] =	stream.indirect.gather [hbm4b:s5+s7], $0x80, s19, s7, $0xb8;
	[tilespmem:$0x1BC00] =	vst v63  }
0x21d: {  	_ =	swait.ge [sflag:s9], $0x100  }
0x21e: {  	[sflag:s9] =	ssyncset.done $0x0  }
0x21f: {  	[sflag:s9] =	ssyncadd.s32 $0xFFFFFF00  }
0x220: {  	[tilespmem:s10], [sflag:$0x2] =	stream.indirect.gather [hbm4b:s5+s7], $0x80, s3, s7, $0xb8;
	[tilespmem:$0x1BC00] =	vst v63  }
0x221: {  	s20 =	rddreg [dreg:$0x6]  }
0x222: {  	[tilespmem:s11], [sflag:$0x9] =	stream.linear.gather [hbm4b:s20+s19], $0x100, $0x38;
	[tilespmem:$0x1BC00] =	vst v63  }
0x223: {  	_ =	swait.ge [sflag:s12], $0x2800  }
0x224: {  	[sflag:s12] =	ssyncset.done $0x0  }
0x225: {  	[sflag:s12] =	ssyncadd.s32 $0xFFFFD800  }
0x226: {  	[spmem:s1] =	stream.indirect.scatter.add.f32 [tilespmem:s31], [sflag:$0x4], $0x80, s13, s7, $0xb8;
	[tilespmem:$0x1BC00] =	vst v63  }
0x227: {  	_ =	swait.ge [sflag:s22], $0x100  }
0x228: {  	[sflag:s22] =	ssyncset.done $0x0  }
0x229: {  	[sflag:s22] =	ssyncadd.s32 $0xFFFFFF00  }
0x22a: {  	[tilespmem:s23], [sflag:$0x3] =	stream.indirect.gather [hbm4b:s5+s7], $0x80, s11, s7, $0xb8;
	[tilespmem:$0x1BC00] =	vst v63  }
0x22b: {  	s21 =	rddreg [dreg:$0x7]  }
0x22c: {  	[tilespmem:s24], [sflag:$0xA] =	stream.linear.gather [hbm4b:s21+s19], $0x100, $0x38;
	[tilespmem:$0x1BC00] =	vst v63  }
0x22d: {  	_ =	swait.ge [sflag:s25], $0x2800  }
0x22e: {  	[sflag:s25] =	ssyncset.done $0x0  }
0x22f: {  	[sflag:s25] =	ssyncadd.s32 $0xFFFFD800  }
0x230: {  	[spmem:s1] =	stream.indirect.scatter.add.f32 [tilespmem:s10], [sflag:$0x5], $0x80, s26, s7, $0xb8;
	[tilespmem:$0x1BC00] =	vst v63  }
0x231: {  	_ =	swait.ge [sflag:s28], $0x2800  }
0x232: {  	[sflag:s28] =	ssyncset.done $0x0  }
0x233: {  	[sflag:s28] =	ssyncadd.s32 $0xFFFFD800  }
0x234: {  	_ =	swait.ge [sflag:s29], $0x100  }
0x235: {  	[sflag:s29] =	ssyncset.done $0x0  }
0x236: {  	s19 =	sadd.s32 $0x0, s8;
	[sflag:s29] =	ssyncadd.s32 $0xFFFFFF00  }
0x237: {  	[tilespmem:s31], [sflag:$0x1] =	stream.indirect.gather [hbm4b:s5+s7], $0x80, s24, s7, $0xb8;
	[tilespmem:$0x1BC00] =	vst v63  }
0x238: {  	s21 =	sadd.s32 $0x80, s19  }
0x239: {  	[tilespmem:s2], [sflag:$0x7] =	stream.linear.gather [hbm4b:s21+s2], $0x100, $0x38;
	[tilespmem:$0x1BC00] =	vst v63  }
0x23a: {  	_ =	swait.ge [sflag:s30], $0x2800  }
0x23b: {  	[sflag:s30] =	ssyncset.done $0x0  }
0x23c: {  	[sflag:s30] =	ssyncadd.s32 $0xFFFFD800  }
0x23d: {  	[spmem:s1] =	stream.indirect.scatter.add.f32 [tilespmem:s23], [sflag:$0x6], $0x80, s14, s7, $0xb8;
	[tilespmem:$0x1BC00] =	vst v63  }
0x23e: {  	_ =	swait.ge [sflag:s15], $0x2800  }
0x23f: {  	[sflag:s15] =	ssyncset.done $0x0  }
0x240: {  	[sflag:s15] =	ssyncadd.s32 $0xFFFFD800  }
0x241: {  	_ =	swait.ge [sflag:s6], $0x100  }
0x242: {  	[sflag:s6] =	ssyncset.done $0x0  }
0x243: {  	[sflag:s6] =	ssyncadd.s32 $0xFFFFFF00  }
0x244: {  	[tilespmem:s10], [sflag:$0x2] =	stream.indirect.gather [hbm4b:s5+s7], $0x80, s2, s7, $0xb8;
	[tilespmem:$0x1BC00] =	vst v63  }
0x245: {  	s21 =	sadd.s32 $0xA0, s19  }
0x246: {  	[tilespmem:s3], [sflag:$0x8] =	stream.linear.gather [hbm4b:s21+s2], $0x100, $0x38;
	[tilespmem:$0x1BC00] =	vst v63  }
0x247: {  	_ =	swait.ge [sflag:s12], $0x2800  }
0x248: {  	[sflag:s12] =	ssyncset.done $0x0  }
0x249: {  	[sflag:s12] =	ssyncadd.s32 $0xFFFFD800  }
0x24a: {  	[spmem:s1] =	stream.indirect.scatter.add.f32 [tilespmem:s31], [sflag:$0x4], $0x80, s16, s7, $0xb8;
	[tilespmem:$0x1BC00] =	vst v63  }
0x24b: {  	_ =	swait.ge [sflag:s17], $0x2800  }
0x24c: {  	[sflag:s17] =	ssyncset.done $0x0  }
0x24d: {  	[sflag:s17] =	ssyncadd.s32 $0xFFFFD800  }
0x24e: {  	_ =	swait.ge [sflag:s9], $0x100  }
0x24f: {  	[sflag:s9] =	ssyncset.done $0x0  }
0x250: {  	[sflag:s9] =	ssyncadd.s32 $0xFFFFFF00  }
0x251: {  	[tilespmem:s23], [sflag:$0x3] =	stream.indirect.gather [hbm4b:s5+s7], $0x80, s3, s7, $0xb8;
	[tilespmem:$0x1BC00] =	vst v63  }
0x252: {  	s21 =	sadd.s32 $0xC0, s19  }
0x253: {  	[tilespmem:s11], [sflag:$0x9] =	stream.linear.gather [hbm4b:s21+s2], $0x100, $0x38;
	[tilespmem:$0x1BC00] =	vst v63  }
0x254: {  	_ =	swait.ge [sflag:s25], $0x2800  }
0x255: {  	[sflag:s25] =	ssyncset.done $0x0  }
0x256: {  	[sflag:s25] =	ssyncadd.s32 $0xFFFFD800  }
0x257: {  	[spmem:s1] =	stream.indirect.scatter.add.f32 [tilespmem:s10], [sflag:$0x5], $0x80, s13, s7, $0xb8;
	[tilespmem:$0x1BC00] =	vst v63  }
0x258: {  	_ =	swait.ge [sflag:s28], $0x2800  }
0x259: {  	[sflag:s28] =	ssyncset.done $0x0  }
0x25a: {  	[sflag:s28] =	ssyncadd.s32 $0xFFFFD800  }
0x25b: {  	_ =	swait.ge [sflag:s22], $0x100  }
0x25c: {  	[sflag:s22] =	ssyncset.done $0x0  }
0x25d: {  	[sflag:s22] =	ssyncadd.s32 $0xFFFFFF00  }
0x25e: {  	[tilespmem:s31], [sflag:$0x1] =	stream.indirect.gather [hbm4b:s5+s7], $0x80, s11, s7, $0xb8;
	[tilespmem:$0x1BC00] =	vst v63  }
0x25f: {  	s21 =	sadd.s32 $0xE0, s19  }
0x260: {  	[tilespmem:s24], [sflag:$0xA] =	stream.linear.gather [hbm4b:s21+s2], $0x100, $0x38;
	[tilespmem:$0x1BC00] =	vst v63  }
0x261: {  	_ =	swait.ge [sflag:s30], $0x2800  }
0x262: {  	[sflag:s30] =	ssyncset.done $0x0  }
0x263: {  	[sflag:s30] =	ssyncadd.s32 $0xFFFFD800  }
0x264: {  	[spmem:s1] =	stream.indirect.scatter.add.f32 [tilespmem:s23], [sflag:$0x6], $0x80, s26, s7, $0xb8;
	[tilespmem:$0x1BC00] =	vst v63  }
0x265: {  	_ =	swait.ge [sflag:s15], $0x2800  }
0x266: {  	[sflag:s15] =	ssyncset.done $0x0  }
0x267: {  	[sflag:s15] =	ssyncadd.s32 $0xFFFFD800  }
0x268: {  	_ =	swait.ge [sflag:s29], $0x100  }
0x269: {  	[sflag:s29] =	ssyncset.done $0x0  }
0x26a: {  	[sflag:s29] =	ssyncadd.s32 $0xFFFFFF00  }
0x26b: {  	[tilespmem:s10], [sflag:$0x2] =	stream.indirect.gather [hbm4b:s5+s7], $0x80, s24, s7, $0xb8;
	[tilespmem:$0x1BC00] =	vst v63  }
0x26c: {  	s21 =	sadd.s32 $0x100, s19  }
0x26d: {  	[tilespmem:s2], [sflag:$0x7] =	stream.linear.gather [hbm4b:s21+s2], $0x100, $0x38;
	[tilespmem:$0x1BC00] =	vst v63  }
0x26e: {  	_ =	swait.ge [sflag:s12], $0x2800  }
0x26f: {  	[sflag:s12] =	ssyncset.done $0x0  }
0x270: {  	[sflag:s12] =	ssyncadd.s32 $0xFFFFD800  }
0x271: {  	[spmem:s1] =	stream.indirect.scatter.add.f32 [tilespmem:s31], [sflag:$0x4], $0x80, s14, s7, $0xb8;
	[tilespmem:$0x1BC00] =	vst v63  }
0x272: {  	_ =	swait.ge [sflag:s17], $0x2800  }
0x273: {  	[sflag:s17] =	ssyncset.done $0x0  }
0x274: {  	[sflag:s17] =	ssyncadd.s32 $0xFFFFD800  }
0x275: {  	_ =	swait.ge [sflag:s6], $0x100  }
0x276: {  	[sflag:s6] =	ssyncset.done $0x0  }
0x277: {  	[sflag:s6] =	ssyncadd.s32 $0xFFFFFF00  }
0x278: {  	[tilespmem:s23], [sflag:$0x3] =	stream.indirect.gather [hbm4b:s5+s7], $0x80, s2, s7, $0xb8;
	[tilespmem:$0x1BC00] =	vst v63  }
0x279: {  	s21 =	sadd.s32 $0x120, s19  }
0x27a: {  	[tilespmem:s3], [sflag:$0x8] =	stream.linear.gather [hbm4b:s21+s2], $0x100, $0x38;
	[tilespmem:$0x1BC00] =	vst v63  }
0x27b: {  	_ =	swait.ge [sflag:s25], $0x2800  }
0x27c: {  	[sflag:s25] =	ssyncset.done $0x0  }
0x27d: {  	[sflag:s25] =	ssyncadd.s32 $0xFFFFD800  }
0x27e: {  	[spmem:s1] =	stream.indirect.scatter.add.f32 [tilespmem:s10], [sflag:$0x5], $0x80, s16, s7, $0xb8;
	[tilespmem:$0x1BC00] =	vst v63  }
0x27f: {  	_ =	swait.ge [sflag:s28], $0x2800  }
0x280: {  	[sflag:s28] =	ssyncset.done $0x0  }
0x281: {  	[sflag:s28] =	ssyncadd.s32 $0xFFFFD800  }
0x282: {  	_ =	swait.ge [sflag:s9], $0x100  }
0x283: {  	[sflag:s9] =	ssyncset.done $0x0  }
0x284: {  	[sflag:s9] =	ssyncadd.s32 $0xFFFFFF00  }
0x285: {  	[tilespmem:s31], [sflag:$0x1] =	stream.indirect.gather [hbm4b:s5+s7], $0x80, s3, s7, $0xb8;
	[tilespmem:$0x1BC00] =	vst v63  }
0x286: {  	s21 =	sadd.s32 $0x140, s19  }
0x287: {  	[tilespmem:s11], [sflag:$0x9] =	stream.linear.gather [hbm4b:s21+s2], $0x100, $0x38;
	[tilespmem:$0x1BC00] =	vst v63  }
0x288: {  	_ =	swait.ge [sflag:s30], $0x2800  }
0x289: {  	[sflag:s30] =	ssyncset.done $0x0  }
0x28a: {  	[sflag:s30] =	ssyncadd.s32 $0xFFFFD800  }
0x28b: {  	[spmem:s1] =	stream.indirect.scatter.add.f32 [tilespmem:s23], [sflag:$0x6], $0x80, s13, s7, $0xb8;
	[tilespmem:$0x1BC00] =	vst v63  }
0x28c: {  	_ =	swait.ge [sflag:s15], $0x2800  }
0x28d: {  	[sflag:s15] =	ssyncset.done $0x0  }
0x28e: {  	[sflag:s15] =	ssyncadd.s32 $0xFFFFD800  }
0x28f: {  	_ =	swait.ge [sflag:s22], $0x100  }
0x290: {  	[sflag:s22] =	ssyncset.done $0x0  }
0x291: {  	[sflag:s22] =	ssyncadd.s32 $0xFFFFFF00  }
0x292: {  	[tilespmem:s10], [sflag:$0x2] =	stream.indirect.gather [hbm4b:s5+s7], $0x80, s11, s7, $0xb8;
	[tilespmem:$0x1BC00] =	vst v63  }
0x293: {  	s21 =	sadd.s32 $0x160, s19  }
0x294: {  	[tilespmem:s24], [sflag:$0xA] =	stream.linear.gather [hbm4b:s21+s2], $0x100, $0x38;
	[tilespmem:$0x1BC00] =	vst v63  }
0x295: {  	_ =	swait.ge [sflag:s12], $0x2800  }
0x296: {  	[sflag:s12] =	ssyncset.done $0x0  }
0x297: {  	[sflag:s12] =	ssyncadd.s32 $0xFFFFD800  }
0x298: {  	[spmem:s1] =	stream.indirect.scatter.add.f32 [tilespmem:s31], [sflag:$0x4], $0x80, s26, s7, $0xb8;
	[tilespmem:$0x1BC00] =	vst v63  }
0x299: {  	_ =	swait.ge [sflag:s17], $0x2800  }
0x29a: {  	[sflag:s17] =	ssyncset.done $0x0  }
0x29b: {  	[sflag:s17] =	ssyncadd.s32 $0xFFFFD800  }
0x29c: {  	_ =	swait.ge [sflag:s29], $0x100  }
0x29d: {  	[sflag:s29] =	ssyncset.done $0x0  }
0x29e: {  	[sflag:s29] =	ssyncadd.s32 $0xFFFFFF00  }
0x29f: {  	[tilespmem:s23], [sflag:$0x3] =	stream.indirect.gather [hbm4b:s5+s7], $0x80, s24, s7, $0xb8;
	[tilespmem:$0x1BC00] =	vst v63  }
0x2a0: {  	s21 =	sadd.s32 $0x180, s19  }
0x2a1: {  	[tilespmem:s2], [sflag:$0x7] =	stream.linear.gather [hbm4b:s21+s2], $0x100, $0x38;
	[tilespmem:$0x1BC00] =	vst v63  }
0x2a2: {  	_ =	swait.ge [sflag:s25], $0x2800  }
0x2a3: {  	[sflag:s25] =	ssyncset.done $0x0  }
0x2a4: {  	[sflag:s25] =	ssyncadd.s32 $0xFFFFD800  }
0x2a5: {  	[spmem:s1] =	stream.indirect.scatter.add.f32 [tilespmem:s10], [sflag:$0x5], $0x80, s14, s7, $0xb8;
	[tilespmem:$0x1BC00] =	vst v63  }
0x2a6: {  	_ =	swait.ge [sflag:s28], $0x2800  }
0x2a7: {  	[sflag:s28] =	ssyncset.done $0x0  }
0x2a8: {  	[sflag:s28] =	ssyncadd.s32 $0xFFFFD800  }
0x2a9: {  	_ =	swait.ge [sflag:s6], $0x100  }
0x2aa: {  	[sflag:s6] =	ssyncset.done $0x0  }
0x2ab: {  	[sflag:s6] =	ssyncadd.s32 $0xFFFFFF00  }
0x2ac: {  	[tilespmem:s31], [sflag:$0x1] =	stream.indirect.gather [hbm4b:s5+s7], $0x80, s2, s7, $0xb8;
	[tilespmem:$0x1BC00] =	vst v63  }
0x2ad: {  	s21 =	sadd.s32 $0x1A0, s19  }
0x2ae: {  	[tilespmem:s3], [sflag:$0x8] =	stream.linear.gather [hbm4b:s21+s2], $0x100, $0x38;
	[tilespmem:$0x1BC00] =	vst v63  }
0x2af: {  	_ =	swait.ge [sflag:s30], $0x2800  }
0x2b0: {  	[sflag:s30] =	ssyncset.done $0x0  }
0x2b1: {  	[sflag:s30] =	ssyncadd.s32 $0xFFFFD800  }
0x2b2: {  	[spmem:s1] =	stream.indirect.scatter.add.f32 [tilespmem:s23], [sflag:$0x6], $0x80, s16, s7, $0xb8;
	[tilespmem:$0x1BC00] =	vst v63  }
0x2b3: {  	_ =	swait.ge [sflag:s15], $0x2800  }
0x2b4: {  	[sflag:s15] =	ssyncset.done $0x0  }
0x2b5: {  	[sflag:s15] =	ssyncadd.s32 $0xFFFFD800  }
0x2b6: {  	_ =	swait.ge [sflag:s9], $0x100  }
0x2b7: {  	[sflag:s9] =	ssyncset.done $0x0  }
0x2b8: {  	[sflag:s9] =	ssyncadd.s32 $0xFFFFFF00  }
0x2b9: {  	[tilespmem:s10], [sflag:$0x2] =	stream.indirect.gather [hbm4b:s5+s7], $0x80, s3, s7, $0xb8;
	[tilespmem:$0x1BC00] =	vst v63  }
0x2ba: {  	s21 =	sadd.s32 $0x1C0, s19  }
0x2bb: {  	[tilespmem:s11], [sflag:$0x9] =	stream.linear.gather [hbm4b:s21+s2], $0x100, $0x38;
	[tilespmem:$0x1BC00] =	vst v63  }
0x2bc: {  	_ =	swait.ge [sflag:s12], $0x2800  }
0x2bd: {  	[sflag:s12] =	ssyncset.done $0x0  }
0x2be: {  	[sflag:s12] =	ssyncadd.s32 $0xFFFFD800  }
0x2bf: {  	[spmem:s1] =	stream.indirect.scatter.add.f32 [tilespmem:s31], [sflag:$0x4], $0x80, s13, s7, $0xb8;
	[tilespmem:$0x1BC00] =	vst v63  }
0x2c0: {  	_ =	swait.ge [sflag:s17], $0x2800  }
0x2c1: {  	[sflag:s17] =	ssyncset.done $0x0  }
0x2c2: {  	[sflag:s17] =	ssyncadd.s32 $0xFFFFD800  }
0x2c3: {  	_ =	swait.ge [sflag:s22], $0x100  }
0x2c4: {  	[sflag:s22] =	ssyncset.done $0x0  }
0x2c5: {  	[sflag:s22] =	ssyncadd.s32 $0xFFFFFF00  }
0x2c6: {  	[tilespmem:s23], [sflag:$0x3] =	stream.indirect.gather [hbm4b:s5+s7], $0x80, s11, s7, $0xb8;
	[tilespmem:$0x1BC00] =	vst v63  }
0x2c7: {  	s19 =	sadd.s32 $0x1E0, s19  }
0x2c8: {  	[tilespmem:s24], [sflag:$0xA] =	stream.linear.gather [hbm4b:s19+s2], $0x100, $0x38;
	[tilespmem:$0x1BC00] =	vst v63  }
0x2c9: {  	_ =	swait.ge [sflag:s25], $0x2800  }
0x2ca: {  	[sflag:s25] =	ssyncset.done $0x0  }
0x2cb: {  	s19 =	simm.s32 $0x180;
	[sflag:s25] =	ssyncadd.s32 $0xFFFFD800  }
.LBB2_8:
0x2cc: {  	[spmem:s1] =	stream.indirect.scatter.add.f32 [tilespmem:s10], [sflag:$0x5], $0x80, s26, s7, $0xb8;
	[tilespmem:$0x1BC00] =	vst v63  }
0x2cd: {  	s20 =	smov.u32 s19  }
0x2ce: {  	p1 =	sne.s32 s19, $0xD80;
	s19 =	sadd.s32 $0x180, s19;
	_ =	swait.ge [sflag:s28], $0x2800  }
0x2cf: {  	[sflag:s28] =	ssyncset.done $0x0  }
0x2d0: {  	[sflag:s28] =	ssyncadd.s32 $0xFFFFD800  }
0x2d1: {  	_ =	swait.ge [sflag:s29], $0x100  }
0x2d2: {  	[sflag:s29] =	ssyncset.done $0x0  }
0x2d3: {  	s20 =	sadd.s32 s20, s8;
	[sflag:s29] =	ssyncadd.s32 $0xFFFFFF00  }
0x2d4: {  	[tilespmem:s31], [sflag:$0x1] =	stream.indirect.gather [hbm4b:s5+s7], $0x80, s24, s7, $0xb8;
	[tilespmem:$0x1BC00] =	vst v63  }
0x2d5: {  	s21 =	sadd.s32 $0x80, s20  }
0x2d6: {  	[tilespmem:s2], [sflag:$0x7] =	stream.linear.gather [hbm4b:s21+s2], $0x100, $0x38;
	[tilespmem:$0x1BC00] =	vst v63  }
0x2d7: {  	_ =	swait.ge [sflag:s30], $0x2800  }
0x2d8: {  	[sflag:s30] =	ssyncset.done $0x0  }
0x2d9: {  	[sflag:s30] =	ssyncadd.s32 $0xFFFFD800  }
0x2da: {  	[spmem:s1] =	stream.indirect.scatter.add.f32 [tilespmem:s23], [sflag:$0x6], $0x80, s14, s7, $0xb8;
	[tilespmem:$0x1BC00] =	vst v63  }
0x2db: {  	_ =	swait.ge [sflag:s15], $0x2800  }
0x2dc: {  	[sflag:s15] =	ssyncset.done $0x0  }
0x2dd: {  	[sflag:s15] =	ssyncadd.s32 $0xFFFFD800  }
0x2de: {  	_ =	swait.ge [sflag:s6], $0x100  }
0x2df: {  	[sflag:s6] =	ssyncset.done $0x0  }
0x2e0: {  	[sflag:s6] =	ssyncadd.s32 $0xFFFFFF00  }
0x2e1: {  	[tilespmem:s10], [sflag:$0x2] =	stream.indirect.gather [hbm4b:s5+s7], $0x80, s2, s7, $0xb8;
	[tilespmem:$0x1BC00] =	vst v63  }
0x2e2: {  	s21 =	sadd.s32 $0xA0, s20  }
0x2e3: {  	[tilespmem:s3], [sflag:$0x8] =	stream.linear.gather [hbm4b:s21+s2], $0x100, $0x38;
	[tilespmem:$0x1BC00] =	vst v63  }
0x2e4: {  	_ =	swait.ge [sflag:s12], $0x2800  }
0x2e5: {  	[sflag:s12] =	ssyncset.done $0x0  }
0x2e6: {  	[sflag:s12] =	ssyncadd.s32 $0xFFFFD800  }
0x2e7: {  	[spmem:s1] =	stream.indirect.scatter.add.f32 [tilespmem:s31], [sflag:$0x4], $0x80, s16, s7, $0xb8;
	[tilespmem:$0x1BC00] =	vst v63  }
0x2e8: {  	_ =	swait.ge [sflag:s17], $0x2800  }
0x2e9: {  	[sflag:s17] =	ssyncset.done $0x0  }
0x2ea: {  	[sflag:s17] =	ssyncadd.s32 $0xFFFFD800  }
0x2eb: {  	_ =	swait.ge [sflag:s9], $0x100  }
0x2ec: {  	[sflag:s9] =	ssyncset.done $0x0  }
0x2ed: {  	[sflag:s9] =	ssyncadd.s32 $0xFFFFFF00  }
0x2ee: {  	[tilespmem:s23], [sflag:$0x3] =	stream.indirect.gather [hbm4b:s5+s7], $0x80, s3, s7, $0xb8;
	[tilespmem:$0x1BC00] =	vst v63  }
0x2ef: {  	s21 =	sadd.s32 $0xC0, s20  }
0x2f0: {  	[tilespmem:s11], [sflag:$0x9] =	stream.linear.gather [hbm4b:s21+s2], $0x100, $0x38;
	[tilespmem:$0x1BC00] =	vst v63  }
0x2f1: {  	_ =	swait.ge [sflag:s25], $0x2800  }
0x2f2: {  	[sflag:s25] =	ssyncset.done $0x0  }
0x2f3: {  	[sflag:s25] =	ssyncadd.s32 $0xFFFFD800  }
0x2f4: {  	[spmem:s1] =	stream.indirect.scatter.add.f32 [tilespmem:s10], [sflag:$0x5], $0x80, s13, s7, $0xb8;
	[tilespmem:$0x1BC00] =	vst v63  }
0x2f5: {  	_ =	swait.ge [sflag:s28], $0x2800  }
0x2f6: {  	[sflag:s28] =	ssyncset.done $0x0  }
0x2f7: {  	[sflag:s28] =	ssyncadd.s32 $0xFFFFD800  }
0x2f8: {  	_ =	swait.ge [sflag:s22], $0x100  }
0x2f9: {  	[sflag:s22] =	ssyncset.done $0x0  }
0x2fa: {  	[sflag:s22] =	ssyncadd.s32 $0xFFFFFF00  }
0x2fb: {  	[tilespmem:s31], [sflag:$0x1] =	stream.indirect.gather [hbm4b:s5+s7], $0x80, s11, s7, $0xb8;
	[tilespmem:$0x1BC00] =	vst v63  }
0x2fc: {  	s21 =	sadd.s32 $0xE0, s20  }
0x2fd: {  	[tilespmem:s24], [sflag:$0xA] =	stream.linear.gather [hbm4b:s21+s2], $0x100, $0x38;
	[tilespmem:$0x1BC00] =	vst v63  }
0x2fe: {  	_ =	swait.ge [sflag:s30], $0x2800  }
0x2ff: {  	[sflag:s30] =	ssyncset.done $0x0  }
0x300: {  	[sflag:s30] =	ssyncadd.s32 $0xFFFFD800  }
0x301: {  	[spmem:s1] =	stream.indirect.scatter.add.f32 [tilespmem:s23], [sflag:$0x6], $0x80, s26, s7, $0xb8;
	[tilespmem:$0x1BC00] =	vst v63  }
0x302: {  	_ =	swait.ge [sflag:s15], $0x2800  }
0x303: {  	[sflag:s15] =	ssyncset.done $0x0  }
0x304: {  	[sflag:s15] =	ssyncadd.s32 $0xFFFFD800  }
0x305: {  	_ =	swait.ge [sflag:s29], $0x100  }
0x306: {  	[sflag:s29] =	ssyncset.done $0x0  }
0x307: {  	[sflag:s29] =	ssyncadd.s32 $0xFFFFFF00  }
0x308: {  	[tilespmem:s10], [sflag:$0x2] =	stream.indirect.gather [hbm4b:s5+s7], $0x80, s24, s7, $0xb8;
	[tilespmem:$0x1BC00] =	vst v63  }
0x309: {  	s21 =	sadd.s32 $0x100, s20  }
0x30a: {  	[tilespmem:s2], [sflag:$0x7] =	stream.linear.gather [hbm4b:s21+s2], $0x100, $0x38;
	[tilespmem:$0x1BC00] =	vst v63  }
0x30b: {  	_ =	swait.ge [sflag:s12], $0x2800  }
0x30c: {  	[sflag:s12] =	ssyncset.done $0x0  }
0x30d: {  	[sflag:s12] =	ssyncadd.s32 $0xFFFFD800  }
0x30e: {  	[spmem:s1] =	stream.indirect.scatter.add.f32 [tilespmem:s31], [sflag:$0x4], $0x80, s14, s7, $0xb8;
	[tilespmem:$0x1BC00] =	vst v63  }
0x30f: {  	_ =	swait.ge [sflag:s17], $0x2800  }
0x310: {  	[sflag:s17] =	ssyncset.done $0x0  }
0x311: {  	[sflag:s17] =	ssyncadd.s32 $0xFFFFD800  }
0x312: {  	_ =	swait.ge [sflag:s6], $0x100  }
0x313: {  	[sflag:s6] =	ssyncset.done $0x0  }
0x314: {  	[sflag:s6] =	ssyncadd.s32 $0xFFFFFF00  }
0x315: {  	[tilespmem:s23], [sflag:$0x3] =	stream.indirect.gather [hbm4b:s5+s7], $0x80, s2, s7, $0xb8;
	[tilespmem:$0x1BC00] =	vst v63  }
0x316: {  	s21 =	sadd.s32 $0x120, s20  }
0x317: {  	[tilespmem:s3], [sflag:$0x8] =	stream.linear.gather [hbm4b:s21+s2], $0x100, $0x38;
	[tilespmem:$0x1BC00] =	vst v63  }
0x318: {  	_ =	swait.ge [sflag:s25], $0x2800  }
0x319: {  	[sflag:s25] =	ssyncset.done $0x0  }
0x31a: {  	[sflag:s25] =	ssyncadd.s32 $0xFFFFD800  }
0x31b: {  	[spmem:s1] =	stream.indirect.scatter.add.f32 [tilespmem:s10], [sflag:$0x5], $0x80, s16, s7, $0xb8;
	[tilespmem:$0x1BC00] =	vst v63  }
0x31c: {  	_ =	swait.ge [sflag:s28], $0x2800  }
0x31d: {  	[sflag:s28] =	ssyncset.done $0x0  }
0x31e: {  	[sflag:s28] =	ssyncadd.s32 $0xFFFFD800  }
0x31f: {  	_ =	swait.ge [sflag:s9], $0x100  }
0x320: {  	[sflag:s9] =	ssyncset.done $0x0  }
0x321: {  	[sflag:s9] =	ssyncadd.s32 $0xFFFFFF00  }
0x322: {  	[tilespmem:s31], [sflag:$0x1] =	stream.indirect.gather [hbm4b:s5+s7], $0x80, s3, s7, $0xb8;
	[tilespmem:$0x1BC00] =	vst v63  }
0x323: {  	s21 =	sadd.s32 $0x140, s20  }
0x324: {  	[tilespmem:s11], [sflag:$0x9] =	stream.linear.gather [hbm4b:s21+s2], $0x100, $0x38;
	[tilespmem:$0x1BC00] =	vst v63  }
0x325: {  	_ =	swait.ge [sflag:s30], $0x2800  }
0x326: {  	[sflag:s30] =	ssyncset.done $0x0  }
0x327: {  	[sflag:s30] =	ssyncadd.s32 $0xFFFFD800  }
0x328: {  	[spmem:s1] =	stream.indirect.scatter.add.f32 [tilespmem:s23], [sflag:$0x6], $0x80, s13, s7, $0xb8;
	[tilespmem:$0x1BC00] =	vst v63  }
0x329: {  	_ =	swait.ge [sflag:s15], $0x2800  }
0x32a: {  	[sflag:s15] =	ssyncset.done $0x0  }
0x32b: {  	[sflag:s15] =	ssyncadd.s32 $0xFFFFD800  }
0x32c: {  	_ =	swait.ge [sflag:s22], $0x100  }
0x32d: {  	[sflag:s22] =	ssyncset.done $0x0  }
0x32e: {  	[sflag:s22] =	ssyncadd.s32 $0xFFFFFF00  }
0x32f: {  	[tilespmem:s10], [sflag:$0x2] =	stream.indirect.gather [hbm4b:s5+s7], $0x80, s11, s7, $0xb8;
	[tilespmem:$0x1BC00] =	vst v63  }
0x330: {  	s21 =	sadd.s32 $0x160, s20  }
0x331: {  	[tilespmem:s24], [sflag:$0xA] =	stream.linear.gather [hbm4b:s21+s2], $0x100, $0x38;
	[tilespmem:$0x1BC00] =	vst v63  }
0x332: {  	_ =	swait.ge [sflag:s12], $0x2800  }
0x333: {  	[sflag:s12] =	ssyncset.done $0x0  }
0x334: {  	[sflag:s12] =	ssyncadd.s32 $0xFFFFD800  }
0x335: {  	[spmem:s1] =	stream.indirect.scatter.add.f32 [tilespmem:s31], [sflag:$0x4], $0x80, s26, s7, $0xb8;
	[tilespmem:$0x1BC00] =	vst v63  }
0x336: {  	_ =	swait.ge [sflag:s17], $0x2800  }
0x337: {  	[sflag:s17] =	ssyncset.done $0x0  }
0x338: {  	[sflag:s17] =	ssyncadd.s32 $0xFFFFD800  }
0x339: {  	_ =	swait.ge [sflag:s29], $0x100  }
0x33a: {  	[sflag:s29] =	ssyncset.done $0x0  }
0x33b: {  	[sflag:s29] =	ssyncadd.s32 $0xFFFFFF00  }
0x33c: {  	[tilespmem:s23], [sflag:$0x3] =	stream.indirect.gather [hbm4b:s5+s7], $0x80, s24, s7, $0xb8;
	[tilespmem:$0x1BC00] =	vst v63  }
0x33d: {  	s21 =	sadd.s32 $0x180, s20  }
0x33e: {  	[tilespmem:s2], [sflag:$0x7] =	stream.linear.gather [hbm4b:s21+s2], $0x100, $0x38;
	[tilespmem:$0x1BC00] =	vst v63  }
0x33f: {  	_ =	swait.ge [sflag:s25], $0x2800  }
0x340: {  	[sflag:s25] =	ssyncset.done $0x0  }
0x341: {  	[sflag:s25] =	ssyncadd.s32 $0xFFFFD800  }
0x342: {  	[spmem:s1] =	stream.indirect.scatter.add.f32 [tilespmem:s10], [sflag:$0x5], $0x80, s14, s7, $0xb8;
	[tilespmem:$0x1BC00] =	vst v63  }
0x343: {  	_ =	swait.ge [sflag:s28], $0x2800  }
0x344: {  	[sflag:s28] =	ssyncset.done $0x0  }
0x345: {  	[sflag:s28] =	ssyncadd.s32 $0xFFFFD800  }
0x346: {  	_ =	swait.ge [sflag:s6], $0x100  }
0x347: {  	[sflag:s6] =	ssyncset.done $0x0  }
0x348: {  	[sflag:s6] =	ssyncadd.s32 $0xFFFFFF00  }
0x349: {  	[tilespmem:s31], [sflag:$0x1] =	stream.indirect.gather [hbm4b:s5+s7], $0x80, s2, s7, $0xb8;
	[tilespmem:$0x1BC00] =	vst v63  }
0x34a: {  	s21 =	sadd.s32 $0x1A0, s20  }
0x34b: {  	[tilespmem:s3], [sflag:$0x8] =	stream.linear.gather [hbm4b:s21+s2], $0x100, $0x38;
	[tilespmem:$0x1BC00] =	vst v63  }
0x34c: {  	_ =	swait.ge [sflag:s30], $0x2800  }
0x34d: {  	[sflag:s30] =	ssyncset.done $0x0  }
0x34e: {  	[sflag:s30] =	ssyncadd.s32 $0xFFFFD800  }
0x34f: {  	[spmem:s1] =	stream.indirect.scatter.add.f32 [tilespmem:s23], [sflag:$0x6], $0x80, s16, s7, $0xb8;
	[tilespmem:$0x1BC00] =	vst v63  }
0x350: {  	_ =	swait.ge [sflag:s15], $0x2800  }
0x351: {  	[sflag:s15] =	ssyncset.done $0x0  }
0x352: {  	[sflag:s15] =	ssyncadd.s32 $0xFFFFD800  }
0x353: {  	_ =	swait.ge [sflag:s9], $0x100  }
0x354: {  	[sflag:s9] =	ssyncset.done $0x0  }
0x355: {  	[sflag:s9] =	ssyncadd.s32 $0xFFFFFF00  }
0x356: {  	[tilespmem:s10], [sflag:$0x2] =	stream.indirect.gather [hbm4b:s5+s7], $0x80, s3, s7, $0xb8;
	[tilespmem:$0x1BC00] =	vst v63  }
0x357: {  	s21 =	sadd.s32 $0x1C0, s20  }
0x358: {  	[tilespmem:s11], [sflag:$0x9] =	stream.linear.gather [hbm4b:s21+s2], $0x100, $0x38;
	[tilespmem:$0x1BC00] =	vst v63  }
0x359: {  	_ =	swait.ge [sflag:s12], $0x2800  }
0x35a: {  	[sflag:s12] =	ssyncset.done $0x0  }
0x35b: {  	[sflag:s12] =	ssyncadd.s32 $0xFFFFD800  }
0x35c: {  	[spmem:s1] =	stream.indirect.scatter.add.f32 [tilespmem:s31], [sflag:$0x4], $0x80, s13, s7, $0xb8;
	[tilespmem:$0x1BC00] =	vst v63  }
0x35d: {  	_ =	swait.ge [sflag:s17], $0x2800  }
0x35e: {  	[sflag:s17] =	ssyncset.done $0x0  }
0x35f: {  	[sflag:s17] =	ssyncadd.s32 $0xFFFFD800  }
0x360: {  	_ =	swait.ge [sflag:s22], $0x100  }
0x361: {  	[sflag:s22] =	ssyncset.done $0x0  }
0x362: {  	[sflag:s22] =	ssyncadd.s32 $0xFFFFFF00  }
0x363: {  	[tilespmem:s23], [sflag:$0x3] =	stream.indirect.gather [hbm4b:s5+s7], $0x80, s11, s7, $0xb8;
	[tilespmem:$0x1BC00] =	vst v63  }
.Ltmp6:
0x364: {  	s20 =	sadd.s32 $0x1E0, s20;
	(pc) =	sbr.rel @p1 .LBB2_8-.Ltmp6, $4  }
0x365: {  	[tilespmem:s24], [sflag:$0xA] =	stream.linear.gather [hbm4b:s20+s2], $0x100, $0x38;
	[tilespmem:$0x1BC00] =	vst v63  }
0x366: {  	_ =	swait.ge [sflag:s25], $0x2800  }
0x367: {  	[sflag:s25] =	ssyncset.done $0x0  }
0x368: {  	[sflag:s25] =	ssyncadd.s32 $0xFFFFD800  }
.Ltmp7:
0x369: {  	_ = 	snop;
	(pc) =	sbr.rel .LBB2_9-.Ltmp7, $1  }
0x36a: {  	_ =	sdelay $0x3  }
.LBB2_11:
0x36b: {  	_ =	sfence.sel $0x180000  }
0x36c: {  	[bflag:$0x0] =	sbarrier.arrive $0xFFFF  }
0x36d: {  	_ =	strace $0x9000004A  }
0x36e: {  	s0 =	stileid.u32;
	[bflag:$0x2] =	sbarrier.arrive $0xFFFF  }
0x36f: {  	p0 =	sne.s32 s0, $0x0;
	s0 =	rddreg [dreg:$0x2]  }
0x370: {  	s0 =	sadd.s32 @!p0 $0x100000, s0  }
0x371: {  	[sflag:s0] =	ssyncadd.tile.s32 @!p0 $0x1;
	_ =	shalt  }
.Lfunc_end2:
_tile_overlayer_lowered:
.L_overlay_start_2:
0x372: {  	(tag) =	ssettag $0x2  }
0x373: {  	s0 =	rddreg [dreg:$0x0];
	s2 =	stileid.u32  }
0x374: {  	s1 =	rddreg [dreg:$0x1];
	p0 =	sne.s32 s2, $0x0  }
0x375: {  	s3 =	rddreg [dreg:$0x2];
	[bflag:$0x3] =	sbarrier.arrive $0xFFFF;
	s2 =	simm.s32 @!p0 $0x1C0B  }
0x376: {  	[timem:s3], [sflag:s2] =	dma.local @!p0 [hbm:s0], s1  }
0x377: {  	s0 =	simm.s32 @!p0 $0xB  }
0x378: {  	_ =	swait.ge @!p0 [sflag:s0], s1  }
0x379: {  	s1 =	ssub.s32 @!p0 $0x0, s1;
	[sflag:s0] =	ssyncset.done @!p0 $0x0  }
0x37a: {  	[sflag:s0] =	ssyncadd.s32 @!p0 s1  }
0x37b: {  	[bflag:$0x3] =	sbarrier.arrive $0xFFFF  }
0x37c: {  	_ =	shalt  }

</sc_bundles>
